<compile_context>
chip_gen: v7x
topology: tpu7x:2x2x1
jax: 0.10.2.dev20260603
libtpu: 0.0.44.dev20260713+nightly
codegen_flags: <defaults>
</compile_context>

<pallas_src>
import functools

import jax
import jax.numpy as jnp
from jax import lax
from jax.experimental import pallas as pl
from jax.experimental.pallas import tpu as pltpu
from jax.experimental.pallas import tpu_sc as plsc

N = 10000
NP = 10240
E = 320000
D_IN = 128
D_H = 256
HD = D_H // 2
D_OUT = 128
BN_EPS = 1e-5

NC = 2
NS = 16
STRIPE = NP // NS
CH = 80
EPW = E // NS
NCH1 = EPW // CH
EPW2 = E // (NC * NS)
NCH2 = EPW2 // CH

_MESH = plsc.VectorSubcoreMesh(
    core_axis_name="c", subcore_axis_name="s", num_cores=NC, num_subcores=NS)


def _deg_body(dst_hbm, zeros_hbm, ones_hbm, dega_hbm, degb_hbm,
              idx_v, ones_v, acc, sem):
    c = lax.axis_index("c")
    s = lax.axis_index("s")

    pltpu.sync_copy(zeros_hbm.at[pl.ds(s * STRIPE, STRIPE)],
                    acc.at[pl.ds(s * STRIPE, STRIPE)])
    pltpu.sync_copy(ones_hbm, ones_v)
    plsc.subcore_barrier()

    base = pl.multiple_of((c * NS + s) * EPW2, 8)

    def step(k, carry):
        off = pl.multiple_of(base + k * CH, 8)
        pltpu.sync_copy(dst_hbm.at[pl.ds(off, CH)], idx_v.at[0])
        pltpu.sync_copy(ones_v.at[0], acc.at[idx_v.at[0]], add=True)
        return carry

    lax.fori_loop(0, NCH2, step, 0)
    plsc.subcore_barrier()

    @pl.when(c == 0)
    def _():
        pltpu.sync_copy(acc.at[pl.ds(s * STRIPE, STRIPE)],
                        dega_hbm.at[pl.ds(s * STRIPE, STRIPE)])

    @pl.when(c == 1)
    def _():
        pltpu.sync_copy(acc.at[pl.ds(s * STRIPE, STRIPE)],
                        degb_hbm.at[pl.ds(s * STRIPE, STRIPE)])


def _deg_kernel(dst, zeros1d, ones2d):
    return pl.kernel(
        _deg_body,
        out_type=(jax.ShapeDtypeStruct((NP,), jnp.float32),
                  jax.ShapeDtypeStruct((NP,), jnp.float32)),
        mesh=_MESH,
        scratch_types=[
            pltpu.VMEM((1, CH), jnp.int32),
            pltpu.VMEM((1, CH), jnp.float32),
            pltpu.VMEM_SHARED((NP,), jnp.float32),
            pltpu.SemaphoreType.DMA,
        ],
    )(dst, zeros1d, ones2d)


def _agg_loop(src_hbm, dst_hbm, hw_hbm, out_hbm, zeros_hbm,
              sidx_v, didx_v, rows_v, acc, sem_g, sem_i, s, base, nch):
    pltpu.sync_copy(zeros_hbm, acc.at[pl.ds(s * STRIPE, STRIPE)])
    pltpu.sync_copy(src_hbm.at[pl.ds(base, CH)], sidx_v.at[0])
    pltpu.sync_copy(dst_hbm.at[pl.ds(base, CH)], didx_v.at[0])
    plsc.subcore_barrier()
    pltpu.async_copy(hw_hbm.at[sidx_v.at[0]], rows_v.at[0], sem_g)
    pltpu.sync_copy(src_hbm.at[pl.ds(base + CH, CH)], sidx_v.at[1])
    pltpu.sync_copy(dst_hbm.at[pl.ds(base + CH, CH)], didx_v.at[1])

    def pair(kk, carry):
        for q in range(2):
            k = 2 * kk + q
            pltpu.make_async_copy(
                hw_hbm.at[pl.ds(0, CH)], rows_v.at[q], sem_g).wait()

            @pl.when(k + 1 < nch)
            def _():
                pltpu.async_copy(hw_hbm.at[sidx_v.at[1 - q]],
                                 rows_v.at[1 - q], sem_g)

            pltpu.sync_copy(rows_v.at[q], acc.at[didx_v.at[q]], add=True)

            @pl.when(k + 2 < nch)
            def _():
                off = pl.multiple_of(base + (k + 2) * CH, 8)
                pltpu.async_copy(src_hbm.at[pl.ds(off, CH)],
                                 sidx_v.at[q], sem_i)
                pltpu.async_copy(dst_hbm.at[pl.ds(off, CH)],
                                 didx_v.at[q], sem_i)
                pltpu.make_async_copy(src_hbm.at[pl.ds(0, CH)],
                                      sidx_v.at[q], sem_i).wait()
                pltpu.make_async_copy(dst_hbm.at[pl.ds(0, CH)],
                                      didx_v.at[q], sem_i).wait()
        return carry

    lax.fori_loop(0, nch // 2, pair, 0)

    if nch % 2:
        pltpu.make_async_copy(
            hw_hbm.at[pl.ds(0, CH)], rows_v.at[0], sem_g).wait()
        pltpu.sync_copy(rows_v.at[0], acc.at[didx_v.at[0]], add=True)

    plsc.subcore_barrier()
    pltpu.sync_copy(acc.at[pl.ds(s * STRIPE, STRIPE)],
                    out_hbm.at[pl.ds(s * STRIPE, STRIPE)])


def _agg_body(src_hbm, dst_hbm, hw0_hbm, hw1_hbm, zeros_hbm,
              s0_hbm, s1_hbm, sidx_v, didx_v, rows_v, acc, sem_g, sem_i):
    c = lax.axis_index("c")
    s = lax.axis_index("s")
    base = pl.multiple_of(s * EPW, 8)

    @pl.when(c == 0)
    def _():
        _agg_loop(src_hbm, dst_hbm, hw0_hbm, s0_hbm, zeros_hbm,
                  sidx_v, didx_v, rows_v, acc, sem_g, sem_i, s, base, NCH1)

    @pl.when(c == 1)
    def _():
        _agg_loop(src_hbm, dst_hbm, hw1_hbm, s1_hbm, zeros_hbm,
                  sidx_v, didx_v, rows_v, acc, sem_g, sem_i, s, base, NCH1)


def _agg_kernel(src, dst, hw0, hw1, zeros):
    return pl.kernel(
        _agg_body,
        out_type=(jax.ShapeDtypeStruct((NP, HD), jnp.float32),
                  jax.ShapeDtypeStruct((NP, HD), jnp.float32)),
        mesh=_MESH,
        scratch_types=[
            pltpu.VMEM((2, CH), jnp.int32),
            pltpu.VMEM((2, CH), jnp.int32),
            pltpu.VMEM((2, CH, HD), jnp.float32),
            pltpu.VMEM_SHARED((NP, HD), jnp.float32),
            pltpu.SemaphoreType.DMA,
            pltpu.SemaphoreType.DMA,
        ],
    )(src, dst, hw0, hw1, zeros)


def _agg2_body(src_hbm, dst_hbm, hw_hbm, zeros_hbm,
               p0_hbm, p1_hbm, sidx_v, didx_v, rows_v, acc, sem_g, sem_i):
    c = lax.axis_index("c")
    s = lax.axis_index("s")
    base = pl.multiple_of((c * NS + s) * EPW2, 8)

    @pl.when(c == 0)
    def _():
        _agg_loop(src_hbm, dst_hbm, hw_hbm, p0_hbm, zeros_hbm,
                  sidx_v, didx_v, rows_v, acc, sem_g, sem_i, s, base, NCH2)

    @pl.when(c == 1)
    def _():
        _agg_loop(src_hbm, dst_hbm, hw_hbm, p1_hbm, zeros_hbm,
                  sidx_v, didx_v, rows_v, acc, sem_g, sem_i, s, base, NCH2)


def _agg2_kernel(src, dst, hw, zeros):
    return pl.kernel(
        _agg2_body,
        out_type=(jax.ShapeDtypeStruct((NP, D_OUT), jnp.float32),
                  jax.ShapeDtypeStruct((NP, D_OUT), jnp.float32)),
        mesh=_MESH,
        scratch_types=[
            pltpu.VMEM((2, CH), jnp.int32),
            pltpu.VMEM((2, CH), jnp.int32),
            pltpu.VMEM((2, CH, D_OUT), jnp.float32),
            pltpu.VMEM_SHARED((NP, D_OUT), jnp.float32),
            pltpu.SemaphoreType.DMA,
            pltpu.SemaphoreType.DMA,
        ],
    )(src, dst, hw, zeros)


BR = 1024
GRID = NP // BR


def _dis(dega_ref, degb_ref):
    return lax.rsqrt(dega_ref[...] + degb_ref[...] + 1.0)


def _tc_first_body(x_ref, w_ref, dega_ref, degb_ref, o0_ref, o1_ref):
    dis = _dis(dega_ref, degb_ref)
    hw = jnp.dot(x_ref[...], w_ref[...],
                 preferred_element_type=jnp.float32) * dis
    o0_ref[...] = hw[:, :HD]
    o1_ref[...] = hw[:, HD:]


def _tc_first(x, w0, dega, degb):
    return pl.pallas_call(
        _tc_first_body,
        grid=(GRID,),
        in_specs=[
            pl.BlockSpec((BR, D_IN), lambda r: (r, 0)),
            pl.BlockSpec((D_IN, D_H), lambda r: (0, 0)),
            pl.BlockSpec((BR, 1), lambda r: (r, 0)),
            pl.BlockSpec((BR, 1), lambda r: (r, 0)),
        ],
        out_specs=(pl.BlockSpec((BR, HD), lambda r: (r, 0)),
                   pl.BlockSpec((BR, HD), lambda r: (r, 0))),
        out_shape=(jax.ShapeDtypeStruct((NP, HD), jnp.float32),
                   jax.ShapeDtypeStruct((NP, HD), jnp.float32)),
    )(x, w0, dega, degb)


def _tc_mid_body(s0_ref, s1_ref, h0_ref, h1_ref, dega_ref, degb_ref,
                 b_ref, g_ref, bt_ref, w_ref, *out_refs, split):
    dis = _dis(dega_ref, degb_ref)
    h = jnp.concatenate(
        [s0_ref[...] + h0_ref[...], s1_ref[...] + h1_ref[...]], axis=1)
    h = h * dis + b_ref[...]
    h = h * (g_ref[...] * (1.0 / jnp.sqrt(1.0 + BN_EPS))) + bt_ref[...]
    h = jnp.maximum(h, 0.0)
    hw = jnp.dot(h, w_ref[...], preferred_element_type=jnp.float32) * dis
    if split:
        half = hw.shape[1] // 2
        out_refs[0][...] = hw[:, :half]
        out_refs[1][...] = hw[:, half:]
    else:
        out_refs[0][...] = hw


def _tc_mid(s0, s1, h0, h1, dega, degb, b, g, bt, w, split):
    d_out = w.shape[1]
    half = d_out // 2
    if split:
        out_specs = (pl.BlockSpec((BR, half), lambda r: (r, 0)),
                     pl.BlockSpec((BR, half), lambda r: (r, 0)))
        out_shape = (jax.ShapeDtypeStruct((NP, half), jnp.float32),
                     jax.ShapeDtypeStruct((NP, half), jnp.float32))
    else:
        out_specs = pl.BlockSpec((BR, d_out), lambda r: (r, 0))
        out_shape = jax.ShapeDtypeStruct((NP, d_out), jnp.float32)
    return pl.pallas_call(
        functools.partial(_tc_mid_body, split=split),
        grid=(GRID,),
        in_specs=[
            pl.BlockSpec((BR, HD), lambda r: (r, 0)),
            pl.BlockSpec((BR, HD), lambda r: (r, 0)),
            pl.BlockSpec((BR, HD), lambda r: (r, 0)),
            pl.BlockSpec((BR, HD), lambda r: (r, 0)),
            pl.BlockSpec((BR, 1), lambda r: (r, 0)),
            pl.BlockSpec((BR, 1), lambda r: (r, 0)),
            pl.BlockSpec((1, D_H), lambda r: (0, 0)),
            pl.BlockSpec((1, D_H), lambda r: (0, 0)),
            pl.BlockSpec((1, D_H), lambda r: (0, 0)),
            pl.BlockSpec((D_H, d_out), lambda r: (0, 0)),
        ],
        out_specs=out_specs,
        out_shape=out_shape,
    )(s0, s1, h0, h1, dega, degb, b, g, bt, w)


def _tc_final_body(p0_ref, p1_ref, h_ref, dega_ref, degb_ref, b_ref,
                   o_ref):
    dis = _dis(dega_ref, degb_ref)
    o_ref[...] = (p0_ref[...] + p1_ref[...] + h_ref[...]) * dis + b_ref[...]


def _tc_final(p0, p1, h, dega, degb, b):
    return pl.pallas_call(
        _tc_final_body,
        grid=(GRID,),
        in_specs=[
            pl.BlockSpec((BR, D_OUT), lambda r: (r, 0)),
            pl.BlockSpec((BR, D_OUT), lambda r: (r, 0)),
            pl.BlockSpec((BR, D_OUT), lambda r: (r, 0)),
            pl.BlockSpec((BR, 1), lambda r: (r, 0)),
            pl.BlockSpec((BR, 1), lambda r: (r, 0)),
            pl.BlockSpec((1, D_OUT), lambda r: (0, 0)),
        ],
        out_specs=pl.BlockSpec((BR, D_OUT), lambda r: (r, 0)),
        out_shape=jax.ShapeDtypeStruct((NP, D_OUT), jnp.float32),
    )(p0, p1, h, dega, degb, b)


@jax.jit
def kernel(x, edge_index, W0, b0, g0, bt0, W1, b1, g1, bt1, W2, b2):
    src = edge_index[0]
    dst = edge_index[1]

    x_pad = jnp.pad(x, ((0, NP - N), (0, 0)))
    zeros1d = jnp.zeros((NP,), jnp.float32)
    zeros_h = jnp.zeros((STRIPE, HD), jnp.float32)
    zeros_f = jnp.zeros((STRIPE, D_OUT), jnp.float32)
    ones2d = jnp.ones((1, CH), jnp.float32)

    dega, degb = _deg_kernel(dst, zeros1d, ones2d)
    dega = dega.reshape(NP, 1)
    degb = degb.reshape(NP, 1)

    h0a, h0b = _tc_first(x_pad, W0, dega, degb)
    s0a, s0b = _agg_kernel(src, dst, h0a, h0b, zeros_h)
    h1a, h1b = _tc_mid(s0a, s0b, h0a, h0b, dega, degb,
                       b0.reshape(1, -1), g0.reshape(1, -1),
                       bt0.reshape(1, -1), W1, split=True)
    s1a, s1b = _agg_kernel(src, dst, h1a, h1b, zeros_h)
    h2 = _tc_mid(s1a, s1b, h1a, h1b, dega, degb,
                 b1.reshape(1, -1), g1.reshape(1, -1),
                 bt1.reshape(1, -1), W2, split=False)
    p0, p1 = _agg2_kernel(src, dst, h2, zeros_f)

    out = _tc_final(p0, p1, h2, dega, degb, b2.reshape(1, -1))
    return out[:N]

# --- scband reference (transcript-rebuilt; emitter-appended) ---
"""Pipeline reference for scband-gcnencoder-28467043238274 (READ-ONLY COPY).

The authoritative reference and input builder live on the scoring server;
editing this copy changes nothing except your own understanding.
"""

import jax, jax.numpy as jnp
import numpy as np

N = 10000
E = 320000
D_IN = 128
D_H = 256
D_OUT = 128
BN_EPS = 1e-5


def _glorot(key, shape):
    lim = float(np.sqrt(6.0 / (shape[0] + shape[1])))
    return jax.random.uniform(key, shape, jnp.float32, -lim, lim)


def setup_inputs(seed: int = 0) -> dict:
    key = jax.random.key(seed)
    ks = jax.random.split(key, 8)
    x = jax.random.normal(ks[0], (N, D_IN), dtype=jnp.float32)
    edge_index = jax.random.randint(ks[1], (2, E), 0, N, dtype=jnp.int32)
    # GCNConv layer 0: 128 -> 256, plus BatchNorm1d(256)
    W0 = _glorot(ks[2], (D_IN, D_H))
    b0 = jnp.zeros((D_H,), jnp.float32)
    g0 = jnp.ones((D_H,), jnp.float32)
    bt0 = jnp.zeros((D_H,), jnp.float32)
    # GCNConv layer 1: 256 -> 256, plus BatchNorm1d(256)
    W1 = _glorot(ks[3], (D_H, D_H))
    b1 = jnp.zeros((D_H,), jnp.float32)
    g1 = jnp.ones((D_H,), jnp.float32)
    bt1 = jnp.zeros((D_H,), jnp.float32)
    # GCNConv layer 2 (output): 256 -> 128
    W2 = _glorot(ks[4], (D_H, D_OUT))
    b2 = jnp.zeros((D_OUT,), jnp.float32)
    return {"x": x, "edge_index": edge_index,
            "W0": W0, "b0": b0, "g0": g0, "bt0": bt0,
            "W1": W1, "b1": b1, "g1": g1, "bt1": bt1,
            "W2": W2, "b2": b2}


def reference(x, edge_index, W0, b0, g0, bt0, W1, b1, g1, bt1, W2, b2):
    n = x.shape[0]
    # GCN normalization with added self-loops (edge_weight=None -> ones)
    loops = jnp.arange(n, dtype=edge_index.dtype)
    src = jnp.concatenate([edge_index[0], loops])
    dst = jnp.concatenate([edge_index[1], loops])
    ew = jnp.ones(src.shape, dtype=x.dtype)
    deg = jax.ops.segment_sum(ew, dst, num_segments=n)
    deg_inv_sqrt = jnp.where(deg > 0, 1.0 / jnp.sqrt(deg), 0.0)
    norm = deg_inv_sqrt[src] * deg_inv_sqrt[dst]

    def gcn_conv(h, W, b):
        hw = h @ W
        msg = hw[src] * norm[:, None]
        out = jax.ops.segment_sum(msg, dst, num_segments=n)
        return out + b

    def batch_norm_eval(h, g, bt):
        # eval-mode BatchNorm1d with default running stats (mean=0, var=1)
        return (h - 0.0) / jnp.sqrt(1.0 + BN_EPS) * g + bt

    # layer 0
    h = gcn_conv(x, W0, b0)
    h = batch_norm_eval(h, g0, bt0)
    h = jax.nn.relu(h)
    # dropout is identity in eval mode
    # layer 1
    h = gcn_conv(h, W1, b1)
    h = batch_norm_eval(h, g1, bt1)
    h = jax.nn.relu(h)
    # output layer
    h = gcn_conv(h, W2, b2)
    return h

if __name__ == "__main__":
    import jax
    _d = setup_inputs()
    print(jax.jit(kernel)(*tuple(_d.values())))

</pallas_src>

<mosaic_0001>
#map = affine_map<(d0, d1) -> (0)>
#map1 = affine_map<(d0, d1) -> (0, 0)>
module attributes {stable_mosaic.version = 14 : i64} {
  func.func @_deg_body(%arg0: i32, %arg1: i32, %arg2: memref<320000xi32, #tpu.memory_space<hbm>>, %arg3: memref<10240xf32, #tpu.memory_space<hbm>>, %arg4: memref<1x80xf32, #tpu.memory_space<hbm>>, %arg5: memref<10240xf32, #tpu.memory_space<hbm>>, %arg6: memref<10240xf32, #tpu.memory_space<hbm>>, %arg7: memref<1x80xi32, #tpu.memory_space<vmem>>, %arg8: memref<1x80xf32, #tpu.memory_space<vmem>>, %arg9: memref<10240xf32, #tpu.memory_space<vmem_shared>>, %arg10: memref<!tpu.dma_semaphore, #tpu.memory_space<semaphore_mem>>) attributes {dimension_semantics = [#tpu.dimension_semantics<core_parallel>, #tpu.dimension_semantics<subcore_parallel>], iteration_bounds = array<i64: 2, 16>, scalar_prefetch = 0 : i64, scratch_operands = 4 : i64, tpu.core_type = #tpu.core_type<sc_vector_subcore>, window_params = [{transform_indices = #map}, {transform_indices = #map}, {transform_indices = #map1}, {transform_indices = #map}, {transform_indices = #map}]} {
    %mul3A = arith.constant 640 : i32
    %mul3A_0 = arith.muli %arg1, %mul3A : i32
    %mul3A_1 = arith.constant 640 : i32
    %mul3A_2 = arith.muli %arg1, %mul3A_1 : i32
    "tpu.region"() ({
      %run_scoped3A = tpu.sem_alloc : memref<!tpu.dma_semaphore, #tpu.memory_space<semaphore_mem>>
      %dma_start3A = tpu.memref_slice %arg9[%mul3A_2] : memref<10240xf32, #tpu.memory_space<vmem_shared>> -> memref<640xf32, #tpu.memory_space<vmem_shared>>
      %dma_start3A_20 = tpu.memref_slice %arg3[%mul3A_0] : memref<10240xf32, #tpu.memory_space<hbm>> -> memref<640xf32, #tpu.memory_space<hbm>>
      tpu.enqueue_dma source(%dma_start3A_20 : memref<640xf32, #tpu.memory_space<hbm>>) target(%dma_start3A : memref<640xf32, #tpu.memory_space<vmem_shared>>) target_semaphore(%run_scoped3A : memref<!tpu.dma_semaphore, #tpu.memory_space<semaphore_mem>>)
      %dma_wait3A = tpu.memref_slice %arg9[%mul3A_2] : memref<10240xf32, #tpu.memory_space<vmem_shared>> -> memref<640xf32, #tpu.memory_space<vmem_shared>>
      %dma_wait3A_21 = tpu.memref_slice %arg3[%mul3A_0] : memref<10240xf32, #tpu.memory_space<hbm>> -> memref<640xf32, #tpu.memory_space<hbm>>
      tpu.wait_dma2 semaphore(%run_scoped3A : memref<!tpu.dma_semaphore, #tpu.memory_space<semaphore_mem>>) src(%dma_wait3A_21 : memref<640xf32, #tpu.memory_space<hbm>>) dst(%dma_wait3A : memref<640xf32, #tpu.memory_space<vmem_shared>>)
      tpu.yield
    }) : () -> ()
    "tpu.region"() ({
      %run_scoped3A = tpu.sem_alloc : memref<!tpu.dma_semaphore, #tpu.memory_space<semaphore_mem>>
      tpu.enqueue_dma source(%arg4 : memref<1x80xf32, #tpu.memory_space<hbm>>) target(%arg8 : memref<1x80xf32, #tpu.memory_space<vmem>>) target_semaphore(%run_scoped3A : memref<!tpu.dma_semaphore, #tpu.memory_space<semaphore_mem>>)
      tpu.wait_dma2 semaphore(%run_scoped3A : memref<!tpu.dma_semaphore, #tpu.memory_space<semaphore_mem>>) src(%arg4 : memref<1x80xf32, #tpu.memory_space<hbm>>) dst(%arg8 : memref<1x80xf32, #tpu.memory_space<vmem>>)
      tpu.yield
    }) : () -> ()
    %barrier3A = arith.constant 0 : index
    tpu.barrier barrier_id(%barrier3A)
    %mul3A_3 = arith.constant 16 : i32
    %mul3A_4 = arith.muli %arg0, %mul3A_3 : i32
    %add3A = arith.addi %mul3A_4, %arg1 : i32
    %mul3A_5 = arith.constant 10000 : i32
    %mul3A_6 = arith.muli %add3A, %mul3A_5 : i32
    %multiple_of3A = tpu.assume_multiple %mul3A_6, 8 : i32
    %scan3A = arith.constant 0 : i32
    %scan3A_7 = arith.constant 0 : i32
    %scan3A_8 = arith.constant 125 : i32
    %scan3A_9 = arith.addi %scan3A_7, %scan3A_8 : i32
    %scan3A_10 = arith.constant 1 : i32
    scf.for %scan3A_20 = %scan3A_7 to %scan3A_9 step %scan3A_10  : i32 {
      %mul3A_21 = arith.constant 80 : i32
      %mul3A_22 = arith.muli %scan3A_20, %mul3A_21 : i32
      %add3A_23 = arith.addi %multiple_of3A, %mul3A_22 : i32
      %multiple_of3A_24 = tpu.assume_multiple %add3A_23, 8 : i32
      %run_scoped3A = arith.constant 0 : i32
      "tpu.region"() ({
        %run_scoped3A_27 = tpu.sem_alloc : memref<!tpu.dma_semaphore, #tpu.memory_space<semaphore_mem>>
        %dma_start3A = arith.constant 0 : i32
        %dma_start3A_28 = tpu.memref_slice %arg7[%run_scoped3A, %dma_start3A] : memref<1x80xi32, #tpu.memory_space<vmem>> -> memref<1x80xi32, #tpu.memory_space<vmem>>
        %dma_start3A_29 = tpu.memref_squeeze %dma_start3A_28 : memref<1x80xi32, #tpu.memory_space<vmem>> -> memref<80xi32, #tpu.memory_space<vmem>>
        %dma_start3A_30 = tpu.memref_slice %arg2[%multiple_of3A_24] : memref<320000xi32, #tpu.memory_space<hbm>> -> memref<80xi32, #tpu.memory_space<hbm>>
        %dma_start3A_31 = arith.constant 0 : i32
        %dma_start3A_32 = tpu.memref_slice %arg7[%run_scoped3A, %dma_start3A_31] : memref<1x80xi32, #tpu.memory_space<vmem>> -> memref<1x80xi32, #tpu.memory_space<vmem>>
        %dma_start3A_33 = tpu.memref_squeeze %dma_start3A_32 : memref<1x80xi32, #tpu.memory_space<vmem>> -> memref<80xi32, #tpu.memory_space<vmem>>
        %dma_start3A_34 = tpu.memref_slice %arg2[%multiple_of3A_24] : memref<320000xi32, #tpu.memory_space<hbm>> -> memref<80xi32, #tpu.memory_space<hbm>>
        tpu.enqueue_dma source(%dma_start3A_34 : memref<80xi32, #tpu.memory_space<hbm>>) target(%dma_start3A_33 : memref<80xi32, #tpu.memory_space<vmem>>) target_semaphore(%run_scoped3A_27 : memref<!tpu.dma_semaphore, #tpu.memory_space<semaphore_mem>>)
        %dma_wait3A = arith.constant 0 : i32
        %dma_wait3A_35 = tpu.memref_slice %arg7[%run_scoped3A, %dma_wait3A] : memref<1x80xi32, #tpu.memory_space<vmem>> -> memref<1x80xi32, #tpu.memory_space<vmem>>
        %dma_wait3A_36 = tpu.memref_squeeze %dma_wait3A_35 : memref<1x80xi32, #tpu.memory_space<vmem>> -> memref<80xi32, #tpu.memory_space<vmem>>
        %dma_wait3A_37 = tpu.memref_slice %arg2[%multiple_of3A_24] : memref<320000xi32, #tpu.memory_space<hbm>> -> memref<80xi32, #tpu.memory_space<hbm>>
        %dma_wait3A_38 = arith.constant 0 : i32
        %dma_wait3A_39 = tpu.memref_slice %arg7[%run_scoped3A, %dma_wait3A_38] : memref<1x80xi32, #tpu.memory_space<vmem>> -> memref<1x80xi32, #tpu.memory_space<vmem>>
        %dma_wait3A_40 = tpu.memref_squeeze %dma_wait3A_39 : memref<1x80xi32, #tpu.memory_space<vmem>> -> memref<80xi32, #tpu.memory_space<vmem>>
        %dma_wait3A_41 = tpu.memref_slice %arg2[%multiple_of3A_24] : memref<320000xi32, #tpu.memory_space<hbm>> -> memref<80xi32, #tpu.memory_space<hbm>>
        tpu.wait_dma2 semaphore(%run_scoped3A_27 : memref<!tpu.dma_semaphore, #tpu.memory_space<semaphore_mem>>) src(%dma_wait3A_41 : memref<80xi32, #tpu.memory_space<hbm>>) dst(%dma_wait3A_40 : memref<80xi32, #tpu.memory_space<vmem>>)
        tpu.yield
      }) : () -> ()
      %run_scoped3A_25 = arith.constant 0 : i32
      %run_scoped3A_26 = arith.constant 0 : i32
      "tpu.region"() ({
        %run_scoped3A_27 = tpu.sem_alloc : memref<!tpu.dma_semaphore, #tpu.memory_space<semaphore_mem>>
        %dma_start3A = arith.constant 0 : i32
        %dma_start3A_28 = tpu.memref_slice %arg8[%run_scoped3A_25, %dma_start3A] : memref<1x80xf32, #tpu.memory_space<vmem>> -> memref<1x80xf32, #tpu.memory_space<vmem>>
        %dma_start3A_29 = tpu.memref_squeeze %dma_start3A_28 : memref<1x80xf32, #tpu.memory_space<vmem>> -> memref<80xf32, #tpu.memory_space<vmem>>
        %dma_start3A_30 = arith.constant 0 : i32
        %dma_start3A_31 = tpu.memref_slice %arg7[%run_scoped3A_26, %dma_start3A_30] : memref<1x80xi32, #tpu.memory_space<vmem>> -> memref<1x80xi32, #tpu.memory_space<vmem>>
        %dma_start3A_32 = tpu.memref_squeeze %dma_start3A_31 : memref<1x80xi32, #tpu.memory_space<vmem>> -> memref<80xi32, #tpu.memory_space<vmem>>
        %dma_start3A_33 = arith.constant 0 : i32
        %dma_start3A_34 = tpu.memref_slice %arg9[%dma_start3A_33] : memref<10240xf32, #tpu.memory_space<vmem_shared>> -> memref<10240xf32, #tpu.memory_space<vmem_shared>>
        tpu.enqueue_indirect_dma source(%dma_start3A_29 : memref<80xf32, #tpu.memory_space<vmem>>) target(%dma_start3A_34 : memref<10240xf32, #tpu.memory_space<vmem_shared>>) offsets(%dma_start3A_32 : memref<80xi32, #tpu.memory_space<vmem>>) semaphore(%run_scoped3A_27 : memref<!tpu.dma_semaphore, #tpu.memory_space<semaphore_mem>>) {add = true}
        %dma_wait3A = arith.constant 0 : i32
        %dma_wait3A_35 = tpu.memref_slice %arg8[%run_scoped3A_25, %dma_wait3A] : memref<1x80xf32, #tpu.memory_space<vmem>> -> memref<1x80xf32, #tpu.memory_space<vmem>>
        %dma_wait3A_36 = tpu.memref_squeeze %dma_wait3A_35 : memref<1x80xf32, #tpu.memory_space<vmem>> -> memref<80xf32, #tpu.memory_space<vmem>>
        %dma_wait3A_37 = arith.constant 0 : i32
        %dma_wait3A_38 = tpu.memref_slice %arg7[%run_scoped3A_26, %dma_wait3A_37] : memref<1x80xi32, #tpu.memory_space<vmem>> -> memref<1x80xi32, #tpu.memory_space<vmem>>
        %dma_wait3A_39 = tpu.memref_squeeze %dma_wait3A_38 : memref<1x80xi32, #tpu.memory_space<vmem>> -> memref<80xi32, #tpu.memory_space<vmem>>
        %dma_wait3A_40 = arith.constant 0 : i32
        %dma_wait3A_41 = tpu.memref_slice %arg9[%dma_wait3A_40] : memref<10240xf32, #tpu.memory_space<vmem_shared>> -> memref<10240xf32, #tpu.memory_space<vmem_shared>>
        tpu.wait_indirect_dma semaphore(%run_scoped3A_27 : memref<!tpu.dma_semaphore, #tpu.memory_space<semaphore_mem>>) src(%dma_wait3A_36 : memref<80xf32, #tpu.memory_space<vmem>>) dst(%dma_wait3A_41 : memref<10240xf32, #tpu.memory_space<vmem_shared>>)
        tpu.yield
      }) : () -> ()
    }
    %scan3A_11 = arith.constant 125 : i32
    %barrier3A_12 = arith.constant 0 : index
    tpu.barrier barrier_id(%barrier3A_12)
    %eq3A = arith.constant 0 : i32
    %eq3A_13 = arith.cmpi eq, %arg0, %eq3A : i32
    %convert_element_type3A = arith.extui %eq3A_13 : i1 to i32
    %cond3A = arith.constant 0 : i32
    %cond3A_14 = arith.cmpi ne, %convert_element_type3A, %cond3A : i32
    scf.if %cond3A_14 {
      %mul3A_20 = arith.constant 640 : i32
      %mul3A_21 = arith.muli %arg1, %mul3A_20 : i32
      %mul3A_22 = arith.constant 640 : i32
      %mul3A_23 = arith.muli %arg1, %mul3A_22 : i32
      "tpu.region"() ({
        %run_scoped3A = tpu.sem_alloc : memref<!tpu.dma_semaphore, #tpu.memory_space<semaphore_mem>>
        %dma_start3A = tpu.memref_slice %arg5[%mul3A_23] : memref<10240xf32, #tpu.memory_space<hbm>> -> memref<640xf32, #tpu.memory_space<hbm>>
        %dma_start3A_24 = tpu.memref_slice %arg9[%mul3A_21] : memref<10240xf32, #tpu.memory_space<vmem_shared>> -> memref<640xf32, #tpu.memory_space<vmem_shared>>
        tpu.enqueue_dma source(%dma_start3A_24 : memref<640xf32, #tpu.memory_space<vmem_shared>>) target(%dma_start3A : memref<640xf32, #tpu.memory_space<hbm>>) target_semaphore(%run_scoped3A : memref<!tpu.dma_semaphore, #tpu.memory_space<semaphore_mem>>)
        %dma_wait3A = tpu.memref_slice %arg5[%mul3A_23] : memref<10240xf32, #tpu.memory_space<hbm>> -> memref<640xf32, #tpu.memory_space<hbm>>
        %dma_wait3A_25 = tpu.memref_slice %arg9[%mul3A_21] : memref<10240xf32, #tpu.memory_space<vmem_shared>> -> memref<640xf32, #tpu.memory_space<vmem_shared>>
        tpu.wait_dma2 semaphore(%run_scoped3A : memref<!tpu.dma_semaphore, #tpu.memory_space<semaphore_mem>>) src(%dma_wait3A_25 : memref<640xf32, #tpu.memory_space<vmem_shared>>) dst(%dma_wait3A : memref<640xf32, #tpu.memory_space<hbm>>)
        tpu.yield
      }) : () -> ()
    } else {
    }
    %eq3A_15 = arith.constant 1 : i32
    %eq3A_16 = arith.cmpi eq, %arg0, %eq3A_15 : i32
    %convert_element_type3A_17 = arith.extui %eq3A_16 : i1 to i32
    %cond3A_18 = arith.constant 0 : i32
    %cond3A_19 = arith.cmpi ne, %convert_element_type3A_17, %cond3A_18 : i32
    scf.if %cond3A_19 {
      %mul3A_20 = arith.constant 640 : i32
      %mul3A_21 = arith.muli %arg1, %mul3A_20 : i32
      %mul3A_22 = arith.constant 640 : i32
      %mul3A_23 = arith.muli %arg1, %mul3A_22 : i32
      "tpu.region"() ({
        %run_scoped3A = tpu.sem_alloc : memref<!tpu.dma_semaphore, #tpu.memory_space<semaphore_mem>>
        %dma_start3A = tpu.memref_slice %arg6[%mul3A_23] : memref<10240xf32, #tpu.memory_space<hbm>> -> memref<640xf32, #tpu.memory_space<hbm>>
        %dma_start3A_24 = tpu.memref_slice %arg9[%mul3A_21] : memref<10240xf32, #tpu.memory_space<vmem_shared>> -> memref<640xf32, #tpu.memory_space<vmem_shared>>
        tpu.enqueue_dma source(%dma_start3A_24 : memref<640xf32, #tpu.memory_space<vmem_shared>>) target(%dma_start3A : memref<640xf32, #tpu.memory_space<hbm>>) target_semaphore(%run_scoped3A : memref<!tpu.dma_semaphore, #tpu.memory_space<semaphore_mem>>)
        %dma_wait3A = tpu.memref_slice %arg6[%mul3A_23] : memref<10240xf32, #tpu.memory_space<hbm>> -> memref<640xf32, #tpu.memory_space<hbm>>
        %dma_wait3A_25 = tpu.memref_slice %arg9[%mul3A_21] : memref<10240xf32, #tpu.memory_space<vmem_shared>> -> memref<640xf32, #tpu.memory_space<vmem_shared>>
        tpu.wait_dma2 semaphore(%run_scoped3A : memref<!tpu.dma_semaphore, #tpu.memory_space<semaphore_mem>>) src(%dma_wait3A_25 : memref<640xf32, #tpu.memory_space<vmem_shared>>) dst(%dma_wait3A : memref<640xf32, #tpu.memory_space<hbm>>)
        tpu.yield
      }) : () -> ()
    } else {
    }
    return
  }
}

#map = affine_map<(d0, d1) -> (0)>
#map1 = affine_map<(d0, d1) -> (0, 0)>
module attributes {stable_mosaic.version = 14 : i64} {
  func.func @_agg_body(%arg0: i32, %arg1: i32, %arg2: memref<320000xi32, #tpu.memory_space<hbm>>, %arg3: memref<320000xi32, #tpu.memory_space<hbm>>, %arg4: memref<10240x128xf32, #tpu.memory_space<hbm>>, %arg5: memref<10240x128xf32, #tpu.memory_space<hbm>>, %arg6: memref<640x128xf32, #tpu.memory_space<hbm>>, %arg7: memref<10240x128xf32, #tpu.memory_space<hbm>>, %arg8: memref<10240x128xf32, #tpu.memory_space<hbm>>, %arg9: memref<2x80xi32, #tpu.memory_space<vmem>>, %arg10: memref<2x80xi32, #tpu.memory_space<vmem>>, %arg11: memref<2x80x128xf32, #tpu.memory_space<vmem>>, %arg12: memref<10240x128xf32, #tpu.memory_space<vmem_shared>>, %arg13: memref<!tpu.dma_semaphore, #tpu.memory_space<semaphore_mem>>, %arg14: memref<!tpu.dma_semaphore, #tpu.memory_space<semaphore_mem>>) attributes {dimension_semantics = [#tpu.dimension_semantics<core_parallel>, #tpu.dimension_semantics<subcore_parallel>], iteration_bounds = array<i64: 2, 16>, scalar_prefetch = 0 : i64, scratch_operands = 6 : i64, tpu.core_type = #tpu.core_type<sc_vector_subcore>, window_params = [{transform_indices = #map}, {transform_indices = #map}, {transform_indices = #map1}, {transform_indices = #map1}, {transform_indices = #map1}, {transform_indices = #map1}, {transform_indices = #map1}]} {
    %mul3A = arith.constant 20000 : i32
    %mul3A_0 = arith.muli %arg1, %mul3A : i32
    %multiple_of3A = tpu.assume_multiple %mul3A_0, 8 : i32
    %eq3A = arith.constant 0 : i32
    %eq3A_1 = arith.cmpi eq, %arg0, %eq3A : i32
    %convert_element_type3A = arith.extui %eq3A_1 : i1 to i32
    %cond3A = arith.constant 0 : i32
    %cond3A_2 = arith.cmpi ne, %convert_element_type3A, %cond3A : i32
    scf.if %cond3A_2 {
      %mul3A_8 = arith.constant 640 : i32
      %mul3A_9 = arith.muli %arg1, %mul3A_8 : i32
      "tpu.region"() ({
        %run_scoped3A_37 = tpu.sem_alloc : memref<!tpu.dma_semaphore, #tpu.memory_space<semaphore_mem>>
        %dma_start3A_38 = arith.constant 0 : i32
        %dma_start3A_39 = tpu.memref_slice %arg12[%mul3A_9, %dma_start3A_38] : memref<10240x128xf32, #tpu.memory_space<vmem_shared>> -> memref<640x128xf32, #tpu.memory_space<vmem_shared>>
        tpu.enqueue_dma source(%arg6 : memref<640x128xf32, #tpu.memory_space<hbm>>) target(%dma_start3A_39 : memref<640x128xf32, #tpu.memory_space<vmem_shared>>) target_semaphore(%run_scoped3A_37 : memref<!tpu.dma_semaphore, #tpu.memory_space<semaphore_mem>>)
        %dma_wait3A = arith.constant 0 : i32
        %dma_wait3A_40 = tpu.memref_slice %arg12[%mul3A_9, %dma_wait3A] : memref<10240x128xf32, #tpu.memory_space<vmem_shared>> -> memref<640x128xf32, #tpu.memory_space<vmem_shared>>
        tpu.wait_dma2 semaphore(%run_scoped3A_37 : memref<!tpu.dma_semaphore, #tpu.memory_space<semaphore_mem>>) src(%arg6 : memref<640x128xf32, #tpu.memory_space<hbm>>) dst(%dma_wait3A_40 : memref<640x128xf32, #tpu.memory_space<vmem_shared>>)
        tpu.yield
      }) : () -> ()
      %run_scoped3A = arith.constant 0 : i32
      "tpu.region"() ({
        %run_scoped3A_37 = tpu.sem_alloc : memref<!tpu.dma_semaphore, #tpu.memory_space<semaphore_mem>>
        %dma_start3A_38 = arith.constant 0 : i32
        %dma_start3A_39 = tpu.memref_slice %arg9[%run_scoped3A, %dma_start3A_38] : memref<2x80xi32, #tpu.memory_space<vmem>> -> memref<1x80xi32, #tpu.memory_space<vmem>>
        %dma_start3A_40 = tpu.memref_squeeze %dma_start3A_39 : memref<1x80xi32, #tpu.memory_space<vmem>> -> memref<80xi32, #tpu.memory_space<vmem>>
        %dma_start3A_41 = tpu.memref_slice %arg2[%multiple_of3A] : memref<320000xi32, #tpu.memory_space<hbm>> -> memref<80xi32, #tpu.memory_space<hbm>>
        %dma_start3A_42 = arith.constant 0 : i32
        %dma_start3A_43 = tpu.memref_slice %arg9[%run_scoped3A, %dma_start3A_42] : memref<2x80xi32, #tpu.memory_space<vmem>> -> memref<1x80xi32, #tpu.memory_space<vmem>>
        %dma_start3A_44 = tpu.memref_squeeze %dma_start3A_43 : memref<1x80xi32, #tpu.memory_space<vmem>> -> memref<80xi32, #tpu.memory_space<vmem>>
        %dma_start3A_45 = tpu.memref_slice %arg2[%multiple_of3A] : memref<320000xi32, #tpu.memory_space<hbm>> -> memref<80xi32, #tpu.memory_space<hbm>>
        tpu.enqueue_dma source(%dma_start3A_45 : memref<80xi32, #tpu.memory_space<hbm>>) target(%dma_start3A_44 : memref<80xi32, #tpu.memory_space<vmem>>) target_semaphore(%run_scoped3A_37 : memref<!tpu.dma_semaphore, #tpu.memory_space<semaphore_mem>>)
        %dma_wait3A = arith.constant 0 : i32
        %dma_wait3A_46 = tpu.memref_slice %arg9[%run_scoped3A, %dma_wait3A] : memref<2x80xi32, #tpu.memory_space<vmem>> -> memref<1x80xi32, #tpu.memory_space<vmem>>
        %dma_wait3A_47 = tpu.memref_squeeze %dma_wait3A_46 : memref<1x80xi32, #tpu.memory_space<vmem>> -> memref<80xi32, #tpu.memory_space<vmem>>
        %dma_wait3A_48 = tpu.memref_slice %arg2[%multiple_of3A] : memref<320000xi32, #tpu.memory_space<hbm>> -> memref<80xi32, #tpu.memory_space<hbm>>
        %dma_wait3A_49 = arith.constant 0 : i32
        %dma_wait3A_50 = tpu.memref_slice %arg9[%run_scoped3A, %dma_wait3A_49] : memref<2x80xi32, #tpu.memory_space<vmem>> -> memref<1x80xi32, #tpu.memory_space<vmem>>
        %dma_wait3A_51 = tpu.memref_squeeze %dma_wait3A_50 : memref<1x80xi32, #tpu.memory_space<vmem>> -> memref<80xi32, #tpu.memory_space<vmem>>
        %dma_wait3A_52 = tpu.memref_slice %arg2[%multiple_of3A] : memref<320000xi32, #tpu.memory_space<hbm>> -> memref<80xi32, #tpu.memory_space<hbm>>
        tpu.wait_dma2 semaphore(%run_scoped3A_37 : memref<!tpu.dma_semaphore, #tpu.memory_space<semaphore_mem>>) src(%dma_wait3A_52 : memref<80xi32, #tpu.memory_space<hbm>>) dst(%dma_wait3A_51 : memref<80xi32, #tpu.memory_space<vmem>>)
        tpu.yield
      }) : () -> ()
      %run_scoped3A_10 = arith.constant 0 : i32
      "tpu.region"() ({
        %run_scoped3A_37 = tpu.sem_alloc : memref<!tpu.dma_semaphore, #tpu.memory_space<semaphore_mem>>
        %dma_start3A_38 = arith.constant 0 : i32
        %dma_start3A_39 = tpu.memref_slice %arg10[%run_scoped3A_10, %dma_start3A_38] : memref<2x80xi32, #tpu.memory_space<vmem>> -> memref<1x80xi32, #tpu.memory_space<vmem>>
        %dma_start3A_40 = tpu.memref_squeeze %dma_start3A_39 : memref<1x80xi32, #tpu.memory_space<vmem>> -> memref<80xi32, #tpu.memory_space<vmem>>
        %dma_start3A_41 = tpu.memref_slice %arg3[%multiple_of3A] : memref<320000xi32, #tpu.memory_space<hbm>> -> memref<80xi32, #tpu.memory_space<hbm>>
        %dma_start3A_42 = arith.constant 0 : i32
        %dma_start3A_43 = tpu.memref_slice %arg10[%run_scoped3A_10, %dma_start3A_42] : memref<2x80xi32, #tpu.memory_space<vmem>> -> memref<1x80xi32, #tpu.memory_space<vmem>>
        %dma_start3A_44 = tpu.memref_squeeze %dma_start3A_43 : memref<1x80xi32, #tpu.memory_space<vmem>> -> memref<80xi32, #tpu.memory_space<vmem>>
        %dma_start3A_45 = tpu.memref_slice %arg3[%multiple_of3A] : memref<320000xi32, #tpu.memory_space<hbm>> -> memref<80xi32, #tpu.memory_space<hbm>>
        tpu.enqueue_dma source(%dma_start3A_45 : memref<80xi32, #tpu.memory_space<hbm>>) target(%dma_start3A_44 : memref<80xi32, #tpu.memory_space<vmem>>) target_semaphore(%run_scoped3A_37 : memref<!tpu.dma_semaphore, #tpu.memory_space<semaphore_mem>>)
        %dma_wait3A = arith.constant 0 : i32
        %dma_wait3A_46 = tpu.memref_slice %arg10[%run_scoped3A_10, %dma_wait3A] : memref<2x80xi32, #tpu.memory_space<vmem>> -> memref<1x80xi32, #tpu.memory_space<vmem>>
        %dma_wait3A_47 = tpu.memref_squeeze %dma_wait3A_46 : memref<1x80xi32, #tpu.memory_space<vmem>> -> memref<80xi32, #tpu.memory_space<vmem>>
        %dma_wait3A_48 = tpu.memref_slice %arg3[%multiple_of3A] : memref<320000xi32, #tpu.memory_space<hbm>> -> memref<80xi32, #tpu.memory_space<hbm>>
        %dma_wait3A_49 = arith.constant 0 : i32
        %dma_wait3A_50 = tpu.memref_slice %arg10[%run_scoped3A_10, %dma_wait3A_49] : memref<2x80xi32, #tpu.memory_space<vmem>> -> memref<1x80xi32, #tpu.memory_space<vmem>>
        %dma_wait3A_51 = tpu.memref_squeeze %dma_wait3A_50 : memref<1x80xi32, #tpu.memory_space<vmem>> -> memref<80xi32, #tpu.memory_space<vmem>>
        %dma_wait3A_52 = tpu.memref_slice %arg3[%multiple_of3A] : memref<320000xi32, #tpu.memory_space<hbm>> -> memref<80xi32, #tpu.memory_space<hbm>>
        tpu.wait_dma2 semaphore(%run_scoped3A_37 : memref<!tpu.dma_semaphore, #tpu.memory_space<semaphore_mem>>) src(%dma_wait3A_52 : memref<80xi32, #tpu.memory_space<hbm>>) dst(%dma_wait3A_51 : memref<80xi32, #tpu.memory_space<vmem>>)
        tpu.yield
      }) : () -> ()
      %barrier3A = arith.constant 0 : index
      tpu.barrier barrier_id(%barrier3A)
      %dma_start3A = arith.constant 0 : i32
      %dma_start3A_11 = arith.constant 0 : i32
      %dma_start3A_12 = arith.constant 0 : i32
      %dma_start3A_13 = arith.constant 0 : i32
      %dma_start3A_14 = tpu.memref_slice %arg11[%dma_start3A_11, %dma_start3A_12, %dma_start3A_13] : memref<2x80x128xf32, #tpu.memory_space<vmem>> -> memref<1x80x128xf32, #tpu.memory_space<vmem>>
      %dma_start3A_15 = tpu.memref_squeeze %dma_start3A_14 : memref<1x80x128xf32, #tpu.memory_space<vmem>> -> memref<80x128xf32, #tpu.memory_space<vmem>>
      %dma_start3A_16 = arith.constant 0 : i32
      %dma_start3A_17 = tpu.memref_slice %arg9[%dma_start3A, %dma_start3A_16] : memref<2x80xi32, #tpu.memory_space<vmem>> -> memref<1x80xi32, #tpu.memory_space<vmem>>
      %dma_start3A_18 = tpu.memref_squeeze %dma_start3A_17 : memref<1x80xi32, #tpu.memory_space<vmem>> -> memref<80xi32, #tpu.memory_space<vmem>>
      %dma_start3A_19 = arith.constant 0 : i32
      %dma_start3A_20 = arith.constant 0 : i32
      %dma_start3A_21 = tpu.memref_slice %arg4[%dma_start3A_19, %dma_start3A_20] : memref<10240x128xf32, #tpu.memory_space<hbm>> -> memref<10240x128xf32, #tpu.memory_space<hbm>>
      tpu.enqueue_indirect_dma source(%dma_start3A_21 : memref<10240x128xf32, #tpu.memory_space<hbm>>) target(%dma_start3A_15 : memref<80x128xf32, #tpu.memory_space<vmem>>) offsets(%dma_start3A_18 : memref<80xi32, #tpu.memory_space<vmem>>) semaphore(%arg13 : memref<!tpu.dma_semaphore, #tpu.memory_space<semaphore_mem>>)
      %add3A = arith.constant 80 : i32
      %add3A_22 = arith.addi %multiple_of3A, %add3A : i32
      %run_scoped3A_23 = arith.constant 1 : i32
      "tpu.region"() ({
        %run_scoped3A_37 = tpu.sem_alloc : memref<!tpu.dma_semaphore, #tpu.memory_space<semaphore_mem>>
        %dma_start3A_38 = arith.constant 0 : i32
        %dma_start3A_39 = tpu.memref_slice %arg9[%run_scoped3A_23, %dma_start3A_38] : memref<2x80xi32, #tpu.memory_space<vmem>> -> memref<1x80xi32, #tpu.memory_space<vmem>>
        %dma_start3A_40 = tpu.memref_squeeze %dma_start3A_39 : memref<1x80xi32, #tpu.memory_space<vmem>> -> memref<80xi32, #tpu.memory_space<vmem>>
        %dma_start3A_41 = tpu.memref_slice %arg2[%add3A_22] : memref<320000xi32, #tpu.memory_space<hbm>> -> memref<80xi32, #tpu.memory_space<hbm>>
        %dma_start3A_42 = arith.constant 0 : i32
        %dma_start3A_43 = tpu.memref_slice %arg9[%run_scoped3A_23, %dma_start3A_42] : memref<2x80xi32, #tpu.memory_space<vmem>> -> memref<1x80xi32, #tpu.memory_space<vmem>>
        %dma_start3A_44 = tpu.memref_squeeze %dma_start3A_43 : memref<1x80xi32, #tpu.memory_space<vmem>> -> memref<80xi32, #tpu.memory_space<vmem>>
        %dma_start3A_45 = tpu.memref_slice %arg2[%add3A_22] : memref<320000xi32, #tpu.memory_space<hbm>> -> memref<80xi32, #tpu.memory_space<hbm>>
        tpu.enqueue_dma source(%dma_start3A_45 : memref<80xi32, #tpu.memory_space<hbm>>) target(%dma_start3A_44 : memref<80xi32, #tpu.memory_space<vmem>>) target_semaphore(%run_scoped3A_37 : memref<!tpu.dma_semaphore, #tpu.memory_space<semaphore_mem>>)
        %dma_wait3A = arith.constant 0 : i32
        %dma_wait3A_46 = tpu.memref_slice %arg9[%run_scoped3A_23, %dma_wait3A] : memref<2x80xi32, #tpu.memory_space<vmem>> -> memref<1x80xi32, #tpu.memory_space<vmem>>
        %dma_wait3A_47 = tpu.memref_squeeze %dma_wait3A_46 : memref<1x80xi32, #tpu.memory_space<vmem>> -> memref<80xi32, #tpu.memory_space<vmem>>
        %dma_wait3A_48 = tpu.memref_slice %arg2[%add3A_22] : memref<320000xi32, #tpu.memory_space<hbm>> -> memref<80xi32, #tpu.memory_space<hbm>>
        %dma_wait3A_49 = arith.constant 0 : i32
        %dma_wait3A_50 = tpu.memref_slice %arg9[%run_scoped3A_23, %dma_wait3A_49] : memref<2x80xi32, #tpu.memory_space<vmem>> -> memref<1x80xi32, #tpu.memory_space<vmem>>
        %dma_wait3A_51 = tpu.memref_squeeze %dma_wait3A_50 : memref<1x80xi32, #tpu.memory_space<vmem>> -> memref<80xi32, #tpu.memory_space<vmem>>
        %dma_wait3A_52 = tpu.memref_slice %arg2[%add3A_22] : memref<320000xi32, #tpu.memory_space<hbm>> -> memref<80xi32, #tpu.memory_space<hbm>>
        tpu.wait_dma2 semaphore(%run_scoped3A_37 : memref<!tpu.dma_semaphore, #tpu.memory_space<semaphore_mem>>) src(%dma_wait3A_52 : memref<80xi32, #tpu.memory_space<hbm>>) dst(%dma_wait3A_51 : memref<80xi32, #tpu.memory_space<vmem>>)
        tpu.yield
      }) : () -> ()
      %add3A_24 = arith.constant 80 : i32
      %add3A_25 = arith.addi %multiple_of3A, %add3A_24 : i32
      %run_scoped3A_26 = arith.constant 1 : i32
      "tpu.region"() ({
        %run_scoped3A_37 = tpu.sem_alloc : memref<!tpu.dma_semaphore, #tpu.memory_space<semaphore_mem>>
        %dma_start3A_38 = arith.constant 0 : i32
        %dma_start3A_39 = tpu.memref_slice %arg10[%run_scoped3A_26, %dma_start3A_38] : memref<2x80xi32, #tpu.memory_space<vmem>> -> memref<1x80xi32, #tpu.memory_space<vmem>>
        %dma_start3A_40 = tpu.memref_squeeze %dma_start3A_39 : memref<1x80xi32, #tpu.memory_space<vmem>> -> memref<80xi32, #tpu.memory_space<vmem>>
        %dma_start3A_41 = tpu.memref_slice %arg3[%add3A_25] : memref<320000xi32, #tpu.memory_space<hbm>> -> memref<80xi32, #tpu.memory_space<hbm>>
        %dma_start3A_42 = arith.constant 0 : i32
        %dma_start3A_43 = tpu.memref_slice %arg10[%run_scoped3A_26, %dma_start3A_42] : memref<2x80xi32, #tpu.memory_space<vmem>> -> memref<1x80xi32, #tpu.memory_space<vmem>>
        %dma_start3A_44 = tpu.memref_squeeze %dma_start3A_43 : memref<1x80xi32, #tpu.memory_space<vmem>> -> memref<80xi32, #tpu.memory_space<vmem>>
        %dma_start3A_45 = tpu.memref_slice %arg3[%add3A_25] : memref<320000xi32, #tpu.memory_space<hbm>> -> memref<80xi32, #tpu.memory_space<hbm>>
        tpu.enqueue_dma source(%dma_start3A_45 : memref<80xi32, #tpu.memory_space<hbm>>) target(%dma_start3A_44 : memref<80xi32, #tpu.memory_space<vmem>>) target_semaphore(%run_scoped3A_37 : memref<!tpu.dma_semaphore, #tpu.memory_space<semaphore_mem>>)
        %dma_wait3A = arith.constant 0 : i32
        %dma_wait3A_46 = tpu.memref_slice %arg10[%run_scoped3A_26, %dma_wait3A] : memref<2x80xi32, #tpu.memory_space<vmem>> -> memref<1x80xi32, #tpu.memory_space<vmem>>
        %dma_wait3A_47 = tpu.memref_squeeze %dma_wait3A_46 : memref<1x80xi32, #tpu.memory_space<vmem>> -> memref<80xi32, #tpu.memory_space<vmem>>
        %dma_wait3A_48 = tpu.memref_slice %arg3[%add3A_25] : memref<320000xi32, #tpu.memory_space<hbm>> -> memref<80xi32, #tpu.memory_space<hbm>>
        %dma_wait3A_49 = arith.constant 0 : i32
        %dma_wait3A_50 = tpu.memref_slice %arg10[%run_scoped3A_26, %dma_wait3A_49] : memref<2x80xi32, #tpu.memory_space<vmem>> -> memref<1x80xi32, #tpu.memory_space<vmem>>
        %dma_wait3A_51 = tpu.memref_squeeze %dma_wait3A_50 : memref<1x80xi32, #tpu.memory_space<vmem>> -> memref<80xi32, #tpu.memory_space<vmem>>
        %dma_wait3A_52 = tpu.memref_slice %arg3[%add3A_25] : memref<320000xi32, #tpu.memory_space<hbm>> -> memref<80xi32, #tpu.memory_space<hbm>>
        tpu.wait_dma2 semaphore(%run_scoped3A_37 : memref<!tpu.dma_semaphore, #tpu.memory_space<semaphore_mem>>) src(%dma_wait3A_52 : memref<80xi32, #tpu.memory_space<hbm>>) dst(%dma_wait3A_51 : memref<80xi32, #tpu.memory_space<vmem>>)
        tpu.yield
      }) : () -> ()
      %scan3A = arith.constant 0 : i32
      %scan3A_27 = arith.constant 0 : i32
      %scan3A_28 = arith.constant 125 : i32
      %scan3A_29 = arith.addi %scan3A_27, %scan3A_28 : i32
      %scan3A_30 = arith.constant 1 : i32
      scf.for %scan3A_37 = %scan3A_27 to %scan3A_29 step %scan3A_30  : i32 {
        %mul3A_38 = arith.constant 2 : i32
        %mul3A_39 = arith.muli %mul3A_38, %scan3A_37 : i32
        %add3A_40 = arith.constant 0 : i32
        %add3A_41 = arith.addi %mul3A_39, %add3A_40 : i32
        %dma_wait3A = arith.constant 0 : i32
        %dma_wait3A_42 = arith.constant 0 : i32
        %dma_wait3A_43 = arith.constant 0 : i32
        %dma_wait3A_44 = tpu.memref_slice %arg11[%dma_wait3A, %dma_wait3A_42, %dma_wait3A_43] : memref<2x80x128xf32, #tpu.memory_space<vmem>> -> memref<1x80x128xf32, #tpu.memory_space<vmem>>
        %dma_wait3A_45 = tpu.memref_squeeze %dma_wait3A_44 : memref<1x80x128xf32, #tpu.memory_space<vmem>> -> memref<80x128xf32, #tpu.memory_space<vmem>>
        %dma_wait3A_46 = arith.constant 0 : i32
        %dma_wait3A_47 = arith.constant 0 : i32
        %dma_wait3A_48 = tpu.memref_slice %arg4[%dma_wait3A_46, %dma_wait3A_47] : memref<10240x128xf32, #tpu.memory_space<hbm>> -> memref<80x128xf32, #tpu.memory_space<hbm>>
        %dma_wait3A_49 = arith.constant 0 : i32
        %dma_wait3A_50 = arith.constant 0 : i32
        %dma_wait3A_51 = tpu.memref_slice %arg11[%dma_wait3A, %dma_wait3A_49, %dma_wait3A_50] : memref<2x80x128xf32, #tpu.memory_space<vmem>> -> memref<1x80x128xf32, #tpu.memory_space<vmem>>
        %dma_wait3A_52 = tpu.memref_squeeze %dma_wait3A_51 : memref<1x80x128xf32, #tpu.memory_space<vmem>> -> memref<80x128xf32, #tpu.memory_space<vmem>>
        %dma_wait3A_53 = arith.constant 0 : i32
        %dma_wait3A_54 = arith.constant 0 : i32
        %dma_wait3A_55 = tpu.memref_slice %arg4[%dma_wait3A_53, %dma_wait3A_54] : memref<10240x128xf32, #tpu.memory_space<hbm>> -> memref<80x128xf32, #tpu.memory_space<hbm>>
        tpu.wait_dma2 semaphore(%arg13 : memref<!tpu.dma_semaphore, #tpu.memory_space<semaphore_mem>>) src(%dma_wait3A_55 : memref<80x128xf32, #tpu.memory_space<hbm>>) dst(%dma_wait3A_52 : memref<80x128xf32, #tpu.memory_space<vmem>>)
        %add3A_56 = arith.constant 1 : i32
        %add3A_57 = arith.addi %add3A_41, %add3A_56 : i32
        %lt3A = arith.constant 250 : i32
        %lt3A_58 = arith.cmpi slt, %add3A_57, %lt3A : i32
        %convert_element_type3A_59 = arith.extui %lt3A_58 : i1 to i32
        %cond3A_60 = arith.constant 0 : i32
        %cond3A_61 = arith.cmpi ne, %convert_element_type3A_59, %cond3A_60 : i32
        scf.if %cond3A_61 {
          %dma_start3A_106 = arith.constant 1 : i32
          %dma_start3A_107 = arith.constant 1 : i32
          %dma_start3A_108 = arith.constant 0 : i32
          %dma_start3A_109 = arith.constant 0 : i32
          %dma_start3A_110 = tpu.memref_slice %arg11[%dma_start3A_107, %dma_start3A_108, %dma_start3A_109] : memref<2x80x128xf32, #tpu.memory_space<vmem>> -> memref<1x80x128xf32, #tpu.memory_space<vmem>>
          %dma_start3A_111 = tpu.memref_squeeze %dma_start3A_110 : memref<1x80x128xf32, #tpu.memory_space<vmem>> -> memref<80x128xf32, #tpu.memory_space<vmem>>
          %dma_start3A_112 = arith.constant 0 : i32
          %dma_start3A_113 = tpu.memref_slice %arg9[%dma_start3A_106, %dma_start3A_112] : memref<2x80xi32, #tpu.memory_space<vmem>> -> memref<1x80xi32, #tpu.memory_space<vmem>>
          %dma_start3A_114 = tpu.memref_squeeze %dma_start3A_113 : memref<1x80xi32, #tpu.memory_space<vmem>> -> memref<80xi32, #tpu.memory_space<vmem>>
          %dma_start3A_115 = arith.constant 0 : i32
          %dma_start3A_116 = arith.constant 0 : i32
          %dma_start3A_117 = tpu.memref_slice %arg4[%dma_start3A_115, %dma_start3A_116] : memref<10240x128xf32, #tpu.memory_space<hbm>> -> memref<10240x128xf32, #tpu.memory_space<hbm>>
          tpu.enqueue_indirect_dma source(%dma_start3A_117 : memref<10240x128xf32, #tpu.memory_space<hbm>>) target(%dma_start3A_111 : memref<80x128xf32, #tpu.memory_space<vmem>>) offsets(%dma_start3A_114 : memref<80xi32, #tpu.memory_space<vmem>>) semaphore(%arg13 : memref<!tpu.dma_semaphore, #tpu.memory_space<semaphore_mem>>)
        } else {
        }
        %run_scoped3A_62 = arith.constant 0 : i32
        %run_scoped3A_63 = arith.constant 0 : i32
        "tpu.region"() ({
          %run_scoped3A_106 = tpu.sem_alloc : memref<!tpu.dma_semaphore, #tpu.memory_space<semaphore_mem>>
          %dma_start3A_107 = arith.constant 0 : i32
          %dma_start3A_108 = arith.constant 0 : i32
          %dma_start3A_109 = tpu.memref_slice %arg11[%run_scoped3A_62, %dma_start3A_107, %dma_start3A_108] : memref<2x80x128xf32, #tpu.memory_space<vmem>> -> memref<1x80x128xf32, #tpu.memory_space<vmem>>
          %dma_start3A_110 = tpu.memref_squeeze %dma_start3A_109 : memref<1x80x128xf32, #tpu.memory_space<vmem>> -> memref<80x128xf32, #tpu.memory_space<vmem>>
          %dma_start3A_111 = arith.constant 0 : i32
          %dma_start3A_112 = tpu.memref_slice %arg10[%run_scoped3A_63, %dma_start3A_111] : memref<2x80xi32, #tpu.memory_space<vmem>> -> memref<1x80xi32, #tpu.memory_space<vmem>>
          %dma_start3A_113 = tpu.memref_squeeze %dma_start3A_112 : memref<1x80xi32, #tpu.memory_space<vmem>> -> memref<80xi32, #tpu.memory_space<vmem>>
          %dma_start3A_114 = arith.constant 0 : i32
          %dma_start3A_115 = arith.constant 0 : i32
          %dma_start3A_116 = tpu.memref_slice %arg12[%dma_start3A_114, %dma_start3A_115] : memref<10240x128xf32, #tpu.memory_space<vmem_shared>> -> memref<10240x128xf32, #tpu.memory_space<vmem_shared>>
          tpu.enqueue_indirect_dma source(%dma_start3A_110 : memref<80x128xf32, #tpu.memory_space<vmem>>) target(%dma_start3A_116 : memref<10240x128xf32, #tpu.memory_space<vmem_shared>>) offsets(%dma_start3A_113 : memref<80xi32, #tpu.memory_space<vmem>>) semaphore(%run_scoped3A_106 : memref<!tpu.dma_semaphore, #tpu.memory_space<semaphore_mem>>) {add = true}
          %dma_wait3A_117 = arith.constant 0 : i32
          %dma_wait3A_118 = arith.constant 0 : i32
          %dma_wait3A_119 = tpu.memref_slice %arg11[%run_scoped3A_62, %dma_wait3A_117, %dma_wait3A_118] : memref<2x80x128xf32, #tpu.memory_space<vmem>> -> memref<1x80x128xf32, #tpu.memory_space<vmem>>
          %dma_wait3A_120 = tpu.memref_squeeze %dma_wait3A_119 : memref<1x80x128xf32, #tpu.memory_space<vmem>> -> memref<80x128xf32, #tpu.memory_space<vmem>>
          %dma_wait3A_121 = arith.constant 0 : i32
          %dma_wait3A_122 = tpu.memref_slice %arg10[%run_scoped3A_63, %dma_wait3A_121] : memref<2x80xi32, #tpu.memory_space<vmem>> -> memref<1x80xi32, #tpu.memory_space<vmem>>
          %dma_wait3A_123 = tpu.memref_squeeze %dma_wait3A_122 : memref<1x80xi32, #tpu.memory_space<vmem>> -> memref<80xi32, #tpu.memory_space<vmem>>
          %dma_wait3A_124 = arith.constant 0 : i32
          %dma_wait3A_125 = arith.constant 0 : i32
          %dma_wait3A_126 = tpu.memref_slice %arg12[%dma_wait3A_124, %dma_wait3A_125] : memref<10240x128xf32, #tpu.memory_space<vmem_shared>> -> memref<10240x128xf32, #tpu.memory_space<vmem_shared>>
          tpu.wait_indirect_dma semaphore(%run_scoped3A_106 : memref<!tpu.dma_semaphore, #tpu.memory_space<semaphore_mem>>) src(%dma_wait3A_120 : memref<80x128xf32, #tpu.memory_space<vmem>>) dst(%dma_wait3A_126 : memref<10240x128xf32, #tpu.memory_space<vmem_shared>>)
          tpu.yield
        }) : () -> ()
        %add3A_64 = arith.constant 2 : i32
        %add3A_65 = arith.addi %add3A_41, %add3A_64 : i32
        %lt3A_66 = arith.constant 250 : i32
        %lt3A_67 = arith.cmpi slt, %add3A_65, %lt3A_66 : i32
        %convert_element_type3A_68 = arith.extui %lt3A_67 : i1 to i32
        %cond3A_69 = arith.constant 0 : i32
        %cond3A_70 = arith.cmpi ne, %convert_element_type3A_68, %cond3A_69 : i32
        scf.if %cond3A_70 {
          %add3A_106 = arith.constant 2 : i32
          %add3A_107 = arith.addi %add3A_41, %add3A_106 : i32
          %mul3A_108 = arith.constant 80 : i32
          %mul3A_109 = arith.muli %add3A_107, %mul3A_108 : i32
          %add3A_110 = arith.addi %multiple_of3A, %mul3A_109 : i32
          %multiple_of3A_111 = tpu.assume_multiple %add3A_110, 8 : i32
          %dma_start3A_112 = arith.constant 0 : i32
          %dma_start3A_113 = arith.constant 0 : i32
          %dma_start3A_114 = tpu.memref_slice %arg9[%dma_start3A_112, %dma_start3A_113] : memref<2x80xi32, #tpu.memory_space<vmem>> -> memref<1x80xi32, #tpu.memory_space<vmem>>
          %dma_start3A_115 = tpu.memref_squeeze %dma_start3A_114 : memref<1x80xi32, #tpu.memory_space<vmem>> -> memref<80xi32, #tpu.memory_space<vmem>>
          %dma_start3A_116 = tpu.memref_slice %arg2[%multiple_of3A_111] : memref<320000xi32, #tpu.memory_space<hbm>> -> memref<80xi32, #tpu.memory_space<hbm>>
          %dma_start3A_117 = arith.constant 0 : i32
          %dma_start3A_118 = tpu.memref_slice %arg9[%dma_start3A_112, %dma_start3A_117] : memref<2x80xi32, #tpu.memory_space<vmem>> -> memref<1x80xi32, #tpu.memory_space<vmem>>
          %dma_start3A_119 = tpu.memref_squeeze %dma_start3A_118 : memref<1x80xi32, #tpu.memory_space<vmem>> -> memref<80xi32, #tpu.memory_space<vmem>>
          %dma_start3A_120 = tpu.memref_slice %arg2[%multiple_of3A_111] : memref<320000xi32, #tpu.memory_space<hbm>> -> memref<80xi32, #tpu.memory_space<hbm>>
          tpu.enqueue_dma source(%dma_start3A_120 : memref<80xi32, #tpu.memory_space<hbm>>) target(%dma_start3A_119 : memref<80xi32, #tpu.memory_space<vmem>>) target_semaphore(%arg14 : memref<!tpu.dma_semaphore, #tpu.memory_space<semaphore_mem>>)
          %dma_start3A_121 = arith.constant 0 : i32
          %dma_start3A_122 = arith.constant 0 : i32
          %dma_start3A_123 = tpu.memref_slice %arg10[%dma_start3A_121, %dma_start3A_122] : memref<2x80xi32, #tpu.memory_space<vmem>> -> memref<1x80xi32, #tpu.memory_space<vmem>>
          %dma_start3A_124 = tpu.memref_squeeze %dma_start3A_123 : memref<1x80xi32, #tpu.memory_space<vmem>> -> memref<80xi32, #tpu.memory_space<vmem>>
          %dma_start3A_125 = tpu.memref_slice %arg3[%multiple_of3A_111] : memref<320000xi32, #tpu.memory_space<hbm>> -> memref<80xi32, #tpu.memory_space<hbm>>
          %dma_start3A_126 = arith.constant 0 : i32
          %dma_start3A_127 = tpu.memref_slice %arg10[%dma_start3A_121, %dma_start3A_126] : memref<2x80xi32, #tpu.memory_space<vmem>> -> memref<1x80xi32, #tpu.memory_space<vmem>>
          %dma_start3A_128 = tpu.memref_squeeze %dma_start3A_127 : memref<1x80xi32, #tpu.memory_space<vmem>> -> memref<80xi32, #tpu.memory_space<vmem>>
          %dma_start3A_129 = tpu.memref_slice %arg3[%multiple_of3A_111] : memref<320000xi32, #tpu.memory_space<hbm>> -> memref<80xi32, #tpu.memory_space<hbm>>
          tpu.enqueue_dma source(%dma_start3A_129 : memref<80xi32, #tpu.memory_space<hbm>>) target(%dma_start3A_128 : memref<80xi32, #tpu.memory_space<vmem>>) target_semaphore(%arg14 : memref<!tpu.dma_semaphore, #tpu.memory_space<semaphore_mem>>)
          %dma_wait3A_130 = arith.constant 0 : i32
          %dma_wait3A_131 = arith.constant 0 : i32
          %dma_wait3A_132 = tpu.memref_slice %arg9[%dma_wait3A_130, %dma_wait3A_131] : memref<2x80xi32, #tpu.memory_space<vmem>> -> memref<1x80xi32, #tpu.memory_space<vmem>>
          %dma_wait3A_133 = tpu.memref_squeeze %dma_wait3A_132 : memref<1x80xi32, #tpu.memory_space<vmem>> -> memref<80xi32, #tpu.memory_space<vmem>>
          %dma_wait3A_134 = arith.constant 0 : i32
          %dma_wait3A_135 = tpu.memref_slice %arg2[%dma_wait3A_134] : memref<320000xi32, #tpu.memory_space<hbm>> -> memref<80xi32, #tpu.memory_space<hbm>>
          %dma_wait3A_136 = arith.constant 0 : i32
          %dma_wait3A_137 = tpu.memref_slice %arg9[%dma_wait3A_130, %dma_wait3A_136] : memref<2x80xi32, #tpu.memory_space<vmem>> -> memref<1x80xi32, #tpu.memory_space<vmem>>
          %dma_wait3A_138 = tpu.memref_squeeze %dma_wait3A_137 : memref<1x80xi32, #tpu.memory_space<vmem>> -> memref<80xi32, #tpu.memory_space<vmem>>
          %dma_wait3A_139 = arith.constant 0 : i32
          %dma_wait3A_140 = tpu.memref_slice %arg2[%dma_wait3A_139] : memref<320000xi32, #tpu.memory_space<hbm>> -> memref<80xi32, #tpu.memory_space<hbm>>
          tpu.wait_dma2 semaphore(%arg14 : memref<!tpu.dma_semaphore, #tpu.memory_space<semaphore_mem>>) src(%dma_wait3A_140 : memref<80xi32, #tpu.memory_space<hbm>>) dst(%dma_wait3A_138 : memref<80xi32, #tpu.memory_space<vmem>>)
          %dma_wait3A_141 = arith.constant 0 : i32
          %dma_wait3A_142 = arith.constant 0 : i32
          %dma_wait3A_143 = tpu.memref_slice %arg10[%dma_wait3A_141, %dma_wait3A_142] : memref<2x80xi32, #tpu.memory_space<vmem>> -> memref<1x80xi32, #tpu.memory_space<vmem>>
          %dma_wait3A_144 = tpu.memref_squeeze %dma_wait3A_143 : memref<1x80xi32, #tpu.memory_space<vmem>> -> memref<80xi32, #tpu.memory_space<vmem>>
          %dma_wait3A_145 = arith.constant 0 : i32
          %dma_wait3A_146 = tpu.memref_slice %arg3[%dma_wait3A_145] : memref<320000xi32, #tpu.memory_space<hbm>> -> memref<80xi32, #tpu.memory_space<hbm>>
          %dma_wait3A_147 = arith.constant 0 : i32
          %dma_wait3A_148 = tpu.memref_slice %arg10[%dma_wait3A_141, %dma_wait3A_147] : memref<2x80xi32, #tpu.memory_space<vmem>> -> memref<1x80xi32, #tpu.memory_space<vmem>>
          %dma_wait3A_149 = tpu.memref_squeeze %dma_wait3A_148 : memref<1x80xi32, #tpu.memory_space<vmem>> -> memref<80xi32, #tpu.memory_space<vmem>>
          %dma_wait3A_150 = arith.constant 0 : i32
          %dma_wait3A_151 = tpu.memref_slice %arg3[%dma_wait3A_150] : memref<320000xi32, #tpu.memory_space<hbm>> -> memref<80xi32, #tpu.memory_space<hbm>>
          tpu.wait_dma2 semaphore(%arg14 : memref<!tpu.dma_semaphore, #tpu.memory_space<semaphore_mem>>) src(%dma_wait3A_151 : memref<80xi32, #tpu.memory_space<hbm>>) dst(%dma_wait3A_149 : memref<80xi32, #tpu.memory_space<vmem>>)
        } else {
        }
        %mul3A_71 = arith.constant 2 : i32
        %mul3A_72 = arith.muli %mul3A_71, %scan3A_37 : i32
        %add3A_73 = arith.constant 1 : i32
        %add3A_74 = arith.addi %mul3A_72, %add3A_73 : i32
        %dma_wait3A_75 = arith.constant 1 : i32
        %dma_wait3A_76 = arith.constant 0 : i32
        %dma_wait3A_77 = arith.constant 0 : i32
        %dma_wait3A_78 = tpu.memref_slice %arg11[%dma_wait3A_75, %dma_wait3A_76, %dma_wait3A_77] : memref<2x80x128xf32, #tpu.memory_space<vmem>> -> memref<1x80x128xf32, #tpu.memory_space<vmem>>
        %dma_wait3A_79 = tpu.memref_squeeze %dma_wait3A_78 : memref<1x80x128xf32, #tpu.memory_space<vmem>> -> memref<80x128xf32, #tpu.memory_space<vmem>>
        %dma_wait3A_80 = arith.constant 0 : i32
        %dma_wait3A_81 = arith.constant 0 : i32
        %dma_wait3A_82 = tpu.memref_slice %arg4[%dma_wait3A_80, %dma_wait3A_81] : memref<10240x128xf32, #tpu.memory_space<hbm>> -> memref<80x128xf32, #tpu.memory_space<hbm>>
        %dma_wait3A_83 = arith.constant 0 : i32
        %dma_wait3A_84 = arith.constant 0 : i32
        %dma_wait3A_85 = tpu.memref_slice %arg11[%dma_wait3A_75, %dma_wait3A_83, %dma_wait3A_84] : memref<2x80x128xf32, #tpu.memory_space<vmem>> -> memref<1x80x128xf32, #tpu.memory_space<vmem>>
        %dma_wait3A_86 = tpu.memref_squeeze %dma_wait3A_85 : memref<1x80x128xf32, #tpu.memory_space<vmem>> -> memref<80x128xf32, #tpu.memory_space<vmem>>
        %dma_wait3A_87 = arith.constant 0 : i32
        %dma_wait3A_88 = arith.constant 0 : i32
        %dma_wait3A_89 = tpu.memref_slice %arg4[%dma_wait3A_87, %dma_wait3A_88] : memref<10240x128xf32, #tpu.memory_space<hbm>> -> memref<80x128xf32, #tpu.memory_space<hbm>>
        tpu.wait_dma2 semaphore(%arg13 : memref<!tpu.dma_semaphore, #tpu.memory_space<semaphore_mem>>) src(%dma_wait3A_89 : memref<80x128xf32, #tpu.memory_space<hbm>>) dst(%dma_wait3A_86 : memref<80x128xf32, #tpu.memory_space<vmem>>)
        %add3A_90 = arith.constant 1 : i32
        %add3A_91 = arith.addi %add3A_74, %add3A_90 : i32
        %lt3A_92 = arith.constant 250 : i32
        %lt3A_93 = arith.cmpi slt, %add3A_91, %lt3A_92 : i32
        %convert_element_type3A_94 = arith.extui %lt3A_93 : i1 to i32
        %cond3A_95 = arith.constant 0 : i32
        %cond3A_96 = arith.cmpi ne, %convert_element_type3A_94, %cond3A_95 : i32
        scf.if %cond3A_96 {
          %dma_start3A_106 = arith.constant 0 : i32
          %dma_start3A_107 = arith.constant 0 : i32
          %dma_start3A_108 = arith.constant 0 : i32
          %dma_start3A_109 = arith.constant 0 : i32
          %dma_start3A_110 = tpu.memref_slice %arg11[%dma_start3A_107, %dma_start3A_108, %dma_start3A_109] : memref<2x80x128xf32, #tpu.memory_space<vmem>> -> memref<1x80x128xf32, #tpu.memory_space<vmem>>
          %dma_start3A_111 = tpu.memref_squeeze %dma_start3A_110 : memref<1x80x128xf32, #tpu.memory_space<vmem>> -> memref<80x128xf32, #tpu.memory_space<vmem>>
          %dma_start3A_112 = arith.constant 0 : i32
          %dma_start3A_113 = tpu.memref_slice %arg9[%dma_start3A_106, %dma_start3A_112] : memref<2x80xi32, #tpu.memory_space<vmem>> -> memref<1x80xi32, #tpu.memory_space<vmem>>
          %dma_start3A_114 = tpu.memref_squeeze %dma_start3A_113 : memref<1x80xi32, #tpu.memory_space<vmem>> -> memref<80xi32, #tpu.memory_space<vmem>>
          %dma_start3A_115 = arith.constant 0 : i32
          %dma_start3A_116 = arith.constant 0 : i32
          %dma_start3A_117 = tpu.memref_slice %arg4[%dma_start3A_115, %dma_start3A_116] : memref<10240x128xf32, #tpu.memory_space<hbm>> -> memref<10240x128xf32, #tpu.memory_space<hbm>>
          tpu.enqueue_indirect_dma source(%dma_start3A_117 : memref<10240x128xf32, #tpu.memory_space<hbm>>) target(%dma_start3A_111 : memref<80x128xf32, #tpu.memory_space<vmem>>) offsets(%dma_start3A_114 : memref<80xi32, #tpu.memory_space<vmem>>) semaphore(%arg13 : memref<!tpu.dma_semaphore, #tpu.memory_space<semaphore_mem>>)
        } else {
        }
        %run_scoped3A_97 = arith.constant 1 : i32
        %run_scoped3A_98 = arith.constant 1 : i32
        "tpu.region"() ({
          %run_scoped3A_106 = tpu.sem_alloc : memref<!tpu.dma_semaphore, #tpu.memory_space<semaphore_mem>>
          %dma_start3A_107 = arith.constant 0 : i32
          %dma_start3A_108 = arith.constant 0 : i32
          %dma_start3A_109 = tpu.memref_slice %arg11[%run_scoped3A_97, %dma_start3A_107, %dma_start3A_108] : memref<2x80x128xf32, #tpu.memory_space<vmem>> -> memref<1x80x128xf32, #tpu.memory_space<vmem>>
          %dma_start3A_110 = tpu.memref_squeeze %dma_start3A_109 : memref<1x80x128xf32, #tpu.memory_space<vmem>> -> memref<80x128xf32, #tpu.memory_space<vmem>>
          %dma_start3A_111 = arith.constant 0 : i32
          %dma_start3A_112 = tpu.memref_slice %arg10[%run_scoped3A_98, %dma_start3A_111] : memref<2x80xi32, #tpu.memory_space<vmem>> -> memref<1x80xi32, #tpu.memory_space<vmem>>
          %dma_start3A_113 = tpu.memref_squeeze %dma_start3A_112 : memref<1x80xi32, #tpu.memory_space<vmem>> -> memref<80xi32, #tpu.memory_space<vmem>>
          %dma_start3A_114 = arith.constant 0 : i32
          %dma_start3A_115 = arith.constant 0 : i32
          %dma_start3A_116 = tpu.memref_slice %arg12[%dma_start3A_114, %dma_start3A_115] : memref<10240x128xf32, #tpu.memory_space<vmem_shared>> -> memref<10240x128xf32, #tpu.memory_space<vmem_shared>>
          tpu.enqueue_indirect_dma source(%dma_start3A_110 : memref<80x128xf32, #tpu.memory_space<vmem>>) target(%dma_start3A_116 : memref<10240x128xf32, #tpu.memory_space<vmem_shared>>) offsets(%dma_start3A_113 : memref<80xi32, #tpu.memory_space<vmem>>) semaphore(%run_scoped3A_106 : memref<!tpu.dma_semaphore, #tpu.memory_space<semaphore_mem>>) {add = true}
          %dma_wait3A_117 = arith.constant 0 : i32
          %dma_wait3A_118 = arith.constant 0 : i32
          %dma_wait3A_119 = tpu.memref_slice %arg11[%run_scoped3A_97, %dma_wait3A_117, %dma_wait3A_118] : memref<2x80x128xf32, #tpu.memory_space<vmem>> -> memref<1x80x128xf32, #tpu.memory_space<vmem>>
          %dma_wait3A_120 = tpu.memref_squeeze %dma_wait3A_119 : memref<1x80x128xf32, #tpu.memory_space<vmem>> -> memref<80x128xf32, #tpu.memory_space<vmem>>
          %dma_wait3A_121 = arith.constant 0 : i32
          %dma_wait3A_122 = tpu.memref_slice %arg10[%run_scoped3A_98, %dma_wait3A_121] : memref<2x80xi32, #tpu.memory_space<vmem>> -> memref<1x80xi32, #tpu.memory_space<vmem>>
          %dma_wait3A_123 = tpu.memref_squeeze %dma_wait3A_122 : memref<1x80xi32, #tpu.memory_space<vmem>> -> memref<80xi32, #tpu.memory_space<vmem>>
          %dma_wait3A_124 = arith.constant 0 : i32
          %dma_wait3A_125 = arith.constant 0 : i32
          %dma_wait3A_126 = tpu.memref_slice %arg12[%dma_wait3A_124, %dma_wait3A_125] : memref<10240x128xf32, #tpu.memory_space<vmem_shared>> -> memref<10240x128xf32, #tpu.memory_space<vmem_shared>>
          tpu.wait_indirect_dma semaphore(%run_scoped3A_106 : memref<!tpu.dma_semaphore, #tpu.memory_space<semaphore_mem>>) src(%dma_wait3A_120 : memref<80x128xf32, #tpu.memory_space<vmem>>) dst(%dma_wait3A_126 : memref<10240x128xf32, #tpu.memory_space<vmem_shared>>)
          tpu.yield
        }) : () -> ()
        %add3A_99 = arith.constant 2 : i32
        %add3A_100 = arith.addi %add3A_74, %add3A_99 : i32
        %lt3A_101 = arith.constant 250 : i32
        %lt3A_102 = arith.cmpi slt, %add3A_100, %lt3A_101 : i32
        %convert_element_type3A_103 = arith.extui %lt3A_102 : i1 to i32
        %cond3A_104 = arith.constant 0 : i32
        %cond3A_105 = arith.cmpi ne, %convert_element_type3A_103, %cond3A_104 : i32
        scf.if %cond3A_105 {
          %add3A_106 = arith.constant 2 : i32
          %add3A_107 = arith.addi %add3A_74, %add3A_106 : i32
          %mul3A_108 = arith.constant 80 : i32
          %mul3A_109 = arith.muli %add3A_107, %mul3A_108 : i32
          %add3A_110 = arith.addi %multiple_of3A, %mul3A_109 : i32
          %multiple_of3A_111 = tpu.assume_multiple %add3A_110, 8 : i32
          %dma_start3A_112 = arith.constant 1 : i32
          %dma_start3A_113 = arith.constant 0 : i32
          %dma_start3A_114 = tpu.memref_slice %arg9[%dma_start3A_112, %dma_start3A_113] : memref<2x80xi32, #tpu.memory_space<vmem>> -> memref<1x80xi32, #tpu.memory_space<vmem>>
          %dma_start3A_115 = tpu.memref_squeeze %dma_start3A_114 : memref<1x80xi32, #tpu.memory_space<vmem>> -> memref<80xi32, #tpu.memory_space<vmem>>
          %dma_start3A_116 = tpu.memref_slice %arg2[%multiple_of3A_111] : memref<320000xi32, #tpu.memory_space<hbm>> -> memref<80xi32, #tpu.memory_space<hbm>>
          %dma_start3A_117 = arith.constant 0 : i32
          %dma_start3A_118 = tpu.memref_slice %arg9[%dma_start3A_112, %dma_start3A_117] : memref<2x80xi32, #tpu.memory_space<vmem>> -> memref<1x80xi32, #tpu.memory_space<vmem>>
          %dma_start3A_119 = tpu.memref_squeeze %dma_start3A_118 : memref<1x80xi32, #tpu.memory_space<vmem>> -> memref<80xi32, #tpu.memory_space<vmem>>
          %dma_start3A_120 = tpu.memref_slice %arg2[%multiple_of3A_111] : memref<320000xi32, #tpu.memory_space<hbm>> -> memref<80xi32, #tpu.memory_space<hbm>>
          tpu.enqueue_dma source(%dma_start3A_120 : memref<80xi32, #tpu.memory_space<hbm>>) target(%dma_start3A_119 : memref<80xi32, #tpu.memory_space<vmem>>) target_semaphore(%arg14 : memref<!tpu.dma_semaphore, #tpu.memory_space<semaphore_mem>>)
          %dma_start3A_121 = arith.constant 1 : i32
          %dma_start3A_122 = arith.constant 0 : i32
          %dma_start3A_123 = tpu.memref_slice %arg10[%dma_start3A_121, %dma_start3A_122] : memref<2x80xi32, #tpu.memory_space<vmem>> -> memref<1x80xi32, #tpu.memory_space<vmem>>
          %dma_start3A_124 = tpu.memref_squeeze %dma_start3A_123 : memref<1x80xi32, #tpu.memory_space<vmem>> -> memref<80xi32, #tpu.memory_space<vmem>>
          %dma_start3A_125 = tpu.memref_slice %arg3[%multiple_of3A_111] : memref<320000xi32, #tpu.memory_space<hbm>> -> memref<80xi32, #tpu.memory_space<hbm>>
          %dma_start3A_126 = arith.constant 0 : i32
          %dma_start3A_127 = tpu.memref_slice %arg10[%dma_start3A_121, %dma_start3A_126] : memref<2x80xi32, #tpu.memory_space<vmem>> -> memref<1x80xi32, #tpu.memory_space<vmem>>
          %dma_start3A_128 = tpu.memref_squeeze %dma_start3A_127 : memref<1x80xi32, #tpu.memory_space<vmem>> -> memref<80xi32, #tpu.memory_space<vmem>>
          %dma_start3A_129 = tpu.memref_slice %arg3[%multiple_of3A_111] : memref<320000xi32, #tpu.memory_space<hbm>> -> memref<80xi32, #tpu.memory_space<hbm>>
          tpu.enqueue_dma source(%dma_start3A_129 : memref<80xi32, #tpu.memory_space<hbm>>) target(%dma_start3A_128 : memref<80xi32, #tpu.memory_space<vmem>>) target_semaphore(%arg14 : memref<!tpu.dma_semaphore, #tpu.memory_space<semaphore_mem>>)
          %dma_wait3A_130 = arith.constant 1 : i32
          %dma_wait3A_131 = arith.constant 0 : i32
          %dma_wait3A_132 = tpu.memref_slice %arg9[%dma_wait3A_130, %dma_wait3A_131] : memref<2x80xi32, #tpu.memory_space<vmem>> -> memref<1x80xi32, #tpu.memory_space<vmem>>
          %dma_wait3A_133 = tpu.memref_squeeze %dma_wait3A_132 : memref<1x80xi32, #tpu.memory_space<vmem>> -> memref<80xi32, #tpu.memory_space<vmem>>
          %dma_wait3A_134 = arith.constant 0 : i32
          %dma_wait3A_135 = tpu.memref_slice %arg2[%dma_wait3A_134] : memref<320000xi32, #tpu.memory_space<hbm>> -> memref<80xi32, #tpu.memory_space<hbm>>
          %dma_wait3A_136 = arith.constant 0 : i32
          %dma_wait3A_137 = tpu.memref_slice %arg9[%dma_wait3A_130, %dma_wait3A_136] : memref<2x80xi32, #tpu.memory_space<vmem>> -> memref<1x80xi32, #tpu.memory_space<vmem>>
          %dma_wait3A_138 = tpu.memref_squeeze %dma_wait3A_137 : memref<1x80xi32, #tpu.memory_space<vmem>> -> memref<80xi32, #tpu.memory_space<vmem>>
          %dma_wait3A_139 = arith.constant 0 : i32
          %dma_wait3A_140 = tpu.memref_slice %arg2[%dma_wait3A_139] : memref<320000xi32, #tpu.memory_space<hbm>> -> memref<80xi32, #tpu.memory_space<hbm>>
          tpu.wait_dma2 semaphore(%arg14 : memref<!tpu.dma_semaphore, #tpu.memory_space<semaphore_mem>>) src(%dma_wait3A_140 : memref<80xi32, #tpu.memory_space<hbm>>) dst(%dma_wait3A_138 : memref<80xi32, #tpu.memory_space<vmem>>)
          %dma_wait3A_141 = arith.constant 1 : i32
          %dma_wait3A_142 = arith.constant 0 : i32
          %dma_wait3A_143 = tpu.memref_slice %arg10[%dma_wait3A_141, %dma_wait3A_142] : memref<2x80xi32, #tpu.memory_space<vmem>> -> memref<1x80xi32, #tpu.memory_space<vmem>>
          %dma_wait3A_144 = tpu.memref_squeeze %dma_wait3A_143 : memref<1x80xi32, #tpu.memory_space<vmem>> -> memref<80xi32, #tpu.memory_space<vmem>>
          %dma_wait3A_145 = arith.constant 0 : i32
          %dma_wait3A_146 = tpu.memref_slice %arg3[%dma_wait3A_145] : memref<320000xi32, #tpu.memory_space<hbm>> -> memref<80xi32, #tpu.memory_space<hbm>>
          %dma_wait3A_147 = arith.constant 0 : i32
          %dma_wait3A_148 = tpu.memref_slice %arg10[%dma_wait3A_141, %dma_wait3A_147] : memref<2x80xi32, #tpu.memory_space<vmem>> -> memref<1x80xi32, #tpu.memory_space<vmem>>
          %dma_wait3A_149 = tpu.memref_squeeze %dma_wait3A_148 : memref<1x80xi32, #tpu.memory_space<vmem>> -> memref<80xi32, #tpu.memory_space<vmem>>
          %dma_wait3A_150 = arith.constant 0 : i32
          %dma_wait3A_151 = tpu.memref_slice %arg3[%dma_wait3A_150] : memref<320000xi32, #tpu.memory_space<hbm>> -> memref<80xi32, #tpu.memory_space<hbm>>
          tpu.wait_dma2 semaphore(%arg14 : memref<!tpu.dma_semaphore, #tpu.memory_space<semaphore_mem>>) src(%dma_wait3A_151 : memref<80xi32, #tpu.memory_space<hbm>>) dst(%dma_wait3A_149 : memref<80xi32, #tpu.memory_space<vmem>>)
        } else {
        }
      }
      %scan3A_31 = arith.constant 125 : i32
      %barrier3A_32 = arith.constant 0 : index
      tpu.barrier barrier_id(%barrier3A_32)
      %mul3A_33 = arith.constant 640 : i32
      %mul3A_34 = arith.muli %arg1, %mul3A_33 : i32
      %mul3A_35 = arith.constant 640 : i32
      %mul3A_36 = arith.muli %arg1, %mul3A_35 : i32
      "tpu.region"() ({
        %run_scoped3A_37 = tpu.sem_alloc : memref<!tpu.dma_semaphore, #tpu.memory_space<semaphore_mem>>
        %dma_start3A_38 = arith.constant 0 : i32
        %dma_start3A_39 = tpu.memref_slice %arg7[%mul3A_36, %dma_start3A_38] : memref<10240x128xf32, #tpu.memory_space<hbm>> -> memref<640x128xf32, #tpu.memory_space<hbm>>
        %dma_start3A_40 = arith.constant 0 : i32
        %dma_start3A_41 = tpu.memref_slice %arg12[%mul3A_34, %dma_start3A_40] : memref<10240x128xf32, #tpu.memory_space<vmem_shared>> -> memref<640x128xf32, #tpu.memory_space<vmem_shared>>
        tpu.enqueue_dma source(%dma_start3A_41 : memref<640x128xf32, #tpu.memory_space<vmem_shared>>) target(%dma_start3A_39 : memref<640x128xf32, #tpu.memory_space<hbm>>) target_semaphore(%run_scoped3A_37 : memref<!tpu.dma_semaphore, #tpu.memory_space<semaphore_mem>>)
        %dma_wait3A = arith.constant 0 : i32
        %dma_wait3A_42 = tpu.memref_slice %arg7[%mul3A_36, %dma_wait3A] : memref<10240x128xf32, #tpu.memory_space<hbm>> -> memref<640x128xf32, #tpu.memory_space<hbm>>
        %dma_wait3A_43 = arith.constant 0 : i32
        %dma_wait3A_44 = tpu.memref_slice %arg12[%mul3A_34, %dma_wait3A_43] : memref<10240x128xf32, #tpu.memory_space<vmem_shared>> -> memref<640x128xf32, #tpu.memory_space<vmem_shared>>
        tpu.wait_dma2 semaphore(%run_scoped3A_37 : memref<!tpu.dma_semaphore, #tpu.memory_space<semaphore_mem>>) src(%dma_wait3A_44 : memref<640x128xf32, #tpu.memory_space<vmem_shared>>) dst(%dma_wait3A_42 : memref<640x128xf32, #tpu.memory_space<hbm>>)
        tpu.yield
      }) : () -> ()
    } else {
    }
    %eq3A_3 = arith.constant 1 : i32
    %eq3A_4 = arith.cmpi eq, %arg0, %eq3A_3 : i32
    %convert_element_type3A_5 = arith.extui %eq3A_4 : i1 to i32
    %cond3A_6 = arith.constant 0 : i32
    %cond3A_7 = arith.cmpi ne, %convert_element_type3A_5, %cond3A_6 : i32
    scf.if %cond3A_7 {
      %mul3A_8 = arith.constant 640 : i32
      %mul3A_9 = arith.muli %arg1, %mul3A_8 : i32
      "tpu.region"() ({
        %run_scoped3A_37 = tpu.sem_alloc : memref<!tpu.dma_semaphore, #tpu.memory_space<semaphore_mem>>
        %dma_start3A_38 = arith.constant 0 : i32
        %dma_start3A_39 = tpu.memref_slice %arg12[%mul3A_9, %dma_start3A_38] : memref<10240x128xf32, #tpu.memory_space<vmem_shared>> -> memref<640x128xf32, #tpu.memory_space<vmem_shared>>
        tpu.enqueue_dma source(%arg6 : memref<640x128xf32, #tpu.memory_space<hbm>>) target(%dma_start3A_39 : memref<640x128xf32, #tpu.memory_space<vmem_shared>>) target_semaphore(%run_scoped3A_37 : memref<!tpu.dma_semaphore, #tpu.memory_space<semaphore_mem>>)
        %dma_wait3A = arith.constant 0 : i32
        %dma_wait3A_40 = tpu.memref_slice %arg12[%mul3A_9, %dma_wait3A] : memref<10240x128xf32, #tpu.memory_space<vmem_shared>> -> memref<640x128xf32, #tpu.memory_space<vmem_shared>>
        tpu.wait_dma2 semaphore(%run_scoped3A_37 : memref<!tpu.dma_semaphore, #tpu.memory_space<semaphore_mem>>) src(%arg6 : memref<640x128xf32, #tpu.memory_space<hbm>>) dst(%dma_wait3A_40 : memref<640x128xf32, #tpu.memory_space<vmem_shared>>)
        tpu.yield
      }) : () -> ()
      %run_scoped3A = arith.constant 0 : i32
      "tpu.region"() ({
        %run_scoped3A_37 = tpu.sem_alloc : memref<!tpu.dma_semaphore, #tpu.memory_space<semaphore_mem>>
        %dma_start3A_38 = arith.constant 0 : i32
        %dma_start3A_39 = tpu.memref_slice %arg9[%run_scoped3A, %dma_start3A_38] : memref<2x80xi32, #tpu.memory_space<vmem>> -> memref<1x80xi32, #tpu.memory_space<vmem>>
        %dma_start3A_40 = tpu.memref_squeeze %dma_start3A_39 : memref<1x80xi32, #tpu.memory_space<vmem>> -> memref<80xi32, #tpu.memory_space<vmem>>
        %dma_start3A_41 = tpu.memref_slice %arg2[%multiple_of3A] : memref<320000xi32, #tpu.memory_space<hbm>> -> memref<80xi32, #tpu.memory_space<hbm>>
        %dma_start3A_42 = arith.constant 0 : i32
        %dma_start3A_43 = tpu.memref_slice %arg9[%run_scoped3A, %dma_start3A_42] : memref<2x80xi32, #tpu.memory_space<vmem>> -> memref<1x80xi32, #tpu.memory_space<vmem>>
        %dma_start3A_44 = tpu.memref_squeeze %dma_start3A_43 : memref<1x80xi32, #tpu.memory_space<vmem>> -> memref<80xi32, #tpu.memory_space<vmem>>
        %dma_start3A_45 = tpu.memref_slice %arg2[%multiple_of3A] : memref<320000xi32, #tpu.memory_space<hbm>> -> memref<80xi32, #tpu.memory_space<hbm>>
        tpu.enqueue_dma source(%dma_start3A_45 : memref<80xi32, #tpu.memory_space<hbm>>) target(%dma_start3A_44 : memref<80xi32, #tpu.memory_space<vmem>>) target_semaphore(%run_scoped3A_37 : memref<!tpu.dma_semaphore, #tpu.memory_space<semaphore_mem>>)
        %dma_wait3A = arith.constant 0 : i32
        %dma_wait3A_46 = tpu.memref_slice %arg9[%run_scoped3A, %dma_wait3A] : memref<2x80xi32, #tpu.memory_space<vmem>> -> memref<1x80xi32, #tpu.memory_space<vmem>>
        %dma_wait3A_47 = tpu.memref_squeeze %dma_wait3A_46 : memref<1x80xi32, #tpu.memory_space<vmem>> -> memref<80xi32, #tpu.memory_space<vmem>>
        %dma_wait3A_48 = tpu.memref_slice %arg2[%multiple_of3A] : memref<320000xi32, #tpu.memory_space<hbm>> -> memref<80xi32, #tpu.memory_space<hbm>>
        %dma_wait3A_49 = arith.constant 0 : i32
        %dma_wait3A_50 = tpu.memref_slice %arg9[%run_scoped3A, %dma_wait3A_49] : memref<2x80xi32, #tpu.memory_space<vmem>> -> memref<1x80xi32, #tpu.memory_space<vmem>>
        %dma_wait3A_51 = tpu.memref_squeeze %dma_wait3A_50 : memref<1x80xi32, #tpu.memory_space<vmem>> -> memref<80xi32, #tpu.memory_space<vmem>>
        %dma_wait3A_52 = tpu.memref_slice %arg2[%multiple_of3A] : memref<320000xi32, #tpu.memory_space<hbm>> -> memref<80xi32, #tpu.memory_space<hbm>>
        tpu.wait_dma2 semaphore(%run_scoped3A_37 : memref<!tpu.dma_semaphore, #tpu.memory_space<semaphore_mem>>) src(%dma_wait3A_52 : memref<80xi32, #tpu.memory_space<hbm>>) dst(%dma_wait3A_51 : memref<80xi32, #tpu.memory_space<vmem>>)
        tpu.yield
      }) : () -> ()
      %run_scoped3A_10 = arith.constant 0 : i32
      "tpu.region"() ({
        %run_scoped3A_37 = tpu.sem_alloc : memref<!tpu.dma_semaphore, #tpu.memory_space<semaphore_mem>>
        %dma_start3A_38 = arith.constant 0 : i32
        %dma_start3A_39 = tpu.memref_slice %arg10[%run_scoped3A_10, %dma_start3A_38] : memref<2x80xi32, #tpu.memory_space<vmem>> -> memref<1x80xi32, #tpu.memory_space<vmem>>
        %dma_start3A_40 = tpu.memref_squeeze %dma_start3A_39 : memref<1x80xi32, #tpu.memory_space<vmem>> -> memref<80xi32, #tpu.memory_space<vmem>>
        %dma_start3A_41 = tpu.memref_slice %arg3[%multiple_of3A] : memref<320000xi32, #tpu.memory_space<hbm>> -> memref<80xi32, #tpu.memory_space<hbm>>
        %dma_start3A_42 = arith.constant 0 : i32
        %dma_start3A_43 = tpu.memref_slice %arg10[%run_scoped3A_10, %dma_start3A_42] : memref<2x80xi32, #tpu.memory_space<vmem>> -> memref<1x80xi32, #tpu.memory_space<vmem>>
        %dma_start3A_44 = tpu.memref_squeeze %dma_start3A_43 : memref<1x80xi32, #tpu.memory_space<vmem>> -> memref<80xi32, #tpu.memory_space<vmem>>
        %dma_start3A_45 = tpu.memref_slice %arg3[%multiple_of3A] : memref<320000xi32, #tpu.memory_space<hbm>> -> memref<80xi32, #tpu.memory_space<hbm>>
        tpu.enqueue_dma source(%dma_start3A_45 : memref<80xi32, #tpu.memory_space<hbm>>) target(%dma_start3A_44 : memref<80xi32, #tpu.memory_space<vmem>>) target_semaphore(%run_scoped3A_37 : memref<!tpu.dma_semaphore, #tpu.memory_space<semaphore_mem>>)
        %dma_wait3A = arith.constant 0 : i32
        %dma_wait3A_46 = tpu.memref_slice %arg10[%run_scoped3A_10, %dma_wait3A] : memref<2x80xi32, #tpu.memory_space<vmem>> -> memref<1x80xi32, #tpu.memory_space<vmem>>
        %dma_wait3A_47 = tpu.memref_squeeze %dma_wait3A_46 : memref<1x80xi32, #tpu.memory_space<vmem>> -> memref<80xi32, #tpu.memory_space<vmem>>
        %dma_wait3A_48 = tpu.memref_slice %arg3[%multiple_of3A] : memref<320000xi32, #tpu.memory_space<hbm>> -> memref<80xi32, #tpu.memory_space<hbm>>
        %dma_wait3A_49 = arith.constant 0 : i32
        %dma_wait3A_50 = tpu.memref_slice %arg10[%run_scoped3A_10, %dma_wait3A_49] : memref<2x80xi32, #tpu.memory_space<vmem>> -> memref<1x80xi32, #tpu.memory_space<vmem>>
        %dma_wait3A_51 = tpu.memref_squeeze %dma_wait3A_50 : memref<1x80xi32, #tpu.memory_space<vmem>> -> memref<80xi32, #tpu.memory_space<vmem>>
        %dma_wait3A_52 = tpu.memref_slice %arg3[%multiple_of3A] : memref<320000xi32, #tpu.memory_space<hbm>> -> memref<80xi32, #tpu.memory_space<hbm>>
        tpu.wait_dma2 semaphore(%run_scoped3A_37 : memref<!tpu.dma_semaphore, #tpu.memory_space<semaphore_mem>>) src(%dma_wait3A_52 : memref<80xi32, #tpu.memory_space<hbm>>) dst(%dma_wait3A_51 : memref<80xi32, #tpu.memory_space<vmem>>)
        tpu.yield
      }) : () -> ()
      %barrier3A = arith.constant 0 : index
      tpu.barrier barrier_id(%barrier3A)
      %dma_start3A = arith.constant 0 : i32
      %dma_start3A_11 = arith.constant 0 : i32
      %dma_start3A_12 = arith.constant 0 : i32
      %dma_start3A_13 = arith.constant 0 : i32
      %dma_start3A_14 = tpu.memref_slice %arg11[%dma_start3A_11, %dma_start3A_12, %dma_start3A_13] : memref<2x80x128xf32, #tpu.memory_space<vmem>> -> memref<1x80x128xf32, #tpu.memory_space<vmem>>
      %dma_start3A_15 = tpu.memref_squeeze %dma_start3A_14 : memref<1x80x128xf32, #tpu.memory_space<vmem>> -> memref<80x128xf32, #tpu.memory_space<vmem>>
      %dma_start3A_16 = arith.constant 0 : i32
      %dma_start3A_17 = tpu.memref_slice %arg9[%dma_start3A, %dma_start3A_16] : memref<2x80xi32, #tpu.memory_space<vmem>> -> memref<1x80xi32, #tpu.memory_space<vmem>>
      %dma_start3A_18 = tpu.memref_squeeze %dma_start3A_17 : memref<1x80xi32, #tpu.memory_space<vmem>> -> memref<80xi32, #tpu.memory_space<vmem>>
      %dma_start3A_19 = arith.constant 0 : i32
      %dma_start3A_20 = arith.constant 0 : i32
      %dma_start3A_21 = tpu.memref_slice %arg5[%dma_start3A_19, %dma_start3A_20] : memref<10240x128xf32, #tpu.memory_space<hbm>> -> memref<10240x128xf32, #tpu.memory_space<hbm>>
      tpu.enqueue_indirect_dma source(%dma_start3A_21 : memref<10240x128xf32, #tpu.memory_space<hbm>>) target(%dma_start3A_15 : memref<80x128xf32, #tpu.memory_space<vmem>>) offsets(%dma_start3A_18 : memref<80xi32, #tpu.memory_space<vmem>>) semaphore(%arg13 : memref<!tpu.dma_semaphore, #tpu.memory_space<semaphore_mem>>)
      %add3A = arith.constant 80 : i32
      %add3A_22 = arith.addi %multiple_of3A, %add3A : i32
      %run_scoped3A_23 = arith.constant 1 : i32
      "tpu.region"() ({
        %run_scoped3A_37 = tpu.sem_alloc : memref<!tpu.dma_semaphore, #tpu.memory_space<semaphore_mem>>
        %dma_start3A_38 = arith.constant 0 : i32
        %dma_start3A_39 = tpu.memref_slice %arg9[%run_scoped3A_23, %dma_start3A_38] : memref<2x80xi32, #tpu.memory_space<vmem>> -> memref<1x80xi32, #tpu.memory_space<vmem>>
        %dma_start3A_40 = tpu.memref_squeeze %dma_start3A_39 : memref<1x80xi32, #tpu.memory_space<vmem>> -> memref<80xi32, #tpu.memory_space<vmem>>
        %dma_start3A_41 = tpu.memref_slice %arg2[%add3A_22] : memref<320000xi32, #tpu.memory_space<hbm>> -> memref<80xi32, #tpu.memory_space<hbm>>
        %dma_start3A_42 = arith.constant 0 : i32
        %dma_start3A_43 = tpu.memref_slice %arg9[%run_scoped3A_23, %dma_start3A_42] : memref<2x80xi32, #tpu.memory_space<vmem>> -> memref<1x80xi32, #tpu.memory_space<vmem>>
        %dma_start3A_44 = tpu.memref_squeeze %dma_start3A_43 : memref<1x80xi32, #tpu.memory_space<vmem>> -> memref<80xi32, #tpu.memory_space<vmem>>
        %dma_start3A_45 = tpu.memref_slice %arg2[%add3A_22] : memref<320000xi32, #tpu.memory_space<hbm>> -> memref<80xi32, #tpu.memory_space<hbm>>
        tpu.enqueue_dma source(%dma_start3A_45 : memref<80xi32, #tpu.memory_space<hbm>>) target(%dma_start3A_44 : memref<80xi32, #tpu.memory_space<vmem>>) target_semaphore(%run_scoped3A_37 : memref<!tpu.dma_semaphore, #tpu.memory_space<semaphore_mem>>)
        %dma_wait3A = arith.constant 0 : i32
        %dma_wait3A_46 = tpu.memref_slice %arg9[%run_scoped3A_23, %dma_wait3A] : memref<2x80xi32, #tpu.memory_space<vmem>> -> memref<1x80xi32, #tpu.memory_space<vmem>>
        %dma_wait3A_47 = tpu.memref_squeeze %dma_wait3A_46 : memref<1x80xi32, #tpu.memory_space<vmem>> -> memref<80xi32, #tpu.memory_space<vmem>>
        %dma_wait3A_48 = tpu.memref_slice %arg2[%add3A_22] : memref<320000xi32, #tpu.memory_space<hbm>> -> memref<80xi32, #tpu.memory_space<hbm>>
        %dma_wait3A_49 = arith.constant 0 : i32
        %dma_wait3A_50 = tpu.memref_slice %arg9[%run_scoped3A_23, %dma_wait3A_49] : memref<2x80xi32, #tpu.memory_space<vmem>> -> memref<1x80xi32, #tpu.memory_space<vmem>>
        %dma_wait3A_51 = tpu.memref_squeeze %dma_wait3A_50 : memref<1x80xi32, #tpu.memory_space<vmem>> -> memref<80xi32, #tpu.memory_space<vmem>>
        %dma_wait3A_52 = tpu.memref_slice %arg2[%add3A_22] : memref<320000xi32, #tpu.memory_space<hbm>> -> memref<80xi32, #tpu.memory_space<hbm>>
        tpu.wait_dma2 semaphore(%run_scoped3A_37 : memref<!tpu.dma_semaphore, #tpu.memory_space<semaphore_mem>>) src(%dma_wait3A_52 : memref<80xi32, #tpu.memory_space<hbm>>) dst(%dma_wait3A_51 : memref<80xi32, #tpu.memory_space<vmem>>)
        tpu.yield
      }) : () -> ()
      %add3A_24 = arith.constant 80 : i32
      %add3A_25 = arith.addi %multiple_of3A, %add3A_24 : i32
      %run_scoped3A_26 = arith.constant 1 : i32
      "tpu.region"() ({
        %run_scoped3A_37 = tpu.sem_alloc : memref<!tpu.dma_semaphore, #tpu.memory_space<semaphore_mem>>
        %dma_start3A_38 = arith.constant 0 : i32
        %dma_start3A_39 = tpu.memref_slice %arg10[%run_scoped3A_26, %dma_start3A_38] : memref<2x80xi32, #tpu.memory_space<vmem>> -> memref<1x80xi32, #tpu.memory_space<vmem>>
        %dma_start3A_40 = tpu.memref_squeeze %dma_start3A_39 : memref<1x80xi32, #tpu.memory_space<vmem>> -> memref<80xi32, #tpu.memory_space<vmem>>
        %dma_start3A_41 = tpu.memref_slice %arg3[%add3A_25] : memref<320000xi32, #tpu.memory_space<hbm>> -> memref<80xi32, #tpu.memory_space<hbm>>
        %dma_start3A_42 = arith.constant 0 : i32
        %dma_start3A_43 = tpu.memref_slice %arg10[%run_scoped3A_26, %dma_start3A_42] : memref<2x80xi32, #tpu.memory_space<vmem>> -> memref<1x80xi32, #tpu.memory_space<vmem>>
        %dma_start3A_44 = tpu.memref_squeeze %dma_start3A_43 : memref<1x80xi32, #tpu.memory_space<vmem>> -> memref<80xi32, #tpu.memory_space<vmem>>
        %dma_start3A_45 = tpu.memref_slice %arg3[%add3A_25] : memref<320000xi32, #tpu.memory_space<hbm>> -> memref<80xi32, #tpu.memory_space<hbm>>
        tpu.enqueue_dma source(%dma_start3A_45 : memref<80xi32, #tpu.memory_space<hbm>>) target(%dma_start3A_44 : memref<80xi32, #tpu.memory_space<vmem>>) target_semaphore(%run_scoped3A_37 : memref<!tpu.dma_semaphore, #tpu.memory_space<semaphore_mem>>)
        %dma_wait3A = arith.constant 0 : i32
        %dma_wait3A_46 = tpu.memref_slice %arg10[%run_scoped3A_26, %dma_wait3A] : memref<2x80xi32, #tpu.memory_space<vmem>> -> memref<1x80xi32, #tpu.memory_space<vmem>>
        %dma_wait3A_47 = tpu.memref_squeeze %dma_wait3A_46 : memref<1x80xi32, #tpu.memory_space<vmem>> -> memref<80xi32, #tpu.memory_space<vmem>>
        %dma_wait3A_48 = tpu.memref_slice %arg3[%add3A_25] : memref<320000xi32, #tpu.memory_space<hbm>> -> memref<80xi32, #tpu.memory_space<hbm>>
        %dma_wait3A_49 = arith.constant 0 : i32
        %dma_wait3A_50 = tpu.memref_slice %arg10[%run_scoped3A_26, %dma_wait3A_49] : memref<2x80xi32, #tpu.memory_space<vmem>> -> memref<1x80xi32, #tpu.memory_space<vmem>>
        %dma_wait3A_51 = tpu.memref_squeeze %dma_wait3A_50 : memref<1x80xi32, #tpu.memory_space<vmem>> -> memref<80xi32, #tpu.memory_space<vmem>>
        %dma_wait3A_52 = tpu.memref_slice %arg3[%add3A_25] : memref<320000xi32, #tpu.memory_space<hbm>> -> memref<80xi32, #tpu.memory_space<hbm>>
        tpu.wait_dma2 semaphore(%run_scoped3A_37 : memref<!tpu.dma_semaphore, #tpu.memory_space<semaphore_mem>>) src(%dma_wait3A_52 : memref<80xi32, #tpu.memory_space<hbm>>) dst(%dma_wait3A_51 : memref<80xi32, #tpu.memory_space<vmem>>)
        tpu.yield
      }) : () -> ()
      %scan3A = arith.constant 0 : i32
      %scan3A_27 = arith.constant 0 : i32
      %scan3A_28 = arith.constant 125 : i32
      %scan3A_29 = arith.addi %scan3A_27, %scan3A_28 : i32
      %scan3A_30 = arith.constant 1 : i32
      scf.for %scan3A_37 = %scan3A_27 to %scan3A_29 step %scan3A_30  : i32 {
        %mul3A_38 = arith.constant 2 : i32
        %mul3A_39 = arith.muli %mul3A_38, %scan3A_37 : i32
        %add3A_40 = arith.constant 0 : i32
        %add3A_41 = arith.addi %mul3A_39, %add3A_40 : i32
        %dma_wait3A = arith.constant 0 : i32
        %dma_wait3A_42 = arith.constant 0 : i32
        %dma_wait3A_43 = arith.constant 0 : i32
        %dma_wait3A_44 = tpu.memref_slice %arg11[%dma_wait3A, %dma_wait3A_42, %dma_wait3A_43] : memref<2x80x128xf32, #tpu.memory_space<vmem>> -> memref<1x80x128xf32, #tpu.memory_space<vmem>>
        %dma_wait3A_45 = tpu.memref_squeeze %dma_wait3A_44 : memref<1x80x128xf32, #tpu.memory_space<vmem>> -> memref<80x128xf32, #tpu.memory_space<vmem>>
        %dma_wait3A_46 = arith.constant 0 : i32
        %dma_wait3A_47 = arith.constant 0 : i32
        %dma_wait3A_48 = tpu.memref_slice %arg5[%dma_wait3A_46, %dma_wait3A_47] : memref<10240x128xf32, #tpu.memory_space<hbm>> -> memref<80x128xf32, #tpu.memory_space<hbm>>
        %dma_wait3A_49 = arith.constant 0 : i32
        %dma_wait3A_50 = arith.constant 0 : i32
        %dma_wait3A_51 = tpu.memref_slice %arg11[%dma_wait3A, %dma_wait3A_49, %dma_wait3A_50] : memref<2x80x128xf32, #tpu.memory_space<vmem>> -> memref<1x80x128xf32, #tpu.memory_space<vmem>>
        %dma_wait3A_52 = tpu.memref_squeeze %dma_wait3A_51 : memref<1x80x128xf32, #tpu.memory_space<vmem>> -> memref<80x128xf32, #tpu.memory_space<vmem>>
        %dma_wait3A_53 = arith.constant 0 : i32
        %dma_wait3A_54 = arith.constant 0 : i32
        %dma_wait3A_55 = tpu.memref_slice %arg5[%dma_wait3A_53, %dma_wait3A_54] : memref<10240x128xf32, #tpu.memory_space<hbm>> -> memref<80x128xf32, #tpu.memory_space<hbm>>
        tpu.wait_dma2 semaphore(%arg13 : memref<!tpu.dma_semaphore, #tpu.memory_space<semaphore_mem>>) src(%dma_wait3A_55 : memref<80x128xf32, #tpu.memory_space<hbm>>) dst(%dma_wait3A_52 : memref<80x128xf32, #tpu.memory_space<vmem>>)
        %add3A_56 = arith.constant 1 : i32
        %add3A_57 = arith.addi %add3A_41, %add3A_56 : i32
        %lt3A = arith.constant 250 : i32
        %lt3A_58 = arith.cmpi slt, %add3A_57, %lt3A : i32
        %convert_element_type3A_59 = arith.extui %lt3A_58 : i1 to i32
        %cond3A_60 = arith.constant 0 : i32
        %cond3A_61 = arith.cmpi ne, %convert_element_type3A_59, %cond3A_60 : i32
        scf.if %cond3A_61 {
          %dma_start3A_106 = arith.constant 1 : i32
          %dma_start3A_107 = arith.constant 1 : i32
          %dma_start3A_108 = arith.constant 0 : i32
          %dma_start3A_109 = arith.constant 0 : i32
          %dma_start3A_110 = tpu.memref_slice %arg11[%dma_start3A_107, %dma_start3A_108, %dma_start3A_109] : memref<2x80x128xf32, #tpu.memory_space<vmem>> -> memref<1x80x128xf32, #tpu.memory_space<vmem>>
          %dma_start3A_111 = tpu.memref_squeeze %dma_start3A_110 : memref<1x80x128xf32, #tpu.memory_space<vmem>> -> memref<80x128xf32, #tpu.memory_space<vmem>>
          %dma_start3A_112 = arith.constant 0 : i32
          %dma_start3A_113 = tpu.memref_slice %arg9[%dma_start3A_106, %dma_start3A_112] : memref<2x80xi32, #tpu.memory_space<vmem>> -> memref<1x80xi32, #tpu.memory_space<vmem>>
          %dma_start3A_114 = tpu.memref_squeeze %dma_start3A_113 : memref<1x80xi32, #tpu.memory_space<vmem>> -> memref<80xi32, #tpu.memory_space<vmem>>
          %dma_start3A_115 = arith.constant 0 : i32
          %dma_start3A_116 = arith.constant 0 : i32
          %dma_start3A_117 = tpu.memref_slice %arg5[%dma_start3A_115, %dma_start3A_116] : memref<10240x128xf32, #tpu.memory_space<hbm>> -> memref<10240x128xf32, #tpu.memory_space<hbm>>
          tpu.enqueue_indirect_dma source(%dma_start3A_117 : memref<10240x128xf32, #tpu.memory_space<hbm>>) target(%dma_start3A_111 : memref<80x128xf32, #tpu.memory_space<vmem>>) offsets(%dma_start3A_114 : memref<80xi32, #tpu.memory_space<vmem>>) semaphore(%arg13 : memref<!tpu.dma_semaphore, #tpu.memory_space<semaphore_mem>>)
        } else {
        }
        %run_scoped3A_62 = arith.constant 0 : i32
        %run_scoped3A_63 = arith.constant 0 : i32
        "tpu.region"() ({
          %run_scoped3A_106 = tpu.sem_alloc : memref<!tpu.dma_semaphore, #tpu.memory_space<semaphore_mem>>
          %dma_start3A_107 = arith.constant 0 : i32
          %dma_start3A_108 = arith.constant 0 : i32
          %dma_start3A_109 = tpu.memref_slice %arg11[%run_scoped3A_62, %dma_start3A_107, %dma_start3A_108] : memref<2x80x128xf32, #tpu.memory_space<vmem>> -> memref<1x80x128xf32, #tpu.memory_space<vmem>>
          %dma_start3A_110 = tpu.memref_squeeze %dma_start3A_109 : memref<1x80x128xf32, #tpu.memory_space<vmem>> -> memref<80x128xf32, #tpu.memory_space<vmem>>
          %dma_start3A_111 = arith.constant 0 : i32
          %dma_start3A_112 = tpu.memref_slice %arg10[%run_scoped3A_63, %dma_start3A_111] : memref<2x80xi32, #tpu.memory_space<vmem>> -> memref<1x80xi32, #tpu.memory_space<vmem>>
          %dma_start3A_113 = tpu.memref_squeeze %dma_start3A_112 : memref<1x80xi32, #tpu.memory_space<vmem>> -> memref<80xi32, #tpu.memory_space<vmem>>
          %dma_start3A_114 = arith.constant 0 : i32
          %dma_start3A_115 = arith.constant 0 : i32
          %dma_start3A_116 = tpu.memref_slice %arg12[%dma_start3A_114, %dma_start3A_115] : memref<10240x128xf32, #tpu.memory_space<vmem_shared>> -> memref<10240x128xf32, #tpu.memory_space<vmem_shared>>
          tpu.enqueue_indirect_dma source(%dma_start3A_110 : memref<80x128xf32, #tpu.memory_space<vmem>>) target(%dma_start3A_116 : memref<10240x128xf32, #tpu.memory_space<vmem_shared>>) offsets(%dma_start3A_113 : memref<80xi32, #tpu.memory_space<vmem>>) semaphore(%run_scoped3A_106 : memref<!tpu.dma_semaphore, #tpu.memory_space<semaphore_mem>>) {add = true}
          %dma_wait3A_117 = arith.constant 0 : i32
          %dma_wait3A_118 = arith.constant 0 : i32
          %dma_wait3A_119 = tpu.memref_slice %arg11[%run_scoped3A_62, %dma_wait3A_117, %dma_wait3A_118] : memref<2x80x128xf32, #tpu.memory_space<vmem>> -> memref<1x80x128xf32, #tpu.memory_space<vmem>>
          %dma_wait3A_120 = tpu.memref_squeeze %dma_wait3A_119 : memref<1x80x128xf32, #tpu.memory_space<vmem>> -> memref<80x128xf32, #tpu.memory_space<vmem>>
          %dma_wait3A_121 = arith.constant 0 : i32
          %dma_wait3A_122 = tpu.memref_slice %arg10[%run_scoped3A_63, %dma_wait3A_121] : memref<2x80xi32, #tpu.memory_space<vmem>> -> memref<1x80xi32, #tpu.memory_space<vmem>>
          %dma_wait3A_123 = tpu.memref_squeeze %dma_wait3A_122 : memref<1x80xi32, #tpu.memory_space<vmem>> -> memref<80xi32, #tpu.memory_space<vmem>>
          %dma_wait3A_124 = arith.constant 0 : i32
          %dma_wait3A_125 = arith.constant 0 : i32
          %dma_wait3A_126 = tpu.memref_slice %arg12[%dma_wait3A_124, %dma_wait3A_125] : memref<10240x128xf32, #tpu.memory_space<vmem_shared>> -> memref<10240x128xf32, #tpu.memory_space<vmem_shared>>
          tpu.wait_indirect_dma semaphore(%run_scoped3A_106 : memref<!tpu.dma_semaphore, #tpu.memory_space<semaphore_mem>>) src(%dma_wait3A_120 : memref<80x128xf32, #tpu.memory_space<vmem>>) dst(%dma_wait3A_126 : memref<10240x128xf32, #tpu.memory_space<vmem_shared>>)
          tpu.yield
        }) : () -> ()
        %add3A_64 = arith.constant 2 : i32
        %add3A_65 = arith.addi %add3A_41, %add3A_64 : i32
        %lt3A_66 = arith.constant 250 : i32
        %lt3A_67 = arith.cmpi slt, %add3A_65, %lt3A_66 : i32
        %convert_element_type3A_68 = arith.extui %lt3A_67 : i1 to i32
        %cond3A_69 = arith.constant 0 : i32
        %cond3A_70 = arith.cmpi ne, %convert_element_type3A_68, %cond3A_69 : i32
        scf.if %cond3A_70 {
          %add3A_106 = arith.constant 2 : i32
          %add3A_107 = arith.addi %add3A_41, %add3A_106 : i32
          %mul3A_108 = arith.constant 80 : i32
          %mul3A_109 = arith.muli %add3A_107, %mul3A_108 : i32
          %add3A_110 = arith.addi %multiple_of3A, %mul3A_109 : i32
          %multiple_of3A_111 = tpu.assume_multiple %add3A_110, 8 : i32
          %dma_start3A_112 = arith.constant 0 : i32
          %dma_start3A_113 = arith.constant 0 : i32
          %dma_start3A_114 = tpu.memref_slice %arg9[%dma_start3A_112, %dma_start3A_113] : memref<2x80xi32, #tpu.memory_space<vmem>> -> memref<1x80xi32, #tpu.memory_space<vmem>>
          %dma_start3A_115 = tpu.memref_squeeze %dma_start3A_114 : memref<1x80xi32, #tpu.memory_space<vmem>> -> memref<80xi32, #tpu.memory_space<vmem>>
          %dma_start3A_116 = tpu.memref_slice %arg2[%multiple_of3A_111] : memref<320000xi32, #tpu.memory_space<hbm>> -> memref<80xi32, #tpu.memory_space<hbm>>
          %dma_start3A_117 = arith.constant 0 : i32
          %dma_start3A_118 = tpu.memref_slice %arg9[%dma_start3A_112, %dma_start3A_117] : memref<2x80xi32, #tpu.memory_space<vmem>> -> memref<1x80xi32, #tpu.memory_space<vmem>>
          %dma_start3A_119 = tpu.memref_squeeze %dma_start3A_118 : memref<1x80xi32, #tpu.memory_space<vmem>> -> memref<80xi32, #tpu.memory_space<vmem>>
          %dma_start3A_120 = tpu.memref_slice %arg2[%multiple_of3A_111] : memref<320000xi32, #tpu.memory_space<hbm>> -> memref<80xi32, #tpu.memory_space<hbm>>
          tpu.enqueue_dma source(%dma_start3A_120 : memref<80xi32, #tpu.memory_space<hbm>>) target(%dma_start3A_119 : memref<80xi32, #tpu.memory_space<vmem>>) target_semaphore(%arg14 : memref<!tpu.dma_semaphore, #tpu.memory_space<semaphore_mem>>)
          %dma_start3A_121 = arith.constant 0 : i32
          %dma_start3A_122 = arith.constant 0 : i32
          %dma_start3A_123 = tpu.memref_slice %arg10[%dma_start3A_121, %dma_start3A_122] : memref<2x80xi32, #tpu.memory_space<vmem>> -> memref<1x80xi32, #tpu.memory_space<vmem>>
          %dma_start3A_124 = tpu.memref_squeeze %dma_start3A_123 : memref<1x80xi32, #tpu.memory_space<vmem>> -> memref<80xi32, #tpu.memory_space<vmem>>
          %dma_start3A_125 = tpu.memref_slice %arg3[%multiple_of3A_111] : memref<320000xi32, #tpu.memory_space<hbm>> -> memref<80xi32, #tpu.memory_space<hbm>>
          %dma_start3A_126 = arith.constant 0 : i32
          %dma_start3A_127 = tpu.memref_slice %arg10[%dma_start3A_121, %dma_start3A_126] : memref<2x80xi32, #tpu.memory_space<vmem>> -> memref<1x80xi32, #tpu.memory_space<vmem>>
          %dma_start3A_128 = tpu.memref_squeeze %dma_start3A_127 : memref<1x80xi32, #tpu.memory_space<vmem>> -> memref<80xi32, #tpu.memory_space<vmem>>
          %dma_start3A_129 = tpu.memref_slice %arg3[%multiple_of3A_111] : memref<320000xi32, #tpu.memory_space<hbm>> -> memref<80xi32, #tpu.memory_space<hbm>>
          tpu.enqueue_dma source(%dma_start3A_129 : memref<80xi32, #tpu.memory_space<hbm>>) target(%dma_start3A_128 : memref<80xi32, #tpu.memory_space<vmem>>) target_semaphore(%arg14 : memref<!tpu.dma_semaphore, #tpu.memory_space<semaphore_mem>>)
          %dma_wait3A_130 = arith.constant 0 : i32
          %dma_wait3A_131 = arith.constant 0 : i32
          %dma_wait3A_132 = tpu.memref_slice %arg9[%dma_wait3A_130, %dma_wait3A_131] : memref<2x80xi32, #tpu.memory_space<vmem>> -> memref<1x80xi32, #tpu.memory_space<vmem>>
          %dma_wait3A_133 = tpu.memref_squeeze %dma_wait3A_132 : memref<1x80xi32, #tpu.memory_space<vmem>> -> memref<80xi32, #tpu.memory_space<vmem>>
          %dma_wait3A_134 = arith.constant 0 : i32
          %dma_wait3A_135 = tpu.memref_slice %arg2[%dma_wait3A_134] : memref<320000xi32, #tpu.memory_space<hbm>> -> memref<80xi32, #tpu.memory_space<hbm>>
          %dma_wait3A_136 = arith.constant 0 : i32
          %dma_wait3A_137 = tpu.memref_slice %arg9[%dma_wait3A_130, %dma_wait3A_136] : memref<2x80xi32, #tpu.memory_space<vmem>> -> memref<1x80xi32, #tpu.memory_space<vmem>>
          %dma_wait3A_138 = tpu.memref_squeeze %dma_wait3A_137 : memref<1x80xi32, #tpu.memory_space<vmem>> -> memref<80xi32, #tpu.memory_space<vmem>>
          %dma_wait3A_139 = arith.constant 0 : i32
          %dma_wait3A_140 = tpu.memref_slice %arg2[%dma_wait3A_139] : memref<320000xi32, #tpu.memory_space<hbm>> -> memref<80xi32, #tpu.memory_space<hbm>>
          tpu.wait_dma2 semaphore(%arg14 : memref<!tpu.dma_semaphore, #tpu.memory_space<semaphore_mem>>) src(%dma_wait3A_140 : memref<80xi32, #tpu.memory_space<hbm>>) dst(%dma_wait3A_138 : memref<80xi32, #tpu.memory_space<vmem>>)
          %dma_wait3A_141 = arith.constant 0 : i32
          %dma_wait3A_142 = arith.constant 0 : i32
          %dma_wait3A_143 = tpu.memref_slice %arg10[%dma_wait3A_141, %dma_wait3A_142] : memref<2x80xi32, #tpu.memory_space<vmem>> -> memref<1x80xi32, #tpu.memory_space<vmem>>
          %dma_wait3A_144 = tpu.memref_squeeze %dma_wait3A_143 : memref<1x80xi32, #tpu.memory_space<vmem>> -> memref<80xi32, #tpu.memory_space<vmem>>
          %dma_wait3A_145 = arith.constant 0 : i32
          %dma_wait3A_146 = tpu.memref_slice %arg3[%dma_wait3A_145] : memref<320000xi32, #tpu.memory_space<hbm>> -> memref<80xi32, #tpu.memory_space<hbm>>
          %dma_wait3A_147 = arith.constant 0 : i32
          %dma_wait3A_148 = tpu.memref_slice %arg10[%dma_wait3A_141, %dma_wait3A_147] : memref<2x80xi32, #tpu.memory_space<vmem>> -> memref<1x80xi32, #tpu.memory_space<vmem>>
          %dma_wait3A_149 = tpu.memref_squeeze %dma_wait3A_148 : memref<1x80xi32, #tpu.memory_space<vmem>> -> memref<80xi32, #tpu.memory_space<vmem>>
          %dma_wait3A_150 = arith.constant 0 : i32
          %dma_wait3A_151 = tpu.memref_slice %arg3[%dma_wait3A_150] : memref<320000xi32, #tpu.memory_space<hbm>> -> memref<80xi32, #tpu.memory_space<hbm>>
          tpu.wait_dma2 semaphore(%arg14 : memref<!tpu.dma_semaphore, #tpu.memory_space<semaphore_mem>>) src(%dma_wait3A_151 : memref<80xi32, #tpu.memory_space<hbm>>) dst(%dma_wait3A_149 : memref<80xi32, #tpu.memory_space<vmem>>)
        } else {
        }
        %mul3A_71 = arith.constant 2 : i32
        %mul3A_72 = arith.muli %mul3A_71, %scan3A_37 : i32
        %add3A_73 = arith.constant 1 : i32
        %add3A_74 = arith.addi %mul3A_72, %add3A_73 : i32
        %dma_wait3A_75 = arith.constant 1 : i32
        %dma_wait3A_76 = arith.constant 0 : i32
        %dma_wait3A_77 = arith.constant 0 : i32
        %dma_wait3A_78 = tpu.memref_slice %arg11[%dma_wait3A_75, %dma_wait3A_76, %dma_wait3A_77] : memref<2x80x128xf32, #tpu.memory_space<vmem>> -> memref<1x80x128xf32, #tpu.memory_space<vmem>>
        %dma_wait3A_79 = tpu.memref_squeeze %dma_wait3A_78 : memref<1x80x128xf32, #tpu.memory_space<vmem>> -> memref<80x128xf32, #tpu.memory_space<vmem>>
        %dma_wait3A_80 = arith.constant 0 : i32
        %dma_wait3A_81 = arith.constant 0 : i32
        %dma_wait3A_82 = tpu.memref_slice %arg5[%dma_wait3A_80, %dma_wait3A_81] : memref<10240x128xf32, #tpu.memory_space<hbm>> -> memref<80x128xf32, #tpu.memory_space<hbm>>
        %dma_wait3A_83 = arith.constant 0 : i32
        %dma_wait3A_84 = arith.constant 0 : i32
        %dma_wait3A_85 = tpu.memref_slice %arg11[%dma_wait3A_75, %dma_wait3A_83, %dma_wait3A_84] : memref<2x80x128xf32, #tpu.memory_space<vmem>> -> memref<1x80x128xf32, #tpu.memory_space<vmem>>
        %dma_wait3A_86 = tpu.memref_squeeze %dma_wait3A_85 : memref<1x80x128xf32, #tpu.memory_space<vmem>> -> memref<80x128xf32, #tpu.memory_space<vmem>>
        %dma_wait3A_87 = arith.constant 0 : i32
        %dma_wait3A_88 = arith.constant 0 : i32
        %dma_wait3A_89 = tpu.memref_slice %arg5[%dma_wait3A_87, %dma_wait3A_88] : memref<10240x128xf32, #tpu.memory_space<hbm>> -> memref<80x128xf32, #tpu.memory_space<hbm>>
        tpu.wait_dma2 semaphore(%arg13 : memref<!tpu.dma_semaphore, #tpu.memory_space<semaphore_mem>>) src(%dma_wait3A_89 : memref<80x128xf32, #tpu.memory_space<hbm>>) dst(%dma_wait3A_86 : memref<80x128xf32, #tpu.memory_space<vmem>>)
        %add3A_90 = arith.constant 1 : i32
        %add3A_91 = arith.addi %add3A_74, %add3A_90 : i32
        %lt3A_92 = arith.constant 250 : i32
        %lt3A_93 = arith.cmpi slt, %add3A_91, %lt3A_92 : i32
        %convert_element_type3A_94 = arith.extui %lt3A_93 : i1 to i32
        %cond3A_95 = arith.constant 0 : i32
        %cond3A_96 = arith.cmpi ne, %convert_element_type3A_94, %cond3A_95 : i32
        scf.if %cond3A_96 {
          %dma_start3A_106 = arith.constant 0 : i32
          %dma_start3A_107 = arith.constant 0 : i32
          %dma_start3A_108 = arith.constant 0 : i32
          %dma_start3A_109 = arith.constant 0 : i32
          %dma_start3A_110 = tpu.memref_slice %arg11[%dma_start3A_107, %dma_start3A_108, %dma_start3A_109] : memref<2x80x128xf32, #tpu.memory_space<vmem>> -> memref<1x80x128xf32, #tpu.memory_space<vmem>>
          %dma_start3A_111 = tpu.memref_squeeze %dma_start3A_110 : memref<1x80x128xf32, #tpu.memory_space<vmem>> -> memref<80x128xf32, #tpu.memory_space<vmem>>
          %dma_start3A_112 = arith.constant 0 : i32
          %dma_start3A_113 = tpu.memref_slice %arg9[%dma_start3A_106, %dma_start3A_112] : memref<2x80xi32, #tpu.memory_space<vmem>> -> memref<1x80xi32, #tpu.memory_space<vmem>>
          %dma_start3A_114 = tpu.memref_squeeze %dma_start3A_113 : memref<1x80xi32, #tpu.memory_space<vmem>> -> memref<80xi32, #tpu.memory_space<vmem>>
          %dma_start3A_115 = arith.constant 0 : i32
          %dma_start3A_116 = arith.constant 0 : i32
          %dma_start3A_117 = tpu.memref_slice %arg5[%dma_start3A_115, %dma_start3A_116] : memref<10240x128xf32, #tpu.memory_space<hbm>> -> memref<10240x128xf32, #tpu.memory_space<hbm>>
          tpu.enqueue_indirect_dma source(%dma_start3A_117 : memref<10240x128xf32, #tpu.memory_space<hbm>>) target(%dma_start3A_111 : memref<80x128xf32, #tpu.memory_space<vmem>>) offsets(%dma_start3A_114 : memref<80xi32, #tpu.memory_space<vmem>>) semaphore(%arg13 : memref<!tpu.dma_semaphore, #tpu.memory_space<semaphore_mem>>)
        } else {
        }
        %run_scoped3A_97 = arith.constant 1 : i32
        %run_scoped3A_98 = arith.constant 1 : i32
        "tpu.region"() ({
          %run_scoped3A_106 = tpu.sem_alloc : memref<!tpu.dma_semaphore, #tpu.memory_space<semaphore_mem>>
          %dma_start3A_107 = arith.constant 0 : i32
          %dma_start3A_108 = arith.constant 0 : i32
          %dma_start3A_109 = tpu.memref_slice %arg11[%run_scoped3A_97, %dma_start3A_107, %dma_start3A_108] : memref<2x80x128xf32, #tpu.memory_space<vmem>> -> memref<1x80x128xf32, #tpu.memory_space<vmem>>
          %dma_start3A_110 = tpu.memref_squeeze %dma_start3A_109 : memref<1x80x128xf32, #tpu.memory_space<vmem>> -> memref<80x128xf32, #tpu.memory_space<vmem>>
          %dma_start3A_111 = arith.constant 0 : i32
          %dma_start3A_112 = tpu.memref_slice %arg10[%run_scoped3A_98, %dma_start3A_111] : memref<2x80xi32, #tpu.memory_space<vmem>> -> memref<1x80xi32, #tpu.memory_space<vmem>>
          %dma_start3A_113 = tpu.memref_squeeze %dma_start3A_112 : memref<1x80xi32, #tpu.memory_space<vmem>> -> memref<80xi32, #tpu.memory_space<vmem>>
          %dma_start3A_114 = arith.constant 0 : i32
          %dma_start3A_115 = arith.constant 0 : i32
          %dma_start3A_116 = tpu.memref_slice %arg12[%dma_start3A_114, %dma_start3A_115] : memref<10240x128xf32, #tpu.memory_space<vmem_shared>> -> memref<10240x128xf32, #tpu.memory_space<vmem_shared>>
          tpu.enqueue_indirect_dma source(%dma_start3A_110 : memref<80x128xf32, #tpu.memory_space<vmem>>) target(%dma_start3A_116 : memref<10240x128xf32, #tpu.memory_space<vmem_shared>>) offsets(%dma_start3A_113 : memref<80xi32, #tpu.memory_space<vmem>>) semaphore(%run_scoped3A_106 : memref<!tpu.dma_semaphore, #tpu.memory_space<semaphore_mem>>) {add = true}
          %dma_wait3A_117 = arith.constant 0 : i32
          %dma_wait3A_118 = arith.constant 0 : i32
          %dma_wait3A_119 = tpu.memref_slice %arg11[%run_scoped3A_97, %dma_wait3A_117, %dma_wait3A_118] : memref<2x80x128xf32, #tpu.memory_space<vmem>> -> memref<1x80x128xf32, #tpu.memory_space<vmem>>
          %dma_wait3A_120 = tpu.memref_squeeze %dma_wait3A_119 : memref<1x80x128xf32, #tpu.memory_space<vmem>> -> memref<80x128xf32, #tpu.memory_space<vmem>>
          %dma_wait3A_121 = arith.constant 0 : i32
          %dma_wait3A_122 = tpu.memref_slice %arg10[%run_scoped3A_98, %dma_wait3A_121] : memref<2x80xi32, #tpu.memory_space<vmem>> -> memref<1x80xi32, #tpu.memory_space<vmem>>
          %dma_wait3A_123 = tpu.memref_squeeze %dma_wait3A_122 : memref<1x80xi32, #tpu.memory_space<vmem>> -> memref<80xi32, #tpu.memory_space<vmem>>
          %dma_wait3A_124 = arith.constant 0 : i32
          %dma_wait3A_125 = arith.constant 0 : i32
          %dma_wait3A_126 = tpu.memref_slice %arg12[%dma_wait3A_124, %dma_wait3A_125] : memref<10240x128xf32, #tpu.memory_space<vmem_shared>> -> memref<10240x128xf32, #tpu.memory_space<vmem_shared>>
          tpu.wait_indirect_dma semaphore(%run_scoped3A_106 : memref<!tpu.dma_semaphore, #tpu.memory_space<semaphore_mem>>) src(%dma_wait3A_120 : memref<80x128xf32, #tpu.memory_space<vmem>>) dst(%dma_wait3A_126 : memref<10240x128xf32, #tpu.memory_space<vmem_shared>>)
          tpu.yield
        }) : () -> ()
        %add3A_99 = arith.constant 2 : i32
        %add3A_100 = arith.addi %add3A_74, %add3A_99 : i32
        %lt3A_101 = arith.constant 250 : i32
        %lt3A_102 = arith.cmpi slt, %add3A_100, %lt3A_101 : i32
        %convert_element_type3A_103 = arith.extui %lt3A_102 : i1 to i32
        %cond3A_104 = arith.constant 0 : i32
        %cond3A_105 = arith.cmpi ne, %convert_element_type3A_103, %cond3A_104 : i32
        scf.if %cond3A_105 {
          %add3A_106 = arith.constant 2 : i32
          %add3A_107 = arith.addi %add3A_74, %add3A_106 : i32
          %mul3A_108 = arith.constant 80 : i32
          %mul3A_109 = arith.muli %add3A_107, %mul3A_108 : i32
          %add3A_110 = arith.addi %multiple_of3A, %mul3A_109 : i32
          %multiple_of3A_111 = tpu.assume_multiple %add3A_110, 8 : i32
          %dma_start3A_112 = arith.constant 1 : i32
          %dma_start3A_113 = arith.constant 0 : i32
          %dma_start3A_114 = tpu.memref_slice %arg9[%dma_start3A_112, %dma_start3A_113] : memref<2x80xi32, #tpu.memory_space<vmem>> -> memref<1x80xi32, #tpu.memory_space<vmem>>
          %dma_start3A_115 = tpu.memref_squeeze %dma_start3A_114 : memref<1x80xi32, #tpu.memory_space<vmem>> -> memref<80xi32, #tpu.memory_space<vmem>>
          %dma_start3A_116 = tpu.memref_slice %arg2[%multiple_of3A_111] : memref<320000xi32, #tpu.memory_space<hbm>> -> memref<80xi32, #tpu.memory_space<hbm>>
          %dma_start3A_117 = arith.constant 0 : i32
          %dma_start3A_118 = tpu.memref_slice %arg9[%dma_start3A_112, %dma_start3A_117] : memref<2x80xi32, #tpu.memory_space<vmem>> -> memref<1x80xi32, #tpu.memory_space<vmem>>
          %dma_start3A_119 = tpu.memref_squeeze %dma_start3A_118 : memref<1x80xi32, #tpu.memory_space<vmem>> -> memref<80xi32, #tpu.memory_space<vmem>>
          %dma_start3A_120 = tpu.memref_slice %arg2[%multiple_of3A_111] : memref<320000xi32, #tpu.memory_space<hbm>> -> memref<80xi32, #tpu.memory_space<hbm>>
          tpu.enqueue_dma source(%dma_start3A_120 : memref<80xi32, #tpu.memory_space<hbm>>) target(%dma_start3A_119 : memref<80xi32, #tpu.memory_space<vmem>>) target_semaphore(%arg14 : memref<!tpu.dma_semaphore, #tpu.memory_space<semaphore_mem>>)
          %dma_start3A_121 = arith.constant 1 : i32
          %dma_start3A_122 = arith.constant 0 : i32
          %dma_start3A_123 = tpu.memref_slice %arg10[%dma_start3A_121, %dma_start3A_122] : memref<2x80xi32, #tpu.memory_space<vmem>> -> memref<1x80xi32, #tpu.memory_space<vmem>>
          %dma_start3A_124 = tpu.memref_squeeze %dma_start3A_123 : memref<1x80xi32, #tpu.memory_space<vmem>> -> memref<80xi32, #tpu.memory_space<vmem>>
          %dma_start3A_125 = tpu.memref_slice %arg3[%multiple_of3A_111] : memref<320000xi32, #tpu.memory_space<hbm>> -> memref<80xi32, #tpu.memory_space<hbm>>
          %dma_start3A_126 = arith.constant 0 : i32
          %dma_start3A_127 = tpu.memref_slice %arg10[%dma_start3A_121, %dma_start3A_126] : memref<2x80xi32, #tpu.memory_space<vmem>> -> memref<1x80xi32, #tpu.memory_space<vmem>>
          %dma_start3A_128 = tpu.memref_squeeze %dma_start3A_127 : memref<1x80xi32, #tpu.memory_space<vmem>> -> memref<80xi32, #tpu.memory_space<vmem>>
          %dma_start3A_129 = tpu.memref_slice %arg3[%multiple_of3A_111] : memref<320000xi32, #tpu.memory_space<hbm>> -> memref<80xi32, #tpu.memory_space<hbm>>
          tpu.enqueue_dma source(%dma_start3A_129 : memref<80xi32, #tpu.memory_space<hbm>>) target(%dma_start3A_128 : memref<80xi32, #tpu.memory_space<vmem>>) target_semaphore(%arg14 : memref<!tpu.dma_semaphore, #tpu.memory_space<semaphore_mem>>)
          %dma_wait3A_130 = arith.constant 1 : i32
          %dma_wait3A_131 = arith.constant 0 : i32
          %dma_wait3A_132 = tpu.memref_slice %arg9[%dma_wait3A_130, %dma_wait3A_131] : memref<2x80xi32, #tpu.memory_space<vmem>> -> memref<1x80xi32, #tpu.memory_space<vmem>>
          %dma_wait3A_133 = tpu.memref_squeeze %dma_wait3A_132 : memref<1x80xi32, #tpu.memory_space<vmem>> -> memref<80xi32, #tpu.memory_space<vmem>>
          %dma_wait3A_134 = arith.constant 0 : i32
          %dma_wait3A_135 = tpu.memref_slice %arg2[%dma_wait3A_134] : memref<320000xi32, #tpu.memory_space<hbm>> -> memref<80xi32, #tpu.memory_space<hbm>>
          %dma_wait3A_136 = arith.constant 0 : i32
          %dma_wait3A_137 = tpu.memref_slice %arg9[%dma_wait3A_130, %dma_wait3A_136] : memref<2x80xi32, #tpu.memory_space<vmem>> -> memref<1x80xi32, #tpu.memory_space<vmem>>
          %dma_wait3A_138 = tpu.memref_squeeze %dma_wait3A_137 : memref<1x80xi32, #tpu.memory_space<vmem>> -> memref<80xi32, #tpu.memory_space<vmem>>
          %dma_wait3A_139 = arith.constant 0 : i32
          %dma_wait3A_140 = tpu.memref_slice %arg2[%dma_wait3A_139] : memref<320000xi32, #tpu.memory_space<hbm>> -> memref<80xi32, #tpu.memory_space<hbm>>
          tpu.wait_dma2 semaphore(%arg14 : memref<!tpu.dma_semaphore, #tpu.memory_space<semaphore_mem>>) src(%dma_wait3A_140 : memref<80xi32, #tpu.memory_space<hbm>>) dst(%dma_wait3A_138 : memref<80xi32, #tpu.memory_space<vmem>>)
          %dma_wait3A_141 = arith.constant 1 : i32
          %dma_wait3A_142 = arith.constant 0 : i32
          %dma_wait3A_143 = tpu.memref_slice %arg10[%dma_wait3A_141, %dma_wait3A_142] : memref<2x80xi32, #tpu.memory_space<vmem>> -> memref<1x80xi32, #tpu.memory_space<vmem>>
          %dma_wait3A_144 = tpu.memref_squeeze %dma_wait3A_143 : memref<1x80xi32, #tpu.memory_space<vmem>> -> memref<80xi32, #tpu.memory_space<vmem>>
          %dma_wait3A_145 = arith.constant 0 : i32
          %dma_wait3A_146 = tpu.memref_slice %arg3[%dma_wait3A_145] : memref<320000xi32, #tpu.memory_space<hbm>> -> memref<80xi32, #tpu.memory_space<hbm>>
          %dma_wait3A_147 = arith.constant 0 : i32
          %dma_wait3A_148 = tpu.memref_slice %arg10[%dma_wait3A_141, %dma_wait3A_147] : memref<2x80xi32, #tpu.memory_space<vmem>> -> memref<1x80xi32, #tpu.memory_space<vmem>>
          %dma_wait3A_149 = tpu.memref_squeeze %dma_wait3A_148 : memref<1x80xi32, #tpu.memory_space<vmem>> -> memref<80xi32, #tpu.memory_space<vmem>>
          %dma_wait3A_150 = arith.constant 0 : i32
          %dma_wait3A_151 = tpu.memref_slice %arg3[%dma_wait3A_150] : memref<320000xi32, #tpu.memory_space<hbm>> -> memref<80xi32, #tpu.memory_space<hbm>>
          tpu.wait_dma2 semaphore(%arg14 : memref<!tpu.dma_semaphore, #tpu.memory_space<semaphore_mem>>) src(%dma_wait3A_151 : memref<80xi32, #tpu.memory_space<hbm>>) dst(%dma_wait3A_149 : memref<80xi32, #tpu.memory_space<vmem>>)
        } else {
        }
      }
      %scan3A_31 = arith.constant 125 : i32
      %barrier3A_32 = arith.constant 0 : index
      tpu.barrier barrier_id(%barrier3A_32)
      %mul3A_33 = arith.constant 640 : i32
      %mul3A_34 = arith.muli %arg1, %mul3A_33 : i32
      %mul3A_35 = arith.constant 640 : i32
      %mul3A_36 = arith.muli %arg1, %mul3A_35 : i32
      "tpu.region"() ({
        %run_scoped3A_37 = tpu.sem_alloc : memref<!tpu.dma_semaphore, #tpu.memory_space<semaphore_mem>>
        %dma_start3A_38 = arith.constant 0 : i32
        %dma_start3A_39 = tpu.memref_slice %arg8[%mul3A_36, %dma_start3A_38] : memref<10240x128xf32, #tpu.memory_space<hbm>> -> memref<640x128xf32, #tpu.memory_space<hbm>>
        %dma_start3A_40 = arith.constant 0 : i32
        %dma_start3A_41 = tpu.memref_slice %arg12[%mul3A_34, %dma_start3A_40] : memref<10240x128xf32, #tpu.memory_space<vmem_shared>> -> memref<640x128xf32, #tpu.memory_space<vmem_shared>>
        tpu.enqueue_dma source(%dma_start3A_41 : memref<640x128xf32, #tpu.memory_space<vmem_shared>>) target(%dma_start3A_39 : memref<640x128xf32, #tpu.memory_space<hbm>>) target_semaphore(%run_scoped3A_37 : memref<!tpu.dma_semaphore, #tpu.memory_space<semaphore_mem>>)
        %dma_wait3A = arith.constant 0 : i32
        %dma_wait3A_42 = tpu.memref_slice %arg8[%mul3A_36, %dma_wait3A] : memref<10240x128xf32, #tpu.memory_space<hbm>> -> memref<640x128xf32, #tpu.memory_space<hbm>>
        %dma_wait3A_43 = arith.constant 0 : i32
        %dma_wait3A_44 = tpu.memref_slice %arg12[%mul3A_34, %dma_wait3A_43] : memref<10240x128xf32, #tpu.memory_space<vmem_shared>> -> memref<640x128xf32, #tpu.memory_space<vmem_shared>>
        tpu.wait_dma2 semaphore(%run_scoped3A_37 : memref<!tpu.dma_semaphore, #tpu.memory_space<semaphore_mem>>) src(%dma_wait3A_44 : memref<640x128xf32, #tpu.memory_space<vmem_shared>>) dst(%dma_wait3A_42 : memref<640x128xf32, #tpu.memory_space<hbm>>)
        tpu.yield
      }) : () -> ()
    } else {
    }
    return
  }
}

#map = affine_map<(d0, d1) -> (0)>
#map1 = affine_map<(d0, d1) -> (0, 0)>
module attributes {stable_mosaic.version = 14 : i64} {
  func.func @_agg_body(%arg0: i32, %arg1: i32, %arg2: memref<320000xi32, #tpu.memory_space<hbm>>, %arg3: memref<320000xi32, #tpu.memory_space<hbm>>, %arg4: memref<10240x128xf32, #tpu.memory_space<hbm>>, %arg5: memref<10240x128xf32, #tpu.memory_space<hbm>>, %arg6: memref<640x128xf32, #tpu.memory_space<hbm>>, %arg7: memref<10240x128xf32, #tpu.memory_space<hbm>>, %arg8: memref<10240x128xf32, #tpu.memory_space<hbm>>, %arg9: memref<2x80xi32, #tpu.memory_space<vmem>>, %arg10: memref<2x80xi32, #tpu.memory_space<vmem>>, %arg11: memref<2x80x128xf32, #tpu.memory_space<vmem>>, %arg12: memref<10240x128xf32, #tpu.memory_space<vmem_shared>>, %arg13: memref<!tpu.dma_semaphore, #tpu.memory_space<semaphore_mem>>, %arg14: memref<!tpu.dma_semaphore, #tpu.memory_space<semaphore_mem>>) attributes {dimension_semantics = [#tpu.dimension_semantics<core_parallel>, #tpu.dimension_semantics<subcore_parallel>], iteration_bounds = array<i64: 2, 16>, scalar_prefetch = 0 : i64, scratch_operands = 6 : i64, tpu.core_type = #tpu.core_type<sc_vector_subcore>, window_params = [{transform_indices = #map}, {transform_indices = #map}, {transform_indices = #map1}, {transform_indices = #map1}, {transform_indices = #map1}, {transform_indices = #map1}, {transform_indices = #map1}]} {
    %mul3A = arith.constant 20000 : i32
    %mul3A_0 = arith.muli %arg1, %mul3A : i32
    %multiple_of3A = tpu.assume_multiple %mul3A_0, 8 : i32
    %eq3A = arith.constant 0 : i32
    %eq3A_1 = arith.cmpi eq, %arg0, %eq3A : i32
    %convert_element_type3A = arith.extui %eq3A_1 : i1 to i32
    %cond3A = arith.constant 0 : i32
    %cond3A_2 = arith.cmpi ne, %convert_element_type3A, %cond3A : i32
    scf.if %cond3A_2 {
      %mul3A_8 = arith.constant 640 : i32
      %mul3A_9 = arith.muli %arg1, %mul3A_8 : i32
      "tpu.region"() ({
        %run_scoped3A_37 = tpu.sem_alloc : memref<!tpu.dma_semaphore, #tpu.memory_space<semaphore_mem>>
        %dma_start3A_38 = arith.constant 0 : i32
        %dma_start3A_39 = tpu.memref_slice %arg12[%mul3A_9, %dma_start3A_38] : memref<10240x128xf32, #tpu.memory_space<vmem_shared>> -> memref<640x128xf32, #tpu.memory_space<vmem_shared>>
        tpu.enqueue_dma source(%arg6 : memref<640x128xf32, #tpu.memory_space<hbm>>) target(%dma_start3A_39 : memref<640x128xf32, #tpu.memory_space<vmem_shared>>) target_semaphore(%run_scoped3A_37 : memref<!tpu.dma_semaphore, #tpu.memory_space<semaphore_mem>>)
        %dma_wait3A = arith.constant 0 : i32
        %dma_wait3A_40 = tpu.memref_slice %arg12[%mul3A_9, %dma_wait3A] : memref<10240x128xf32, #tpu.memory_space<vmem_shared>> -> memref<640x128xf32, #tpu.memory_space<vmem_shared>>
        tpu.wait_dma2 semaphore(%run_scoped3A_37 : memref<!tpu.dma_semaphore, #tpu.memory_space<semaphore_mem>>) src(%arg6 : memref<640x128xf32, #tpu.memory_space<hbm>>) dst(%dma_wait3A_40 : memref<640x128xf32, #tpu.memory_space<vmem_shared>>)
        tpu.yield
      }) : () -> ()
      %run_scoped3A = arith.constant 0 : i32
      "tpu.region"() ({
        %run_scoped3A_37 = tpu.sem_alloc : memref<!tpu.dma_semaphore, #tpu.memory_space<semaphore_mem>>
        %dma_start3A_38 = arith.constant 0 : i32
        %dma_start3A_39 = tpu.memref_slice %arg9[%run_scoped3A, %dma_start3A_38] : memref<2x80xi32, #tpu.memory_space<vmem>> -> memref<1x80xi32, #tpu.memory_space<vmem>>
        %dma_start3A_40 = tpu.memref_squeeze %dma_start3A_39 : memref<1x80xi32, #tpu.memory_space<vmem>> -> memref<80xi32, #tpu.memory_space<vmem>>
        %dma_start3A_41 = tpu.memref_slice %arg2[%multiple_of3A] : memref<320000xi32, #tpu.memory_space<hbm>> -> memref<80xi32, #tpu.memory_space<hbm>>
        %dma_start3A_42 = arith.constant 0 : i32
        %dma_start3A_43 = tpu.memref_slice %arg9[%run_scoped3A, %dma_start3A_42] : memref<2x80xi32, #tpu.memory_space<vmem>> -> memref<1x80xi32, #tpu.memory_space<vmem>>
        %dma_start3A_44 = tpu.memref_squeeze %dma_start3A_43 : memref<1x80xi32, #tpu.memory_space<vmem>> -> memref<80xi32, #tpu.memory_space<vmem>>
        %dma_start3A_45 = tpu.memref_slice %arg2[%multiple_of3A] : memref<320000xi32, #tpu.memory_space<hbm>> -> memref<80xi32, #tpu.memory_space<hbm>>
        tpu.enqueue_dma source(%dma_start3A_45 : memref<80xi32, #tpu.memory_space<hbm>>) target(%dma_start3A_44 : memref<80xi32, #tpu.memory_space<vmem>>) target_semaphore(%run_scoped3A_37 : memref<!tpu.dma_semaphore, #tpu.memory_space<semaphore_mem>>)
        %dma_wait3A = arith.constant 0 : i32
        %dma_wait3A_46 = tpu.memref_slice %arg9[%run_scoped3A, %dma_wait3A] : memref<2x80xi32, #tpu.memory_space<vmem>> -> memref<1x80xi32, #tpu.memory_space<vmem>>
        %dma_wait3A_47 = tpu.memref_squeeze %dma_wait3A_46 : memref<1x80xi32, #tpu.memory_space<vmem>> -> memref<80xi32, #tpu.memory_space<vmem>>
        %dma_wait3A_48 = tpu.memref_slice %arg2[%multiple_of3A] : memref<320000xi32, #tpu.memory_space<hbm>> -> memref<80xi32, #tpu.memory_space<hbm>>
        %dma_wait3A_49 = arith.constant 0 : i32
        %dma_wait3A_50 = tpu.memref_slice %arg9[%run_scoped3A, %dma_wait3A_49] : memref<2x80xi32, #tpu.memory_space<vmem>> -> memref<1x80xi32, #tpu.memory_space<vmem>>
        %dma_wait3A_51 = tpu.memref_squeeze %dma_wait3A_50 : memref<1x80xi32, #tpu.memory_space<vmem>> -> memref<80xi32, #tpu.memory_space<vmem>>
        %dma_wait3A_52 = tpu.memref_slice %arg2[%multiple_of3A] : memref<320000xi32, #tpu.memory_space<hbm>> -> memref<80xi32, #tpu.memory_space<hbm>>
        tpu.wait_dma2 semaphore(%run_scoped3A_37 : memref<!tpu.dma_semaphore, #tpu.memory_space<semaphore_mem>>) src(%dma_wait3A_52 : memref<80xi32, #tpu.memory_space<hbm>>) dst(%dma_wait3A_51 : memref<80xi32, #tpu.memory_space<vmem>>)
        tpu.yield
      }) : () -> ()
      %run_scoped3A_10 = arith.constant 0 : i32
      "tpu.region"() ({
        %run_scoped3A_37 = tpu.sem_alloc : memref<!tpu.dma_semaphore, #tpu.memory_space<semaphore_mem>>
        %dma_start3A_38 = arith.constant 0 : i32
        %dma_start3A_39 = tpu.memref_slice %arg10[%run_scoped3A_10, %dma_start3A_38] : memref<2x80xi32, #tpu.memory_space<vmem>> -> memref<1x80xi32, #tpu.memory_space<vmem>>
        %dma_start3A_40 = tpu.memref_squeeze %dma_start3A_39 : memref<1x80xi32, #tpu.memory_space<vmem>> -> memref<80xi32, #tpu.memory_space<vmem>>
        %dma_start3A_41 = tpu.memref_slice %arg3[%multiple_of3A] : memref<320000xi32, #tpu.memory_space<hbm>> -> memref<80xi32, #tpu.memory_space<hbm>>
        %dma_start3A_42 = arith.constant 0 : i32
        %dma_start3A_43 = tpu.memref_slice %arg10[%run_scoped3A_10, %dma_start3A_42] : memref<2x80xi32, #tpu.memory_space<vmem>> -> memref<1x80xi32, #tpu.memory_space<vmem>>
        %dma_start3A_44 = tpu.memref_squeeze %dma_start3A_43 : memref<1x80xi32, #tpu.memory_space<vmem>> -> memref<80xi32, #tpu.memory_space<vmem>>
        %dma_start3A_45 = tpu.memref_slice %arg3[%multiple_of3A] : memref<320000xi32, #tpu.memory_space<hbm>> -> memref<80xi32, #tpu.memory_space<hbm>>
        tpu.enqueue_dma source(%dma_start3A_45 : memref<80xi32, #tpu.memory_space<hbm>>) target(%dma_start3A_44 : memref<80xi32, #tpu.memory_space<vmem>>) target_semaphore(%run_scoped3A_37 : memref<!tpu.dma_semaphore, #tpu.memory_space<semaphore_mem>>)
        %dma_wait3A = arith.constant 0 : i32
        %dma_wait3A_46 = tpu.memref_slice %arg10[%run_scoped3A_10, %dma_wait3A] : memref<2x80xi32, #tpu.memory_space<vmem>> -> memref<1x80xi32, #tpu.memory_space<vmem>>
        %dma_wait3A_47 = tpu.memref_squeeze %dma_wait3A_46 : memref<1x80xi32, #tpu.memory_space<vmem>> -> memref<80xi32, #tpu.memory_space<vmem>>
        %dma_wait3A_48 = tpu.memref_slice %arg3[%multiple_of3A] : memref<320000xi32, #tpu.memory_space<hbm>> -> memref<80xi32, #tpu.memory_space<hbm>>
        %dma_wait3A_49 = arith.constant 0 : i32
        %dma_wait3A_50 = tpu.memref_slice %arg10[%run_scoped3A_10, %dma_wait3A_49] : memref<2x80xi32, #tpu.memory_space<vmem>> -> memref<1x80xi32, #tpu.memory_space<vmem>>
        %dma_wait3A_51 = tpu.memref_squeeze %dma_wait3A_50 : memref<1x80xi32, #tpu.memory_space<vmem>> -> memref<80xi32, #tpu.memory_space<vmem>>
        %dma_wait3A_52 = tpu.memref_slice %arg3[%multiple_of3A] : memref<320000xi32, #tpu.memory_space<hbm>> -> memref<80xi32, #tpu.memory_space<hbm>>
        tpu.wait_dma2 semaphore(%run_scoped3A_37 : memref<!tpu.dma_semaphore, #tpu.memory_space<semaphore_mem>>) src(%dma_wait3A_52 : memref<80xi32, #tpu.memory_space<hbm>>) dst(%dma_wait3A_51 : memref<80xi32, #tpu.memory_space<vmem>>)
        tpu.yield
      }) : () -> ()
      %barrier3A = arith.constant 0 : index
      tpu.barrier barrier_id(%barrier3A)
      %dma_start3A = arith.constant 0 : i32
      %dma_start3A_11 = arith.constant 0 : i32
      %dma_start3A_12 = arith.constant 0 : i32
      %dma_start3A_13 = arith.constant 0 : i32
      %dma_start3A_14 = tpu.memref_slice %arg11[%dma_start3A_11, %dma_start3A_12, %dma_start3A_13] : memref<2x80x128xf32, #tpu.memory_space<vmem>> -> memref<1x80x128xf32, #tpu.memory_space<vmem>>
      %dma_start3A_15 = tpu.memref_squeeze %dma_start3A_14 : memref<1x80x128xf32, #tpu.memory_space<vmem>> -> memref<80x128xf32, #tpu.memory_space<vmem>>
      %dma_start3A_16 = arith.constant 0 : i32
      %dma_start3A_17 = tpu.memref_slice %arg9[%dma_start3A, %dma_start3A_16] : memref<2x80xi32, #tpu.memory_space<vmem>> -> memref<1x80xi32, #tpu.memory_space<vmem>>
      %dma_start3A_18 = tpu.memref_squeeze %dma_start3A_17 : memref<1x80xi32, #tpu.memory_space<vmem>> -> memref<80xi32, #tpu.memory_space<vmem>>
      %dma_start3A_19 = arith.constant 0 : i32
      %dma_start3A_20 = arith.constant 0 : i32
      %dma_start3A_21 = tpu.memref_slice %arg4[%dma_start3A_19, %dma_start3A_20] : memref<10240x128xf32, #tpu.memory_space<hbm>> -> memref<10240x128xf32, #tpu.memory_space<hbm>>
      tpu.enqueue_indirect_dma source(%dma_start3A_21 : memref<10240x128xf32, #tpu.memory_space<hbm>>) target(%dma_start3A_15 : memref<80x128xf32, #tpu.memory_space<vmem>>) offsets(%dma_start3A_18 : memref<80xi32, #tpu.memory_space<vmem>>) semaphore(%arg13 : memref<!tpu.dma_semaphore, #tpu.memory_space<semaphore_mem>>)
      %add3A = arith.constant 80 : i32
      %add3A_22 = arith.addi %multiple_of3A, %add3A : i32
      %run_scoped3A_23 = arith.constant 1 : i32
      "tpu.region"() ({
        %run_scoped3A_37 = tpu.sem_alloc : memref<!tpu.dma_semaphore, #tpu.memory_space<semaphore_mem>>
        %dma_start3A_38 = arith.constant 0 : i32
        %dma_start3A_39 = tpu.memref_slice %arg9[%run_scoped3A_23, %dma_start3A_38] : memref<2x80xi32, #tpu.memory_space<vmem>> -> memref<1x80xi32, #tpu.memory_space<vmem>>
        %dma_start3A_40 = tpu.memref_squeeze %dma_start3A_39 : memref<1x80xi32, #tpu.memory_space<vmem>> -> memref<80xi32, #tpu.memory_space<vmem>>
        %dma_start3A_41 = tpu.memref_slice %arg2[%add3A_22] : memref<320000xi32, #tpu.memory_space<hbm>> -> memref<80xi32, #tpu.memory_space<hbm>>
        %dma_start3A_42 = arith.constant 0 : i32
        %dma_start3A_43 = tpu.memref_slice %arg9[%run_scoped3A_23, %dma_start3A_42] : memref<2x80xi32, #tpu.memory_space<vmem>> -> memref<1x80xi32, #tpu.memory_space<vmem>>
        %dma_start3A_44 = tpu.memref_squeeze %dma_start3A_43 : memref<1x80xi32, #tpu.memory_space<vmem>> -> memref<80xi32, #tpu.memory_space<vmem>>
        %dma_start3A_45 = tpu.memref_slice %arg2[%add3A_22] : memref<320000xi32, #tpu.memory_space<hbm>> -> memref<80xi32, #tpu.memory_space<hbm>>
        tpu.enqueue_dma source(%dma_start3A_45 : memref<80xi32, #tpu.memory_space<hbm>>) target(%dma_start3A_44 : memref<80xi32, #tpu.memory_space<vmem>>) target_semaphore(%run_scoped3A_37 : memref<!tpu.dma_semaphore, #tpu.memory_space<semaphore_mem>>)
        %dma_wait3A = arith.constant 0 : i32
        %dma_wait3A_46 = tpu.memref_slice %arg9[%run_scoped3A_23, %dma_wait3A] : memref<2x80xi32, #tpu.memory_space<vmem>> -> memref<1x80xi32, #tpu.memory_space<vmem>>
        %dma_wait3A_47 = tpu.memref_squeeze %dma_wait3A_46 : memref<1x80xi32, #tpu.memory_space<vmem>> -> memref<80xi32, #tpu.memory_space<vmem>>
        %dma_wait3A_48 = tpu.memref_slice %arg2[%add3A_22] : memref<320000xi32, #tpu.memory_space<hbm>> -> memref<80xi32, #tpu.memory_space<hbm>>
        %dma_wait3A_49 = arith.constant 0 : i32
        %dma_wait3A_50 = tpu.memref_slice %arg9[%run_scoped3A_23, %dma_wait3A_49] : memref<2x80xi32, #tpu.memory_space<vmem>> -> memref<1x80xi32, #tpu.memory_space<vmem>>
        %dma_wait3A_51 = tpu.memref_squeeze %dma_wait3A_50 : memref<1x80xi32, #tpu.memory_space<vmem>> -> memref<80xi32, #tpu.memory_space<vmem>>
        %dma_wait3A_52 = tpu.memref_slice %arg2[%add3A_22] : memref<320000xi32, #tpu.memory_space<hbm>> -> memref<80xi32, #tpu.memory_space<hbm>>
        tpu.wait_dma2 semaphore(%run_scoped3A_37 : memref<!tpu.dma_semaphore, #tpu.memory_space<semaphore_mem>>) src(%dma_wait3A_52 : memref<80xi32, #tpu.memory_space<hbm>>) dst(%dma_wait3A_51 : memref<80xi32, #tpu.memory_space<vmem>>)
        tpu.yield
      }) : () -> ()
      %add3A_24 = arith.constant 80 : i32
      %add3A_25 = arith.addi %multiple_of3A, %add3A_24 : i32
      %run_scoped3A_26 = arith.constant 1 : i32
      "tpu.region"() ({
        %run_scoped3A_37 = tpu.sem_alloc : memref<!tpu.dma_semaphore, #tpu.memory_space<semaphore_mem>>
        %dma_start3A_38 = arith.constant 0 : i32
        %dma_start3A_39 = tpu.memref_slice %arg10[%run_scoped3A_26, %dma_start3A_38] : memref<2x80xi32, #tpu.memory_space<vmem>> -> memref<1x80xi32, #tpu.memory_space<vmem>>
        %dma_start3A_40 = tpu.memref_squeeze %dma_start3A_39 : memref<1x80xi32, #tpu.memory_space<vmem>> -> memref<80xi32, #tpu.memory_space<vmem>>
        %dma_start3A_41 = tpu.memref_slice %arg3[%add3A_25] : memref<320000xi32, #tpu.memory_space<hbm>> -> memref<80xi32, #tpu.memory_space<hbm>>
        %dma_start3A_42 = arith.constant 0 : i32
        %dma_start3A_43 = tpu.memref_slice %arg10[%run_scoped3A_26, %dma_start3A_42] : memref<2x80xi32, #tpu.memory_space<vmem>> -> memref<1x80xi32, #tpu.memory_space<vmem>>
        %dma_start3A_44 = tpu.memref_squeeze %dma_start3A_43 : memref<1x80xi32, #tpu.memory_space<vmem>> -> memref<80xi32, #tpu.memory_space<vmem>>
        %dma_start3A_45 = tpu.memref_slice %arg3[%add3A_25] : memref<320000xi32, #tpu.memory_space<hbm>> -> memref<80xi32, #tpu.memory_space<hbm>>
        tpu.enqueue_dma source(%dma_start3A_45 : memref<80xi32, #tpu.memory_space<hbm>>) target(%dma_start3A_44 : memref<80xi32, #tpu.memory_space<vmem>>) target_semaphore(%run_scoped3A_37 : memref<!tpu.dma_semaphore, #tpu.memory_space<semaphore_mem>>)
        %dma_wait3A = arith.constant 0 : i32
        %dma_wait3A_46 = tpu.memref_slice %arg10[%run_scoped3A_26, %dma_wait3A] : memref<2x80xi32, #tpu.memory_space<vmem>> -> memref<1x80xi32, #tpu.memory_space<vmem>>
        %dma_wait3A_47 = tpu.memref_squeeze %dma_wait3A_46 : memref<1x80xi32, #tpu.memory_space<vmem>> -> memref<80xi32, #tpu.memory_space<vmem>>
        %dma_wait3A_48 = tpu.memref_slice %arg3[%add3A_25] : memref<320000xi32, #tpu.memory_space<hbm>> -> memref<80xi32, #tpu.memory_space<hbm>>
        %dma_wait3A_49 = arith.constant 0 : i32
        %dma_wait3A_50 = tpu.memref_slice %arg10[%run_scoped3A_26, %dma_wait3A_49] : memref<2x80xi32, #tpu.memory_space<vmem>> -> memref<1x80xi32, #tpu.memory_space<vmem>>
        %dma_wait3A_51 = tpu.memref_squeeze %dma_wait3A_50 : memref<1x80xi32, #tpu.memory_space<vmem>> -> memref<80xi32, #tpu.memory_space<vmem>>
        %dma_wait3A_52 = tpu.memref_slice %arg3[%add3A_25] : memref<320000xi32, #tpu.memory_space<hbm>> -> memref<80xi32, #tpu.memory_space<hbm>>
        tpu.wait_dma2 semaphore(%run_scoped3A_37 : memref<!tpu.dma_semaphore, #tpu.memory_space<semaphore_mem>>) src(%dma_wait3A_52 : memref<80xi32, #tpu.memory_space<hbm>>) dst(%dma_wait3A_51 : memref<80xi32, #tpu.memory_space<vmem>>)
        tpu.yield
      }) : () -> ()
      %scan3A = arith.constant 0 : i32
      %scan3A_27 = arith.constant 0 : i32
      %scan3A_28 = arith.constant 125 : i32
      %scan3A_29 = arith.addi %scan3A_27, %scan3A_28 : i32
      %scan3A_30 = arith.constant 1 : i32
      scf.for %scan3A_37 = %scan3A_27 to %scan3A_29 step %scan3A_30  : i32 {
        %mul3A_38 = arith.constant 2 : i32
        %mul3A_39 = arith.muli %mul3A_38, %scan3A_37 : i32
        %add3A_40 = arith.constant 0 : i32
        %add3A_41 = arith.addi %mul3A_39, %add3A_40 : i32
        %dma_wait3A = arith.constant 0 : i32
        %dma_wait3A_42 = arith.constant 0 : i32
        %dma_wait3A_43 = arith.constant 0 : i32
        %dma_wait3A_44 = tpu.memref_slice %arg11[%dma_wait3A, %dma_wait3A_42, %dma_wait3A_43] : memref<2x80x128xf32, #tpu.memory_space<vmem>> -> memref<1x80x128xf32, #tpu.memory_space<vmem>>
        %dma_wait3A_45 = tpu.memref_squeeze %dma_wait3A_44 : memref<1x80x128xf32, #tpu.memory_space<vmem>> -> memref<80x128xf32, #tpu.memory_space<vmem>>
        %dma_wait3A_46 = arith.constant 0 : i32
        %dma_wait3A_47 = arith.constant 0 : i32
        %dma_wait3A_48 = tpu.memref_slice %arg4[%dma_wait3A_46, %dma_wait3A_47] : memref<10240x128xf32, #tpu.memory_space<hbm>> -> memref<80x128xf32, #tpu.memory_space<hbm>>
        %dma_wait3A_49 = arith.constant 0 : i32
        %dma_wait3A_50 = arith.constant 0 : i32
        %dma_wait3A_51 = tpu.memref_slice %arg11[%dma_wait3A, %dma_wait3A_49, %dma_wait3A_50] : memref<2x80x128xf32, #tpu.memory_space<vmem>> -> memref<1x80x128xf32, #tpu.memory_space<vmem>>
        %dma_wait3A_52 = tpu.memref_squeeze %dma_wait3A_51 : memref<1x80x128xf32, #tpu.memory_space<vmem>> -> memref<80x128xf32, #tpu.memory_space<vmem>>
        %dma_wait3A_53 = arith.constant 0 : i32
        %dma_wait3A_54 = arith.constant 0 : i32
        %dma_wait3A_55 = tpu.memref_slice %arg4[%dma_wait3A_53, %dma_wait3A_54] : memref<10240x128xf32, #tpu.memory_space<hbm>> -> memref<80x128xf32, #tpu.memory_space<hbm>>
        tpu.wait_dma2 semaphore(%arg13 : memref<!tpu.dma_semaphore, #tpu.memory_space<semaphore_mem>>) src(%dma_wait3A_55 : memref<80x128xf32, #tpu.memory_space<hbm>>) dst(%dma_wait3A_52 : memref<80x128xf32, #tpu.memory_space<vmem>>)
        %add3A_56 = arith.constant 1 : i32
        %add3A_57 = arith.addi %add3A_41, %add3A_56 : i32
        %lt3A = arith.constant 250 : i32
        %lt3A_58 = arith.cmpi slt, %add3A_57, %lt3A : i32
        %convert_element_type3A_59 = arith.extui %lt3A_58 : i1 to i32
        %cond3A_60 = arith.constant 0 : i32
        %cond3A_61 = arith.cmpi ne, %convert_element_type3A_59, %cond3A_60 : i32
        scf.if %cond3A_61 {
          %dma_start3A_106 = arith.constant 1 : i32
          %dma_start3A_107 = arith.constant 1 : i32
          %dma_start3A_108 = arith.constant 0 : i32
          %dma_start3A_109 = arith.constant 0 : i32
          %dma_start3A_110 = tpu.memref_slice %arg11[%dma_start3A_107, %dma_start3A_108, %dma_start3A_109] : memref<2x80x128xf32, #tpu.memory_space<vmem>> -> memref<1x80x128xf32, #tpu.memory_space<vmem>>
          %dma_start3A_111 = tpu.memref_squeeze %dma_start3A_110 : memref<1x80x128xf32, #tpu.memory_space<vmem>> -> memref<80x128xf32, #tpu.memory_space<vmem>>
          %dma_start3A_112 = arith.constant 0 : i32
          %dma_start3A_113 = tpu.memref_slice %arg9[%dma_start3A_106, %dma_start3A_112] : memref<2x80xi32, #tpu.memory_space<vmem>> -> memref<1x80xi32, #tpu.memory_space<vmem>>
          %dma_start3A_114 = tpu.memref_squeeze %dma_start3A_113 : memref<1x80xi32, #tpu.memory_space<vmem>> -> memref<80xi32, #tpu.memory_space<vmem>>
          %dma_start3A_115 = arith.constant 0 : i32
          %dma_start3A_116 = arith.constant 0 : i32
          %dma_start3A_117 = tpu.memref_slice %arg4[%dma_start3A_115, %dma_start3A_116] : memref<10240x128xf32, #tpu.memory_space<hbm>> -> memref<10240x128xf32, #tpu.memory_space<hbm>>
          tpu.enqueue_indirect_dma source(%dma_start3A_117 : memref<10240x128xf32, #tpu.memory_space<hbm>>) target(%dma_start3A_111 : memref<80x128xf32, #tpu.memory_space<vmem>>) offsets(%dma_start3A_114 : memref<80xi32, #tpu.memory_space<vmem>>) semaphore(%arg13 : memref<!tpu.dma_semaphore, #tpu.memory_space<semaphore_mem>>)
        } else {
        }
        %run_scoped3A_62 = arith.constant 0 : i32
        %run_scoped3A_63 = arith.constant 0 : i32
        "tpu.region"() ({
          %run_scoped3A_106 = tpu.sem_alloc : memref<!tpu.dma_semaphore, #tpu.memory_space<semaphore_mem>>
          %dma_start3A_107 = arith.constant 0 : i32
          %dma_start3A_108 = arith.constant 0 : i32
          %dma_start3A_109 = tpu.memref_slice %arg11[%run_scoped3A_62, %dma_start3A_107, %dma_start3A_108] : memref<2x80x128xf32, #tpu.memory_space<vmem>> -> memref<1x80x128xf32, #tpu.memory_space<vmem>>
          %dma_start3A_110 = tpu.memref_squeeze %dma_start3A_109 : memref<1x80x128xf32, #tpu.memory_space<vmem>> -> memref<80x128xf32, #tpu.memory_space<vmem>>
          %dma_start3A_111 = arith.constant 0 : i32
          %dma_start3A_112 = tpu.memref_slice %arg10[%run_scoped3A_63, %dma_start3A_111] : memref<2x80xi32, #tpu.memory_space<vmem>> -> memref<1x80xi32, #tpu.memory_space<vmem>>
          %dma_start3A_113 = tpu.memref_squeeze %dma_start3A_112 : memref<1x80xi32, #tpu.memory_space<vmem>> -> memref<80xi32, #tpu.memory_space<vmem>>
          %dma_start3A_114 = arith.constant 0 : i32
          %dma_start3A_115 = arith.constant 0 : i32
          %dma_start3A_116 = tpu.memref_slice %arg12[%dma_start3A_114, %dma_start3A_115] : memref<10240x128xf32, #tpu.memory_space<vmem_shared>> -> memref<10240x128xf32, #tpu.memory_space<vmem_shared>>
          tpu.enqueue_indirect_dma source(%dma_start3A_110 : memref<80x128xf32, #tpu.memory_space<vmem>>) target(%dma_start3A_116 : memref<10240x128xf32, #tpu.memory_space<vmem_shared>>) offsets(%dma_start3A_113 : memref<80xi32, #tpu.memory_space<vmem>>) semaphore(%run_scoped3A_106 : memref<!tpu.dma_semaphore, #tpu.memory_space<semaphore_mem>>) {add = true}
          %dma_wait3A_117 = arith.constant 0 : i32
          %dma_wait3A_118 = arith.constant 0 : i32
          %dma_wait3A_119 = tpu.memref_slice %arg11[%run_scoped3A_62, %dma_wait3A_117, %dma_wait3A_118] : memref<2x80x128xf32, #tpu.memory_space<vmem>> -> memref<1x80x128xf32, #tpu.memory_space<vmem>>
          %dma_wait3A_120 = tpu.memref_squeeze %dma_wait3A_119 : memref<1x80x128xf32, #tpu.memory_space<vmem>> -> memref<80x128xf32, #tpu.memory_space<vmem>>
          %dma_wait3A_121 = arith.constant 0 : i32
          %dma_wait3A_122 = tpu.memref_slice %arg10[%run_scoped3A_63, %dma_wait3A_121] : memref<2x80xi32, #tpu.memory_space<vmem>> -> memref<1x80xi32, #tpu.memory_space<vmem>>
          %dma_wait3A_123 = tpu.memref_squeeze %dma_wait3A_122 : memref<1x80xi32, #tpu.memory_space<vmem>> -> memref<80xi32, #tpu.memory_space<vmem>>
          %dma_wait3A_124 = arith.constant 0 : i32
          %dma_wait3A_125 = arith.constant 0 : i32
          %dma_wait3A_126 = tpu.memref_slice %arg12[%dma_wait3A_124, %dma_wait3A_125] : memref<10240x128xf32, #tpu.memory_space<vmem_shared>> -> memref<10240x128xf32, #tpu.memory_space<vmem_shared>>
          tpu.wait_indirect_dma semaphore(%run_scoped3A_106 : memref<!tpu.dma_semaphore, #tpu.memory_space<semaphore_mem>>) src(%dma_wait3A_120 : memref<80x128xf32, #tpu.memory_space<vmem>>) dst(%dma_wait3A_126 : memref<10240x128xf32, #tpu.memory_space<vmem_shared>>)
          tpu.yield
        }) : () -> ()
        %add3A_64 = arith.constant 2 : i32
        %add3A_65 = arith.addi %add3A_41, %add3A_64 : i32
        %lt3A_66 = arith.constant 250 : i32
        %lt3A_67 = arith.cmpi slt, %add3A_65, %lt3A_66 : i32
        %convert_element_type3A_68 = arith.extui %lt3A_67 : i1 to i32
        %cond3A_69 = arith.constant 0 : i32
        %cond3A_70 = arith.cmpi ne, %convert_element_type3A_68, %cond3A_69 : i32
        scf.if %cond3A_70 {
          %add3A_106 = arith.constant 2 : i32
          %add3A_107 = arith.addi %add3A_41, %add3A_106 : i32
          %mul3A_108 = arith.constant 80 : i32
          %mul3A_109 = arith.muli %add3A_107, %mul3A_108 : i32
          %add3A_110 = arith.addi %multiple_of3A, %mul3A_109 : i32
          %multiple_of3A_111 = tpu.assume_multiple %add3A_110, 8 : i32
          %dma_start3A_112 = arith.constant 0 : i32
          %dma_start3A_113 = arith.constant 0 : i32
          %dma_start3A_114 = tpu.memref_slice %arg9[%dma_start3A_112, %dma_start3A_113] : memref<2x80xi32, #tpu.memory_space<vmem>> -> memref<1x80xi32, #tpu.memory_space<vmem>>
          %dma_start3A_115 = tpu.memref_squeeze %dma_start3A_114 : memref<1x80xi32, #tpu.memory_space<vmem>> -> memref<80xi32, #tpu.memory_space<vmem>>
          %dma_start3A_116 = tpu.memref_slice %arg2[%multiple_of3A_111] : memref<320000xi32, #tpu.memory_space<hbm>> -> memref<80xi32, #tpu.memory_space<hbm>>
          %dma_start3A_117 = arith.constant 0 : i32
          %dma_start3A_118 = tpu.memref_slice %arg9[%dma_start3A_112, %dma_start3A_117] : memref<2x80xi32, #tpu.memory_space<vmem>> -> memref<1x80xi32, #tpu.memory_space<vmem>>
          %dma_start3A_119 = tpu.memref_squeeze %dma_start3A_118 : memref<1x80xi32, #tpu.memory_space<vmem>> -> memref<80xi32, #tpu.memory_space<vmem>>
          %dma_start3A_120 = tpu.memref_slice %arg2[%multiple_of3A_111] : memref<320000xi32, #tpu.memory_space<hbm>> -> memref<80xi32, #tpu.memory_space<hbm>>
          tpu.enqueue_dma source(%dma_start3A_120 : memref<80xi32, #tpu.memory_space<hbm>>) target(%dma_start3A_119 : memref<80xi32, #tpu.memory_space<vmem>>) target_semaphore(%arg14 : memref<!tpu.dma_semaphore, #tpu.memory_space<semaphore_mem>>)
          %dma_start3A_121 = arith.constant 0 : i32
          %dma_start3A_122 = arith.constant 0 : i32
          %dma_start3A_123 = tpu.memref_slice %arg10[%dma_start3A_121, %dma_start3A_122] : memref<2x80xi32, #tpu.memory_space<vmem>> -> memref<1x80xi32, #tpu.memory_space<vmem>>
          %dma_start3A_124 = tpu.memref_squeeze %dma_start3A_123 : memref<1x80xi32, #tpu.memory_space<vmem>> -> memref<80xi32, #tpu.memory_space<vmem>>
          %dma_start3A_125 = tpu.memref_slice %arg3[%multiple_of3A_111] : memref<320000xi32, #tpu.memory_space<hbm>> -> memref<80xi32, #tpu.memory_space<hbm>>
          %dma_start3A_126 = arith.constant 0 : i32
          %dma_start3A_127 = tpu.memref_slice %arg10[%dma_start3A_121, %dma_start3A_126] : memref<2x80xi32, #tpu.memory_space<vmem>> -> memref<1x80xi32, #tpu.memory_space<vmem>>
          %dma_start3A_128 = tpu.memref_squeeze %dma_start3A_127 : memref<1x80xi32, #tpu.memory_space<vmem>> -> memref<80xi32, #tpu.memory_space<vmem>>
          %dma_start3A_129 = tpu.memref_slice %arg3[%multiple_of3A_111] : memref<320000xi32, #tpu.memory_space<hbm>> -> memref<80xi32, #tpu.memory_space<hbm>>
          tpu.enqueue_dma source(%dma_start3A_129 : memref<80xi32, #tpu.memory_space<hbm>>) target(%dma_start3A_128 : memref<80xi32, #tpu.memory_space<vmem>>) target_semaphore(%arg14 : memref<!tpu.dma_semaphore, #tpu.memory_space<semaphore_mem>>)
          %dma_wait3A_130 = arith.constant 0 : i32
          %dma_wait3A_131 = arith.constant 0 : i32
          %dma_wait3A_132 = tpu.memref_slice %arg9[%dma_wait3A_130, %dma_wait3A_131] : memref<2x80xi32, #tpu.memory_space<vmem>> -> memref<1x80xi32, #tpu.memory_space<vmem>>
          %dma_wait3A_133 = tpu.memref_squeeze %dma_wait3A_132 : memref<1x80xi32, #tpu.memory_space<vmem>> -> memref<80xi32, #tpu.memory_space<vmem>>
          %dma_wait3A_134 = arith.constant 0 : i32
          %dma_wait3A_135 = tpu.memref_slice %arg2[%dma_wait3A_134] : memref<320000xi32, #tpu.memory_space<hbm>> -> memref<80xi32, #tpu.memory_space<hbm>>
          %dma_wait3A_136 = arith.constant 0 : i32
          %dma_wait3A_137 = tpu.memref_slice %arg9[%dma_wait3A_130, %dma_wait3A_136] : memref<2x80xi32, #tpu.memory_space<vmem>> -> memref<1x80xi32, #tpu.memory_space<vmem>>
          %dma_wait3A_138 = tpu.memref_squeeze %dma_wait3A_137 : memref<1x80xi32, #tpu.memory_space<vmem>> -> memref<80xi32, #tpu.memory_space<vmem>>
          %dma_wait3A_139 = arith.constant 0 : i32
          %dma_wait3A_140 = tpu.memref_slice %arg2[%dma_wait3A_139] : memref<320000xi32, #tpu.memory_space<hbm>> -> memref<80xi32, #tpu.memory_space<hbm>>
          tpu.wait_dma2 semaphore(%arg14 : memref<!tpu.dma_semaphore, #tpu.memory_space<semaphore_mem>>) src(%dma_wait3A_140 : memref<80xi32, #tpu.memory_space<hbm>>) dst(%dma_wait3A_138 : memref<80xi32, #tpu.memory_space<vmem>>)
          %dma_wait3A_141 = arith.constant 0 : i32
          %dma_wait3A_142 = arith.constant 0 : i32
          %dma_wait3A_143 = tpu.memref_slice %arg10[%dma_wait3A_141, %dma_wait3A_142] : memref<2x80xi32, #tpu.memory_space<vmem>> -> memref<1x80xi32, #tpu.memory_space<vmem>>
          %dma_wait3A_144 = tpu.memref_squeeze %dma_wait3A_143 : memref<1x80xi32, #tpu.memory_space<vmem>> -> memref<80xi32, #tpu.memory_space<vmem>>
          %dma_wait3A_145 = arith.constant 0 : i32
          %dma_wait3A_146 = tpu.memref_slice %arg3[%dma_wait3A_145] : memref<320000xi32, #tpu.memory_space<hbm>> -> memref<80xi32, #tpu.memory_space<hbm>>
          %dma_wait3A_147 = arith.constant 0 : i32
          %dma_wait3A_148 = tpu.memref_slice %arg10[%dma_wait3A_141, %dma_wait3A_147] : memref<2x80xi32, #tpu.memory_space<vmem>> -> memref<1x80xi32, #tpu.memory_space<vmem>>
          %dma_wait3A_149 = tpu.memref_squeeze %dma_wait3A_148 : memref<1x80xi32, #tpu.memory_space<vmem>> -> memref<80xi32, #tpu.memory_space<vmem>>
          %dma_wait3A_150 = arith.constant 0 : i32
          %dma_wait3A_151 = tpu.memref_slice %arg3[%dma_wait3A_150] : memref<320000xi32, #tpu.memory_space<hbm>> -> memref<80xi32, #tpu.memory_space<hbm>>
          tpu.wait_dma2 semaphore(%arg14 : memref<!tpu.dma_semaphore, #tpu.memory_space<semaphore_mem>>) src(%dma_wait3A_151 : memref<80xi32, #tpu.memory_space<hbm>>) dst(%dma_wait3A_149 : memref<80xi32, #tpu.memory_space<vmem>>)
        } else {
        }
        %mul3A_71 = arith.constant 2 : i32
        %mul3A_72 = arith.muli %mul3A_71, %scan3A_37 : i32
        %add3A_73 = arith.constant 1 : i32
        %add3A_74 = arith.addi %mul3A_72, %add3A_73 : i32
        %dma_wait3A_75 = arith.constant 1 : i32
        %dma_wait3A_76 = arith.constant 0 : i32
        %dma_wait3A_77 = arith.constant 0 : i32
        %dma_wait3A_78 = tpu.memref_slice %arg11[%dma_wait3A_75, %dma_wait3A_76, %dma_wait3A_77] : memref<2x80x128xf32, #tpu.memory_space<vmem>> -> memref<1x80x128xf32, #tpu.memory_space<vmem>>
        %dma_wait3A_79 = tpu.memref_squeeze %dma_wait3A_78 : memref<1x80x128xf32, #tpu.memory_space<vmem>> -> memref<80x128xf32, #tpu.memory_space<vmem>>
        %dma_wait3A_80 = arith.constant 0 : i32
        %dma_wait3A_81 = arith.constant 0 : i32
        %dma_wait3A_82 = tpu.memref_slice %arg4[%dma_wait3A_80, %dma_wait3A_81] : memref<10240x128xf32, #tpu.memory_space<hbm>> -> memref<80x128xf32, #tpu.memory_space<hbm>>
        %dma_wait3A_83 = arith.constant 0 : i32
        %dma_wait3A_84 = arith.constant 0 : i32
        %dma_wait3A_85 = tpu.memref_slice %arg11[%dma_wait3A_75, %dma_wait3A_83, %dma_wait3A_84] : memref<2x80x128xf32, #tpu.memory_space<vmem>> -> memref<1x80x128xf32, #tpu.memory_space<vmem>>
        %dma_wait3A_86 = tpu.memref_squeeze %dma_wait3A_85 : memref<1x80x128xf32, #tpu.memory_space<vmem>> -> memref<80x128xf32, #tpu.memory_space<vmem>>
        %dma_wait3A_87 = arith.constant 0 : i32
        %dma_wait3A_88 = arith.constant 0 : i32
        %dma_wait3A_89 = tpu.memref_slice %arg4[%dma_wait3A_87, %dma_wait3A_88] : memref<10240x128xf32, #tpu.memory_space<hbm>> -> memref<80x128xf32, #tpu.memory_space<hbm>>
        tpu.wait_dma2 semaphore(%arg13 : memref<!tpu.dma_semaphore, #tpu.memory_space<semaphore_mem>>) src(%dma_wait3A_89 : memref<80x128xf32, #tpu.memory_space<hbm>>) dst(%dma_wait3A_86 : memref<80x128xf32, #tpu.memory_space<vmem>>)
        %add3A_90 = arith.constant 1 : i32
        %add3A_91 = arith.addi %add3A_74, %add3A_90 : i32
        %lt3A_92 = arith.constant 250 : i32
        %lt3A_93 = arith.cmpi slt, %add3A_91, %lt3A_92 : i32
        %convert_element_type3A_94 = arith.extui %lt3A_93 : i1 to i32
        %cond3A_95 = arith.constant 0 : i32
        %cond3A_96 = arith.cmpi ne, %convert_element_type3A_94, %cond3A_95 : i32
        scf.if %cond3A_96 {
          %dma_start3A_106 = arith.constant 0 : i32
          %dma_start3A_107 = arith.constant 0 : i32
          %dma_start3A_108 = arith.constant 0 : i32
          %dma_start3A_109 = arith.constant 0 : i32
          %dma_start3A_110 = tpu.memref_slice %arg11[%dma_start3A_107, %dma_start3A_108, %dma_start3A_109] : memref<2x80x128xf32, #tpu.memory_space<vmem>> -> memref<1x80x128xf32, #tpu.memory_space<vmem>>
          %dma_start3A_111 = tpu.memref_squeeze %dma_start3A_110 : memref<1x80x128xf32, #tpu.memory_space<vmem>> -> memref<80x128xf32, #tpu.memory_space<vmem>>
          %dma_start3A_112 = arith.constant 0 : i32
          %dma_start3A_113 = tpu.memref_slice %arg9[%dma_start3A_106, %dma_start3A_112] : memref<2x80xi32, #tpu.memory_space<vmem>> -> memref<1x80xi32, #tpu.memory_space<vmem>>
          %dma_start3A_114 = tpu.memref_squeeze %dma_start3A_113 : memref<1x80xi32, #tpu.memory_space<vmem>> -> memref<80xi32, #tpu.memory_space<vmem>>
          %dma_start3A_115 = arith.constant 0 : i32
          %dma_start3A_116 = arith.constant 0 : i32
          %dma_start3A_117 = tpu.memref_slice %arg4[%dma_start3A_115, %dma_start3A_116] : memref<10240x128xf32, #tpu.memory_space<hbm>> -> memref<10240x128xf32, #tpu.memory_space<hbm>>
          tpu.enqueue_indirect_dma source(%dma_start3A_117 : memref<10240x128xf32, #tpu.memory_space<hbm>>) target(%dma_start3A_111 : memref<80x128xf32, #tpu.memory_space<vmem>>) offsets(%dma_start3A_114 : memref<80xi32, #tpu.memory_space<vmem>>) semaphore(%arg13 : memref<!tpu.dma_semaphore, #tpu.memory_space<semaphore_mem>>)
        } else {
        }
        %run_scoped3A_97 = arith.constant 1 : i32
        %run_scoped3A_98 = arith.constant 1 : i32
        "tpu.region"() ({
          %run_scoped3A_106 = tpu.sem_alloc : memref<!tpu.dma_semaphore, #tpu.memory_space<semaphore_mem>>
          %dma_start3A_107 = arith.constant 0 : i32
          %dma_start3A_108 = arith.constant 0 : i32
          %dma_start3A_109 = tpu.memref_slice %arg11[%run_scoped3A_97, %dma_start3A_107, %dma_start3A_108] : memref<2x80x128xf32, #tpu.memory_space<vmem>> -> memref<1x80x128xf32, #tpu.memory_space<vmem>>
          %dma_start3A_110 = tpu.memref_squeeze %dma_start3A_109 : memref<1x80x128xf32, #tpu.memory_space<vmem>> -> memref<80x128xf32, #tpu.memory_space<vmem>>
          %dma_start3A_111 = arith.constant 0 : i32
          %dma_start3A_112 = tpu.memref_slice %arg10[%run_scoped3A_98, %dma_start3A_111] : memref<2x80xi32, #tpu.memory_space<vmem>> -> memref<1x80xi32, #tpu.memory_space<vmem>>
          %dma_start3A_113 = tpu.memref_squeeze %dma_start3A_112 : memref<1x80xi32, #tpu.memory_space<vmem>> -> memref<80xi32, #tpu.memory_space<vmem>>
          %dma_start3A_114 = arith.constant 0 : i32
          %dma_start3A_115 = arith.constant 0 : i32
          %dma_start3A_116 = tpu.memref_slice %arg12[%dma_start3A_114, %dma_start3A_115] : memref<10240x128xf32, #tpu.memory_space<vmem_shared>> -> memref<10240x128xf32, #tpu.memory_space<vmem_shared>>
          tpu.enqueue_indirect_dma source(%dma_start3A_110 : memref<80x128xf32, #tpu.memory_space<vmem>>) target(%dma_start3A_116 : memref<10240x128xf32, #tpu.memory_space<vmem_shared>>) offsets(%dma_start3A_113 : memref<80xi32, #tpu.memory_space<vmem>>) semaphore(%run_scoped3A_106 : memref<!tpu.dma_semaphore, #tpu.memory_space<semaphore_mem>>) {add = true}
          %dma_wait3A_117 = arith.constant 0 : i32
          %dma_wait3A_118 = arith.constant 0 : i32
          %dma_wait3A_119 = tpu.memref_slice %arg11[%run_scoped3A_97, %dma_wait3A_117, %dma_wait3A_118] : memref<2x80x128xf32, #tpu.memory_space<vmem>> -> memref<1x80x128xf32, #tpu.memory_space<vmem>>
          %dma_wait3A_120 = tpu.memref_squeeze %dma_wait3A_119 : memref<1x80x128xf32, #tpu.memory_space<vmem>> -> memref<80x128xf32, #tpu.memory_space<vmem>>
          %dma_wait3A_121 = arith.constant 0 : i32
          %dma_wait3A_122 = tpu.memref_slice %arg10[%run_scoped3A_98, %dma_wait3A_121] : memref<2x80xi32, #tpu.memory_space<vmem>> -> memref<1x80xi32, #tpu.memory_space<vmem>>
          %dma_wait3A_123 = tpu.memref_squeeze %dma_wait3A_122 : memref<1x80xi32, #tpu.memory_space<vmem>> -> memref<80xi32, #tpu.memory_space<vmem>>
          %dma_wait3A_124 = arith.constant 0 : i32
          %dma_wait3A_125 = arith.constant 0 : i32
          %dma_wait3A_126 = tpu.memref_slice %arg12[%dma_wait3A_124, %dma_wait3A_125] : memref<10240x128xf32, #tpu.memory_space<vmem_shared>> -> memref<10240x128xf32, #tpu.memory_space<vmem_shared>>
          tpu.wait_indirect_dma semaphore(%run_scoped3A_106 : memref<!tpu.dma_semaphore, #tpu.memory_space<semaphore_mem>>) src(%dma_wait3A_120 : memref<80x128xf32, #tpu.memory_space<vmem>>) dst(%dma_wait3A_126 : memref<10240x128xf32, #tpu.memory_space<vmem_shared>>)
          tpu.yield
        }) : () -> ()
        %add3A_99 = arith.constant 2 : i32
        %add3A_100 = arith.addi %add3A_74, %add3A_99 : i32
        %lt3A_101 = arith.constant 250 : i32
        %lt3A_102 = arith.cmpi slt, %add3A_100, %lt3A_101 : i32
        %convert_element_type3A_103 = arith.extui %lt3A_102 : i1 to i32
        %cond3A_104 = arith.constant 0 : i32
        %cond3A_105 = arith.cmpi ne, %convert_element_type3A_103, %cond3A_104 : i32
        scf.if %cond3A_105 {
          %add3A_106 = arith.constant 2 : i32
          %add3A_107 = arith.addi %add3A_74, %add3A_106 : i32
          %mul3A_108 = arith.constant 80 : i32
          %mul3A_109 = arith.muli %add3A_107, %mul3A_108 : i32
          %add3A_110 = arith.addi %multiple_of3A, %mul3A_109 : i32
          %multiple_of3A_111 = tpu.assume_multiple %add3A_110, 8 : i32
          %dma_start3A_112 = arith.constant 1 : i32
          %dma_start3A_113 = arith.constant 0 : i32
          %dma_start3A_114 = tpu.memref_slice %arg9[%dma_start3A_112, %dma_start3A_113] : memref<2x80xi32, #tpu.memory_space<vmem>> -> memref<1x80xi32, #tpu.memory_space<vmem>>
          %dma_start3A_115 = tpu.memref_squeeze %dma_start3A_114 : memref<1x80xi32, #tpu.memory_space<vmem>> -> memref<80xi32, #tpu.memory_space<vmem>>
          %dma_start3A_116 = tpu.memref_slice %arg2[%multiple_of3A_111] : memref<320000xi32, #tpu.memory_space<hbm>> -> memref<80xi32, #tpu.memory_space<hbm>>
          %dma_start3A_117 = arith.constant 0 : i32
          %dma_start3A_118 = tpu.memref_slice %arg9[%dma_start3A_112, %dma_start3A_117] : memref<2x80xi32, #tpu.memory_space<vmem>> -> memref<1x80xi32, #tpu.memory_space<vmem>>
          %dma_start3A_119 = tpu.memref_squeeze %dma_start3A_118 : memref<1x80xi32, #tpu.memory_space<vmem>> -> memref<80xi32, #tpu.memory_space<vmem>>
          %dma_start3A_120 = tpu.memref_slice %arg2[%multiple_of3A_111] : memref<320000xi32, #tpu.memory_space<hbm>> -> memref<80xi32, #tpu.memory_space<hbm>>
          tpu.enqueue_dma source(%dma_start3A_120 : memref<80xi32, #tpu.memory_space<hbm>>) target(%dma_start3A_119 : memref<80xi32, #tpu.memory_space<vmem>>) target_semaphore(%arg14 : memref<!tpu.dma_semaphore, #tpu.memory_space<semaphore_mem>>)
          %dma_start3A_121 = arith.constant 1 : i32
          %dma_start3A_122 = arith.constant 0 : i32
          %dma_start3A_123 = tpu.memref_slice %arg10[%dma_start3A_121, %dma_start3A_122] : memref<2x80xi32, #tpu.memory_space<vmem>> -> memref<1x80xi32, #tpu.memory_space<vmem>>
          %dma_start3A_124 = tpu.memref_squeeze %dma_start3A_123 : memref<1x80xi32, #tpu.memory_space<vmem>> -> memref<80xi32, #tpu.memory_space<vmem>>
          %dma_start3A_125 = tpu.memref_slice %arg3[%multiple_of3A_111] : memref<320000xi32, #tpu.memory_space<hbm>> -> memref<80xi32, #tpu.memory_space<hbm>>
          %dma_start3A_126 = arith.constant 0 : i32
          %dma_start3A_127 = tpu.memref_slice %arg10[%dma_start3A_121, %dma_start3A_126] : memref<2x80xi32, #tpu.memory_space<vmem>> -> memref<1x80xi32, #tpu.memory_space<vmem>>
          %dma_start3A_128 = tpu.memref_squeeze %dma_start3A_127 : memref<1x80xi32, #tpu.memory_space<vmem>> -> memref<80xi32, #tpu.memory_space<vmem>>
          %dma_start3A_129 = tpu.memref_slice %arg3[%multiple_of3A_111] : memref<320000xi32, #tpu.memory_space<hbm>> -> memref<80xi32, #tpu.memory_space<hbm>>
          tpu.enqueue_dma source(%dma_start3A_129 : memref<80xi32, #tpu.memory_space<hbm>>) target(%dma_start3A_128 : memref<80xi32, #tpu.memory_space<vmem>>) target_semaphore(%arg14 : memref<!tpu.dma_semaphore, #tpu.memory_space<semaphore_mem>>)
          %dma_wait3A_130 = arith.constant 1 : i32
          %dma_wait3A_131 = arith.constant 0 : i32
          %dma_wait3A_132 = tpu.memref_slice %arg9[%dma_wait3A_130, %dma_wait3A_131] : memref<2x80xi32, #tpu.memory_space<vmem>> -> memref<1x80xi32, #tpu.memory_space<vmem>>
          %dma_wait3A_133 = tpu.memref_squeeze %dma_wait3A_132 : memref<1x80xi32, #tpu.memory_space<vmem>> -> memref<80xi32, #tpu.memory_space<vmem>>
          %dma_wait3A_134 = arith.constant 0 : i32
          %dma_wait3A_135 = tpu.memref_slice %arg2[%dma_wait3A_134] : memref<320000xi32, #tpu.memory_space<hbm>> -> memref<80xi32, #tpu.memory_space<hbm>>
          %dma_wait3A_136 = arith.constant 0 : i32
          %dma_wait3A_137 = tpu.memref_slice %arg9[%dma_wait3A_130, %dma_wait3A_136] : memref<2x80xi32, #tpu.memory_space<vmem>> -> memref<1x80xi32, #tpu.memory_space<vmem>>
          %dma_wait3A_138 = tpu.memref_squeeze %dma_wait3A_137 : memref<1x80xi32, #tpu.memory_space<vmem>> -> memref<80xi32, #tpu.memory_space<vmem>>
          %dma_wait3A_139 = arith.constant 0 : i32
          %dma_wait3A_140 = tpu.memref_slice %arg2[%dma_wait3A_139] : memref<320000xi32, #tpu.memory_space<hbm>> -> memref<80xi32, #tpu.memory_space<hbm>>
          tpu.wait_dma2 semaphore(%arg14 : memref<!tpu.dma_semaphore, #tpu.memory_space<semaphore_mem>>) src(%dma_wait3A_140 : memref<80xi32, #tpu.memory_space<hbm>>) dst(%dma_wait3A_138 : memref<80xi32, #tpu.memory_space<vmem>>)
          %dma_wait3A_141 = arith.constant 1 : i32
          %dma_wait3A_142 = arith.constant 0 : i32
          %dma_wait3A_143 = tpu.memref_slice %arg10[%dma_wait3A_141, %dma_wait3A_142] : memref<2x80xi32, #tpu.memory_space<vmem>> -> memref<1x80xi32, #tpu.memory_space<vmem>>
          %dma_wait3A_144 = tpu.memref_squeeze %dma_wait3A_143 : memref<1x80xi32, #tpu.memory_space<vmem>> -> memref<80xi32, #tpu.memory_space<vmem>>
          %dma_wait3A_145 = arith.constant 0 : i32
          %dma_wait3A_146 = tpu.memref_slice %arg3[%dma_wait3A_145] : memref<320000xi32, #tpu.memory_space<hbm>> -> memref<80xi32, #tpu.memory_space<hbm>>
          %dma_wait3A_147 = arith.constant 0 : i32
          %dma_wait3A_148 = tpu.memref_slice %arg10[%dma_wait3A_141, %dma_wait3A_147] : memref<2x80xi32, #tpu.memory_space<vmem>> -> memref<1x80xi32, #tpu.memory_space<vmem>>
          %dma_wait3A_149 = tpu.memref_squeeze %dma_wait3A_148 : memref<1x80xi32, #tpu.memory_space<vmem>> -> memref<80xi32, #tpu.memory_space<vmem>>
          %dma_wait3A_150 = arith.constant 0 : i32
          %dma_wait3A_151 = tpu.memref_slice %arg3[%dma_wait3A_150] : memref<320000xi32, #tpu.memory_space<hbm>> -> memref<80xi32, #tpu.memory_space<hbm>>
          tpu.wait_dma2 semaphore(%arg14 : memref<!tpu.dma_semaphore, #tpu.memory_space<semaphore_mem>>) src(%dma_wait3A_151 : memref<80xi32, #tpu.memory_space<hbm>>) dst(%dma_wait3A_149 : memref<80xi32, #tpu.memory_space<vmem>>)
        } else {
        }
      }
      %scan3A_31 = arith.constant 125 : i32
      %barrier3A_32 = arith.constant 0 : index
      tpu.barrier barrier_id(%barrier3A_32)
      %mul3A_33 = arith.constant 640 : i32
      %mul3A_34 = arith.muli %arg1, %mul3A_33 : i32
      %mul3A_35 = arith.constant 640 : i32
      %mul3A_36 = arith.muli %arg1, %mul3A_35 : i32
      "tpu.region"() ({
        %run_scoped3A_37 = tpu.sem_alloc : memref<!tpu.dma_semaphore, #tpu.memory_space<semaphore_mem>>
        %dma_start3A_38 = arith.constant 0 : i32
        %dma_start3A_39 = tpu.memref_slice %arg7[%mul3A_36, %dma_start3A_38] : memref<10240x128xf32, #tpu.memory_space<hbm>> -> memref<640x128xf32, #tpu.memory_space<hbm>>
        %dma_start3A_40 = arith.constant 0 : i32
        %dma_start3A_41 = tpu.memref_slice %arg12[%mul3A_34, %dma_start3A_40] : memref<10240x128xf32, #tpu.memory_space<vmem_shared>> -> memref<640x128xf32, #tpu.memory_space<vmem_shared>>
        tpu.enqueue_dma source(%dma_start3A_41 : memref<640x128xf32, #tpu.memory_space<vmem_shared>>) target(%dma_start3A_39 : memref<640x128xf32, #tpu.memory_space<hbm>>) target_semaphore(%run_scoped3A_37 : memref<!tpu.dma_semaphore, #tpu.memory_space<semaphore_mem>>)
        %dma_wait3A = arith.constant 0 : i32
        %dma_wait3A_42 = tpu.memref_slice %arg7[%mul3A_36, %dma_wait3A] : memref<10240x128xf32, #tpu.memory_space<hbm>> -> memref<640x128xf32, #tpu.memory_space<hbm>>
        %dma_wait3A_43 = arith.constant 0 : i32
        %dma_wait3A_44 = tpu.memref_slice %arg12[%mul3A_34, %dma_wait3A_43] : memref<10240x128xf32, #tpu.memory_space<vmem_shared>> -> memref<640x128xf32, #tpu.memory_space<vmem_shared>>
        tpu.wait_dma2 semaphore(%run_scoped3A_37 : memref<!tpu.dma_semaphore, #tpu.memory_space<semaphore_mem>>) src(%dma_wait3A_44 : memref<640x128xf32, #tpu.memory_space<vmem_shared>>) dst(%dma_wait3A_42 : memref<640x128xf32, #tpu.memory_space<hbm>>)
        tpu.yield
      }) : () -> ()
    } else {
    }
    %eq3A_3 = arith.constant 1 : i32
    %eq3A_4 = arith.cmpi eq, %arg0, %eq3A_3 : i32
    %convert_element_type3A_5 = arith.extui %eq3A_4 : i1 to i32
    %cond3A_6 = arith.constant 0 : i32
    %cond3A_7 = arith.cmpi ne, %convert_element_type3A_5, %cond3A_6 : i32
    scf.if %cond3A_7 {
      %mul3A_8 = arith.constant 640 : i32
      %mul3A_9 = arith.muli %arg1, %mul3A_8 : i32
      "tpu.region"() ({
        %run_scoped3A_37 = tpu.sem_alloc : memref<!tpu.dma_semaphore, #tpu.memory_space<semaphore_mem>>
        %dma_start3A_38 = arith.constant 0 : i32
        %dma_start3A_39 = tpu.memref_slice %arg12[%mul3A_9, %dma_start3A_38] : memref<10240x128xf32, #tpu.memory_space<vmem_shared>> -> memref<640x128xf32, #tpu.memory_space<vmem_shared>>
        tpu.enqueue_dma source(%arg6 : memref<640x128xf32, #tpu.memory_space<hbm>>) target(%dma_start3A_39 : memref<640x128xf32, #tpu.memory_space<vmem_shared>>) target_semaphore(%run_scoped3A_37 : memref<!tpu.dma_semaphore, #tpu.memory_space<semaphore_mem>>)
        %dma_wait3A = arith.constant 0 : i32
        %dma_wait3A_40 = tpu.memref_slice %arg12[%mul3A_9, %dma_wait3A] : memref<10240x128xf32, #tpu.memory_space<vmem_shared>> -> memref<640x128xf32, #tpu.memory_space<vmem_shared>>
        tpu.wait_dma2 semaphore(%run_scoped3A_37 : memref<!tpu.dma_semaphore, #tpu.memory_space<semaphore_mem>>) src(%arg6 : memref<640x128xf32, #tpu.memory_space<hbm>>) dst(%dma_wait3A_40 : memref<640x128xf32, #tpu.memory_space<vmem_shared>>)
        tpu.yield
      }) : () -> ()
      %run_scoped3A = arith.constant 0 : i32
      "tpu.region"() ({
        %run_scoped3A_37 = tpu.sem_alloc : memref<!tpu.dma_semaphore, #tpu.memory_space<semaphore_mem>>
        %dma_start3A_38 = arith.constant 0 : i32
        %dma_start3A_39 = tpu.memref_slice %arg9[%run_scoped3A, %dma_start3A_38] : memref<2x80xi32, #tpu.memory_space<vmem>> -> memref<1x80xi32, #tpu.memory_space<vmem>>
        %dma_start3A_40 = tpu.memref_squeeze %dma_start3A_39 : memref<1x80xi32, #tpu.memory_space<vmem>> -> memref<80xi32, #tpu.memory_space<vmem>>
        %dma_start3A_41 = tpu.memref_slice %arg2[%multiple_of3A] : memref<320000xi32, #tpu.memory_space<hbm>> -> memref<80xi32, #tpu.memory_space<hbm>>
        %dma_start3A_42 = arith.constant 0 : i32
        %dma_start3A_43 = tpu.memref_slice %arg9[%run_scoped3A, %dma_start3A_42] : memref<2x80xi32, #tpu.memory_space<vmem>> -> memref<1x80xi32, #tpu.memory_space<vmem>>
        %dma_start3A_44 = tpu.memref_squeeze %dma_start3A_43 : memref<1x80xi32, #tpu.memory_space<vmem>> -> memref<80xi32, #tpu.memory_space<vmem>>
        %dma_start3A_45 = tpu.memref_slice %arg2[%multiple_of3A] : memref<320000xi32, #tpu.memory_space<hbm>> -> memref<80xi32, #tpu.memory_space<hbm>>
        tpu.enqueue_dma source(%dma_start3A_45 : memref<80xi32, #tpu.memory_space<hbm>>) target(%dma_start3A_44 : memref<80xi32, #tpu.memory_space<vmem>>) target_semaphore(%run_scoped3A_37 : memref<!tpu.dma_semaphore, #tpu.memory_space<semaphore_mem>>)
        %dma_wait3A = arith.constant 0 : i32
        %dma_wait3A_46 = tpu.memref_slice %arg9[%run_scoped3A, %dma_wait3A] : memref<2x80xi32, #tpu.memory_space<vmem>> -> memref<1x80xi32, #tpu.memory_space<vmem>>
        %dma_wait3A_47 = tpu.memref_squeeze %dma_wait3A_46 : memref<1x80xi32, #tpu.memory_space<vmem>> -> memref<80xi32, #tpu.memory_space<vmem>>
        %dma_wait3A_48 = tpu.memref_slice %arg2[%multiple_of3A] : memref<320000xi32, #tpu.memory_space<hbm>> -> memref<80xi32, #tpu.memory_space<hbm>>
        %dma_wait3A_49 = arith.constant 0 : i32
        %dma_wait3A_50 = tpu.memref_slice %arg9[%run_scoped3A, %dma_wait3A_49] : memref<2x80xi32, #tpu.memory_space<vmem>> -> memref<1x80xi32, #tpu.memory_space<vmem>>
        %dma_wait3A_51 = tpu.memref_squeeze %dma_wait3A_50 : memref<1x80xi32, #tpu.memory_space<vmem>> -> memref<80xi32, #tpu.memory_space<vmem>>
        %dma_wait3A_52 = tpu.memref_slice %arg2[%multiple_of3A] : memref<320000xi32, #tpu.memory_space<hbm>> -> memref<80xi32, #tpu.memory_space<hbm>>
        tpu.wait_dma2 semaphore(%run_scoped3A_37 : memref<!tpu.dma_semaphore, #tpu.memory_space<semaphore_mem>>) src(%dma_wait3A_52 : memref<80xi32, #tpu.memory_space<hbm>>) dst(%dma_wait3A_51 : memref<80xi32, #tpu.memory_space<vmem>>)
        tpu.yield
      }) : () -> ()
      %run_scoped3A_10 = arith.constant 0 : i32
      "tpu.region"() ({
        %run_scoped3A_37 = tpu.sem_alloc : memref<!tpu.dma_semaphore, #tpu.memory_space<semaphore_mem>>
        %dma_start3A_38 = arith.constant 0 : i32
        %dma_start3A_39 = tpu.memref_slice %arg10[%run_scoped3A_10, %dma_start3A_38] : memref<2x80xi32, #tpu.memory_space<vmem>> -> memref<1x80xi32, #tpu.memory_space<vmem>>
        %dma_start3A_40 = tpu.memref_squeeze %dma_start3A_39 : memref<1x80xi32, #tpu.memory_space<vmem>> -> memref<80xi32, #tpu.memory_space<vmem>>
        %dma_start3A_41 = tpu.memref_slice %arg3[%multiple_of3A] : memref<320000xi32, #tpu.memory_space<hbm>> -> memref<80xi32, #tpu.memory_space<hbm>>
        %dma_start3A_42 = arith.constant 0 : i32
        %dma_start3A_43 = tpu.memref_slice %arg10[%run_scoped3A_10, %dma_start3A_42] : memref<2x80xi32, #tpu.memory_space<vmem>> -> memref<1x80xi32, #tpu.memory_space<vmem>>
        %dma_start3A_44 = tpu.memref_squeeze %dma_start3A_43 : memref<1x80xi32, #tpu.memory_space<vmem>> -> memref<80xi32, #tpu.memory_space<vmem>>
        %dma_start3A_45 = tpu.memref_slice %arg3[%multiple_of3A] : memref<320000xi32, #tpu.memory_space<hbm>> -> memref<80xi32, #tpu.memory_space<hbm>>
        tpu.enqueue_dma source(%dma_start3A_45 : memref<80xi32, #tpu.memory_space<hbm>>) target(%dma_start3A_44 : memref<80xi32, #tpu.memory_space<vmem>>) target_semaphore(%run_scoped3A_37 : memref<!tpu.dma_semaphore, #tpu.memory_space<semaphore_mem>>)
        %dma_wait3A = arith.constant 0 : i32
        %dma_wait3A_46 = tpu.memref_slice %arg10[%run_scoped3A_10, %dma_wait3A] : memref<2x80xi32, #tpu.memory_space<vmem>> -> memref<1x80xi32, #tpu.memory_space<vmem>>
        %dma_wait3A_47 = tpu.memref_squeeze %dma_wait3A_46 : memref<1x80xi32, #tpu.memory_space<vmem>> -> memref<80xi32, #tpu.memory_space<vmem>>
        %dma_wait3A_48 = tpu.memref_slice %arg3[%multiple_of3A] : memref<320000xi32, #tpu.memory_space<hbm>> -> memref<80xi32, #tpu.memory_space<hbm>>
        %dma_wait3A_49 = arith.constant 0 : i32
        %dma_wait3A_50 = tpu.memref_slice %arg10[%run_scoped3A_10, %dma_wait3A_49] : memref<2x80xi32, #tpu.memory_space<vmem>> -> memref<1x80xi32, #tpu.memory_space<vmem>>
        %dma_wait3A_51 = tpu.memref_squeeze %dma_wait3A_50 : memref<1x80xi32, #tpu.memory_space<vmem>> -> memref<80xi32, #tpu.memory_space<vmem>>
        %dma_wait3A_52 = tpu.memref_slice %arg3[%multiple_of3A] : memref<320000xi32, #tpu.memory_space<hbm>> -> memref<80xi32, #tpu.memory_space<hbm>>
        tpu.wait_dma2 semaphore(%run_scoped3A_37 : memref<!tpu.dma_semaphore, #tpu.memory_space<semaphore_mem>>) src(%dma_wait3A_52 : memref<80xi32, #tpu.memory_space<hbm>>) dst(%dma_wait3A_51 : memref<80xi32, #tpu.memory_space<vmem>>)
        tpu.yield
      }) : () -> ()
      %barrier3A = arith.constant 0 : index
      tpu.barrier barrier_id(%barrier3A)
      %dma_start3A = arith.constant 0 : i32
      %dma_start3A_11 = arith.constant 0 : i32
      %dma_start3A_12 = arith.constant 0 : i32
      %dma_start3A_13 = arith.constant 0 : i32
      %dma_start3A_14 = tpu.memref_slice %arg11[%dma_start3A_11, %dma_start3A_12, %dma_start3A_13] : memref<2x80x128xf32, #tpu.memory_space<vmem>> -> memref<1x80x128xf32, #tpu.memory_space<vmem>>
      %dma_start3A_15 = tpu.memref_squeeze %dma_start3A_14 : memref<1x80x128xf32, #tpu.memory_space<vmem>> -> memref<80x128xf32, #tpu.memory_space<vmem>>
      %dma_start3A_16 = arith.constant 0 : i32
      %dma_start3A_17 = tpu.memref_slice %arg9[%dma_start3A, %dma_start3A_16] : memref<2x80xi32, #tpu.memory_space<vmem>> -> memref<1x80xi32, #tpu.memory_space<vmem>>
      %dma_start3A_18 = tpu.memref_squeeze %dma_start3A_17 : memref<1x80xi32, #tpu.memory_space<vmem>> -> memref<80xi32, #tpu.memory_space<vmem>>
      %dma_start3A_19 = arith.constant 0 : i32
      %dma_start3A_20 = arith.constant 0 : i32
      %dma_start3A_21 = tpu.memref_slice %arg5[%dma_start3A_19, %dma_start3A_20] : memref<10240x128xf32, #tpu.memory_space<hbm>> -> memref<10240x128xf32, #tpu.memory_space<hbm>>
      tpu.enqueue_indirect_dma source(%dma_start3A_21 : memref<10240x128xf32, #tpu.memory_space<hbm>>) target(%dma_start3A_15 : memref<80x128xf32, #tpu.memory_space<vmem>>) offsets(%dma_start3A_18 : memref<80xi32, #tpu.memory_space<vmem>>) semaphore(%arg13 : memref<!tpu.dma_semaphore, #tpu.memory_space<semaphore_mem>>)
      %add3A = arith.constant 80 : i32
      %add3A_22 = arith.addi %multiple_of3A, %add3A : i32
      %run_scoped3A_23 = arith.constant 1 : i32
      "tpu.region"() ({
        %run_scoped3A_37 = tpu.sem_alloc : memref<!tpu.dma_semaphore, #tpu.memory_space<semaphore_mem>>
        %dma_start3A_38 = arith.constant 0 : i32
        %dma_start3A_39 = tpu.memref_slice %arg9[%run_scoped3A_23, %dma_start3A_38] : memref<2x80xi32, #tpu.memory_space<vmem>> -> memref<1x80xi32, #tpu.memory_space<vmem>>
        %dma_start3A_40 = tpu.memref_squeeze %dma_start3A_39 : memref<1x80xi32, #tpu.memory_space<vmem>> -> memref<80xi32, #tpu.memory_space<vmem>>
        %dma_start3A_41 = tpu.memref_slice %arg2[%add3A_22] : memref<320000xi32, #tpu.memory_space<hbm>> -> memref<80xi32, #tpu.memory_space<hbm>>
        %dma_start3A_42 = arith.constant 0 : i32
        %dma_start3A_43 = tpu.memref_slice %arg9[%run_scoped3A_23, %dma_start3A_42] : memref<2x80xi32, #tpu.memory_space<vmem>> -> memref<1x80xi32, #tpu.memory_space<vmem>>
        %dma_start3A_44 = tpu.memref_squeeze %dma_start3A_43 : memref<1x80xi32, #tpu.memory_space<vmem>> -> memref<80xi32, #tpu.memory_space<vmem>>
        %dma_start3A_45 = tpu.memref_slice %arg2[%add3A_22] : memref<320000xi32, #tpu.memory_space<hbm>> -> memref<80xi32, #tpu.memory_space<hbm>>
        tpu.enqueue_dma source(%dma_start3A_45 : memref<80xi32, #tpu.memory_space<hbm>>) target(%dma_start3A_44 : memref<80xi32, #tpu.memory_space<vmem>>) target_semaphore(%run_scoped3A_37 : memref<!tpu.dma_semaphore, #tpu.memory_space<semaphore_mem>>)
        %dma_wait3A = arith.constant 0 : i32
        %dma_wait3A_46 = tpu.memref_slice %arg9[%run_scoped3A_23, %dma_wait3A] : memref<2x80xi32, #tpu.memory_space<vmem>> -> memref<1x80xi32, #tpu.memory_space<vmem>>
        %dma_wait3A_47 = tpu.memref_squeeze %dma_wait3A_46 : memref<1x80xi32, #tpu.memory_space<vmem>> -> memref<80xi32, #tpu.memory_space<vmem>>
        %dma_wait3A_48 = tpu.memref_slice %arg2[%add3A_22] : memref<320000xi32, #tpu.memory_space<hbm>> -> memref<80xi32, #tpu.memory_space<hbm>>
        %dma_wait3A_49 = arith.constant 0 : i32
        %dma_wait3A_50 = tpu.memref_slice %arg9[%run_scoped3A_23, %dma_wait3A_49] : memref<2x80xi32, #tpu.memory_space<vmem>> -> memref<1x80xi32, #tpu.memory_space<vmem>>
        %dma_wait3A_51 = tpu.memref_squeeze %dma_wait3A_50 : memref<1x80xi32, #tpu.memory_space<vmem>> -> memref<80xi32, #tpu.memory_space<vmem>>
        %dma_wait3A_52 = tpu.memref_slice %arg2[%add3A_22] : memref<320000xi32, #tpu.memory_space<hbm>> -> memref<80xi32, #tpu.memory_space<hbm>>
        tpu.wait_dma2 semaphore(%run_scoped3A_37 : memref<!tpu.dma_semaphore, #tpu.memory_space<semaphore_mem>>) src(%dma_wait3A_52 : memref<80xi32, #tpu.memory_space<hbm>>) dst(%dma_wait3A_51 : memref<80xi32, #tpu.memory_space<vmem>>)
        tpu.yield
      }) : () -> ()
      %add3A_24 = arith.constant 80 : i32
      %add3A_25 = arith.addi %multiple_of3A, %add3A_24 : i32
      %run_scoped3A_26 = arith.constant 1 : i32
      "tpu.region"() ({
        %run_scoped3A_37 = tpu.sem_alloc : memref<!tpu.dma_semaphore, #tpu.memory_space<semaphore_mem>>
        %dma_start3A_38 = arith.constant 0 : i32
        %dma_start3A_39 = tpu.memref_slice %arg10[%run_scoped3A_26, %dma_start3A_38] : memref<2x80xi32, #tpu.memory_space<vmem>> -> memref<1x80xi32, #tpu.memory_space<vmem>>
        %dma_start3A_40 = tpu.memref_squeeze %dma_start3A_39 : memref<1x80xi32, #tpu.memory_space<vmem>> -> memref<80xi32, #tpu.memory_space<vmem>>
        %dma_start3A_41 = tpu.memref_slice %arg3[%add3A_25] : memref<320000xi32, #tpu.memory_space<hbm>> -> memref<80xi32, #tpu.memory_space<hbm>>
        %dma_start3A_42 = arith.constant 0 : i32
        %dma_start3A_43 = tpu.memref_slice %arg10[%run_scoped3A_26, %dma_start3A_42] : memref<2x80xi32, #tpu.memory_space<vmem>> -> memref<1x80xi32, #tpu.memory_space<vmem>>
        %dma_start3A_44 = tpu.memref_squeeze %dma_start3A_43 : memref<1x80xi32, #tpu.memory_space<vmem>> -> memref<80xi32, #tpu.memory_space<vmem>>
        %dma_start3A_45 = tpu.memref_slice %arg3[%add3A_25] : memref<320000xi32, #tpu.memory_space<hbm>> -> memref<80xi32, #tpu.memory_space<hbm>>
        tpu.enqueue_dma source(%dma_start3A_45 : memref<80xi32, #tpu.memory_space<hbm>>) target(%dma_start3A_44 : memref<80xi32, #tpu.memory_space<vmem>>) target_semaphore(%run_scoped3A_37 : memref<!tpu.dma_semaphore, #tpu.memory_space<semaphore_mem>>)
        %dma_wait3A = arith.constant 0 : i32
        %dma_wait3A_46 = tpu.memref_slice %arg10[%run_scoped3A_26, %dma_wait3A] : memref<2x80xi32, #tpu.memory_space<vmem>> -> memref<1x80xi32, #tpu.memory_space<vmem>>
        %dma_wait3A_47 = tpu.memref_squeeze %dma_wait3A_46 : memref<1x80xi32, #tpu.memory_space<vmem>> -> memref<80xi32, #tpu.memory_space<vmem>>
        %dma_wait3A_48 = tpu.memref_slice %arg3[%add3A_25] : memref<320000xi32, #tpu.memory_space<hbm>> -> memref<80xi32, #tpu.memory_space<hbm>>
        %dma_wait3A_49 = arith.constant 0 : i32
        %dma_wait3A_50 = tpu.memref_slice %arg10[%run_scoped3A_26, %dma_wait3A_49] : memref<2x80xi32, #tpu.memory_space<vmem>> -> memref<1x80xi32, #tpu.memory_space<vmem>>
        %dma_wait3A_51 = tpu.memref_squeeze %dma_wait3A_50 : memref<1x80xi32, #tpu.memory_space<vmem>> -> memref<80xi32, #tpu.memory_space<vmem>>
        %dma_wait3A_52 = tpu.memref_slice %arg3[%add3A_25] : memref<320000xi32, #tpu.memory_space<hbm>> -> memref<80xi32, #tpu.memory_space<hbm>>
        tpu.wait_dma2 semaphore(%run_scoped3A_37 : memref<!tpu.dma_semaphore, #tpu.memory_space<semaphore_mem>>) src(%dma_wait3A_52 : memref<80xi32, #tpu.memory_space<hbm>>) dst(%dma_wait3A_51 : memref<80xi32, #tpu.memory_space<vmem>>)
        tpu.yield
      }) : () -> ()
      %scan3A = arith.constant 0 : i32
      %scan3A_27 = arith.constant 0 : i32
      %scan3A_28 = arith.constant 125 : i32
      %scan3A_29 = arith.addi %scan3A_27, %scan3A_28 : i32
      %scan3A_30 = arith.constant 1 : i32
      scf.for %scan3A_37 = %scan3A_27 to %scan3A_29 step %scan3A_30  : i32 {
        %mul3A_38 = arith.constant 2 : i32
        %mul3A_39 = arith.muli %mul3A_38, %scan3A_37 : i32
        %add3A_40 = arith.constant 0 : i32
        %add3A_41 = arith.addi %mul3A_39, %add3A_40 : i32
        %dma_wait3A = arith.constant 0 : i32
        %dma_wait3A_42 = arith.constant 0 : i32
        %dma_wait3A_43 = arith.constant 0 : i32
        %dma_wait3A_44 = tpu.memref_slice %arg11[%dma_wait3A, %dma_wait3A_42, %dma_wait3A_43] : memref<2x80x128xf32, #tpu.memory_space<vmem>> -> memref<1x80x128xf32, #tpu.memory_space<vmem>>
        %dma_wait3A_45 = tpu.memref_squeeze %dma_wait3A_44 : memref<1x80x128xf32, #tpu.memory_space<vmem>> -> memref<80x128xf32, #tpu.memory_space<vmem>>
        %dma_wait3A_46 = arith.constant 0 : i32
        %dma_wait3A_47 = arith.constant 0 : i32
        %dma_wait3A_48 = tpu.memref_slice %arg5[%dma_wait3A_46, %dma_wait3A_47] : memref<10240x128xf32, #tpu.memory_space<hbm>> -> memref<80x128xf32, #tpu.memory_space<hbm>>
        %dma_wait3A_49 = arith.constant 0 : i32
        %dma_wait3A_50 = arith.constant 0 : i32
        %dma_wait3A_51 = tpu.memref_slice %arg11[%dma_wait3A, %dma_wait3A_49, %dma_wait3A_50] : memref<2x80x128xf32, #tpu.memory_space<vmem>> -> memref<1x80x128xf32, #tpu.memory_space<vmem>>
        %dma_wait3A_52 = tpu.memref_squeeze %dma_wait3A_51 : memref<1x80x128xf32, #tpu.memory_space<vmem>> -> memref<80x128xf32, #tpu.memory_space<vmem>>
        %dma_wait3A_53 = arith.constant 0 : i32
        %dma_wait3A_54 = arith.constant 0 : i32
        %dma_wait3A_55 = tpu.memref_slice %arg5[%dma_wait3A_53, %dma_wait3A_54] : memref<10240x128xf32, #tpu.memory_space<hbm>> -> memref<80x128xf32, #tpu.memory_space<hbm>>
        tpu.wait_dma2 semaphore(%arg13 : memref<!tpu.dma_semaphore, #tpu.memory_space<semaphore_mem>>) src(%dma_wait3A_55 : memref<80x128xf32, #tpu.memory_space<hbm>>) dst(%dma_wait3A_52 : memref<80x128xf32, #tpu.memory_space<vmem>>)
        %add3A_56 = arith.constant 1 : i32
        %add3A_57 = arith.addi %add3A_41, %add3A_56 : i32
        %lt3A = arith.constant 250 : i32
        %lt3A_58 = arith.cmpi slt, %add3A_57, %lt3A : i32
        %convert_element_type3A_59 = arith.extui %lt3A_58 : i1 to i32
        %cond3A_60 = arith.constant 0 : i32
        %cond3A_61 = arith.cmpi ne, %convert_element_type3A_59, %cond3A_60 : i32
        scf.if %cond3A_61 {
          %dma_start3A_106 = arith.constant 1 : i32
          %dma_start3A_107 = arith.constant 1 : i32
          %dma_start3A_108 = arith.constant 0 : i32
          %dma_start3A_109 = arith.constant 0 : i32
          %dma_start3A_110 = tpu.memref_slice %arg11[%dma_start3A_107, %dma_start3A_108, %dma_start3A_109] : memref<2x80x128xf32, #tpu.memory_space<vmem>> -> memref<1x80x128xf32, #tpu.memory_space<vmem>>
          %dma_start3A_111 = tpu.memref_squeeze %dma_start3A_110 : memref<1x80x128xf32, #tpu.memory_space<vmem>> -> memref<80x128xf32, #tpu.memory_space<vmem>>
          %dma_start3A_112 = arith.constant 0 : i32
          %dma_start3A_113 = tpu.memref_slice %arg9[%dma_start3A_106, %dma_start3A_112] : memref<2x80xi32, #tpu.memory_space<vmem>> -> memref<1x80xi32, #tpu.memory_space<vmem>>
          %dma_start3A_114 = tpu.memref_squeeze %dma_start3A_113 : memref<1x80xi32, #tpu.memory_space<vmem>> -> memref<80xi32, #tpu.memory_space<vmem>>
          %dma_start3A_115 = arith.constant 0 : i32
          %dma_start3A_116 = arith.constant 0 : i32
          %dma_start3A_117 = tpu.memref_slice %arg5[%dma_start3A_115, %dma_start3A_116] : memref<10240x128xf32, #tpu.memory_space<hbm>> -> memref<10240x128xf32, #tpu.memory_space<hbm>>
          tpu.enqueue_indirect_dma source(%dma_start3A_117 : memref<10240x128xf32, #tpu.memory_space<hbm>>) target(%dma_start3A_111 : memref<80x128xf32, #tpu.memory_space<vmem>>) offsets(%dma_start3A_114 : memref<80xi32, #tpu.memory_space<vmem>>) semaphore(%arg13 : memref<!tpu.dma_semaphore, #tpu.memory_space<semaphore_mem>>)
        } else {
        }
        %run_scoped3A_62 = arith.constant 0 : i32
        %run_scoped3A_63 = arith.constant 0 : i32
        "tpu.region"() ({
          %run_scoped3A_106 = tpu.sem_alloc : memref<!tpu.dma_semaphore, #tpu.memory_space<semaphore_mem>>
          %dma_start3A_107 = arith.constant 0 : i32
          %dma_start3A_108 = arith.constant 0 : i32
          %dma_start3A_109 = tpu.memref_slice %arg11[%run_scoped3A_62, %dma_start3A_107, %dma_start3A_108] : memref<2x80x128xf32, #tpu.memory_space<vmem>> -> memref<1x80x128xf32, #tpu.memory_space<vmem>>
          %dma_start3A_110 = tpu.memref_squeeze %dma_start3A_109 : memref<1x80x128xf32, #tpu.memory_space<vmem>> -> memref<80x128xf32, #tpu.memory_space<vmem>>
          %dma_start3A_111 = arith.constant 0 : i32
          %dma_start3A_112 = tpu.memref_slice %arg10[%run_scoped3A_63, %dma_start3A_111] : memref<2x80xi32, #tpu.memory_space<vmem>> -> memref<1x80xi32, #tpu.memory_space<vmem>>
          %dma_start3A_113 = tpu.memref_squeeze %dma_start3A_112 : memref<1x80xi32, #tpu.memory_space<vmem>> -> memref<80xi32, #tpu.memory_space<vmem>>
          %dma_start3A_114 = arith.constant 0 : i32
          %dma_start3A_115 = arith.constant 0 : i32
          %dma_start3A_116 = tpu.memref_slice %arg12[%dma_start3A_114, %dma_start3A_115] : memref<10240x128xf32, #tpu.memory_space<vmem_shared>> -> memref<10240x128xf32, #tpu.memory_space<vmem_shared>>
          tpu.enqueue_indirect_dma source(%dma_start3A_110 : memref<80x128xf32, #tpu.memory_space<vmem>>) target(%dma_start3A_116 : memref<10240x128xf32, #tpu.memory_space<vmem_shared>>) offsets(%dma_start3A_113 : memref<80xi32, #tpu.memory_space<vmem>>) semaphore(%run_scoped3A_106 : memref<!tpu.dma_semaphore, #tpu.memory_space<semaphore_mem>>) {add = true}
          %dma_wait3A_117 = arith.constant 0 : i32
          %dma_wait3A_118 = arith.constant 0 : i32
          %dma_wait3A_119 = tpu.memref_slice %arg11[%run_scoped3A_62, %dma_wait3A_117, %dma_wait3A_118] : memref<2x80x128xf32, #tpu.memory_space<vmem>> -> memref<1x80x128xf32, #tpu.memory_space<vmem>>
          %dma_wait3A_120 = tpu.memref_squeeze %dma_wait3A_119 : memref<1x80x128xf32, #tpu.memory_space<vmem>> -> memref<80x128xf32, #tpu.memory_space<vmem>>
          %dma_wait3A_121 = arith.constant 0 : i32
          %dma_wait3A_122 = tpu.memref_slice %arg10[%run_scoped3A_63, %dma_wait3A_121] : memref<2x80xi32, #tpu.memory_space<vmem>> -> memref<1x80xi32, #tpu.memory_space<vmem>>
          %dma_wait3A_123 = tpu.memref_squeeze %dma_wait3A_122 : memref<1x80xi32, #tpu.memory_space<vmem>> -> memref<80xi32, #tpu.memory_space<vmem>>
          %dma_wait3A_124 = arith.constant 0 : i32
          %dma_wait3A_125 = arith.constant 0 : i32
          %dma_wait3A_126 = tpu.memref_slice %arg12[%dma_wait3A_124, %dma_wait3A_125] : memref<10240x128xf32, #tpu.memory_space<vmem_shared>> -> memref<10240x128xf32, #tpu.memory_space<vmem_shared>>
          tpu.wait_indirect_dma semaphore(%run_scoped3A_106 : memref<!tpu.dma_semaphore, #tpu.memory_space<semaphore_mem>>) src(%dma_wait3A_120 : memref<80x128xf32, #tpu.memory_space<vmem>>) dst(%dma_wait3A_126 : memref<10240x128xf32, #tpu.memory_space<vmem_shared>>)
          tpu.yield
        }) : () -> ()
        %add3A_64 = arith.constant 2 : i32
        %add3A_65 = arith.addi %add3A_41, %add3A_64 : i32
        %lt3A_66 = arith.constant 250 : i32
        %lt3A_67 = arith.cmpi slt, %add3A_65, %lt3A_66 : i32
        %convert_element_type3A_68 = arith.extui %lt3A_67 : i1 to i32
        %cond3A_69 = arith.constant 0 : i32
        %cond3A_70 = arith.cmpi ne, %convert_element_type3A_68, %cond3A_69 : i32
        scf.if %cond3A_70 {
          %add3A_106 = arith.constant 2 : i32
          %add3A_107 = arith.addi %add3A_41, %add3A_106 : i32
          %mul3A_108 = arith.constant 80 : i32
          %mul3A_109 = arith.muli %add3A_107, %mul3A_108 : i32
          %add3A_110 = arith.addi %multiple_of3A, %mul3A_109 : i32
          %multiple_of3A_111 = tpu.assume_multiple %add3A_110, 8 : i32
          %dma_start3A_112 = arith.constant 0 : i32
          %dma_start3A_113 = arith.constant 0 : i32
          %dma_start3A_114 = tpu.memref_slice %arg9[%dma_start3A_112, %dma_start3A_113] : memref<2x80xi32, #tpu.memory_space<vmem>> -> memref<1x80xi32, #tpu.memory_space<vmem>>
          %dma_start3A_115 = tpu.memref_squeeze %dma_start3A_114 : memref<1x80xi32, #tpu.memory_space<vmem>> -> memref<80xi32, #tpu.memory_space<vmem>>
          %dma_start3A_116 = tpu.memref_slice %arg2[%multiple_of3A_111] : memref<320000xi32, #tpu.memory_space<hbm>> -> memref<80xi32, #tpu.memory_space<hbm>>
          %dma_start3A_117 = arith.constant 0 : i32
          %dma_start3A_118 = tpu.memref_slice %arg9[%dma_start3A_112, %dma_start3A_117] : memref<2x80xi32, #tpu.memory_space<vmem>> -> memref<1x80xi32, #tpu.memory_space<vmem>>
          %dma_start3A_119 = tpu.memref_squeeze %dma_start3A_118 : memref<1x80xi32, #tpu.memory_space<vmem>> -> memref<80xi32, #tpu.memory_space<vmem>>
          %dma_start3A_120 = tpu.memref_slice %arg2[%multiple_of3A_111] : memref<320000xi32, #tpu.memory_space<hbm>> -> memref<80xi32, #tpu.memory_space<hbm>>
          tpu.enqueue_dma source(%dma_start3A_120 : memref<80xi32, #tpu.memory_space<hbm>>) target(%dma_start3A_119 : memref<80xi32, #tpu.memory_space<vmem>>) target_semaphore(%arg14 : memref<!tpu.dma_semaphore, #tpu.memory_space<semaphore_mem>>)
          %dma_start3A_121 = arith.constant 0 : i32
          %dma_start3A_122 = arith.constant 0 : i32
          %dma_start3A_123 = tpu.memref_slice %arg10[%dma_start3A_121, %dma_start3A_122] : memref<2x80xi32, #tpu.memory_space<vmem>> -> memref<1x80xi32, #tpu.memory_space<vmem>>
          %dma_start3A_124 = tpu.memref_squeeze %dma_start3A_123 : memref<1x80xi32, #tpu.memory_space<vmem>> -> memref<80xi32, #tpu.memory_space<vmem>>
          %dma_start3A_125 = tpu.memref_slice %arg3[%multiple_of3A_111] : memref<320000xi32, #tpu.memory_space<hbm>> -> memref<80xi32, #tpu.memory_space<hbm>>
          %dma_start3A_126 = arith.constant 0 : i32
          %dma_start3A_127 = tpu.memref_slice %arg10[%dma_start3A_121, %dma_start3A_126] : memref<2x80xi32, #tpu.memory_space<vmem>> -> memref<1x80xi32, #tpu.memory_space<vmem>>
          %dma_start3A_128 = tpu.memref_squeeze %dma_start3A_127 : memref<1x80xi32, #tpu.memory_space<vmem>> -> memref<80xi32, #tpu.memory_space<vmem>>
          %dma_start3A_129 = tpu.memref_slice %arg3[%multiple_of3A_111] : memref<320000xi32, #tpu.memory_space<hbm>> -> memref<80xi32, #tpu.memory_space<hbm>>
          tpu.enqueue_dma source(%dma_start3A_129 : memref<80xi32, #tpu.memory_space<hbm>>) target(%dma_start3A_128 : memref<80xi32, #tpu.memory_space<vmem>>) target_semaphore(%arg14 : memref<!tpu.dma_semaphore, #tpu.memory_space<semaphore_mem>>)
          %dma_wait3A_130 = arith.constant 0 : i32
          %dma_wait3A_131 = arith.constant 0 : i32
          %dma_wait3A_132 = tpu.memref_slice %arg9[%dma_wait3A_130, %dma_wait3A_131] : memref<2x80xi32, #tpu.memory_space<vmem>> -> memref<1x80xi32, #tpu.memory_space<vmem>>
          %dma_wait3A_133 = tpu.memref_squeeze %dma_wait3A_132 : memref<1x80xi32, #tpu.memory_space<vmem>> -> memref<80xi32, #tpu.memory_space<vmem>>
          %dma_wait3A_134 = arith.constant 0 : i32
          %dma_wait3A_135 = tpu.memref_slice %arg2[%dma_wait3A_134] : memref<320000xi32, #tpu.memory_space<hbm>> -> memref<80xi32, #tpu.memory_space<hbm>>
          %dma_wait3A_136 = arith.constant 0 : i32
          %dma_wait3A_137 = tpu.memref_slice %arg9[%dma_wait3A_130, %dma_wait3A_136] : memref<2x80xi32, #tpu.memory_space<vmem>> -> memref<1x80xi32, #tpu.memory_space<vmem>>
          %dma_wait3A_138 = tpu.memref_squeeze %dma_wait3A_137 : memref<1x80xi32, #tpu.memory_space<vmem>> -> memref<80xi32, #tpu.memory_space<vmem>>
          %dma_wait3A_139 = arith.constant 0 : i32
          %dma_wait3A_140 = tpu.memref_slice %arg2[%dma_wait3A_139] : memref<320000xi32, #tpu.memory_space<hbm>> -> memref<80xi32, #tpu.memory_space<hbm>>
          tpu.wait_dma2 semaphore(%arg14 : memref<!tpu.dma_semaphore, #tpu.memory_space<semaphore_mem>>) src(%dma_wait3A_140 : memref<80xi32, #tpu.memory_space<hbm>>) dst(%dma_wait3A_138 : memref<80xi32, #tpu.memory_space<vmem>>)
          %dma_wait3A_141 = arith.constant 0 : i32
          %dma_wait3A_142 = arith.constant 0 : i32
          %dma_wait3A_143 = tpu.memref_slice %arg10[%dma_wait3A_141, %dma_wait3A_142] : memref<2x80xi32, #tpu.memory_space<vmem>> -> memref<1x80xi32, #tpu.memory_space<vmem>>
          %dma_wait3A_144 = tpu.memref_squeeze %dma_wait3A_143 : memref<1x80xi32, #tpu.memory_space<vmem>> -> memref<80xi32, #tpu.memory_space<vmem>>
          %dma_wait3A_145 = arith.constant 0 : i32
          %dma_wait3A_146 = tpu.memref_slice %arg3[%dma_wait3A_145] : memref<320000xi32, #tpu.memory_space<hbm>> -> memref<80xi32, #tpu.memory_space<hbm>>
          %dma_wait3A_147 = arith.constant 0 : i32
          %dma_wait3A_148 = tpu.memref_slice %arg10[%dma_wait3A_141, %dma_wait3A_147] : memref<2x80xi32, #tpu.memory_space<vmem>> -> memref<1x80xi32, #tpu.memory_space<vmem>>
          %dma_wait3A_149 = tpu.memref_squeeze %dma_wait3A_148 : memref<1x80xi32, #tpu.memory_space<vmem>> -> memref<80xi32, #tpu.memory_space<vmem>>
          %dma_wait3A_150 = arith.constant 0 : i32
          %dma_wait3A_151 = tpu.memref_slice %arg3[%dma_wait3A_150] : memref<320000xi32, #tpu.memory_space<hbm>> -> memref<80xi32, #tpu.memory_space<hbm>>
          tpu.wait_dma2 semaphore(%arg14 : memref<!tpu.dma_semaphore, #tpu.memory_space<semaphore_mem>>) src(%dma_wait3A_151 : memref<80xi32, #tpu.memory_space<hbm>>) dst(%dma_wait3A_149 : memref<80xi32, #tpu.memory_space<vmem>>)
        } else {
        }
        %mul3A_71 = arith.constant 2 : i32
        %mul3A_72 = arith.muli %mul3A_71, %scan3A_37 : i32
        %add3A_73 = arith.constant 1 : i32
        %add3A_74 = arith.addi %mul3A_72, %add3A_73 : i32
        %dma_wait3A_75 = arith.constant 1 : i32
        %dma_wait3A_76 = arith.constant 0 : i32
        %dma_wait3A_77 = arith.constant 0 : i32
        %dma_wait3A_78 = tpu.memref_slice %arg11[%dma_wait3A_75, %dma_wait3A_76, %dma_wait3A_77] : memref<2x80x128xf32, #tpu.memory_space<vmem>> -> memref<1x80x128xf32, #tpu.memory_space<vmem>>
        %dma_wait3A_79 = tpu.memref_squeeze %dma_wait3A_78 : memref<1x80x128xf32, #tpu.memory_space<vmem>> -> memref<80x128xf32, #tpu.memory_space<vmem>>
        %dma_wait3A_80 = arith.constant 0 : i32
        %dma_wait3A_81 = arith.constant 0 : i32
        %dma_wait3A_82 = tpu.memref_slice %arg5[%dma_wait3A_80, %dma_wait3A_81] : memref<10240x128xf32, #tpu.memory_space<hbm>> -> memref<80x128xf32, #tpu.memory_space<hbm>>
        %dma_wait3A_83 = arith.constant 0 : i32
        %dma_wait3A_84 = arith.constant 0 : i32
        %dma_wait3A_85 = tpu.memref_slice %arg11[%dma_wait3A_75, %dma_wait3A_83, %dma_wait3A_84] : memref<2x80x128xf32, #tpu.memory_space<vmem>> -> memref<1x80x128xf32, #tpu.memory_space<vmem>>
        %dma_wait3A_86 = tpu.memref_squeeze %dma_wait3A_85 : memref<1x80x128xf32, #tpu.memory_space<vmem>> -> memref<80x128xf32, #tpu.memory_space<vmem>>
        %dma_wait3A_87 = arith.constant 0 : i32
        %dma_wait3A_88 = arith.constant 0 : i32
        %dma_wait3A_89 = tpu.memref_slice %arg5[%dma_wait3A_87, %dma_wait3A_88] : memref<10240x128xf32, #tpu.memory_space<hbm>> -> memref<80x128xf32, #tpu.memory_space<hbm>>
        tpu.wait_dma2 semaphore(%arg13 : memref<!tpu.dma_semaphore, #tpu.memory_space<semaphore_mem>>) src(%dma_wait3A_89 : memref<80x128xf32, #tpu.memory_space<hbm>>) dst(%dma_wait3A_86 : memref<80x128xf32, #tpu.memory_space<vmem>>)
        %add3A_90 = arith.constant 1 : i32
        %add3A_91 = arith.addi %add3A_74, %add3A_90 : i32
        %lt3A_92 = arith.constant 250 : i32
        %lt3A_93 = arith.cmpi slt, %add3A_91, %lt3A_92 : i32
        %convert_element_type3A_94 = arith.extui %lt3A_93 : i1 to i32
        %cond3A_95 = arith.constant 0 : i32
        %cond3A_96 = arith.cmpi ne, %convert_element_type3A_94, %cond3A_95 : i32
        scf.if %cond3A_96 {
          %dma_start3A_106 = arith.constant 0 : i32
          %dma_start3A_107 = arith.constant 0 : i32
          %dma_start3A_108 = arith.constant 0 : i32
          %dma_start3A_109 = arith.constant 0 : i32
          %dma_start3A_110 = tpu.memref_slice %arg11[%dma_start3A_107, %dma_start3A_108, %dma_start3A_109] : memref<2x80x128xf32, #tpu.memory_space<vmem>> -> memref<1x80x128xf32, #tpu.memory_space<vmem>>
          %dma_start3A_111 = tpu.memref_squeeze %dma_start3A_110 : memref<1x80x128xf32, #tpu.memory_space<vmem>> -> memref<80x128xf32, #tpu.memory_space<vmem>>
          %dma_start3A_112 = arith.constant 0 : i32
          %dma_start3A_113 = tpu.memref_slice %arg9[%dma_start3A_106, %dma_start3A_112] : memref<2x80xi32, #tpu.memory_space<vmem>> -> memref<1x80xi32, #tpu.memory_space<vmem>>
          %dma_start3A_114 = tpu.memref_squeeze %dma_start3A_113 : memref<1x80xi32, #tpu.memory_space<vmem>> -> memref<80xi32, #tpu.memory_space<vmem>>
          %dma_start3A_115 = arith.constant 0 : i32
          %dma_start3A_116 = arith.constant 0 : i32
          %dma_start3A_117 = tpu.memref_slice %arg5[%dma_start3A_115, %dma_start3A_116] : memref<10240x128xf32, #tpu.memory_space<hbm>> -> memref<10240x128xf32, #tpu.memory_space<hbm>>
          tpu.enqueue_indirect_dma source(%dma_start3A_117 : memref<10240x128xf32, #tpu.memory_space<hbm>>) target(%dma_start3A_111 : memref<80x128xf32, #tpu.memory_space<vmem>>) offsets(%dma_start3A_114 : memref<80xi32, #tpu.memory_space<vmem>>) semaphore(%arg13 : memref<!tpu.dma_semaphore, #tpu.memory_space<semaphore_mem>>)
        } else {
        }
        %run_scoped3A_97 = arith.constant 1 : i32
        %run_scoped3A_98 = arith.constant 1 : i32
        "tpu.region"() ({
          %run_scoped3A_106 = tpu.sem_alloc : memref<!tpu.dma_semaphore, #tpu.memory_space<semaphore_mem>>
          %dma_start3A_107 = arith.constant 0 : i32
          %dma_start3A_108 = arith.constant 0 : i32
          %dma_start3A_109 = tpu.memref_slice %arg11[%run_scoped3A_97, %dma_start3A_107, %dma_start3A_108] : memref<2x80x128xf32, #tpu.memory_space<vmem>> -> memref<1x80x128xf32, #tpu.memory_space<vmem>>
          %dma_start3A_110 = tpu.memref_squeeze %dma_start3A_109 : memref<1x80x128xf32, #tpu.memory_space<vmem>> -> memref<80x128xf32, #tpu.memory_space<vmem>>
          %dma_start3A_111 = arith.constant 0 : i32
          %dma_start3A_112 = tpu.memref_slice %arg10[%run_scoped3A_98, %dma_start3A_111] : memref<2x80xi32, #tpu.memory_space<vmem>> -> memref<1x80xi32, #tpu.memory_space<vmem>>
          %dma_start3A_113 = tpu.memref_squeeze %dma_start3A_112 : memref<1x80xi32, #tpu.memory_space<vmem>> -> memref<80xi32, #tpu.memory_space<vmem>>
          %dma_start3A_114 = arith.constant 0 : i32
          %dma_start3A_115 = arith.constant 0 : i32
          %dma_start3A_116 = tpu.memref_slice %arg12[%dma_start3A_114, %dma_start3A_115] : memref<10240x128xf32, #tpu.memory_space<vmem_shared>> -> memref<10240x128xf32, #tpu.memory_space<vmem_shared>>
          tpu.enqueue_indirect_dma source(%dma_start3A_110 : memref<80x128xf32, #tpu.memory_space<vmem>>) target(%dma_start3A_116 : memref<10240x128xf32, #tpu.memory_space<vmem_shared>>) offsets(%dma_start3A_113 : memref<80xi32, #tpu.memory_space<vmem>>) semaphore(%run_scoped3A_106 : memref<!tpu.dma_semaphore, #tpu.memory_space<semaphore_mem>>) {add = true}
          %dma_wait3A_117 = arith.constant 0 : i32
          %dma_wait3A_118 = arith.constant 0 : i32
          %dma_wait3A_119 = tpu.memref_slice %arg11[%run_scoped3A_97, %dma_wait3A_117, %dma_wait3A_118] : memref<2x80x128xf32, #tpu.memory_space<vmem>> -> memref<1x80x128xf32, #tpu.memory_space<vmem>>
          %dma_wait3A_120 = tpu.memref_squeeze %dma_wait3A_119 : memref<1x80x128xf32, #tpu.memory_space<vmem>> -> memref<80x128xf32, #tpu.memory_space<vmem>>
          %dma_wait3A_121 = arith.constant 0 : i32
          %dma_wait3A_122 = tpu.memref_slice %arg10[%run_scoped3A_98, %dma_wait3A_121] : memref<2x80xi32, #tpu.memory_space<vmem>> -> memref<1x80xi32, #tpu.memory_space<vmem>>
          %dma_wait3A_123 = tpu.memref_squeeze %dma_wait3A_122 : memref<1x80xi32, #tpu.memory_space<vmem>> -> memref<80xi32, #tpu.memory_space<vmem>>
          %dma_wait3A_124 = arith.constant 0 : i32
          %dma_wait3A_125 = arith.constant 0 : i32
          %dma_wait3A_126 = tpu.memref_slice %arg12[%dma_wait3A_124, %dma_wait3A_125] : memref<10240x128xf32, #tpu.memory_space<vmem_shared>> -> memref<10240x128xf32, #tpu.memory_space<vmem_shared>>
          tpu.wait_indirect_dma semaphore(%run_scoped3A_106 : memref<!tpu.dma_semaphore, #tpu.memory_space<semaphore_mem>>) src(%dma_wait3A_120 : memref<80x128xf32, #tpu.memory_space<vmem>>) dst(%dma_wait3A_126 : memref<10240x128xf32, #tpu.memory_space<vmem_shared>>)
          tpu.yield
        }) : () -> ()
        %add3A_99 = arith.constant 2 : i32
        %add3A_100 = arith.addi %add3A_74, %add3A_99 : i32
        %lt3A_101 = arith.constant 250 : i32
        %lt3A_102 = arith.cmpi slt, %add3A_100, %lt3A_101 : i32
        %convert_element_type3A_103 = arith.extui %lt3A_102 : i1 to i32
        %cond3A_104 = arith.constant 0 : i32
        %cond3A_105 = arith.cmpi ne, %convert_element_type3A_103, %cond3A_104 : i32
        scf.if %cond3A_105 {
          %add3A_106 = arith.constant 2 : i32
          %add3A_107 = arith.addi %add3A_74, %add3A_106 : i32
          %mul3A_108 = arith.constant 80 : i32
          %mul3A_109 = arith.muli %add3A_107, %mul3A_108 : i32
          %add3A_110 = arith.addi %multiple_of3A, %mul3A_109 : i32
          %multiple_of3A_111 = tpu.assume_multiple %add3A_110, 8 : i32
          %dma_start3A_112 = arith.constant 1 : i32
          %dma_start3A_113 = arith.constant 0 : i32
          %dma_start3A_114 = tpu.memref_slice %arg9[%dma_start3A_112, %dma_start3A_113] : memref<2x80xi32, #tpu.memory_space<vmem>> -> memref<1x80xi32, #tpu.memory_space<vmem>>
          %dma_start3A_115 = tpu.memref_squeeze %dma_start3A_114 : memref<1x80xi32, #tpu.memory_space<vmem>> -> memref<80xi32, #tpu.memory_space<vmem>>
          %dma_start3A_116 = tpu.memref_slice %arg2[%multiple_of3A_111] : memref<320000xi32, #tpu.memory_space<hbm>> -> memref<80xi32, #tpu.memory_space<hbm>>
          %dma_start3A_117 = arith.constant 0 : i32
          %dma_start3A_118 = tpu.memref_slice %arg9[%dma_start3A_112, %dma_start3A_117] : memref<2x80xi32, #tpu.memory_space<vmem>> -> memref<1x80xi32, #tpu.memory_space<vmem>>
          %dma_start3A_119 = tpu.memref_squeeze %dma_start3A_118 : memref<1x80xi32, #tpu.memory_space<vmem>> -> memref<80xi32, #tpu.memory_space<vmem>>
          %dma_start3A_120 = tpu.memref_slice %arg2[%multiple_of3A_111] : memref<320000xi32, #tpu.memory_space<hbm>> -> memref<80xi32, #tpu.memory_space<hbm>>
          tpu.enqueue_dma source(%dma_start3A_120 : memref<80xi32, #tpu.memory_space<hbm>>) target(%dma_start3A_119 : memref<80xi32, #tpu.memory_space<vmem>>) target_semaphore(%arg14 : memref<!tpu.dma_semaphore, #tpu.memory_space<semaphore_mem>>)
          %dma_start3A_121 = arith.constant 1 : i32
          %dma_start3A_122 = arith.constant 0 : i32
          %dma_start3A_123 = tpu.memref_slice %arg10[%dma_start3A_121, %dma_start3A_122] : memref<2x80xi32, #tpu.memory_space<vmem>> -> memref<1x80xi32, #tpu.memory_space<vmem>>
          %dma_start3A_124 = tpu.memref_squeeze %dma_start3A_123 : memref<1x80xi32, #tpu.memory_space<vmem>> -> memref<80xi32, #tpu.memory_space<vmem>>
          %dma_start3A_125 = tpu.memref_slice %arg3[%multiple_of3A_111] : memref<320000xi32, #tpu.memory_space<hbm>> -> memref<80xi32, #tpu.memory_space<hbm>>
          %dma_start3A_126 = arith.constant 0 : i32
          %dma_start3A_127 = tpu.memref_slice %arg10[%dma_start3A_121, %dma_start3A_126] : memref<2x80xi32, #tpu.memory_space<vmem>> -> memref<1x80xi32, #tpu.memory_space<vmem>>
          %dma_start3A_128 = tpu.memref_squeeze %dma_start3A_127 : memref<1x80xi32, #tpu.memory_space<vmem>> -> memref<80xi32, #tpu.memory_space<vmem>>
          %dma_start3A_129 = tpu.memref_slice %arg3[%multiple_of3A_111] : memref<320000xi32, #tpu.memory_space<hbm>> -> memref<80xi32, #tpu.memory_space<hbm>>
          tpu.enqueue_dma source(%dma_start3A_129 : memref<80xi32, #tpu.memory_space<hbm>>) target(%dma_start3A_128 : memref<80xi32, #tpu.memory_space<vmem>>) target_semaphore(%arg14 : memref<!tpu.dma_semaphore, #tpu.memory_space<semaphore_mem>>)
          %dma_wait3A_130 = arith.constant 1 : i32
          %dma_wait3A_131 = arith.constant 0 : i32
          %dma_wait3A_132 = tpu.memref_slice %arg9[%dma_wait3A_130, %dma_wait3A_131] : memref<2x80xi32, #tpu.memory_space<vmem>> -> memref<1x80xi32, #tpu.memory_space<vmem>>
          %dma_wait3A_133 = tpu.memref_squeeze %dma_wait3A_132 : memref<1x80xi32, #tpu.memory_space<vmem>> -> memref<80xi32, #tpu.memory_space<vmem>>
          %dma_wait3A_134 = arith.constant 0 : i32
          %dma_wait3A_135 = tpu.memref_slice %arg2[%dma_wait3A_134] : memref<320000xi32, #tpu.memory_space<hbm>> -> memref<80xi32, #tpu.memory_space<hbm>>
          %dma_wait3A_136 = arith.constant 0 : i32
          %dma_wait3A_137 = tpu.memref_slice %arg9[%dma_wait3A_130, %dma_wait3A_136] : memref<2x80xi32, #tpu.memory_space<vmem>> -> memref<1x80xi32, #tpu.memory_space<vmem>>
          %dma_wait3A_138 = tpu.memref_squeeze %dma_wait3A_137 : memref<1x80xi32, #tpu.memory_space<vmem>> -> memref<80xi32, #tpu.memory_space<vmem>>
          %dma_wait3A_139 = arith.constant 0 : i32
          %dma_wait3A_140 = tpu.memref_slice %arg2[%dma_wait3A_139] : memref<320000xi32, #tpu.memory_space<hbm>> -> memref<80xi32, #tpu.memory_space<hbm>>
          tpu.wait_dma2 semaphore(%arg14 : memref<!tpu.dma_semaphore, #tpu.memory_space<semaphore_mem>>) src(%dma_wait3A_140 : memref<80xi32, #tpu.memory_space<hbm>>) dst(%dma_wait3A_138 : memref<80xi32, #tpu.memory_space<vmem>>)
          %dma_wait3A_141 = arith.constant 1 : i32
          %dma_wait3A_142 = arith.constant 0 : i32
          %dma_wait3A_143 = tpu.memref_slice %arg10[%dma_wait3A_141, %dma_wait3A_142] : memref<2x80xi32, #tpu.memory_space<vmem>> -> memref<1x80xi32, #tpu.memory_space<vmem>>
          %dma_wait3A_144 = tpu.memref_squeeze %dma_wait3A_143 : memref<1x80xi32, #tpu.memory_space<vmem>> -> memref<80xi32, #tpu.memory_space<vmem>>
          %dma_wait3A_145 = arith.constant 0 : i32
          %dma_wait3A_146 = tpu.memref_slice %arg3[%dma_wait3A_145] : memref<320000xi32, #tpu.memory_space<hbm>> -> memref<80xi32, #tpu.memory_space<hbm>>
          %dma_wait3A_147 = arith.constant 0 : i32
          %dma_wait3A_148 = tpu.memref_slice %arg10[%dma_wait3A_141, %dma_wait3A_147] : memref<2x80xi32, #tpu.memory_space<vmem>> -> memref<1x80xi32, #tpu.memory_space<vmem>>
          %dma_wait3A_149 = tpu.memref_squeeze %dma_wait3A_148 : memref<1x80xi32, #tpu.memory_space<vmem>> -> memref<80xi32, #tpu.memory_space<vmem>>
          %dma_wait3A_150 = arith.constant 0 : i32
          %dma_wait3A_151 = tpu.memref_slice %arg3[%dma_wait3A_150] : memref<320000xi32, #tpu.memory_space<hbm>> -> memref<80xi32, #tpu.memory_space<hbm>>
          tpu.wait_dma2 semaphore(%arg14 : memref<!tpu.dma_semaphore, #tpu.memory_space<semaphore_mem>>) src(%dma_wait3A_151 : memref<80xi32, #tpu.memory_space<hbm>>) dst(%dma_wait3A_149 : memref<80xi32, #tpu.memory_space<vmem>>)
        } else {
        }
      }
      %scan3A_31 = arith.constant 125 : i32
      %barrier3A_32 = arith.constant 0 : index
      tpu.barrier barrier_id(%barrier3A_32)
      %mul3A_33 = arith.constant 640 : i32
      %mul3A_34 = arith.muli %arg1, %mul3A_33 : i32
      %mul3A_35 = arith.constant 640 : i32
      %mul3A_36 = arith.muli %arg1, %mul3A_35 : i32
      "tpu.region"() ({
        %run_scoped3A_37 = tpu.sem_alloc : memref<!tpu.dma_semaphore, #tpu.memory_space<semaphore_mem>>
        %dma_start3A_38 = arith.constant 0 : i32
        %dma_start3A_39 = tpu.memref_slice %arg8[%mul3A_36, %dma_start3A_38] : memref<10240x128xf32, #tpu.memory_space<hbm>> -> memref<640x128xf32, #tpu.memory_space<hbm>>
        %dma_start3A_40 = arith.constant 0 : i32
        %dma_start3A_41 = tpu.memref_slice %arg12[%mul3A_34, %dma_start3A_40] : memref<10240x128xf32, #tpu.memory_space<vmem_shared>> -> memref<640x128xf32, #tpu.memory_space<vmem_shared>>
        tpu.enqueue_dma source(%dma_start3A_41 : memref<640x128xf32, #tpu.memory_space<vmem_shared>>) target(%dma_start3A_39 : memref<640x128xf32, #tpu.memory_space<hbm>>) target_semaphore(%run_scoped3A_37 : memref<!tpu.dma_semaphore, #tpu.memory_space<semaphore_mem>>)
        %dma_wait3A = arith.constant 0 : i32
        %dma_wait3A_42 = tpu.memref_slice %arg8[%mul3A_36, %dma_wait3A] : memref<10240x128xf32, #tpu.memory_space<hbm>> -> memref<640x128xf32, #tpu.memory_space<hbm>>
        %dma_wait3A_43 = arith.constant 0 : i32
        %dma_wait3A_44 = tpu.memref_slice %arg12[%mul3A_34, %dma_wait3A_43] : memref<10240x128xf32, #tpu.memory_space<vmem_shared>> -> memref<640x128xf32, #tpu.memory_space<vmem_shared>>
        tpu.wait_dma2 semaphore(%run_scoped3A_37 : memref<!tpu.dma_semaphore, #tpu.memory_space<semaphore_mem>>) src(%dma_wait3A_44 : memref<640x128xf32, #tpu.memory_space<vmem_shared>>) dst(%dma_wait3A_42 : memref<640x128xf32, #tpu.memory_space<hbm>>)
        tpu.yield
      }) : () -> ()
    } else {
    }
    return
  }
}

#map = affine_map<(d0, d1) -> (0)>
#map1 = affine_map<(d0, d1) -> (0, 0)>
module attributes {stable_mosaic.version = 14 : i64} {
  func.func @_agg2_body(%arg0: i32, %arg1: i32, %arg2: memref<320000xi32, #tpu.memory_space<hbm>>, %arg3: memref<320000xi32, #tpu.memory_space<hbm>>, %arg4: memref<10240x128xf32, #tpu.memory_space<hbm>>, %arg5: memref<640x128xf32, #tpu.memory_space<hbm>>, %arg6: memref<10240x128xf32, #tpu.memory_space<hbm>>, %arg7: memref<10240x128xf32, #tpu.memory_space<hbm>>, %arg8: memref<2x80xi32, #tpu.memory_space<vmem>>, %arg9: memref<2x80xi32, #tpu.memory_space<vmem>>, %arg10: memref<2x80x128xf32, #tpu.memory_space<vmem>>, %arg11: memref<10240x128xf32, #tpu.memory_space<vmem_shared>>, %arg12: memref<!tpu.dma_semaphore, #tpu.memory_space<semaphore_mem>>, %arg13: memref<!tpu.dma_semaphore, #tpu.memory_space<semaphore_mem>>) attributes {dimension_semantics = [#tpu.dimension_semantics<core_parallel>, #tpu.dimension_semantics<subcore_parallel>], iteration_bounds = array<i64: 2, 16>, scalar_prefetch = 0 : i64, scratch_operands = 6 : i64, tpu.core_type = #tpu.core_type<sc_vector_subcore>, window_params = [{transform_indices = #map}, {transform_indices = #map}, {transform_indices = #map1}, {transform_indices = #map1}, {transform_indices = #map1}, {transform_indices = #map1}]} {
    %mul3A = arith.constant 16 : i32
    %mul3A_0 = arith.muli %arg0, %mul3A : i32
    %add3A = arith.addi %mul3A_0, %arg1 : i32
    %mul3A_1 = arith.constant 10000 : i32
    %mul3A_2 = arith.muli %add3A, %mul3A_1 : i32
    %multiple_of3A = tpu.assume_multiple %mul3A_2, 8 : i32
    %eq3A = arith.constant 0 : i32
    %eq3A_3 = arith.cmpi eq, %arg0, %eq3A : i32
    %convert_element_type3A = arith.extui %eq3A_3 : i1 to i32
    %cond3A = arith.constant 0 : i32
    %cond3A_4 = arith.cmpi ne, %convert_element_type3A, %cond3A : i32
    scf.if %cond3A_4 {
      %mul3A_10 = arith.constant 640 : i32
      %mul3A_11 = arith.muli %arg1, %mul3A_10 : i32
      "tpu.region"() ({
        %run_scoped3A_56 = tpu.sem_alloc : memref<!tpu.dma_semaphore, #tpu.memory_space<semaphore_mem>>
        %dma_start3A_57 = arith.constant 0 : i32
        %dma_start3A_58 = tpu.memref_slice %arg11[%mul3A_11, %dma_start3A_57] : memref<10240x128xf32, #tpu.memory_space<vmem_shared>> -> memref<640x128xf32, #tpu.memory_space<vmem_shared>>
        tpu.enqueue_dma source(%arg5 : memref<640x128xf32, #tpu.memory_space<hbm>>) target(%dma_start3A_58 : memref<640x128xf32, #tpu.memory_space<vmem_shared>>) target_semaphore(%run_scoped3A_56 : memref<!tpu.dma_semaphore, #tpu.memory_space<semaphore_mem>>)
        %dma_wait3A_59 = arith.constant 0 : i32
        %dma_wait3A_60 = tpu.memref_slice %arg11[%mul3A_11, %dma_wait3A_59] : memref<10240x128xf32, #tpu.memory_space<vmem_shared>> -> memref<640x128xf32, #tpu.memory_space<vmem_shared>>
        tpu.wait_dma2 semaphore(%run_scoped3A_56 : memref<!tpu.dma_semaphore, #tpu.memory_space<semaphore_mem>>) src(%arg5 : memref<640x128xf32, #tpu.memory_space<hbm>>) dst(%dma_wait3A_60 : memref<640x128xf32, #tpu.memory_space<vmem_shared>>)
        tpu.yield
      }) : () -> ()
      %run_scoped3A = arith.constant 0 : i32
      "tpu.region"() ({
        %run_scoped3A_56 = tpu.sem_alloc : memref<!tpu.dma_semaphore, #tpu.memory_space<semaphore_mem>>
        %dma_start3A_57 = arith.constant 0 : i32
        %dma_start3A_58 = tpu.memref_slice %arg8[%run_scoped3A, %dma_start3A_57] : memref<2x80xi32, #tpu.memory_space<vmem>> -> memref<1x80xi32, #tpu.memory_space<vmem>>
        %dma_start3A_59 = tpu.memref_squeeze %dma_start3A_58 : memref<1x80xi32, #tpu.memory_space<vmem>> -> memref<80xi32, #tpu.memory_space<vmem>>
        %dma_start3A_60 = tpu.memref_slice %arg2[%multiple_of3A] : memref<320000xi32, #tpu.memory_space<hbm>> -> memref<80xi32, #tpu.memory_space<hbm>>
        %dma_start3A_61 = arith.constant 0 : i32
        %dma_start3A_62 = tpu.memref_slice %arg8[%run_scoped3A, %dma_start3A_61] : memref<2x80xi32, #tpu.memory_space<vmem>> -> memref<1x80xi32, #tpu.memory_space<vmem>>
        %dma_start3A_63 = tpu.memref_squeeze %dma_start3A_62 : memref<1x80xi32, #tpu.memory_space<vmem>> -> memref<80xi32, #tpu.memory_space<vmem>>
        %dma_start3A_64 = tpu.memref_slice %arg2[%multiple_of3A] : memref<320000xi32, #tpu.memory_space<hbm>> -> memref<80xi32, #tpu.memory_space<hbm>>
        tpu.enqueue_dma source(%dma_start3A_64 : memref<80xi32, #tpu.memory_space<hbm>>) target(%dma_start3A_63 : memref<80xi32, #tpu.memory_space<vmem>>) target_semaphore(%run_scoped3A_56 : memref<!tpu.dma_semaphore, #tpu.memory_space<semaphore_mem>>)
        %dma_wait3A_65 = arith.constant 0 : i32
        %dma_wait3A_66 = tpu.memref_slice %arg8[%run_scoped3A, %dma_wait3A_65] : memref<2x80xi32, #tpu.memory_space<vmem>> -> memref<1x80xi32, #tpu.memory_space<vmem>>
        %dma_wait3A_67 = tpu.memref_squeeze %dma_wait3A_66 : memref<1x80xi32, #tpu.memory_space<vmem>> -> memref<80xi32, #tpu.memory_space<vmem>>
        %dma_wait3A_68 = tpu.memref_slice %arg2[%multiple_of3A] : memref<320000xi32, #tpu.memory_space<hbm>> -> memref<80xi32, #tpu.memory_space<hbm>>
        %dma_wait3A_69 = arith.constant 0 : i32
        %dma_wait3A_70 = tpu.memref_slice %arg8[%run_scoped3A, %dma_wait3A_69] : memref<2x80xi32, #tpu.memory_space<vmem>> -> memref<1x80xi32, #tpu.memory_space<vmem>>
        %dma_wait3A_71 = tpu.memref_squeeze %dma_wait3A_70 : memref<1x80xi32, #tpu.memory_space<vmem>> -> memref<80xi32, #tpu.memory_space<vmem>>
        %dma_wait3A_72 = tpu.memref_slice %arg2[%multiple_of3A] : memref<320000xi32, #tpu.memory_space<hbm>> -> memref<80xi32, #tpu.memory_space<hbm>>
        tpu.wait_dma2 semaphore(%run_scoped3A_56 : memref<!tpu.dma_semaphore, #tpu.memory_space<semaphore_mem>>) src(%dma_wait3A_72 : memref<80xi32, #tpu.memory_space<hbm>>) dst(%dma_wait3A_71 : memref<80xi32, #tpu.memory_space<vmem>>)
        tpu.yield
      }) : () -> ()
      %run_scoped3A_12 = arith.constant 0 : i32
      "tpu.region"() ({
        %run_scoped3A_56 = tpu.sem_alloc : memref<!tpu.dma_semaphore, #tpu.memory_space<semaphore_mem>>
        %dma_start3A_57 = arith.constant 0 : i32
        %dma_start3A_58 = tpu.memref_slice %arg9[%run_scoped3A_12, %dma_start3A_57] : memref<2x80xi32, #tpu.memory_space<vmem>> -> memref<1x80xi32, #tpu.memory_space<vmem>>
        %dma_start3A_59 = tpu.memref_squeeze %dma_start3A_58 : memref<1x80xi32, #tpu.memory_space<vmem>> -> memref<80xi32, #tpu.memory_space<vmem>>
        %dma_start3A_60 = tpu.memref_slice %arg3[%multiple_of3A] : memref<320000xi32, #tpu.memory_space<hbm>> -> memref<80xi32, #tpu.memory_space<hbm>>
        %dma_start3A_61 = arith.constant 0 : i32
        %dma_start3A_62 = tpu.memref_slice %arg9[%run_scoped3A_12, %dma_start3A_61] : memref<2x80xi32, #tpu.memory_space<vmem>> -> memref<1x80xi32, #tpu.memory_space<vmem>>
        %dma_start3A_63 = tpu.memref_squeeze %dma_start3A_62 : memref<1x80xi32, #tpu.memory_space<vmem>> -> memref<80xi32, #tpu.memory_space<vmem>>
        %dma_start3A_64 = tpu.memref_slice %arg3[%multiple_of3A] : memref<320000xi32, #tpu.memory_space<hbm>> -> memref<80xi32, #tpu.memory_space<hbm>>
        tpu.enqueue_dma source(%dma_start3A_64 : memref<80xi32, #tpu.memory_space<hbm>>) target(%dma_start3A_63 : memref<80xi32, #tpu.memory_space<vmem>>) target_semaphore(%run_scoped3A_56 : memref<!tpu.dma_semaphore, #tpu.memory_space<semaphore_mem>>)
        %dma_wait3A_65 = arith.constant 0 : i32
        %dma_wait3A_66 = tpu.memref_slice %arg9[%run_scoped3A_12, %dma_wait3A_65] : memref<2x80xi32, #tpu.memory_space<vmem>> -> memref<1x80xi32, #tpu.memory_space<vmem>>
        %dma_wait3A_67 = tpu.memref_squeeze %dma_wait3A_66 : memref<1x80xi32, #tpu.memory_space<vmem>> -> memref<80xi32, #tpu.memory_space<vmem>>
        %dma_wait3A_68 = tpu.memref_slice %arg3[%multiple_of3A] : memref<320000xi32, #tpu.memory_space<hbm>> -> memref<80xi32, #tpu.memory_space<hbm>>
        %dma_wait3A_69 = arith.constant 0 : i32
        %dma_wait3A_70 = tpu.memref_slice %arg9[%run_scoped3A_12, %dma_wait3A_69] : memref<2x80xi32, #tpu.memory_space<vmem>> -> memref<1x80xi32, #tpu.memory_space<vmem>>
        %dma_wait3A_71 = tpu.memref_squeeze %dma_wait3A_70 : memref<1x80xi32, #tpu.memory_space<vmem>> -> memref<80xi32, #tpu.memory_space<vmem>>
        %dma_wait3A_72 = tpu.memref_slice %arg3[%multiple_of3A] : memref<320000xi32, #tpu.memory_space<hbm>> -> memref<80xi32, #tpu.memory_space<hbm>>
        tpu.wait_dma2 semaphore(%run_scoped3A_56 : memref<!tpu.dma_semaphore, #tpu.memory_space<semaphore_mem>>) src(%dma_wait3A_72 : memref<80xi32, #tpu.memory_space<hbm>>) dst(%dma_wait3A_71 : memref<80xi32, #tpu.memory_space<vmem>>)
        tpu.yield
      }) : () -> ()
      %barrier3A = arith.constant 0 : index
      tpu.barrier barrier_id(%barrier3A)
      %dma_start3A = arith.constant 0 : i32
      %dma_start3A_13 = arith.constant 0 : i32
      %dma_start3A_14 = arith.constant 0 : i32
      %dma_start3A_15 = arith.constant 0 : i32
      %dma_start3A_16 = tpu.memref_slice %arg10[%dma_start3A_13, %dma_start3A_14, %dma_start3A_15] : memref<2x80x128xf32, #tpu.memory_space<vmem>> -> memref<1x80x128xf32, #tpu.memory_space<vmem>>
      %dma_start3A_17 = tpu.memref_squeeze %dma_start3A_16 : memref<1x80x128xf32, #tpu.memory_space<vmem>> -> memref<80x128xf32, #tpu.memory_space<vmem>>
      %dma_start3A_18 = arith.constant 0 : i32
      %dma_start3A_19 = tpu.memref_slice %arg8[%dma_start3A, %dma_start3A_18] : memref<2x80xi32, #tpu.memory_space<vmem>> -> memref<1x80xi32, #tpu.memory_space<vmem>>
      %dma_start3A_20 = tpu.memref_squeeze %dma_start3A_19 : memref<1x80xi32, #tpu.memory_space<vmem>> -> memref<80xi32, #tpu.memory_space<vmem>>
      %dma_start3A_21 = arith.constant 0 : i32
      %dma_start3A_22 = arith.constant 0 : i32
      %dma_start3A_23 = tpu.memref_slice %arg4[%dma_start3A_21, %dma_start3A_22] : memref<10240x128xf32, #tpu.memory_space<hbm>> -> memref<10240x128xf32, #tpu.memory_space<hbm>>
      tpu.enqueue_indirect_dma source(%dma_start3A_23 : memref<10240x128xf32, #tpu.memory_space<hbm>>) target(%dma_start3A_17 : memref<80x128xf32, #tpu.memory_space<vmem>>) offsets(%dma_start3A_20 : memref<80xi32, #tpu.memory_space<vmem>>) semaphore(%arg12 : memref<!tpu.dma_semaphore, #tpu.memory_space<semaphore_mem>>)
      %add3A_24 = arith.constant 80 : i32
      %add3A_25 = arith.addi %multiple_of3A, %add3A_24 : i32
      %run_scoped3A_26 = arith.constant 1 : i32
      "tpu.region"() ({
        %run_scoped3A_56 = tpu.sem_alloc : memref<!tpu.dma_semaphore, #tpu.memory_space<semaphore_mem>>
        %dma_start3A_57 = arith.constant 0 : i32
        %dma_start3A_58 = tpu.memref_slice %arg8[%run_scoped3A_26, %dma_start3A_57] : memref<2x80xi32, #tpu.memory_space<vmem>> -> memref<1x80xi32, #tpu.memory_space<vmem>>
        %dma_start3A_59 = tpu.memref_squeeze %dma_start3A_58 : memref<1x80xi32, #tpu.memory_space<vmem>> -> memref<80xi32, #tpu.memory_space<vmem>>
        %dma_start3A_60 = tpu.memref_slice %arg2[%add3A_25] : memref<320000xi32, #tpu.memory_space<hbm>> -> memref<80xi32, #tpu.memory_space<hbm>>
        %dma_start3A_61 = arith.constant 0 : i32
        %dma_start3A_62 = tpu.memref_slice %arg8[%run_scoped3A_26, %dma_start3A_61] : memref<2x80xi32, #tpu.memory_space<vmem>> -> memref<1x80xi32, #tpu.memory_space<vmem>>
        %dma_start3A_63 = tpu.memref_squeeze %dma_start3A_62 : memref<1x80xi32, #tpu.memory_space<vmem>> -> memref<80xi32, #tpu.memory_space<vmem>>
        %dma_start3A_64 = tpu.memref_slice %arg2[%add3A_25] : memref<320000xi32, #tpu.memory_space<hbm>> -> memref<80xi32, #tpu.memory_space<hbm>>
        tpu.enqueue_dma source(%dma_start3A_64 : memref<80xi32, #tpu.memory_space<hbm>>) target(%dma_start3A_63 : memref<80xi32, #tpu.memory_space<vmem>>) target_semaphore(%run_scoped3A_56 : memref<!tpu.dma_semaphore, #tpu.memory_space<semaphore_mem>>)
        %dma_wait3A_65 = arith.constant 0 : i32
        %dma_wait3A_66 = tpu.memref_slice %arg8[%run_scoped3A_26, %dma_wait3A_65] : memref<2x80xi32, #tpu.memory_space<vmem>> -> memref<1x80xi32, #tpu.memory_space<vmem>>
        %dma_wait3A_67 = tpu.memref_squeeze %dma_wait3A_66 : memref<1x80xi32, #tpu.memory_space<vmem>> -> memref<80xi32, #tpu.memory_space<vmem>>
        %dma_wait3A_68 = tpu.memref_slice %arg2[%add3A_25] : memref<320000xi32, #tpu.memory_space<hbm>> -> memref<80xi32, #tpu.memory_space<hbm>>
        %dma_wait3A_69 = arith.constant 0 : i32
        %dma_wait3A_70 = tpu.memref_slice %arg8[%run_scoped3A_26, %dma_wait3A_69] : memref<2x80xi32, #tpu.memory_space<vmem>> -> memref<1x80xi32, #tpu.memory_space<vmem>>
        %dma_wait3A_71 = tpu.memref_squeeze %dma_wait3A_70 : memref<1x80xi32, #tpu.memory_space<vmem>> -> memref<80xi32, #tpu.memory_space<vmem>>
        %dma_wait3A_72 = tpu.memref_slice %arg2[%add3A_25] : memref<320000xi32, #tpu.memory_space<hbm>> -> memref<80xi32, #tpu.memory_space<hbm>>
        tpu.wait_dma2 semaphore(%run_scoped3A_56 : memref<!tpu.dma_semaphore, #tpu.memory_space<semaphore_mem>>) src(%dma_wait3A_72 : memref<80xi32, #tpu.memory_space<hbm>>) dst(%dma_wait3A_71 : memref<80xi32, #tpu.memory_space<vmem>>)
        tpu.yield
      }) : () -> ()
      %add3A_27 = arith.constant 80 : i32
      %add3A_28 = arith.addi %multiple_of3A, %add3A_27 : i32
      %run_scoped3A_29 = arith.constant 1 : i32
      "tpu.region"() ({
        %run_scoped3A_56 = tpu.sem_alloc : memref<!tpu.dma_semaphore, #tpu.memory_space<semaphore_mem>>
        %dma_start3A_57 = arith.constant 0 : i32
        %dma_start3A_58 = tpu.memref_slice %arg9[%run_scoped3A_29, %dma_start3A_57] : memref<2x80xi32, #tpu.memory_space<vmem>> -> memref<1x80xi32, #tpu.memory_space<vmem>>
        %dma_start3A_59 = tpu.memref_squeeze %dma_start3A_58 : memref<1x80xi32, #tpu.memory_space<vmem>> -> memref<80xi32, #tpu.memory_space<vmem>>
        %dma_start3A_60 = tpu.memref_slice %arg3[%add3A_28] : memref<320000xi32, #tpu.memory_space<hbm>> -> memref<80xi32, #tpu.memory_space<hbm>>
        %dma_start3A_61 = arith.constant 0 : i32
        %dma_start3A_62 = tpu.memref_slice %arg9[%run_scoped3A_29, %dma_start3A_61] : memref<2x80xi32, #tpu.memory_space<vmem>> -> memref<1x80xi32, #tpu.memory_space<vmem>>
        %dma_start3A_63 = tpu.memref_squeeze %dma_start3A_62 : memref<1x80xi32, #tpu.memory_space<vmem>> -> memref<80xi32, #tpu.memory_space<vmem>>
        %dma_start3A_64 = tpu.memref_slice %arg3[%add3A_28] : memref<320000xi32, #tpu.memory_space<hbm>> -> memref<80xi32, #tpu.memory_space<hbm>>
        tpu.enqueue_dma source(%dma_start3A_64 : memref<80xi32, #tpu.memory_space<hbm>>) target(%dma_start3A_63 : memref<80xi32, #tpu.memory_space<vmem>>) target_semaphore(%run_scoped3A_56 : memref<!tpu.dma_semaphore, #tpu.memory_space<semaphore_mem>>)
        %dma_wait3A_65 = arith.constant 0 : i32
        %dma_wait3A_66 = tpu.memref_slice %arg9[%run_scoped3A_29, %dma_wait3A_65] : memref<2x80xi32, #tpu.memory_space<vmem>> -> memref<1x80xi32, #tpu.memory_space<vmem>>
        %dma_wait3A_67 = tpu.memref_squeeze %dma_wait3A_66 : memref<1x80xi32, #tpu.memory_space<vmem>> -> memref<80xi32, #tpu.memory_space<vmem>>
        %dma_wait3A_68 = tpu.memref_slice %arg3[%add3A_28] : memref<320000xi32, #tpu.memory_space<hbm>> -> memref<80xi32, #tpu.memory_space<hbm>>
        %dma_wait3A_69 = arith.constant 0 : i32
        %dma_wait3A_70 = tpu.memref_slice %arg9[%run_scoped3A_29, %dma_wait3A_69] : memref<2x80xi32, #tpu.memory_space<vmem>> -> memref<1x80xi32, #tpu.memory_space<vmem>>
        %dma_wait3A_71 = tpu.memref_squeeze %dma_wait3A_70 : memref<1x80xi32, #tpu.memory_space<vmem>> -> memref<80xi32, #tpu.memory_space<vmem>>
        %dma_wait3A_72 = tpu.memref_slice %arg3[%add3A_28] : memref<320000xi32, #tpu.memory_space<hbm>> -> memref<80xi32, #tpu.memory_space<hbm>>
        tpu.wait_dma2 semaphore(%run_scoped3A_56 : memref<!tpu.dma_semaphore, #tpu.memory_space<semaphore_mem>>) src(%dma_wait3A_72 : memref<80xi32, #tpu.memory_space<hbm>>) dst(%dma_wait3A_71 : memref<80xi32, #tpu.memory_space<vmem>>)
        tpu.yield
      }) : () -> ()
      %scan3A = arith.constant 0 : i32
      %scan3A_30 = arith.constant 0 : i32
      %scan3A_31 = arith.constant 62 : i32
      %scan3A_32 = arith.addi %scan3A_30, %scan3A_31 : i32
      %scan3A_33 = arith.constant 1 : i32
      scf.for %scan3A_56 = %scan3A_30 to %scan3A_32 step %scan3A_33  : i32 {
        %mul3A_57 = arith.constant 2 : i32
        %mul3A_58 = arith.muli %mul3A_57, %scan3A_56 : i32
        %add3A_59 = arith.constant 0 : i32
        %add3A_60 = arith.addi %mul3A_58, %add3A_59 : i32
        %dma_wait3A_61 = arith.constant 0 : i32
        %dma_wait3A_62 = arith.constant 0 : i32
        %dma_wait3A_63 = arith.constant 0 : i32
        %dma_wait3A_64 = tpu.memref_slice %arg10[%dma_wait3A_61, %dma_wait3A_62, %dma_wait3A_63] : memref<2x80x128xf32, #tpu.memory_space<vmem>> -> memref<1x80x128xf32, #tpu.memory_space<vmem>>
        %dma_wait3A_65 = tpu.memref_squeeze %dma_wait3A_64 : memref<1x80x128xf32, #tpu.memory_space<vmem>> -> memref<80x128xf32, #tpu.memory_space<vmem>>
        %dma_wait3A_66 = arith.constant 0 : i32
        %dma_wait3A_67 = arith.constant 0 : i32
        %dma_wait3A_68 = tpu.memref_slice %arg4[%dma_wait3A_66, %dma_wait3A_67] : memref<10240x128xf32, #tpu.memory_space<hbm>> -> memref<80x128xf32, #tpu.memory_space<hbm>>
        %dma_wait3A_69 = arith.constant 0 : i32
        %dma_wait3A_70 = arith.constant 0 : i32
        %dma_wait3A_71 = tpu.memref_slice %arg10[%dma_wait3A_61, %dma_wait3A_69, %dma_wait3A_70] : memref<2x80x128xf32, #tpu.memory_space<vmem>> -> memref<1x80x128xf32, #tpu.memory_space<vmem>>
        %dma_wait3A_72 = tpu.memref_squeeze %dma_wait3A_71 : memref<1x80x128xf32, #tpu.memory_space<vmem>> -> memref<80x128xf32, #tpu.memory_space<vmem>>
        %dma_wait3A_73 = arith.constant 0 : i32
        %dma_wait3A_74 = arith.constant 0 : i32
        %dma_wait3A_75 = tpu.memref_slice %arg4[%dma_wait3A_73, %dma_wait3A_74] : memref<10240x128xf32, #tpu.memory_space<hbm>> -> memref<80x128xf32, #tpu.memory_space<hbm>>
        tpu.wait_dma2 semaphore(%arg12 : memref<!tpu.dma_semaphore, #tpu.memory_space<semaphore_mem>>) src(%dma_wait3A_75 : memref<80x128xf32, #tpu.memory_space<hbm>>) dst(%dma_wait3A_72 : memref<80x128xf32, #tpu.memory_space<vmem>>)
        %add3A_76 = arith.constant 1 : i32
        %add3A_77 = arith.addi %add3A_60, %add3A_76 : i32
        %lt3A = arith.constant 125 : i32
        %lt3A_78 = arith.cmpi slt, %add3A_77, %lt3A : i32
        %convert_element_type3A_79 = arith.extui %lt3A_78 : i1 to i32
        %cond3A_80 = arith.constant 0 : i32
        %cond3A_81 = arith.cmpi ne, %convert_element_type3A_79, %cond3A_80 : i32
        scf.if %cond3A_81 {
          %dma_start3A_126 = arith.constant 1 : i32
          %dma_start3A_127 = arith.constant 1 : i32
          %dma_start3A_128 = arith.constant 0 : i32
          %dma_start3A_129 = arith.constant 0 : i32
          %dma_start3A_130 = tpu.memref_slice %arg10[%dma_start3A_127, %dma_start3A_128, %dma_start3A_129] : memref<2x80x128xf32, #tpu.memory_space<vmem>> -> memref<1x80x128xf32, #tpu.memory_space<vmem>>
          %dma_start3A_131 = tpu.memref_squeeze %dma_start3A_130 : memref<1x80x128xf32, #tpu.memory_space<vmem>> -> memref<80x128xf32, #tpu.memory_space<vmem>>
          %dma_start3A_132 = arith.constant 0 : i32
          %dma_start3A_133 = tpu.memref_slice %arg8[%dma_start3A_126, %dma_start3A_132] : memref<2x80xi32, #tpu.memory_space<vmem>> -> memref<1x80xi32, #tpu.memory_space<vmem>>
          %dma_start3A_134 = tpu.memref_squeeze %dma_start3A_133 : memref<1x80xi32, #tpu.memory_space<vmem>> -> memref<80xi32, #tpu.memory_space<vmem>>
          %dma_start3A_135 = arith.constant 0 : i32
          %dma_start3A_136 = arith.constant 0 : i32
          %dma_start3A_137 = tpu.memref_slice %arg4[%dma_start3A_135, %dma_start3A_136] : memref<10240x128xf32, #tpu.memory_space<hbm>> -> memref<10240x128xf32, #tpu.memory_space<hbm>>
          tpu.enqueue_indirect_dma source(%dma_start3A_137 : memref<10240x128xf32, #tpu.memory_space<hbm>>) target(%dma_start3A_131 : memref<80x128xf32, #tpu.memory_space<vmem>>) offsets(%dma_start3A_134 : memref<80xi32, #tpu.memory_space<vmem>>) semaphore(%arg12 : memref<!tpu.dma_semaphore, #tpu.memory_space<semaphore_mem>>)
        } else {
        }
        %run_scoped3A_82 = arith.constant 0 : i32
        %run_scoped3A_83 = arith.constant 0 : i32
        "tpu.region"() ({
          %run_scoped3A_126 = tpu.sem_alloc : memref<!tpu.dma_semaphore, #tpu.memory_space<semaphore_mem>>
          %dma_start3A_127 = arith.constant 0 : i32
          %dma_start3A_128 = arith.constant 0 : i32
          %dma_start3A_129 = tpu.memref_slice %arg10[%run_scoped3A_82, %dma_start3A_127, %dma_start3A_128] : memref<2x80x128xf32, #tpu.memory_space<vmem>> -> memref<1x80x128xf32, #tpu.memory_space<vmem>>
          %dma_start3A_130 = tpu.memref_squeeze %dma_start3A_129 : memref<1x80x128xf32, #tpu.memory_space<vmem>> -> memref<80x128xf32, #tpu.memory_space<vmem>>
          %dma_start3A_131 = arith.constant 0 : i32
          %dma_start3A_132 = tpu.memref_slice %arg9[%run_scoped3A_83, %dma_start3A_131] : memref<2x80xi32, #tpu.memory_space<vmem>> -> memref<1x80xi32, #tpu.memory_space<vmem>>
          %dma_start3A_133 = tpu.memref_squeeze %dma_start3A_132 : memref<1x80xi32, #tpu.memory_space<vmem>> -> memref<80xi32, #tpu.memory_space<vmem>>
          %dma_start3A_134 = arith.constant 0 : i32
          %dma_start3A_135 = arith.constant 0 : i32
          %dma_start3A_136 = tpu.memref_slice %arg11[%dma_start3A_134, %dma_start3A_135] : memref<10240x128xf32, #tpu.memory_space<vmem_shared>> -> memref<10240x128xf32, #tpu.memory_space<vmem_shared>>
          tpu.enqueue_indirect_dma source(%dma_start3A_130 : memref<80x128xf32, #tpu.memory_space<vmem>>) target(%dma_start3A_136 : memref<10240x128xf32, #tpu.memory_space<vmem_shared>>) offsets(%dma_start3A_133 : memref<80xi32, #tpu.memory_space<vmem>>) semaphore(%run_scoped3A_126 : memref<!tpu.dma_semaphore, #tpu.memory_space<semaphore_mem>>) {add = true}
          %dma_wait3A_137 = arith.constant 0 : i32
          %dma_wait3A_138 = arith.constant 0 : i32
          %dma_wait3A_139 = tpu.memref_slice %arg10[%run_scoped3A_82, %dma_wait3A_137, %dma_wait3A_138] : memref<2x80x128xf32, #tpu.memory_space<vmem>> -> memref<1x80x128xf32, #tpu.memory_space<vmem>>
          %dma_wait3A_140 = tpu.memref_squeeze %dma_wait3A_139 : memref<1x80x128xf32, #tpu.memory_space<vmem>> -> memref<80x128xf32, #tpu.memory_space<vmem>>
          %dma_wait3A_141 = arith.constant 0 : i32
          %dma_wait3A_142 = tpu.memref_slice %arg9[%run_scoped3A_83, %dma_wait3A_141] : memref<2x80xi32, #tpu.memory_space<vmem>> -> memref<1x80xi32, #tpu.memory_space<vmem>>
          %dma_wait3A_143 = tpu.memref_squeeze %dma_wait3A_142 : memref<1x80xi32, #tpu.memory_space<vmem>> -> memref<80xi32, #tpu.memory_space<vmem>>
          %dma_wait3A_144 = arith.constant 0 : i32
          %dma_wait3A_145 = arith.constant 0 : i32
          %dma_wait3A_146 = tpu.memref_slice %arg11[%dma_wait3A_144, %dma_wait3A_145] : memref<10240x128xf32, #tpu.memory_space<vmem_shared>> -> memref<10240x128xf32, #tpu.memory_space<vmem_shared>>
          tpu.wait_indirect_dma semaphore(%run_scoped3A_126 : memref<!tpu.dma_semaphore, #tpu.memory_space<semaphore_mem>>) src(%dma_wait3A_140 : memref<80x128xf32, #tpu.memory_space<vmem>>) dst(%dma_wait3A_146 : memref<10240x128xf32, #tpu.memory_space<vmem_shared>>)
          tpu.yield
        }) : () -> ()
        %add3A_84 = arith.constant 2 : i32
        %add3A_85 = arith.addi %add3A_60, %add3A_84 : i32
        %lt3A_86 = arith.constant 125 : i32
        %lt3A_87 = arith.cmpi slt, %add3A_85, %lt3A_86 : i32
        %convert_element_type3A_88 = arith.extui %lt3A_87 : i1 to i32
        %cond3A_89 = arith.constant 0 : i32
        %cond3A_90 = arith.cmpi ne, %convert_element_type3A_88, %cond3A_89 : i32
        scf.if %cond3A_90 {
          %add3A_126 = arith.constant 2 : i32
          %add3A_127 = arith.addi %add3A_60, %add3A_126 : i32
          %mul3A_128 = arith.constant 80 : i32
          %mul3A_129 = arith.muli %add3A_127, %mul3A_128 : i32
          %add3A_130 = arith.addi %multiple_of3A, %mul3A_129 : i32
          %multiple_of3A_131 = tpu.assume_multiple %add3A_130, 8 : i32
          %dma_start3A_132 = arith.constant 0 : i32
          %dma_start3A_133 = arith.constant 0 : i32
          %dma_start3A_134 = tpu.memref_slice %arg8[%dma_start3A_132, %dma_start3A_133] : memref<2x80xi32, #tpu.memory_space<vmem>> -> memref<1x80xi32, #tpu.memory_space<vmem>>
          %dma_start3A_135 = tpu.memref_squeeze %dma_start3A_134 : memref<1x80xi32, #tpu.memory_space<vmem>> -> memref<80xi32, #tpu.memory_space<vmem>>
          %dma_start3A_136 = tpu.memref_slice %arg2[%multiple_of3A_131] : memref<320000xi32, #tpu.memory_space<hbm>> -> memref<80xi32, #tpu.memory_space<hbm>>
          %dma_start3A_137 = arith.constant 0 : i32
          %dma_start3A_138 = tpu.memref_slice %arg8[%dma_start3A_132, %dma_start3A_137] : memref<2x80xi32, #tpu.memory_space<vmem>> -> memref<1x80xi32, #tpu.memory_space<vmem>>
          %dma_start3A_139 = tpu.memref_squeeze %dma_start3A_138 : memref<1x80xi32, #tpu.memory_space<vmem>> -> memref<80xi32, #tpu.memory_space<vmem>>
          %dma_start3A_140 = tpu.memref_slice %arg2[%multiple_of3A_131] : memref<320000xi32, #tpu.memory_space<hbm>> -> memref<80xi32, #tpu.memory_space<hbm>>
          tpu.enqueue_dma source(%dma_start3A_140 : memref<80xi32, #tpu.memory_space<hbm>>) target(%dma_start3A_139 : memref<80xi32, #tpu.memory_space<vmem>>) target_semaphore(%arg13 : memref<!tpu.dma_semaphore, #tpu.memory_space<semaphore_mem>>)
          %dma_start3A_141 = arith.constant 0 : i32
          %dma_start3A_142 = arith.constant 0 : i32
          %dma_start3A_143 = tpu.memref_slice %arg9[%dma_start3A_141, %dma_start3A_142] : memref<2x80xi32, #tpu.memory_space<vmem>> -> memref<1x80xi32, #tpu.memory_space<vmem>>
          %dma_start3A_144 = tpu.memref_squeeze %dma_start3A_143 : memref<1x80xi32, #tpu.memory_space<vmem>> -> memref<80xi32, #tpu.memory_space<vmem>>
          %dma_start3A_145 = tpu.memref_slice %arg3[%multiple_of3A_131] : memref<320000xi32, #tpu.memory_space<hbm>> -> memref<80xi32, #tpu.memory_space<hbm>>
          %dma_start3A_146 = arith.constant 0 : i32
          %dma_start3A_147 = tpu.memref_slice %arg9[%dma_start3A_141, %dma_start3A_146] : memref<2x80xi32, #tpu.memory_space<vmem>> -> memref<1x80xi32, #tpu.memory_space<vmem>>
          %dma_start3A_148 = tpu.memref_squeeze %dma_start3A_147 : memref<1x80xi32, #tpu.memory_space<vmem>> -> memref<80xi32, #tpu.memory_space<vmem>>
          %dma_start3A_149 = tpu.memref_slice %arg3[%multiple_of3A_131] : memref<320000xi32, #tpu.memory_space<hbm>> -> memref<80xi32, #tpu.memory_space<hbm>>
          tpu.enqueue_dma source(%dma_start3A_149 : memref<80xi32, #tpu.memory_space<hbm>>) target(%dma_start3A_148 : memref<80xi32, #tpu.memory_space<vmem>>) target_semaphore(%arg13 : memref<!tpu.dma_semaphore, #tpu.memory_space<semaphore_mem>>)
          %dma_wait3A_150 = arith.constant 0 : i32
          %dma_wait3A_151 = arith.constant 0 : i32
          %dma_wait3A_152 = tpu.memref_slice %arg8[%dma_wait3A_150, %dma_wait3A_151] : memref<2x80xi32, #tpu.memory_space<vmem>> -> memref<1x80xi32, #tpu.memory_space<vmem>>
          %dma_wait3A_153 = tpu.memref_squeeze %dma_wait3A_152 : memref<1x80xi32, #tpu.memory_space<vmem>> -> memref<80xi32, #tpu.memory_space<vmem>>
          %dma_wait3A_154 = arith.constant 0 : i32
          %dma_wait3A_155 = tpu.memref_slice %arg2[%dma_wait3A_154] : memref<320000xi32, #tpu.memory_space<hbm>> -> memref<80xi32, #tpu.memory_space<hbm>>
          %dma_wait3A_156 = arith.constant 0 : i32
          %dma_wait3A_157 = tpu.memref_slice %arg8[%dma_wait3A_150, %dma_wait3A_156] : memref<2x80xi32, #tpu.memory_space<vmem>> -> memref<1x80xi32, #tpu.memory_space<vmem>>
          %dma_wait3A_158 = tpu.memref_squeeze %dma_wait3A_157 : memref<1x80xi32, #tpu.memory_space<vmem>> -> memref<80xi32, #tpu.memory_space<vmem>>
          %dma_wait3A_159 = arith.constant 0 : i32
          %dma_wait3A_160 = tpu.memref_slice %arg2[%dma_wait3A_159] : memref<320000xi32, #tpu.memory_space<hbm>> -> memref<80xi32, #tpu.memory_space<hbm>>
          tpu.wait_dma2 semaphore(%arg13 : memref<!tpu.dma_semaphore, #tpu.memory_space<semaphore_mem>>) src(%dma_wait3A_160 : memref<80xi32, #tpu.memory_space<hbm>>) dst(%dma_wait3A_158 : memref<80xi32, #tpu.memory_space<vmem>>)
          %dma_wait3A_161 = arith.constant 0 : i32
          %dma_wait3A_162 = arith.constant 0 : i32
          %dma_wait3A_163 = tpu.memref_slice %arg9[%dma_wait3A_161, %dma_wait3A_162] : memref<2x80xi32, #tpu.memory_space<vmem>> -> memref<1x80xi32, #tpu.memory_space<vmem>>
          %dma_wait3A_164 = tpu.memref_squeeze %dma_wait3A_163 : memref<1x80xi32, #tpu.memory_space<vmem>> -> memref<80xi32, #tpu.memory_space<vmem>>
          %dma_wait3A_165 = arith.constant 0 : i32
          %dma_wait3A_166 = tpu.memref_slice %arg3[%dma_wait3A_165] : memref<320000xi32, #tpu.memory_space<hbm>> -> memref<80xi32, #tpu.memory_space<hbm>>
          %dma_wait3A_167 = arith.constant 0 : i32
          %dma_wait3A_168 = tpu.memref_slice %arg9[%dma_wait3A_161, %dma_wait3A_167] : memref<2x80xi32, #tpu.memory_space<vmem>> -> memref<1x80xi32, #tpu.memory_space<vmem>>
          %dma_wait3A_169 = tpu.memref_squeeze %dma_wait3A_168 : memref<1x80xi32, #tpu.memory_space<vmem>> -> memref<80xi32, #tpu.memory_space<vmem>>
          %dma_wait3A_170 = arith.constant 0 : i32
          %dma_wait3A_171 = tpu.memref_slice %arg3[%dma_wait3A_170] : memref<320000xi32, #tpu.memory_space<hbm>> -> memref<80xi32, #tpu.memory_space<hbm>>
          tpu.wait_dma2 semaphore(%arg13 : memref<!tpu.dma_semaphore, #tpu.memory_space<semaphore_mem>>) src(%dma_wait3A_171 : memref<80xi32, #tpu.memory_space<hbm>>) dst(%dma_wait3A_169 : memref<80xi32, #tpu.memory_space<vmem>>)
        } else {
        }
        %mul3A_91 = arith.constant 2 : i32
        %mul3A_92 = arith.muli %mul3A_91, %scan3A_56 : i32
        %add3A_93 = arith.constant 1 : i32
        %add3A_94 = arith.addi %mul3A_92, %add3A_93 : i32
        %dma_wait3A_95 = arith.constant 1 : i32
        %dma_wait3A_96 = arith.constant 0 : i32
        %dma_wait3A_97 = arith.constant 0 : i32
        %dma_wait3A_98 = tpu.memref_slice %arg10[%dma_wait3A_95, %dma_wait3A_96, %dma_wait3A_97] : memref<2x80x128xf32, #tpu.memory_space<vmem>> -> memref<1x80x128xf32, #tpu.memory_space<vmem>>
        %dma_wait3A_99 = tpu.memref_squeeze %dma_wait3A_98 : memref<1x80x128xf32, #tpu.memory_space<vmem>> -> memref<80x128xf32, #tpu.memory_space<vmem>>
        %dma_wait3A_100 = arith.constant 0 : i32
        %dma_wait3A_101 = arith.constant 0 : i32
        %dma_wait3A_102 = tpu.memref_slice %arg4[%dma_wait3A_100, %dma_wait3A_101] : memref<10240x128xf32, #tpu.memory_space<hbm>> -> memref<80x128xf32, #tpu.memory_space<hbm>>
        %dma_wait3A_103 = arith.constant 0 : i32
        %dma_wait3A_104 = arith.constant 0 : i32
        %dma_wait3A_105 = tpu.memref_slice %arg10[%dma_wait3A_95, %dma_wait3A_103, %dma_wait3A_104] : memref<2x80x128xf32, #tpu.memory_space<vmem>> -> memref<1x80x128xf32, #tpu.memory_space<vmem>>
        %dma_wait3A_106 = tpu.memref_squeeze %dma_wait3A_105 : memref<1x80x128xf32, #tpu.memory_space<vmem>> -> memref<80x128xf32, #tpu.memory_space<vmem>>
        %dma_wait3A_107 = arith.constant 0 : i32
        %dma_wait3A_108 = arith.constant 0 : i32
        %dma_wait3A_109 = tpu.memref_slice %arg4[%dma_wait3A_107, %dma_wait3A_108] : memref<10240x128xf32, #tpu.memory_space<hbm>> -> memref<80x128xf32, #tpu.memory_space<hbm>>
        tpu.wait_dma2 semaphore(%arg12 : memref<!tpu.dma_semaphore, #tpu.memory_space<semaphore_mem>>) src(%dma_wait3A_109 : memref<80x128xf32, #tpu.memory_space<hbm>>) dst(%dma_wait3A_106 : memref<80x128xf32, #tpu.memory_space<vmem>>)
        %add3A_110 = arith.constant 1 : i32
        %add3A_111 = arith.addi %add3A_94, %add3A_110 : i32
        %lt3A_112 = arith.constant 125 : i32
        %lt3A_113 = arith.cmpi slt, %add3A_111, %lt3A_112 : i32
        %convert_element_type3A_114 = arith.extui %lt3A_113 : i1 to i32
        %cond3A_115 = arith.constant 0 : i32
        %cond3A_116 = arith.cmpi ne, %convert_element_type3A_114, %cond3A_115 : i32
        scf.if %cond3A_116 {
          %dma_start3A_126 = arith.constant 0 : i32
          %dma_start3A_127 = arith.constant 0 : i32
          %dma_start3A_128 = arith.constant 0 : i32
          %dma_start3A_129 = arith.constant 0 : i32
          %dma_start3A_130 = tpu.memref_slice %arg10[%dma_start3A_127, %dma_start3A_128, %dma_start3A_129] : memref<2x80x128xf32, #tpu.memory_space<vmem>> -> memref<1x80x128xf32, #tpu.memory_space<vmem>>
          %dma_start3A_131 = tpu.memref_squeeze %dma_start3A_130 : memref<1x80x128xf32, #tpu.memory_space<vmem>> -> memref<80x128xf32, #tpu.memory_space<vmem>>
          %dma_start3A_132 = arith.constant 0 : i32
          %dma_start3A_133 = tpu.memref_slice %arg8[%dma_start3A_126, %dma_start3A_132] : memref<2x80xi32, #tpu.memory_space<vmem>> -> memref<1x80xi32, #tpu.memory_space<vmem>>
          %dma_start3A_134 = tpu.memref_squeeze %dma_start3A_133 : memref<1x80xi32, #tpu.memory_space<vmem>> -> memref<80xi32, #tpu.memory_space<vmem>>
          %dma_start3A_135 = arith.constant 0 : i32
          %dma_start3A_136 = arith.constant 0 : i32
          %dma_start3A_137 = tpu.memref_slice %arg4[%dma_start3A_135, %dma_start3A_136] : memref<10240x128xf32, #tpu.memory_space<hbm>> -> memref<10240x128xf32, #tpu.memory_space<hbm>>
          tpu.enqueue_indirect_dma source(%dma_start3A_137 : memref<10240x128xf32, #tpu.memory_space<hbm>>) target(%dma_start3A_131 : memref<80x128xf32, #tpu.memory_space<vmem>>) offsets(%dma_start3A_134 : memref<80xi32, #tpu.memory_space<vmem>>) semaphore(%arg12 : memref<!tpu.dma_semaphore, #tpu.memory_space<semaphore_mem>>)
        } else {
        }
        %run_scoped3A_117 = arith.constant 1 : i32
        %run_scoped3A_118 = arith.constant 1 : i32
        "tpu.region"() ({
          %run_scoped3A_126 = tpu.sem_alloc : memref<!tpu.dma_semaphore, #tpu.memory_space<semaphore_mem>>
          %dma_start3A_127 = arith.constant 0 : i32
          %dma_start3A_128 = arith.constant 0 : i32
          %dma_start3A_129 = tpu.memref_slice %arg10[%run_scoped3A_117, %dma_start3A_127, %dma_start3A_128] : memref<2x80x128xf32, #tpu.memory_space<vmem>> -> memref<1x80x128xf32, #tpu.memory_space<vmem>>
          %dma_start3A_130 = tpu.memref_squeeze %dma_start3A_129 : memref<1x80x128xf32, #tpu.memory_space<vmem>> -> memref<80x128xf32, #tpu.memory_space<vmem>>
          %dma_start3A_131 = arith.constant 0 : i32
          %dma_start3A_132 = tpu.memref_slice %arg9[%run_scoped3A_118, %dma_start3A_131] : memref<2x80xi32, #tpu.memory_space<vmem>> -> memref<1x80xi32, #tpu.memory_space<vmem>>
          %dma_start3A_133 = tpu.memref_squeeze %dma_start3A_132 : memref<1x80xi32, #tpu.memory_space<vmem>> -> memref<80xi32, #tpu.memory_space<vmem>>
          %dma_start3A_134 = arith.constant 0 : i32
          %dma_start3A_135 = arith.constant 0 : i32
          %dma_start3A_136 = tpu.memref_slice %arg11[%dma_start3A_134, %dma_start3A_135] : memref<10240x128xf32, #tpu.memory_space<vmem_shared>> -> memref<10240x128xf32, #tpu.memory_space<vmem_shared>>
          tpu.enqueue_indirect_dma source(%dma_start3A_130 : memref<80x128xf32, #tpu.memory_space<vmem>>) target(%dma_start3A_136 : memref<10240x128xf32, #tpu.memory_space<vmem_shared>>) offsets(%dma_start3A_133 : memref<80xi32, #tpu.memory_space<vmem>>) semaphore(%run_scoped3A_126 : memref<!tpu.dma_semaphore, #tpu.memory_space<semaphore_mem>>) {add = true}
          %dma_wait3A_137 = arith.constant 0 : i32
          %dma_wait3A_138 = arith.constant 0 : i32
          %dma_wait3A_139 = tpu.memref_slice %arg10[%run_scoped3A_117, %dma_wait3A_137, %dma_wait3A_138] : memref<2x80x128xf32, #tpu.memory_space<vmem>> -> memref<1x80x128xf32, #tpu.memory_space<vmem>>
          %dma_wait3A_140 = tpu.memref_squeeze %dma_wait3A_139 : memref<1x80x128xf32, #tpu.memory_space<vmem>> -> memref<80x128xf32, #tpu.memory_space<vmem>>
          %dma_wait3A_141 = arith.constant 0 : i32
          %dma_wait3A_142 = tpu.memref_slice %arg9[%run_scoped3A_118, %dma_wait3A_141] : memref<2x80xi32, #tpu.memory_space<vmem>> -> memref<1x80xi32, #tpu.memory_space<vmem>>
          %dma_wait3A_143 = tpu.memref_squeeze %dma_wait3A_142 : memref<1x80xi32, #tpu.memory_space<vmem>> -> memref<80xi32, #tpu.memory_space<vmem>>
          %dma_wait3A_144 = arith.constant 0 : i32
          %dma_wait3A_145 = arith.constant 0 : i32
          %dma_wait3A_146 = tpu.memref_slice %arg11[%dma_wait3A_144, %dma_wait3A_145] : memref<10240x128xf32, #tpu.memory_space<vmem_shared>> -> memref<10240x128xf32, #tpu.memory_space<vmem_shared>>
          tpu.wait_indirect_dma semaphore(%run_scoped3A_126 : memref<!tpu.dma_semaphore, #tpu.memory_space<semaphore_mem>>) src(%dma_wait3A_140 : memref<80x128xf32, #tpu.memory_space<vmem>>) dst(%dma_wait3A_146 : memref<10240x128xf32, #tpu.memory_space<vmem_shared>>)
          tpu.yield
        }) : () -> ()
        %add3A_119 = arith.constant 2 : i32
        %add3A_120 = arith.addi %add3A_94, %add3A_119 : i32
        %lt3A_121 = arith.constant 125 : i32
        %lt3A_122 = arith.cmpi slt, %add3A_120, %lt3A_121 : i32
        %convert_element_type3A_123 = arith.extui %lt3A_122 : i1 to i32
        %cond3A_124 = arith.constant 0 : i32
        %cond3A_125 = arith.cmpi ne, %convert_element_type3A_123, %cond3A_124 : i32
        scf.if %cond3A_125 {
          %add3A_126 = arith.constant 2 : i32
          %add3A_127 = arith.addi %add3A_94, %add3A_126 : i32
          %mul3A_128 = arith.constant 80 : i32
          %mul3A_129 = arith.muli %add3A_127, %mul3A_128 : i32
          %add3A_130 = arith.addi %multiple_of3A, %mul3A_129 : i32
          %multiple_of3A_131 = tpu.assume_multiple %add3A_130, 8 : i32
          %dma_start3A_132 = arith.constant 1 : i32
          %dma_start3A_133 = arith.constant 0 : i32
          %dma_start3A_134 = tpu.memref_slice %arg8[%dma_start3A_132, %dma_start3A_133] : memref<2x80xi32, #tpu.memory_space<vmem>> -> memref<1x80xi32, #tpu.memory_space<vmem>>
          %dma_start3A_135 = tpu.memref_squeeze %dma_start3A_134 : memref<1x80xi32, #tpu.memory_space<vmem>> -> memref<80xi32, #tpu.memory_space<vmem>>
          %dma_start3A_136 = tpu.memref_slice %arg2[%multiple_of3A_131] : memref<320000xi32, #tpu.memory_space<hbm>> -> memref<80xi32, #tpu.memory_space<hbm>>
          %dma_start3A_137 = arith.constant 0 : i32
          %dma_start3A_138 = tpu.memref_slice %arg8[%dma_start3A_132, %dma_start3A_137] : memref<2x80xi32, #tpu.memory_space<vmem>> -> memref<1x80xi32, #tpu.memory_space<vmem>>
          %dma_start3A_139 = tpu.memref_squeeze %dma_start3A_138 : memref<1x80xi32, #tpu.memory_space<vmem>> -> memref<80xi32, #tpu.memory_space<vmem>>
          %dma_start3A_140 = tpu.memref_slice %arg2[%multiple_of3A_131] : memref<320000xi32, #tpu.memory_space<hbm>> -> memref<80xi32, #tpu.memory_space<hbm>>
          tpu.enqueue_dma source(%dma_start3A_140 : memref<80xi32, #tpu.memory_space<hbm>>) target(%dma_start3A_139 : memref<80xi32, #tpu.memory_space<vmem>>) target_semaphore(%arg13 : memref<!tpu.dma_semaphore, #tpu.memory_space<semaphore_mem>>)
          %dma_start3A_141 = arith.constant 1 : i32
          %dma_start3A_142 = arith.constant 0 : i32
          %dma_start3A_143 = tpu.memref_slice %arg9[%dma_start3A_141, %dma_start3A_142] : memref<2x80xi32, #tpu.memory_space<vmem>> -> memref<1x80xi32, #tpu.memory_space<vmem>>
          %dma_start3A_144 = tpu.memref_squeeze %dma_start3A_143 : memref<1x80xi32, #tpu.memory_space<vmem>> -> memref<80xi32, #tpu.memory_space<vmem>>
          %dma_start3A_145 = tpu.memref_slice %arg3[%multiple_of3A_131] : memref<320000xi32, #tpu.memory_space<hbm>> -> memref<80xi32, #tpu.memory_space<hbm>>
          %dma_start3A_146 = arith.constant 0 : i32
          %dma_start3A_147 = tpu.memref_slice %arg9[%dma_start3A_141, %dma_start3A_146] : memref<2x80xi32, #tpu.memory_space<vmem>> -> memref<1x80xi32, #tpu.memory_space<vmem>>
          %dma_start3A_148 = tpu.memref_squeeze %dma_start3A_147 : memref<1x80xi32, #tpu.memory_space<vmem>> -> memref<80xi32, #tpu.memory_space<vmem>>
          %dma_start3A_149 = tpu.memref_slice %arg3[%multiple_of3A_131] : memref<320000xi32, #tpu.memory_space<hbm>> -> memref<80xi32, #tpu.memory_space<hbm>>
          tpu.enqueue_dma source(%dma_start3A_149 : memref<80xi32, #tpu.memory_space<hbm>>) target(%dma_start3A_148 : memref<80xi32, #tpu.memory_space<vmem>>) target_semaphore(%arg13 : memref<!tpu.dma_semaphore, #tpu.memory_space<semaphore_mem>>)
          %dma_wait3A_150 = arith.constant 1 : i32
          %dma_wait3A_151 = arith.constant 0 : i32
          %dma_wait3A_152 = tpu.memref_slice %arg8[%dma_wait3A_150, %dma_wait3A_151] : memref<2x80xi32, #tpu.memory_space<vmem>> -> memref<1x80xi32, #tpu.memory_space<vmem>>
          %dma_wait3A_153 = tpu.memref_squeeze %dma_wait3A_152 : memref<1x80xi32, #tpu.memory_space<vmem>> -> memref<80xi32, #tpu.memory_space<vmem>>
          %dma_wait3A_154 = arith.constant 0 : i32
          %dma_wait3A_155 = tpu.memref_slice %arg2[%dma_wait3A_154] : memref<320000xi32, #tpu.memory_space<hbm>> -> memref<80xi32, #tpu.memory_space<hbm>>
          %dma_wait3A_156 = arith.constant 0 : i32
          %dma_wait3A_157 = tpu.memref_slice %arg8[%dma_wait3A_150, %dma_wait3A_156] : memref<2x80xi32, #tpu.memory_space<vmem>> -> memref<1x80xi32, #tpu.memory_space<vmem>>
          %dma_wait3A_158 = tpu.memref_squeeze %dma_wait3A_157 : memref<1x80xi32, #tpu.memory_space<vmem>> -> memref<80xi32, #tpu.memory_space<vmem>>
          %dma_wait3A_159 = arith.constant 0 : i32
          %dma_wait3A_160 = tpu.memref_slice %arg2[%dma_wait3A_159] : memref<320000xi32, #tpu.memory_space<hbm>> -> memref<80xi32, #tpu.memory_space<hbm>>
          tpu.wait_dma2 semaphore(%arg13 : memref<!tpu.dma_semaphore, #tpu.memory_space<semaphore_mem>>) src(%dma_wait3A_160 : memref<80xi32, #tpu.memory_space<hbm>>) dst(%dma_wait3A_158 : memref<80xi32, #tpu.memory_space<vmem>>)
          %dma_wait3A_161 = arith.constant 1 : i32
          %dma_wait3A_162 = arith.constant 0 : i32
          %dma_wait3A_163 = tpu.memref_slice %arg9[%dma_wait3A_161, %dma_wait3A_162] : memref<2x80xi32, #tpu.memory_space<vmem>> -> memref<1x80xi32, #tpu.memory_space<vmem>>
          %dma_wait3A_164 = tpu.memref_squeeze %dma_wait3A_163 : memref<1x80xi32, #tpu.memory_space<vmem>> -> memref<80xi32, #tpu.memory_space<vmem>>
          %dma_wait3A_165 = arith.constant 0 : i32
          %dma_wait3A_166 = tpu.memref_slice %arg3[%dma_wait3A_165] : memref<320000xi32, #tpu.memory_space<hbm>> -> memref<80xi32, #tpu.memory_space<hbm>>
          %dma_wait3A_167 = arith.constant 0 : i32
          %dma_wait3A_168 = tpu.memref_slice %arg9[%dma_wait3A_161, %dma_wait3A_167] : memref<2x80xi32, #tpu.memory_space<vmem>> -> memref<1x80xi32, #tpu.memory_space<vmem>>
          %dma_wait3A_169 = tpu.memref_squeeze %dma_wait3A_168 : memref<1x80xi32, #tpu.memory_space<vmem>> -> memref<80xi32, #tpu.memory_space<vmem>>
          %dma_wait3A_170 = arith.constant 0 : i32
          %dma_wait3A_171 = tpu.memref_slice %arg3[%dma_wait3A_170] : memref<320000xi32, #tpu.memory_space<hbm>> -> memref<80xi32, #tpu.memory_space<hbm>>
          tpu.wait_dma2 semaphore(%arg13 : memref<!tpu.dma_semaphore, #tpu.memory_space<semaphore_mem>>) src(%dma_wait3A_171 : memref<80xi32, #tpu.memory_space<hbm>>) dst(%dma_wait3A_169 : memref<80xi32, #tpu.memory_space<vmem>>)
        } else {
        }
      }
      %scan3A_34 = arith.constant 62 : i32
      %dma_wait3A = arith.constant 0 : i32
      %dma_wait3A_35 = arith.constant 0 : i32
      %dma_wait3A_36 = arith.constant 0 : i32
      %dma_wait3A_37 = tpu.memref_slice %arg10[%dma_wait3A, %dma_wait3A_35, %dma_wait3A_36] : memref<2x80x128xf32, #tpu.memory_space<vmem>> -> memref<1x80x128xf32, #tpu.memory_space<vmem>>
      %dma_wait3A_38 = tpu.memref_squeeze %dma_wait3A_37 : memref<1x80x128xf32, #tpu.memory_space<vmem>> -> memref<80x128xf32, #tpu.memory_space<vmem>>
      %dma_wait3A_39 = arith.constant 0 : i32
      %dma_wait3A_40 = arith.constant 0 : i32
      %dma_wait3A_41 = tpu.memref_slice %arg4[%dma_wait3A_39, %dma_wait3A_40] : memref<10240x128xf32, #tpu.memory_space<hbm>> -> memref<80x128xf32, #tpu.memory_space<hbm>>
      %dma_wait3A_42 = arith.constant 0 : i32
      %dma_wait3A_43 = arith.constant 0 : i32
      %dma_wait3A_44 = tpu.memref_slice %arg10[%dma_wait3A, %dma_wait3A_42, %dma_wait3A_43] : memref<2x80x128xf32, #tpu.memory_space<vmem>> -> memref<1x80x128xf32, #tpu.memory_space<vmem>>
      %dma_wait3A_45 = tpu.memref_squeeze %dma_wait3A_44 : memref<1x80x128xf32, #tpu.memory_space<vmem>> -> memref<80x128xf32, #tpu.memory_space<vmem>>
      %dma_wait3A_46 = arith.constant 0 : i32
      %dma_wait3A_47 = arith.constant 0 : i32
      %dma_wait3A_48 = tpu.memref_slice %arg4[%dma_wait3A_46, %dma_wait3A_47] : memref<10240x128xf32, #tpu.memory_space<hbm>> -> memref<80x128xf32, #tpu.memory_space<hbm>>
      tpu.wait_dma2 semaphore(%arg12 : memref<!tpu.dma_semaphore, #tpu.memory_space<semaphore_mem>>) src(%dma_wait3A_48 : memref<80x128xf32, #tpu.memory_space<hbm>>) dst(%dma_wait3A_45 : memref<80x128xf32, #tpu.memory_space<vmem>>)
      %run_scoped3A_49 = arith.constant 0 : i32
      %run_scoped3A_50 = arith.constant 0 : i32
      "tpu.region"() ({
        %run_scoped3A_56 = tpu.sem_alloc : memref<!tpu.dma_semaphore, #tpu.memory_space<semaphore_mem>>
        %dma_start3A_57 = arith.constant 0 : i32
        %dma_start3A_58 = arith.constant 0 : i32
        %dma_start3A_59 = tpu.memref_slice %arg10[%run_scoped3A_49, %dma_start3A_57, %dma_start3A_58] : memref<2x80x128xf32, #tpu.memory_space<vmem>> -> memref<1x80x128xf32, #tpu.memory_space<vmem>>
        %dma_start3A_60 = tpu.memref_squeeze %dma_start3A_59 : memref<1x80x128xf32, #tpu.memory_space<vmem>> -> memref<80x128xf32, #tpu.memory_space<vmem>>
        %dma_start3A_61 = arith.constant 0 : i32
        %dma_start3A_62 = tpu.memref_slice %arg9[%run_scoped3A_50, %dma_start3A_61] : memref<2x80xi32, #tpu.memory_space<vmem>> -> memref<1x80xi32, #tpu.memory_space<vmem>>
        %dma_start3A_63 = tpu.memref_squeeze %dma_start3A_62 : memref<1x80xi32, #tpu.memory_space<vmem>> -> memref<80xi32, #tpu.memory_space<vmem>>
        %dma_start3A_64 = arith.constant 0 : i32
        %dma_start3A_65 = arith.constant 0 : i32
        %dma_start3A_66 = tpu.memref_slice %arg11[%dma_start3A_64, %dma_start3A_65] : memref<10240x128xf32, #tpu.memory_space<vmem_shared>> -> memref<10240x128xf32, #tpu.memory_space<vmem_shared>>
        tpu.enqueue_indirect_dma source(%dma_start3A_60 : memref<80x128xf32, #tpu.memory_space<vmem>>) target(%dma_start3A_66 : memref<10240x128xf32, #tpu.memory_space<vmem_shared>>) offsets(%dma_start3A_63 : memref<80xi32, #tpu.memory_space<vmem>>) semaphore(%run_scoped3A_56 : memref<!tpu.dma_semaphore, #tpu.memory_space<semaphore_mem>>) {add = true}
        %dma_wait3A_67 = arith.constant 0 : i32
        %dma_wait3A_68 = arith.constant 0 : i32
        %dma_wait3A_69 = tpu.memref_slice %arg10[%run_scoped3A_49, %dma_wait3A_67, %dma_wait3A_68] : memref<2x80x128xf32, #tpu.memory_space<vmem>> -> memref<1x80x128xf32, #tpu.memory_space<vmem>>
        %dma_wait3A_70 = tpu.memref_squeeze %dma_wait3A_69 : memref<1x80x128xf32, #tpu.memory_space<vmem>> -> memref<80x128xf32, #tpu.memory_space<vmem>>
        %dma_wait3A_71 = arith.constant 0 : i32
        %dma_wait3A_72 = tpu.memref_slice %arg9[%run_scoped3A_50, %dma_wait3A_71] : memref<2x80xi32, #tpu.memory_space<vmem>> -> memref<1x80xi32, #tpu.memory_space<vmem>>
        %dma_wait3A_73 = tpu.memref_squeeze %dma_wait3A_72 : memref<1x80xi32, #tpu.memory_space<vmem>> -> memref<80xi32, #tpu.memory_space<vmem>>
        %dma_wait3A_74 = arith.constant 0 : i32
        %dma_wait3A_75 = arith.constant 0 : i32
        %dma_wait3A_76 = tpu.memref_slice %arg11[%dma_wait3A_74, %dma_wait3A_75] : memref<10240x128xf32, #tpu.memory_space<vmem_shared>> -> memref<10240x128xf32, #tpu.memory_space<vmem_shared>>
        tpu.wait_indirect_dma semaphore(%run_scoped3A_56 : memref<!tpu.dma_semaphore, #tpu.memory_space<semaphore_mem>>) src(%dma_wait3A_70 : memref<80x128xf32, #tpu.memory_space<vmem>>) dst(%dma_wait3A_76 : memref<10240x128xf32, #tpu.memory_space<vmem_shared>>)
        tpu.yield
      }) : () -> ()
      %barrier3A_51 = arith.constant 0 : index
      tpu.barrier barrier_id(%barrier3A_51)
      %mul3A_52 = arith.constant 640 : i32
      %mul3A_53 = arith.muli %arg1, %mul3A_52 : i32
      %mul3A_54 = arith.constant 640 : i32
      %mul3A_55 = arith.muli %arg1, %mul3A_54 : i32
      "tpu.region"() ({
        %run_scoped3A_56 = tpu.sem_alloc : memref<!tpu.dma_semaphore, #tpu.memory_space<semaphore_mem>>
        %dma_start3A_57 = arith.constant 0 : i32
        %dma_start3A_58 = tpu.memref_slice %arg6[%mul3A_55, %dma_start3A_57] : memref<10240x128xf32, #tpu.memory_space<hbm>> -> memref<640x128xf32, #tpu.memory_space<hbm>>
        %dma_start3A_59 = arith.constant 0 : i32
        %dma_start3A_60 = tpu.memref_slice %arg11[%mul3A_53, %dma_start3A_59] : memref<10240x128xf32, #tpu.memory_space<vmem_shared>> -> memref<640x128xf32, #tpu.memory_space<vmem_shared>>
        tpu.enqueue_dma source(%dma_start3A_60 : memref<640x128xf32, #tpu.memory_space<vmem_shared>>) target(%dma_start3A_58 : memref<640x128xf32, #tpu.memory_space<hbm>>) target_semaphore(%run_scoped3A_56 : memref<!tpu.dma_semaphore, #tpu.memory_space<semaphore_mem>>)
        %dma_wait3A_61 = arith.constant 0 : i32
        %dma_wait3A_62 = tpu.memref_slice %arg6[%mul3A_55, %dma_wait3A_61] : memref<10240x128xf32, #tpu.memory_space<hbm>> -> memref<640x128xf32, #tpu.memory_space<hbm>>
        %dma_wait3A_63 = arith.constant 0 : i32
        %dma_wait3A_64 = tpu.memref_slice %arg11[%mul3A_53, %dma_wait3A_63] : memref<10240x128xf32, #tpu.memory_space<vmem_shared>> -> memref<640x128xf32, #tpu.memory_space<vmem_shared>>
        tpu.wait_dma2 semaphore(%run_scoped3A_56 : memref<!tpu.dma_semaphore, #tpu.memory_space<semaphore_mem>>) src(%dma_wait3A_64 : memref<640x128xf32, #tpu.memory_space<vmem_shared>>) dst(%dma_wait3A_62 : memref<640x128xf32, #tpu.memory_space<hbm>>)
        tpu.yield
      }) : () -> ()
    } else {
    }
    %eq3A_5 = arith.constant 1 : i32
    %eq3A_6 = arith.cmpi eq, %arg0, %eq3A_5 : i32
    %convert_element_type3A_7 = arith.extui %eq3A_6 : i1 to i32
    %cond3A_8 = arith.constant 0 : i32
    %cond3A_9 = arith.cmpi ne, %convert_element_type3A_7, %cond3A_8 : i32
    scf.if %cond3A_9 {
      %mul3A_10 = arith.constant 640 : i32
      %mul3A_11 = arith.muli %arg1, %mul3A_10 : i32
      "tpu.region"() ({
        %run_scoped3A_56 = tpu.sem_alloc : memref<!tpu.dma_semaphore, #tpu.memory_space<semaphore_mem>>
        %dma_start3A_57 = arith.constant 0 : i32
        %dma_start3A_58 = tpu.memref_slice %arg11[%mul3A_11, %dma_start3A_57] : memref<10240x128xf32, #tpu.memory_space<vmem_shared>> -> memref<640x128xf32, #tpu.memory_space<vmem_shared>>
        tpu.enqueue_dma source(%arg5 : memref<640x128xf32, #tpu.memory_space<hbm>>) target(%dma_start3A_58 : memref<640x128xf32, #tpu.memory_space<vmem_shared>>) target_semaphore(%run_scoped3A_56 : memref<!tpu.dma_semaphore, #tpu.memory_space<semaphore_mem>>)
        %dma_wait3A_59 = arith.constant 0 : i32
        %dma_wait3A_60 = tpu.memref_slice %arg11[%mul3A_11, %dma_wait3A_59] : memref<10240x128xf32, #tpu.memory_space<vmem_shared>> -> memref<640x128xf32, #tpu.memory_space<vmem_shared>>
        tpu.wait_dma2 semaphore(%run_scoped3A_56 : memref<!tpu.dma_semaphore, #tpu.memory_space<semaphore_mem>>) src(%arg5 : memref<640x128xf32, #tpu.memory_space<hbm>>) dst(%dma_wait3A_60 : memref<640x128xf32, #tpu.memory_space<vmem_shared>>)
        tpu.yield
      }) : () -> ()
      %run_scoped3A = arith.constant 0 : i32
      "tpu.region"() ({
        %run_scoped3A_56 = tpu.sem_alloc : memref<!tpu.dma_semaphore, #tpu.memory_space<semaphore_mem>>
        %dma_start3A_57 = arith.constant 0 : i32
        %dma_start3A_58 = tpu.memref_slice %arg8[%run_scoped3A, %dma_start3A_57] : memref<2x80xi32, #tpu.memory_space<vmem>> -> memref<1x80xi32, #tpu.memory_space<vmem>>
        %dma_start3A_59 = tpu.memref_squeeze %dma_start3A_58 : memref<1x80xi32, #tpu.memory_space<vmem>> -> memref<80xi32, #tpu.memory_space<vmem>>
        %dma_start3A_60 = tpu.memref_slice %arg2[%multiple_of3A] : memref<320000xi32, #tpu.memory_space<hbm>> -> memref<80xi32, #tpu.memory_space<hbm>>
        %dma_start3A_61 = arith.constant 0 : i32
        %dma_start3A_62 = tpu.memref_slice %arg8[%run_scoped3A, %dma_start3A_61] : memref<2x80xi32, #tpu.memory_space<vmem>> -> memref<1x80xi32, #tpu.memory_space<vmem>>
        %dma_start3A_63 = tpu.memref_squeeze %dma_start3A_62 : memref<1x80xi32, #tpu.memory_space<vmem>> -> memref<80xi32, #tpu.memory_space<vmem>>
        %dma_start3A_64 = tpu.memref_slice %arg2[%multiple_of3A] : memref<320000xi32, #tpu.memory_space<hbm>> -> memref<80xi32, #tpu.memory_space<hbm>>
        tpu.enqueue_dma source(%dma_start3A_64 : memref<80xi32, #tpu.memory_space<hbm>>) target(%dma_start3A_63 : memref<80xi32, #tpu.memory_space<vmem>>) target_semaphore(%run_scoped3A_56 : memref<!tpu.dma_semaphore, #tpu.memory_space<semaphore_mem>>)
        %dma_wait3A_65 = arith.constant 0 : i32
        %dma_wait3A_66 = tpu.memref_slice %arg8[%run_scoped3A, %dma_wait3A_65] : memref<2x80xi32, #tpu.memory_space<vmem>> -> memref<1x80xi32, #tpu.memory_space<vmem>>
        %dma_wait3A_67 = tpu.memref_squeeze %dma_wait3A_66 : memref<1x80xi32, #tpu.memory_space<vmem>> -> memref<80xi32, #tpu.memory_space<vmem>>
        %dma_wait3A_68 = tpu.memref_slice %arg2[%multiple_of3A] : memref<320000xi32, #tpu.memory_space<hbm>> -> memref<80xi32, #tpu.memory_space<hbm>>
        %dma_wait3A_69 = arith.constant 0 : i32
        %dma_wait3A_70 = tpu.memref_slice %arg8[%run_scoped3A, %dma_wait3A_69] : memref<2x80xi32, #tpu.memory_space<vmem>> -> memref<1x80xi32, #tpu.memory_space<vmem>>
        %dma_wait3A_71 = tpu.memref_squeeze %dma_wait3A_70 : memref<1x80xi32, #tpu.memory_space<vmem>> -> memref<80xi32, #tpu.memory_space<vmem>>
        %dma_wait3A_72 = tpu.memref_slice %arg2[%multiple_of3A] : memref<320000xi32, #tpu.memory_space<hbm>> -> memref<80xi32, #tpu.memory_space<hbm>>
        tpu.wait_dma2 semaphore(%run_scoped3A_56 : memref<!tpu.dma_semaphore, #tpu.memory_space<semaphore_mem>>) src(%dma_wait3A_72 : memref<80xi32, #tpu.memory_space<hbm>>) dst(%dma_wait3A_71 : memref<80xi32, #tpu.memory_space<vmem>>)
        tpu.yield
      }) : () -> ()
      %run_scoped3A_12 = arith.constant 0 : i32
      "tpu.region"() ({
        %run_scoped3A_56 = tpu.sem_alloc : memref<!tpu.dma_semaphore, #tpu.memory_space<semaphore_mem>>
        %dma_start3A_57 = arith.constant 0 : i32
        %dma_start3A_58 = tpu.memref_slice %arg9[%run_scoped3A_12, %dma_start3A_57] : memref<2x80xi32, #tpu.memory_space<vmem>> -> memref<1x80xi32, #tpu.memory_space<vmem>>
        %dma_start3A_59 = tpu.memref_squeeze %dma_start3A_58 : memref<1x80xi32, #tpu.memory_space<vmem>> -> memref<80xi32, #tpu.memory_space<vmem>>
        %dma_start3A_60 = tpu.memref_slice %arg3[%multiple_of3A] : memref<320000xi32, #tpu.memory_space<hbm>> -> memref<80xi32, #tpu.memory_space<hbm>>
        %dma_start3A_61 = arith.constant 0 : i32
        %dma_start3A_62 = tpu.memref_slice %arg9[%run_scoped3A_12, %dma_start3A_61] : memref<2x80xi32, #tpu.memory_space<vmem>> -> memref<1x80xi32, #tpu.memory_space<vmem>>
        %dma_start3A_63 = tpu.memref_squeeze %dma_start3A_62 : memref<1x80xi32, #tpu.memory_space<vmem>> -> memref<80xi32, #tpu.memory_space<vmem>>
        %dma_start3A_64 = tpu.memref_slice %arg3[%multiple_of3A] : memref<320000xi32, #tpu.memory_space<hbm>> -> memref<80xi32, #tpu.memory_space<hbm>>
        tpu.enqueue_dma source(%dma_start3A_64 : memref<80xi32, #tpu.memory_space<hbm>>) target(%dma_start3A_63 : memref<80xi32, #tpu.memory_space<vmem>>) target_semaphore(%run_scoped3A_56 : memref<!tpu.dma_semaphore, #tpu.memory_space<semaphore_mem>>)
        %dma_wait3A_65 = arith.constant 0 : i32
        %dma_wait3A_66 = tpu.memref_slice %arg9[%run_scoped3A_12, %dma_wait3A_65] : memref<2x80xi32, #tpu.memory_space<vmem>> -> memref<1x80xi32, #tpu.memory_space<vmem>>
        %dma_wait3A_67 = tpu.memref_squeeze %dma_wait3A_66 : memref<1x80xi32, #tpu.memory_space<vmem>> -> memref<80xi32, #tpu.memory_space<vmem>>
        %dma_wait3A_68 = tpu.memref_slice %arg3[%multiple_of3A] : memref<320000xi32, #tpu.memory_space<hbm>> -> memref<80xi32, #tpu.memory_space<hbm>>
        %dma_wait3A_69 = arith.constant 0 : i32
        %dma_wait3A_70 = tpu.memref_slice %arg9[%run_scoped3A_12, %dma_wait3A_69] : memref<2x80xi32, #tpu.memory_space<vmem>> -> memref<1x80xi32, #tpu.memory_space<vmem>>
        %dma_wait3A_71 = tpu.memref_squeeze %dma_wait3A_70 : memref<1x80xi32, #tpu.memory_space<vmem>> -> memref<80xi32, #tpu.memory_space<vmem>>
        %dma_wait3A_72 = tpu.memref_slice %arg3[%multiple_of3A] : memref<320000xi32, #tpu.memory_space<hbm>> -> memref<80xi32, #tpu.memory_space<hbm>>
        tpu.wait_dma2 semaphore(%run_scoped3A_56 : memref<!tpu.dma_semaphore, #tpu.memory_space<semaphore_mem>>) src(%dma_wait3A_72 : memref<80xi32, #tpu.memory_space<hbm>>) dst(%dma_wait3A_71 : memref<80xi32, #tpu.memory_space<vmem>>)
        tpu.yield
      }) : () -> ()
      %barrier3A = arith.constant 0 : index
      tpu.barrier barrier_id(%barrier3A)
      %dma_start3A = arith.constant 0 : i32
      %dma_start3A_13 = arith.constant 0 : i32
      %dma_start3A_14 = arith.constant 0 : i32
      %dma_start3A_15 = arith.constant 0 : i32
      %dma_start3A_16 = tpu.memref_slice %arg10[%dma_start3A_13, %dma_start3A_14, %dma_start3A_15] : memref<2x80x128xf32, #tpu.memory_space<vmem>> -> memref<1x80x128xf32, #tpu.memory_space<vmem>>
      %dma_start3A_17 = tpu.memref_squeeze %dma_start3A_16 : memref<1x80x128xf32, #tpu.memory_space<vmem>> -> memref<80x128xf32, #tpu.memory_space<vmem>>
      %dma_start3A_18 = arith.constant 0 : i32
      %dma_start3A_19 = tpu.memref_slice %arg8[%dma_start3A, %dma_start3A_18] : memref<2x80xi32, #tpu.memory_space<vmem>> -> memref<1x80xi32, #tpu.memory_space<vmem>>
      %dma_start3A_20 = tpu.memref_squeeze %dma_start3A_19 : memref<1x80xi32, #tpu.memory_space<vmem>> -> memref<80xi32, #tpu.memory_space<vmem>>
      %dma_start3A_21 = arith.constant 0 : i32
      %dma_start3A_22 = arith.constant 0 : i32
      %dma_start3A_23 = tpu.memref_slice %arg4[%dma_start3A_21, %dma_start3A_22] : memref<10240x128xf32, #tpu.memory_space<hbm>> -> memref<10240x128xf32, #tpu.memory_space<hbm>>
      tpu.enqueue_indirect_dma source(%dma_start3A_23 : memref<10240x128xf32, #tpu.memory_space<hbm>>) target(%dma_start3A_17 : memref<80x128xf32, #tpu.memory_space<vmem>>) offsets(%dma_start3A_20 : memref<80xi32, #tpu.memory_space<vmem>>) semaphore(%arg12 : memref<!tpu.dma_semaphore, #tpu.memory_space<semaphore_mem>>)
      %add3A_24 = arith.constant 80 : i32
      %add3A_25 = arith.addi %multiple_of3A, %add3A_24 : i32
      %run_scoped3A_26 = arith.constant 1 : i32
      "tpu.region"() ({
        %run_scoped3A_56 = tpu.sem_alloc : memref<!tpu.dma_semaphore, #tpu.memory_space<semaphore_mem>>
        %dma_start3A_57 = arith.constant 0 : i32
        %dma_start3A_58 = tpu.memref_slice %arg8[%run_scoped3A_26, %dma_start3A_57] : memref<2x80xi32, #tpu.memory_space<vmem>> -> memref<1x80xi32, #tpu.memory_space<vmem>>
        %dma_start3A_59 = tpu.memref_squeeze %dma_start3A_58 : memref<1x80xi32, #tpu.memory_space<vmem>> -> memref<80xi32, #tpu.memory_space<vmem>>
        %dma_start3A_60 = tpu.memref_slice %arg2[%add3A_25] : memref<320000xi32, #tpu.memory_space<hbm>> -> memref<80xi32, #tpu.memory_space<hbm>>
        %dma_start3A_61 = arith.constant 0 : i32
        %dma_start3A_62 = tpu.memref_slice %arg8[%run_scoped3A_26, %dma_start3A_61] : memref<2x80xi32, #tpu.memory_space<vmem>> -> memref<1x80xi32, #tpu.memory_space<vmem>>
        %dma_start3A_63 = tpu.memref_squeeze %dma_start3A_62 : memref<1x80xi32, #tpu.memory_space<vmem>> -> memref<80xi32, #tpu.memory_space<vmem>>
        %dma_start3A_64 = tpu.memref_slice %arg2[%add3A_25] : memref<320000xi32, #tpu.memory_space<hbm>> -> memref<80xi32, #tpu.memory_space<hbm>>
        tpu.enqueue_dma source(%dma_start3A_64 : memref<80xi32, #tpu.memory_space<hbm>>) target(%dma_start3A_63 : memref<80xi32, #tpu.memory_space<vmem>>) target_semaphore(%run_scoped3A_56 : memref<!tpu.dma_semaphore, #tpu.memory_space<semaphore_mem>>)
        %dma_wait3A_65 = arith.constant 0 : i32
        %dma_wait3A_66 = tpu.memref_slice %arg8[%run_scoped3A_26, %dma_wait3A_65] : memref<2x80xi32, #tpu.memory_space<vmem>> -> memref<1x80xi32, #tpu.memory_space<vmem>>
        %dma_wait3A_67 = tpu.memref_squeeze %dma_wait3A_66 : memref<1x80xi32, #tpu.memory_space<vmem>> -> memref<80xi32, #tpu.memory_space<vmem>>
        %dma_wait3A_68 = tpu.memref_slice %arg2[%add3A_25] : memref<320000xi32, #tpu.memory_space<hbm>> -> memref<80xi32, #tpu.memory_space<hbm>>
        %dma_wait3A_69 = arith.constant 0 : i32
        %dma_wait3A_70 = tpu.memref_slice %arg8[%run_scoped3A_26, %dma_wait3A_69] : memref<2x80xi32, #tpu.memory_space<vmem>> -> memref<1x80xi32, #tpu.memory_space<vmem>>
        %dma_wait3A_71 = tpu.memref_squeeze %dma_wait3A_70 : memref<1x80xi32, #tpu.memory_space<vmem>> -> memref<80xi32, #tpu.memory_space<vmem>>
        %dma_wait3A_72 = tpu.memref_slice %arg2[%add3A_25] : memref<320000xi32, #tpu.memory_space<hbm>> -> memref<80xi32, #tpu.memory_space<hbm>>
        tpu.wait_dma2 semaphore(%run_scoped3A_56 : memref<!tpu.dma_semaphore, #tpu.memory_space<semaphore_mem>>) src(%dma_wait3A_72 : memref<80xi32, #tpu.memory_space<hbm>>) dst(%dma_wait3A_71 : memref<80xi32, #tpu.memory_space<vmem>>)
        tpu.yield
      }) : () -> ()
      %add3A_27 = arith.constant 80 : i32
      %add3A_28 = arith.addi %multiple_of3A, %add3A_27 : i32
      %run_scoped3A_29 = arith.constant 1 : i32
      "tpu.region"() ({
        %run_scoped3A_56 = tpu.sem_alloc : memref<!tpu.dma_semaphore, #tpu.memory_space<semaphore_mem>>
        %dma_start3A_57 = arith.constant 0 : i32
        %dma_start3A_58 = tpu.memref_slice %arg9[%run_scoped3A_29, %dma_start3A_57] : memref<2x80xi32, #tpu.memory_space<vmem>> -> memref<1x80xi32, #tpu.memory_space<vmem>>
        %dma_start3A_59 = tpu.memref_squeeze %dma_start3A_58 : memref<1x80xi32, #tpu.memory_space<vmem>> -> memref<80xi32, #tpu.memory_space<vmem>>
        %dma_start3A_60 = tpu.memref_slice %arg3[%add3A_28] : memref<320000xi32, #tpu.memory_space<hbm>> -> memref<80xi32, #tpu.memory_space<hbm>>
        %dma_start3A_61 = arith.constant 0 : i32
        %dma_start3A_62 = tpu.memref_slice %arg9[%run_scoped3A_29, %dma_start3A_61] : memref<2x80xi32, #tpu.memory_space<vmem>> -> memref<1x80xi32, #tpu.memory_space<vmem>>
        %dma_start3A_63 = tpu.memref_squeeze %dma_start3A_62 : memref<1x80xi32, #tpu.memory_space<vmem>> -> memref<80xi32, #tpu.memory_space<vmem>>
        %dma_start3A_64 = tpu.memref_slice %arg3[%add3A_28] : memref<320000xi32, #tpu.memory_space<hbm>> -> memref<80xi32, #tpu.memory_space<hbm>>
        tpu.enqueue_dma source(%dma_start3A_64 : memref<80xi32, #tpu.memory_space<hbm>>) target(%dma_start3A_63 : memref<80xi32, #tpu.memory_space<vmem>>) target_semaphore(%run_scoped3A_56 : memref<!tpu.dma_semaphore, #tpu.memory_space<semaphore_mem>>)
        %dma_wait3A_65 = arith.constant 0 : i32
        %dma_wait3A_66 = tpu.memref_slice %arg9[%run_scoped3A_29, %dma_wait3A_65] : memref<2x80xi32, #tpu.memory_space<vmem>> -> memref<1x80xi32, #tpu.memory_space<vmem>>
        %dma_wait3A_67 = tpu.memref_squeeze %dma_wait3A_66 : memref<1x80xi32, #tpu.memory_space<vmem>> -> memref<80xi32, #tpu.memory_space<vmem>>
        %dma_wait3A_68 = tpu.memref_slice %arg3[%add3A_28] : memref<320000xi32, #tpu.memory_space<hbm>> -> memref<80xi32, #tpu.memory_space<hbm>>
        %dma_wait3A_69 = arith.constant 0 : i32
        %dma_wait3A_70 = tpu.memref_slice %arg9[%run_scoped3A_29, %dma_wait3A_69] : memref<2x80xi32, #tpu.memory_space<vmem>> -> memref<1x80xi32, #tpu.memory_space<vmem>>
        %dma_wait3A_71 = tpu.memref_squeeze %dma_wait3A_70 : memref<1x80xi32, #tpu.memory_space<vmem>> -> memref<80xi32, #tpu.memory_space<vmem>>
        %dma_wait3A_72 = tpu.memref_slice %arg3[%add3A_28] : memref<320000xi32, #tpu.memory_space<hbm>> -> memref<80xi32, #tpu.memory_space<hbm>>
        tpu.wait_dma2 semaphore(%run_scoped3A_56 : memref<!tpu.dma_semaphore, #tpu.memory_space<semaphore_mem>>) src(%dma_wait3A_72 : memref<80xi32, #tpu.memory_space<hbm>>) dst(%dma_wait3A_71 : memref<80xi32, #tpu.memory_space<vmem>>)
        tpu.yield
      }) : () -> ()
      %scan3A = arith.constant 0 : i32
      %scan3A_30 = arith.constant 0 : i32
      %scan3A_31 = arith.constant 62 : i32
      %scan3A_32 = arith.addi %scan3A_30, %scan3A_31 : i32
      %scan3A_33 = arith.constant 1 : i32
      scf.for %scan3A_56 = %scan3A_30 to %scan3A_32 step %scan3A_33  : i32 {
        %mul3A_57 = arith.constant 2 : i32
        %mul3A_58 = arith.muli %mul3A_57, %scan3A_56 : i32
        %add3A_59 = arith.constant 0 : i32
        %add3A_60 = arith.addi %mul3A_58, %add3A_59 : i32
        %dma_wait3A_61 = arith.constant 0 : i32
        %dma_wait3A_62 = arith.constant 0 : i32
        %dma_wait3A_63 = arith.constant 0 : i32
        %dma_wait3A_64 = tpu.memref_slice %arg10[%dma_wait3A_61, %dma_wait3A_62, %dma_wait3A_63] : memref<2x80x128xf32, #tpu.memory_space<vmem>> -> memref<1x80x128xf32, #tpu.memory_space<vmem>>
        %dma_wait3A_65 = tpu.memref_squeeze %dma_wait3A_64 : memref<1x80x128xf32, #tpu.memory_space<vmem>> -> memref<80x128xf32, #tpu.memory_space<vmem>>
        %dma_wait3A_66 = arith.constant 0 : i32
        %dma_wait3A_67 = arith.constant 0 : i32
        %dma_wait3A_68 = tpu.memref_slice %arg4[%dma_wait3A_66, %dma_wait3A_67] : memref<10240x128xf32, #tpu.memory_space<hbm>> -> memref<80x128xf32, #tpu.memory_space<hbm>>
        %dma_wait3A_69 = arith.constant 0 : i32
        %dma_wait3A_70 = arith.constant 0 : i32
        %dma_wait3A_71 = tpu.memref_slice %arg10[%dma_wait3A_61, %dma_wait3A_69, %dma_wait3A_70] : memref<2x80x128xf32, #tpu.memory_space<vmem>> -> memref<1x80x128xf32, #tpu.memory_space<vmem>>
        %dma_wait3A_72 = tpu.memref_squeeze %dma_wait3A_71 : memref<1x80x128xf32, #tpu.memory_space<vmem>> -> memref<80x128xf32, #tpu.memory_space<vmem>>
        %dma_wait3A_73 = arith.constant 0 : i32
        %dma_wait3A_74 = arith.constant 0 : i32
        %dma_wait3A_75 = tpu.memref_slice %arg4[%dma_wait3A_73, %dma_wait3A_74] : memref<10240x128xf32, #tpu.memory_space<hbm>> -> memref<80x128xf32, #tpu.memory_space<hbm>>
        tpu.wait_dma2 semaphore(%arg12 : memref<!tpu.dma_semaphore, #tpu.memory_space<semaphore_mem>>) src(%dma_wait3A_75 : memref<80x128xf32, #tpu.memory_space<hbm>>) dst(%dma_wait3A_72 : memref<80x128xf32, #tpu.memory_space<vmem>>)
        %add3A_76 = arith.constant 1 : i32
        %add3A_77 = arith.addi %add3A_60, %add3A_76 : i32
        %lt3A = arith.constant 125 : i32
        %lt3A_78 = arith.cmpi slt, %add3A_77, %lt3A : i32
        %convert_element_type3A_79 = arith.extui %lt3A_78 : i1 to i32
        %cond3A_80 = arith.constant 0 : i32
        %cond3A_81 = arith.cmpi ne, %convert_element_type3A_79, %cond3A_80 : i32
        scf.if %cond3A_81 {
          %dma_start3A_126 = arith.constant 1 : i32
          %dma_start3A_127 = arith.constant 1 : i32
          %dma_start3A_128 = arith.constant 0 : i32
          %dma_start3A_129 = arith.constant 0 : i32
          %dma_start3A_130 = tpu.memref_slice %arg10[%dma_start3A_127, %dma_start3A_128, %dma_start3A_129] : memref<2x80x128xf32, #tpu.memory_space<vmem>> -> memref<1x80x128xf32, #tpu.memory_space<vmem>>
          %dma_start3A_131 = tpu.memref_squeeze %dma_start3A_130 : memref<1x80x128xf32, #tpu.memory_space<vmem>> -> memref<80x128xf32, #tpu.memory_space<vmem>>
          %dma_start3A_132 = arith.constant 0 : i32
          %dma_start3A_133 = tpu.memref_slice %arg8[%dma_start3A_126, %dma_start3A_132] : memref<2x80xi32, #tpu.memory_space<vmem>> -> memref<1x80xi32, #tpu.memory_space<vmem>>
          %dma_start3A_134 = tpu.memref_squeeze %dma_start3A_133 : memref<1x80xi32, #tpu.memory_space<vmem>> -> memref<80xi32, #tpu.memory_space<vmem>>
          %dma_start3A_135 = arith.constant 0 : i32
          %dma_start3A_136 = arith.constant 0 : i32
          %dma_start3A_137 = tpu.memref_slice %arg4[%dma_start3A_135, %dma_start3A_136] : memref<10240x128xf32, #tpu.memory_space<hbm>> -> memref<10240x128xf32, #tpu.memory_space<hbm>>
          tpu.enqueue_indirect_dma source(%dma_start3A_137 : memref<10240x128xf32, #tpu.memory_space<hbm>>) target(%dma_start3A_131 : memref<80x128xf32, #tpu.memory_space<vmem>>) offsets(%dma_start3A_134 : memref<80xi32, #tpu.memory_space<vmem>>) semaphore(%arg12 : memref<!tpu.dma_semaphore, #tpu.memory_space<semaphore_mem>>)
        } else {
        }
        %run_scoped3A_82 = arith.constant 0 : i32
        %run_scoped3A_83 = arith.constant 0 : i32
        "tpu.region"() ({
          %run_scoped3A_126 = tpu.sem_alloc : memref<!tpu.dma_semaphore, #tpu.memory_space<semaphore_mem>>
          %dma_start3A_127 = arith.constant 0 : i32
          %dma_start3A_128 = arith.constant 0 : i32
          %dma_start3A_129 = tpu.memref_slice %arg10[%run_scoped3A_82, %dma_start3A_127, %dma_start3A_128] : memref<2x80x128xf32, #tpu.memory_space<vmem>> -> memref<1x80x128xf32, #tpu.memory_space<vmem>>
          %dma_start3A_130 = tpu.memref_squeeze %dma_start3A_129 : memref<1x80x128xf32, #tpu.memory_space<vmem>> -> memref<80x128xf32, #tpu.memory_space<vmem>>
          %dma_start3A_131 = arith.constant 0 : i32
          %dma_start3A_132 = tpu.memref_slice %arg9[%run_scoped3A_83, %dma_start3A_131] : memref<2x80xi32, #tpu.memory_space<vmem>> -> memref<1x80xi32, #tpu.memory_space<vmem>>
          %dma_start3A_133 = tpu.memref_squeeze %dma_start3A_132 : memref<1x80xi32, #tpu.memory_space<vmem>> -> memref<80xi32, #tpu.memory_space<vmem>>
          %dma_start3A_134 = arith.constant 0 : i32
          %dma_start3A_135 = arith.constant 0 : i32
          %dma_start3A_136 = tpu.memref_slice %arg11[%dma_start3A_134, %dma_start3A_135] : memref<10240x128xf32, #tpu.memory_space<vmem_shared>> -> memref<10240x128xf32, #tpu.memory_space<vmem_shared>>
          tpu.enqueue_indirect_dma source(%dma_start3A_130 : memref<80x128xf32, #tpu.memory_space<vmem>>) target(%dma_start3A_136 : memref<10240x128xf32, #tpu.memory_space<vmem_shared>>) offsets(%dma_start3A_133 : memref<80xi32, #tpu.memory_space<vmem>>) semaphore(%run_scoped3A_126 : memref<!tpu.dma_semaphore, #tpu.memory_space<semaphore_mem>>) {add = true}
          %dma_wait3A_137 = arith.constant 0 : i32
          %dma_wait3A_138 = arith.constant 0 : i32
          %dma_wait3A_139 = tpu.memref_slice %arg10[%run_scoped3A_82, %dma_wait3A_137, %dma_wait3A_138] : memref<2x80x128xf32, #tpu.memory_space<vmem>> -> memref<1x80x128xf32, #tpu.memory_space<vmem>>
          %dma_wait3A_140 = tpu.memref_squeeze %dma_wait3A_139 : memref<1x80x128xf32, #tpu.memory_space<vmem>> -> memref<80x128xf32, #tpu.memory_space<vmem>>
          %dma_wait3A_141 = arith.constant 0 : i32
          %dma_wait3A_142 = tpu.memref_slice %arg9[%run_scoped3A_83, %dma_wait3A_141] : memref<2x80xi32, #tpu.memory_space<vmem>> -> memref<1x80xi32, #tpu.memory_space<vmem>>
          %dma_wait3A_143 = tpu.memref_squeeze %dma_wait3A_142 : memref<1x80xi32, #tpu.memory_space<vmem>> -> memref<80xi32, #tpu.memory_space<vmem>>
          %dma_wait3A_144 = arith.constant 0 : i32
          %dma_wait3A_145 = arith.constant 0 : i32
          %dma_wait3A_146 = tpu.memref_slice %arg11[%dma_wait3A_144, %dma_wait3A_145] : memref<10240x128xf32, #tpu.memory_space<vmem_shared>> -> memref<10240x128xf32, #tpu.memory_space<vmem_shared>>
          tpu.wait_indirect_dma semaphore(%run_scoped3A_126 : memref<!tpu.dma_semaphore, #tpu.memory_space<semaphore_mem>>) src(%dma_wait3A_140 : memref<80x128xf32, #tpu.memory_space<vmem>>) dst(%dma_wait3A_146 : memref<10240x128xf32, #tpu.memory_space<vmem_shared>>)
          tpu.yield
        }) : () -> ()
        %add3A_84 = arith.constant 2 : i32
        %add3A_85 = arith.addi %add3A_60, %add3A_84 : i32
        %lt3A_86 = arith.constant 125 : i32
        %lt3A_87 = arith.cmpi slt, %add3A_85, %lt3A_86 : i32
        %convert_element_type3A_88 = arith.extui %lt3A_87 : i1 to i32
        %cond3A_89 = arith.constant 0 : i32
        %cond3A_90 = arith.cmpi ne, %convert_element_type3A_88, %cond3A_89 : i32
        scf.if %cond3A_90 {
          %add3A_126 = arith.constant 2 : i32
          %add3A_127 = arith.addi %add3A_60, %add3A_126 : i32
          %mul3A_128 = arith.constant 80 : i32
          %mul3A_129 = arith.muli %add3A_127, %mul3A_128 : i32
          %add3A_130 = arith.addi %multiple_of3A, %mul3A_129 : i32
          %multiple_of3A_131 = tpu.assume_multiple %add3A_130, 8 : i32
          %dma_start3A_132 = arith.constant 0 : i32
          %dma_start3A_133 = arith.constant 0 : i32
          %dma_start3A_134 = tpu.memref_slice %arg8[%dma_start3A_132, %dma_start3A_133] : memref<2x80xi32, #tpu.memory_space<vmem>> -> memref<1x80xi32, #tpu.memory_space<vmem>>
          %dma_start3A_135 = tpu.memref_squeeze %dma_start3A_134 : memref<1x80xi32, #tpu.memory_space<vmem>> -> memref<80xi32, #tpu.memory_space<vmem>>
          %dma_start3A_136 = tpu.memref_slice %arg2[%multiple_of3A_131] : memref<320000xi32, #tpu.memory_space<hbm>> -> memref<80xi32, #tpu.memory_space<hbm>>
          %dma_start3A_137 = arith.constant 0 : i32
          %dma_start3A_138 = tpu.memref_slice %arg8[%dma_start3A_132, %dma_start3A_137] : memref<2x80xi32, #tpu.memory_space<vmem>> -> memref<1x80xi32, #tpu.memory_space<vmem>>
          %dma_start3A_139 = tpu.memref_squeeze %dma_start3A_138 : memref<1x80xi32, #tpu.memory_space<vmem>> -> memref<80xi32, #tpu.memory_space<vmem>>
          %dma_start3A_140 = tpu.memref_slice %arg2[%multiple_of3A_131] : memref<320000xi32, #tpu.memory_space<hbm>> -> memref<80xi32, #tpu.memory_space<hbm>>
          tpu.enqueue_dma source(%dma_start3A_140 : memref<80xi32, #tpu.memory_space<hbm>>) target(%dma_start3A_139 : memref<80xi32, #tpu.memory_space<vmem>>) target_semaphore(%arg13 : memref<!tpu.dma_semaphore, #tpu.memory_space<semaphore_mem>>)
          %dma_start3A_141 = arith.constant 0 : i32
          %dma_start3A_142 = arith.constant 0 : i32
          %dma_start3A_143 = tpu.memref_slice %arg9[%dma_start3A_141, %dma_start3A_142] : memref<2x80xi32, #tpu.memory_space<vmem>> -> memref<1x80xi32, #tpu.memory_space<vmem>>
          %dma_start3A_144 = tpu.memref_squeeze %dma_start3A_143 : memref<1x80xi32, #tpu.memory_space<vmem>> -> memref<80xi32, #tpu.memory_space<vmem>>
          %dma_start3A_145 = tpu.memref_slice %arg3[%multiple_of3A_131] : memref<320000xi32, #tpu.memory_space<hbm>> -> memref<80xi32, #tpu.memory_space<hbm>>
          %dma_start3A_146 = arith.constant 0 : i32
          %dma_start3A_147 = tpu.memref_slice %arg9[%dma_start3A_141, %dma_start3A_146] : memref<2x80xi32, #tpu.memory_space<vmem>> -> memref<1x80xi32, #tpu.memory_space<vmem>>
          %dma_start3A_148 = tpu.memref_squeeze %dma_start3A_147 : memref<1x80xi32, #tpu.memory_space<vmem>> -> memref<80xi32, #tpu.memory_space<vmem>>
          %dma_start3A_149 = tpu.memref_slice %arg3[%multiple_of3A_131] : memref<320000xi32, #tpu.memory_space<hbm>> -> memref<80xi32, #tpu.memory_space<hbm>>
          tpu.enqueue_dma source(%dma_start3A_149 : memref<80xi32, #tpu.memory_space<hbm>>) target(%dma_start3A_148 : memref<80xi32, #tpu.memory_space<vmem>>) target_semaphore(%arg13 : memref<!tpu.dma_semaphore, #tpu.memory_space<semaphore_mem>>)
          %dma_wait3A_150 = arith.constant 0 : i32
          %dma_wait3A_151 = arith.constant 0 : i32
          %dma_wait3A_152 = tpu.memref_slice %arg8[%dma_wait3A_150, %dma_wait3A_151] : memref<2x80xi32, #tpu.memory_space<vmem>> -> memref<1x80xi32, #tpu.memory_space<vmem>>
          %dma_wait3A_153 = tpu.memref_squeeze %dma_wait3A_152 : memref<1x80xi32, #tpu.memory_space<vmem>> -> memref<80xi32, #tpu.memory_space<vmem>>
          %dma_wait3A_154 = arith.constant 0 : i32
          %dma_wait3A_155 = tpu.memref_slice %arg2[%dma_wait3A_154] : memref<320000xi32, #tpu.memory_space<hbm>> -> memref<80xi32, #tpu.memory_space<hbm>>
          %dma_wait3A_156 = arith.constant 0 : i32
          %dma_wait3A_157 = tpu.memref_slice %arg8[%dma_wait3A_150, %dma_wait3A_156] : memref<2x80xi32, #tpu.memory_space<vmem>> -> memref<1x80xi32, #tpu.memory_space<vmem>>
          %dma_wait3A_158 = tpu.memref_squeeze %dma_wait3A_157 : memref<1x80xi32, #tpu.memory_space<vmem>> -> memref<80xi32, #tpu.memory_space<vmem>>
          %dma_wait3A_159 = arith.constant 0 : i32
          %dma_wait3A_160 = tpu.memref_slice %arg2[%dma_wait3A_159] : memref<320000xi32, #tpu.memory_space<hbm>> -> memref<80xi32, #tpu.memory_space<hbm>>
          tpu.wait_dma2 semaphore(%arg13 : memref<!tpu.dma_semaphore, #tpu.memory_space<semaphore_mem>>) src(%dma_wait3A_160 : memref<80xi32, #tpu.memory_space<hbm>>) dst(%dma_wait3A_158 : memref<80xi32, #tpu.memory_space<vmem>>)
          %dma_wait3A_161 = arith.constant 0 : i32
          %dma_wait3A_162 = arith.constant 0 : i32
          %dma_wait3A_163 = tpu.memref_slice %arg9[%dma_wait3A_161, %dma_wait3A_162] : memref<2x80xi32, #tpu.memory_space<vmem>> -> memref<1x80xi32, #tpu.memory_space<vmem>>
          %dma_wait3A_164 = tpu.memref_squeeze %dma_wait3A_163 : memref<1x80xi32, #tpu.memory_space<vmem>> -> memref<80xi32, #tpu.memory_space<vmem>>
          %dma_wait3A_165 = arith.constant 0 : i32
          %dma_wait3A_166 = tpu.memref_slice %arg3[%dma_wait3A_165] : memref<320000xi32, #tpu.memory_space<hbm>> -> memref<80xi32, #tpu.memory_space<hbm>>
          %dma_wait3A_167 = arith.constant 0 : i32
          %dma_wait3A_168 = tpu.memref_slice %arg9[%dma_wait3A_161, %dma_wait3A_167] : memref<2x80xi32, #tpu.memory_space<vmem>> -> memref<1x80xi32, #tpu.memory_space<vmem>>
          %dma_wait3A_169 = tpu.memref_squeeze %dma_wait3A_168 : memref<1x80xi32, #tpu.memory_space<vmem>> -> memref<80xi32, #tpu.memory_space<vmem>>
          %dma_wait3A_170 = arith.constant 0 : i32
          %dma_wait3A_171 = tpu.memref_slice %arg3[%dma_wait3A_170] : memref<320000xi32, #tpu.memory_space<hbm>> -> memref<80xi32, #tpu.memory_space<hbm>>
          tpu.wait_dma2 semaphore(%arg13 : memref<!tpu.dma_semaphore, #tpu.memory_space<semaphore_mem>>) src(%dma_wait3A_171 : memref<80xi32, #tpu.memory_space<hbm>>) dst(%dma_wait3A_169 : memref<80xi32, #tpu.memory_space<vmem>>)
        } else {
        }
        %mul3A_91 = arith.constant 2 : i32
        %mul3A_92 = arith.muli %mul3A_91, %scan3A_56 : i32
        %add3A_93 = arith.constant 1 : i32
        %add3A_94 = arith.addi %mul3A_92, %add3A_93 : i32
        %dma_wait3A_95 = arith.constant 1 : i32
        %dma_wait3A_96 = arith.constant 0 : i32
        %dma_wait3A_97 = arith.constant 0 : i32
        %dma_wait3A_98 = tpu.memref_slice %arg10[%dma_wait3A_95, %dma_wait3A_96, %dma_wait3A_97] : memref<2x80x128xf32, #tpu.memory_space<vmem>> -> memref<1x80x128xf32, #tpu.memory_space<vmem>>
        %dma_wait3A_99 = tpu.memref_squeeze %dma_wait3A_98 : memref<1x80x128xf32, #tpu.memory_space<vmem>> -> memref<80x128xf32, #tpu.memory_space<vmem>>
        %dma_wait3A_100 = arith.constant 0 : i32
        %dma_wait3A_101 = arith.constant 0 : i32
        %dma_wait3A_102 = tpu.memref_slice %arg4[%dma_wait3A_100, %dma_wait3A_101] : memref<10240x128xf32, #tpu.memory_space<hbm>> -> memref<80x128xf32, #tpu.memory_space<hbm>>
        %dma_wait3A_103 = arith.constant 0 : i32
        %dma_wait3A_104 = arith.constant 0 : i32
        %dma_wait3A_105 = tpu.memref_slice %arg10[%dma_wait3A_95, %dma_wait3A_103, %dma_wait3A_104] : memref<2x80x128xf32, #tpu.memory_space<vmem>> -> memref<1x80x128xf32, #tpu.memory_space<vmem>>
        %dma_wait3A_106 = tpu.memref_squeeze %dma_wait3A_105 : memref<1x80x128xf32, #tpu.memory_space<vmem>> -> memref<80x128xf32, #tpu.memory_space<vmem>>
        %dma_wait3A_107 = arith.constant 0 : i32
        %dma_wait3A_108 = arith.constant 0 : i32
        %dma_wait3A_109 = tpu.memref_slice %arg4[%dma_wait3A_107, %dma_wait3A_108] : memref<10240x128xf32, #tpu.memory_space<hbm>> -> memref<80x128xf32, #tpu.memory_space<hbm>>
        tpu.wait_dma2 semaphore(%arg12 : memref<!tpu.dma_semaphore, #tpu.memory_space<semaphore_mem>>) src(%dma_wait3A_109 : memref<80x128xf32, #tpu.memory_space<hbm>>) dst(%dma_wait3A_106 : memref<80x128xf32, #tpu.memory_space<vmem>>)
        %add3A_110 = arith.constant 1 : i32
        %add3A_111 = arith.addi %add3A_94, %add3A_110 : i32
        %lt3A_112 = arith.constant 125 : i32
        %lt3A_113 = arith.cmpi slt, %add3A_111, %lt3A_112 : i32
        %convert_element_type3A_114 = arith.extui %lt3A_113 : i1 to i32
        %cond3A_115 = arith.constant 0 : i32
        %cond3A_116 = arith.cmpi ne, %convert_element_type3A_114, %cond3A_115 : i32
        scf.if %cond3A_116 {
          %dma_start3A_126 = arith.constant 0 : i32
          %dma_start3A_127 = arith.constant 0 : i32
          %dma_start3A_128 = arith.constant 0 : i32
          %dma_start3A_129 = arith.constant 0 : i32
          %dma_start3A_130 = tpu.memref_slice %arg10[%dma_start3A_127, %dma_start3A_128, %dma_start3A_129] : memref<2x80x128xf32, #tpu.memory_space<vmem>> -> memref<1x80x128xf32, #tpu.memory_space<vmem>>
          %dma_start3A_131 = tpu.memref_squeeze %dma_start3A_130 : memref<1x80x128xf32, #tpu.memory_space<vmem>> -> memref<80x128xf32, #tpu.memory_space<vmem>>
          %dma_start3A_132 = arith.constant 0 : i32
          %dma_start3A_133 = tpu.memref_slice %arg8[%dma_start3A_126, %dma_start3A_132] : memref<2x80xi32, #tpu.memory_space<vmem>> -> memref<1x80xi32, #tpu.memory_space<vmem>>
          %dma_start3A_134 = tpu.memref_squeeze %dma_start3A_133 : memref<1x80xi32, #tpu.memory_space<vmem>> -> memref<80xi32, #tpu.memory_space<vmem>>
          %dma_start3A_135 = arith.constant 0 : i32
          %dma_start3A_136 = arith.constant 0 : i32
          %dma_start3A_137 = tpu.memref_slice %arg4[%dma_start3A_135, %dma_start3A_136] : memref<10240x128xf32, #tpu.memory_space<hbm>> -> memref<10240x128xf32, #tpu.memory_space<hbm>>
          tpu.enqueue_indirect_dma source(%dma_start3A_137 : memref<10240x128xf32, #tpu.memory_space<hbm>>) target(%dma_start3A_131 : memref<80x128xf32, #tpu.memory_space<vmem>>) offsets(%dma_start3A_134 : memref<80xi32, #tpu.memory_space<vmem>>) semaphore(%arg12 : memref<!tpu.dma_semaphore, #tpu.memory_space<semaphore_mem>>)
        } else {
        }
        %run_scoped3A_117 = arith.constant 1 : i32
        %run_scoped3A_118 = arith.constant 1 : i32
        "tpu.region"() ({
          %run_scoped3A_126 = tpu.sem_alloc : memref<!tpu.dma_semaphore, #tpu.memory_space<semaphore_mem>>
          %dma_start3A_127 = arith.constant 0 : i32
          %dma_start3A_128 = arith.constant 0 : i32
          %dma_start3A_129 = tpu.memref_slice %arg10[%run_scoped3A_117, %dma_start3A_127, %dma_start3A_128] : memref<2x80x128xf32, #tpu.memory_space<vmem>> -> memref<1x80x128xf32, #tpu.memory_space<vmem>>
          %dma_start3A_130 = tpu.memref_squeeze %dma_start3A_129 : memref<1x80x128xf32, #tpu.memory_space<vmem>> -> memref<80x128xf32, #tpu.memory_space<vmem>>
          %dma_start3A_131 = arith.constant 0 : i32
          %dma_start3A_132 = tpu.memref_slice %arg9[%run_scoped3A_118, %dma_start3A_131] : memref<2x80xi32, #tpu.memory_space<vmem>> -> memref<1x80xi32, #tpu.memory_space<vmem>>
          %dma_start3A_133 = tpu.memref_squeeze %dma_start3A_132 : memref<1x80xi32, #tpu.memory_space<vmem>> -> memref<80xi32, #tpu.memory_space<vmem>>
          %dma_start3A_134 = arith.constant 0 : i32
          %dma_start3A_135 = arith.constant 0 : i32
          %dma_start3A_136 = tpu.memref_slice %arg11[%dma_start3A_134, %dma_start3A_135] : memref<10240x128xf32, #tpu.memory_space<vmem_shared>> -> memref<10240x128xf32, #tpu.memory_space<vmem_shared>>
          tpu.enqueue_indirect_dma source(%dma_start3A_130 : memref<80x128xf32, #tpu.memory_space<vmem>>) target(%dma_start3A_136 : memref<10240x128xf32, #tpu.memory_space<vmem_shared>>) offsets(%dma_start3A_133 : memref<80xi32, #tpu.memory_space<vmem>>) semaphore(%run_scoped3A_126 : memref<!tpu.dma_semaphore, #tpu.memory_space<semaphore_mem>>) {add = true}
          %dma_wait3A_137 = arith.constant 0 : i32
          %dma_wait3A_138 = arith.constant 0 : i32
          %dma_wait3A_139 = tpu.memref_slice %arg10[%run_scoped3A_117, %dma_wait3A_137, %dma_wait3A_138] : memref<2x80x128xf32, #tpu.memory_space<vmem>> -> memref<1x80x128xf32, #tpu.memory_space<vmem>>
          %dma_wait3A_140 = tpu.memref_squeeze %dma_wait3A_139 : memref<1x80x128xf32, #tpu.memory_space<vmem>> -> memref<80x128xf32, #tpu.memory_space<vmem>>
          %dma_wait3A_141 = arith.constant 0 : i32
          %dma_wait3A_142 = tpu.memref_slice %arg9[%run_scoped3A_118, %dma_wait3A_141] : memref<2x80xi32, #tpu.memory_space<vmem>> -> memref<1x80xi32, #tpu.memory_space<vmem>>
          %dma_wait3A_143 = tpu.memref_squeeze %dma_wait3A_142 : memref<1x80xi32, #tpu.memory_space<vmem>> -> memref<80xi32, #tpu.memory_space<vmem>>
          %dma_wait3A_144 = arith.constant 0 : i32
          %dma_wait3A_145 = arith.constant 0 : i32
          %dma_wait3A_146 = tpu.memref_slice %arg11[%dma_wait3A_144, %dma_wait3A_145] : memref<10240x128xf32, #tpu.memory_space<vmem_shared>> -> memref<10240x128xf32, #tpu.memory_space<vmem_shared>>
          tpu.wait_indirect_dma semaphore(%run_scoped3A_126 : memref<!tpu.dma_semaphore, #tpu.memory_space<semaphore_mem>>) src(%dma_wait3A_140 : memref<80x128xf32, #tpu.memory_space<vmem>>) dst(%dma_wait3A_146 : memref<10240x128xf32, #tpu.memory_space<vmem_shared>>)
          tpu.yield
        }) : () -> ()
        %add3A_119 = arith.constant 2 : i32
        %add3A_120 = arith.addi %add3A_94, %add3A_119 : i32
        %lt3A_121 = arith.constant 125 : i32
        %lt3A_122 = arith.cmpi slt, %add3A_120, %lt3A_121 : i32
        %convert_element_type3A_123 = arith.extui %lt3A_122 : i1 to i32
        %cond3A_124 = arith.constant 0 : i32
        %cond3A_125 = arith.cmpi ne, %convert_element_type3A_123, %cond3A_124 : i32
        scf.if %cond3A_125 {
          %add3A_126 = arith.constant 2 : i32
          %add3A_127 = arith.addi %add3A_94, %add3A_126 : i32
          %mul3A_128 = arith.constant 80 : i32
          %mul3A_129 = arith.muli %add3A_127, %mul3A_128 : i32
          %add3A_130 = arith.addi %multiple_of3A, %mul3A_129 : i32
          %multiple_of3A_131 = tpu.assume_multiple %add3A_130, 8 : i32
          %dma_start3A_132 = arith.constant 1 : i32
          %dma_start3A_133 = arith.constant 0 : i32
          %dma_start3A_134 = tpu.memref_slice %arg8[%dma_start3A_132, %dma_start3A_133] : memref<2x80xi32, #tpu.memory_space<vmem>> -> memref<1x80xi32, #tpu.memory_space<vmem>>
          %dma_start3A_135 = tpu.memref_squeeze %dma_start3A_134 : memref<1x80xi32, #tpu.memory_space<vmem>> -> memref<80xi32, #tpu.memory_space<vmem>>
          %dma_start3A_136 = tpu.memref_slice %arg2[%multiple_of3A_131] : memref<320000xi32, #tpu.memory_space<hbm>> -> memref<80xi32, #tpu.memory_space<hbm>>
          %dma_start3A_137 = arith.constant 0 : i32
          %dma_start3A_138 = tpu.memref_slice %arg8[%dma_start3A_132, %dma_start3A_137] : memref<2x80xi32, #tpu.memory_space<vmem>> -> memref<1x80xi32, #tpu.memory_space<vmem>>
          %dma_start3A_139 = tpu.memref_squeeze %dma_start3A_138 : memref<1x80xi32, #tpu.memory_space<vmem>> -> memref<80xi32, #tpu.memory_space<vmem>>
          %dma_start3A_140 = tpu.memref_slice %arg2[%multiple_of3A_131] : memref<320000xi32, #tpu.memory_space<hbm>> -> memref<80xi32, #tpu.memory_space<hbm>>
          tpu.enqueue_dma source(%dma_start3A_140 : memref<80xi32, #tpu.memory_space<hbm>>) target(%dma_start3A_139 : memref<80xi32, #tpu.memory_space<vmem>>) target_semaphore(%arg13 : memref<!tpu.dma_semaphore, #tpu.memory_space<semaphore_mem>>)
          %dma_start3A_141 = arith.constant 1 : i32
          %dma_start3A_142 = arith.constant 0 : i32
          %dma_start3A_143 = tpu.memref_slice %arg9[%dma_start3A_141, %dma_start3A_142] : memref<2x80xi32, #tpu.memory_space<vmem>> -> memref<1x80xi32, #tpu.memory_space<vmem>>
          %dma_start3A_144 = tpu.memref_squeeze %dma_start3A_143 : memref<1x80xi32, #tpu.memory_space<vmem>> -> memref<80xi32, #tpu.memory_space<vmem>>
          %dma_start3A_145 = tpu.memref_slice %arg3[%multiple_of3A_131] : memref<320000xi32, #tpu.memory_space<hbm>> -> memref<80xi32, #tpu.memory_space<hbm>>
          %dma_start3A_146 = arith.constant 0 : i32
          %dma_start3A_147 = tpu.memref_slice %arg9[%dma_start3A_141, %dma_start3A_146] : memref<2x80xi32, #tpu.memory_space<vmem>> -> memref<1x80xi32, #tpu.memory_space<vmem>>
          %dma_start3A_148 = tpu.memref_squeeze %dma_start3A_147 : memref<1x80xi32, #tpu.memory_space<vmem>> -> memref<80xi32, #tpu.memory_space<vmem>>
          %dma_start3A_149 = tpu.memref_slice %arg3[%multiple_of3A_131] : memref<320000xi32, #tpu.memory_space<hbm>> -> memref<80xi32, #tpu.memory_space<hbm>>
          tpu.enqueue_dma source(%dma_start3A_149 : memref<80xi32, #tpu.memory_space<hbm>>) target(%dma_start3A_148 : memref<80xi32, #tpu.memory_space<vmem>>) target_semaphore(%arg13 : memref<!tpu.dma_semaphore, #tpu.memory_space<semaphore_mem>>)
          %dma_wait3A_150 = arith.constant 1 : i32
          %dma_wait3A_151 = arith.constant 0 : i32
          %dma_wait3A_152 = tpu.memref_slice %arg8[%dma_wait3A_150, %dma_wait3A_151] : memref<2x80xi32, #tpu.memory_space<vmem>> -> memref<1x80xi32, #tpu.memory_space<vmem>>
          %dma_wait3A_153 = tpu.memref_squeeze %dma_wait3A_152 : memref<1x80xi32, #tpu.memory_space<vmem>> -> memref<80xi32, #tpu.memory_space<vmem>>
          %dma_wait3A_154 = arith.constant 0 : i32
          %dma_wait3A_155 = tpu.memref_slice %arg2[%dma_wait3A_154] : memref<320000xi32, #tpu.memory_space<hbm>> -> memref<80xi32, #tpu.memory_space<hbm>>
          %dma_wait3A_156 = arith.constant 0 : i32
          %dma_wait3A_157 = tpu.memref_slice %arg8[%dma_wait3A_150, %dma_wait3A_156] : memref<2x80xi32, #tpu.memory_space<vmem>> -> memref<1x80xi32, #tpu.memory_space<vmem>>
          %dma_wait3A_158 = tpu.memref_squeeze %dma_wait3A_157 : memref<1x80xi32, #tpu.memory_space<vmem>> -> memref<80xi32, #tpu.memory_space<vmem>>
          %dma_wait3A_159 = arith.constant 0 : i32
          %dma_wait3A_160 = tpu.memref_slice %arg2[%dma_wait3A_159] : memref<320000xi32, #tpu.memory_space<hbm>> -> memref<80xi32, #tpu.memory_space<hbm>>
          tpu.wait_dma2 semaphore(%arg13 : memref<!tpu.dma_semaphore, #tpu.memory_space<semaphore_mem>>) src(%dma_wait3A_160 : memref<80xi32, #tpu.memory_space<hbm>>) dst(%dma_wait3A_158 : memref<80xi32, #tpu.memory_space<vmem>>)
          %dma_wait3A_161 = arith.constant 1 : i32
          %dma_wait3A_162 = arith.constant 0 : i32
          %dma_wait3A_163 = tpu.memref_slice %arg9[%dma_wait3A_161, %dma_wait3A_162] : memref<2x80xi32, #tpu.memory_space<vmem>> -> memref<1x80xi32, #tpu.memory_space<vmem>>
          %dma_wait3A_164 = tpu.memref_squeeze %dma_wait3A_163 : memref<1x80xi32, #tpu.memory_space<vmem>> -> memref<80xi32, #tpu.memory_space<vmem>>
          %dma_wait3A_165 = arith.constant 0 : i32
          %dma_wait3A_166 = tpu.memref_slice %arg3[%dma_wait3A_165] : memref<320000xi32, #tpu.memory_space<hbm>> -> memref<80xi32, #tpu.memory_space<hbm>>
          %dma_wait3A_167 = arith.constant 0 : i32
          %dma_wait3A_168 = tpu.memref_slice %arg9[%dma_wait3A_161, %dma_wait3A_167] : memref<2x80xi32, #tpu.memory_space<vmem>> -> memref<1x80xi32, #tpu.memory_space<vmem>>
          %dma_wait3A_169 = tpu.memref_squeeze %dma_wait3A_168 : memref<1x80xi32, #tpu.memory_space<vmem>> -> memref<80xi32, #tpu.memory_space<vmem>>
          %dma_wait3A_170 = arith.constant 0 : i32
          %dma_wait3A_171 = tpu.memref_slice %arg3[%dma_wait3A_170] : memref<320000xi32, #tpu.memory_space<hbm>> -> memref<80xi32, #tpu.memory_space<hbm>>
          tpu.wait_dma2 semaphore(%arg13 : memref<!tpu.dma_semaphore, #tpu.memory_space<semaphore_mem>>) src(%dma_wait3A_171 : memref<80xi32, #tpu.memory_space<hbm>>) dst(%dma_wait3A_169 : memref<80xi32, #tpu.memory_space<vmem>>)
        } else {
        }
      }
      %scan3A_34 = arith.constant 62 : i32
      %dma_wait3A = arith.constant 0 : i32
      %dma_wait3A_35 = arith.constant 0 : i32
      %dma_wait3A_36 = arith.constant 0 : i32
      %dma_wait3A_37 = tpu.memref_slice %arg10[%dma_wait3A, %dma_wait3A_35, %dma_wait3A_36] : memref<2x80x128xf32, #tpu.memory_space<vmem>> -> memref<1x80x128xf32, #tpu.memory_space<vmem>>
      %dma_wait3A_38 = tpu.memref_squeeze %dma_wait3A_37 : memref<1x80x128xf32, #tpu.memory_space<vmem>> -> memref<80x128xf32, #tpu.memory_space<vmem>>
      %dma_wait3A_39 = arith.constant 0 : i32
      %dma_wait3A_40 = arith.constant 0 : i32
      %dma_wait3A_41 = tpu.memref_slice %arg4[%dma_wait3A_39, %dma_wait3A_40] : memref<10240x128xf32, #tpu.memory_space<hbm>> -> memref<80x128xf32, #tpu.memory_space<hbm>>
      %dma_wait3A_42 = arith.constant 0 : i32
      %dma_wait3A_43 = arith.constant 0 : i32
      %dma_wait3A_44 = tpu.memref_slice %arg10[%dma_wait3A, %dma_wait3A_42, %dma_wait3A_43] : memref<2x80x128xf32, #tpu.memory_space<vmem>> -> memref<1x80x128xf32, #tpu.memory_space<vmem>>
      %dma_wait3A_45 = tpu.memref_squeeze %dma_wait3A_44 : memref<1x80x128xf32, #tpu.memory_space<vmem>> -> memref<80x128xf32, #tpu.memory_space<vmem>>
      %dma_wait3A_46 = arith.constant 0 : i32
      %dma_wait3A_47 = arith.constant 0 : i32
      %dma_wait3A_48 = tpu.memref_slice %arg4[%dma_wait3A_46, %dma_wait3A_47] : memref<10240x128xf32, #tpu.memory_space<hbm>> -> memref<80x128xf32, #tpu.memory_space<hbm>>
      tpu.wait_dma2 semaphore(%arg12 : memref<!tpu.dma_semaphore, #tpu.memory_space<semaphore_mem>>) src(%dma_wait3A_48 : memref<80x128xf32, #tpu.memory_space<hbm>>) dst(%dma_wait3A_45 : memref<80x128xf32, #tpu.memory_space<vmem>>)
      %run_scoped3A_49 = arith.constant 0 : i32
      %run_scoped3A_50 = arith.constant 0 : i32
      "tpu.region"() ({
        %run_scoped3A_56 = tpu.sem_alloc : memref<!tpu.dma_semaphore, #tpu.memory_space<semaphore_mem>>
        %dma_start3A_57 = arith.constant 0 : i32
        %dma_start3A_58 = arith.constant 0 : i32
        %dma_start3A_59 = tpu.memref_slice %arg10[%run_scoped3A_49, %dma_start3A_57, %dma_start3A_58] : memref<2x80x128xf32, #tpu.memory_space<vmem>> -> memref<1x80x128xf32, #tpu.memory_space<vmem>>
        %dma_start3A_60 = tpu.memref_squeeze %dma_start3A_59 : memref<1x80x128xf32, #tpu.memory_space<vmem>> -> memref<80x128xf32, #tpu.memory_space<vmem>>
        %dma_start3A_61 = arith.constant 0 : i32
        %dma_start3A_62 = tpu.memref_slice %arg9[%run_scoped3A_50, %dma_start3A_61] : memref<2x80xi32, #tpu.memory_space<vmem>> -> memref<1x80xi32, #tpu.memory_space<vmem>>
        %dma_start3A_63 = tpu.memref_squeeze %dma_start3A_62 : memref<1x80xi32, #tpu.memory_space<vmem>> -> memref<80xi32, #tpu.memory_space<vmem>>
        %dma_start3A_64 = arith.constant 0 : i32
        %dma_start3A_65 = arith.constant 0 : i32
        %dma_start3A_66 = tpu.memref_slice %arg11[%dma_start3A_64, %dma_start3A_65] : memref<10240x128xf32, #tpu.memory_space<vmem_shared>> -> memref<10240x128xf32, #tpu.memory_space<vmem_shared>>
        tpu.enqueue_indirect_dma source(%dma_start3A_60 : memref<80x128xf32, #tpu.memory_space<vmem>>) target(%dma_start3A_66 : memref<10240x128xf32, #tpu.memory_space<vmem_shared>>) offsets(%dma_start3A_63 : memref<80xi32, #tpu.memory_space<vmem>>) semaphore(%run_scoped3A_56 : memref<!tpu.dma_semaphore, #tpu.memory_space<semaphore_mem>>) {add = true}
        %dma_wait3A_67 = arith.constant 0 : i32
        %dma_wait3A_68 = arith.constant 0 : i32
        %dma_wait3A_69 = tpu.memref_slice %arg10[%run_scoped3A_49, %dma_wait3A_67, %dma_wait3A_68] : memref<2x80x128xf32, #tpu.memory_space<vmem>> -> memref<1x80x128xf32, #tpu.memory_space<vmem>>
        %dma_wait3A_70 = tpu.memref_squeeze %dma_wait3A_69 : memref<1x80x128xf32, #tpu.memory_space<vmem>> -> memref<80x128xf32, #tpu.memory_space<vmem>>
        %dma_wait3A_71 = arith.constant 0 : i32
        %dma_wait3A_72 = tpu.memref_slice %arg9[%run_scoped3A_50, %dma_wait3A_71] : memref<2x80xi32, #tpu.memory_space<vmem>> -> memref<1x80xi32, #tpu.memory_space<vmem>>
        %dma_wait3A_73 = tpu.memref_squeeze %dma_wait3A_72 : memref<1x80xi32, #tpu.memory_space<vmem>> -> memref<80xi32, #tpu.memory_space<vmem>>
        %dma_wait3A_74 = arith.constant 0 : i32
        %dma_wait3A_75 = arith.constant 0 : i32
        %dma_wait3A_76 = tpu.memref_slice %arg11[%dma_wait3A_74, %dma_wait3A_75] : memref<10240x128xf32, #tpu.memory_space<vmem_shared>> -> memref<10240x128xf32, #tpu.memory_space<vmem_shared>>
        tpu.wait_indirect_dma semaphore(%run_scoped3A_56 : memref<!tpu.dma_semaphore, #tpu.memory_space<semaphore_mem>>) src(%dma_wait3A_70 : memref<80x128xf32, #tpu.memory_space<vmem>>) dst(%dma_wait3A_76 : memref<10240x128xf32, #tpu.memory_space<vmem_shared>>)
        tpu.yield
      }) : () -> ()
      %barrier3A_51 = arith.constant 0 : index
      tpu.barrier barrier_id(%barrier3A_51)
      %mul3A_52 = arith.constant 640 : i32
      %mul3A_53 = arith.muli %arg1, %mul3A_52 : i32
      %mul3A_54 = arith.constant 640 : i32
      %mul3A_55 = arith.muli %arg1, %mul3A_54 : i32
      "tpu.region"() ({
        %run_scoped3A_56 = tpu.sem_alloc : memref<!tpu.dma_semaphore, #tpu.memory_space<semaphore_mem>>
        %dma_start3A_57 = arith.constant 0 : i32
        %dma_start3A_58 = tpu.memref_slice %arg7[%mul3A_55, %dma_start3A_57] : memref<10240x128xf32, #tpu.memory_space<hbm>> -> memref<640x128xf32, #tpu.memory_space<hbm>>
        %dma_start3A_59 = arith.constant 0 : i32
        %dma_start3A_60 = tpu.memref_slice %arg11[%mul3A_53, %dma_start3A_59] : memref<10240x128xf32, #tpu.memory_space<vmem_shared>> -> memref<640x128xf32, #tpu.memory_space<vmem_shared>>
        tpu.enqueue_dma source(%dma_start3A_60 : memref<640x128xf32, #tpu.memory_space<vmem_shared>>) target(%dma_start3A_58 : memref<640x128xf32, #tpu.memory_space<hbm>>) target_semaphore(%run_scoped3A_56 : memref<!tpu.dma_semaphore, #tpu.memory_space<semaphore_mem>>)
        %dma_wait3A_61 = arith.constant 0 : i32
        %dma_wait3A_62 = tpu.memref_slice %arg7[%mul3A_55, %dma_wait3A_61] : memref<10240x128xf32, #tpu.memory_space<hbm>> -> memref<640x128xf32, #tpu.memory_space<hbm>>
        %dma_wait3A_63 = arith.constant 0 : i32
        %dma_wait3A_64 = tpu.memref_slice %arg11[%mul3A_53, %dma_wait3A_63] : memref<10240x128xf32, #tpu.memory_space<vmem_shared>> -> memref<640x128xf32, #tpu.memory_space<vmem_shared>>
        tpu.wait_dma2 semaphore(%run_scoped3A_56 : memref<!tpu.dma_semaphore, #tpu.memory_space<semaphore_mem>>) src(%dma_wait3A_64 : memref<640x128xf32, #tpu.memory_space<vmem_shared>>) dst(%dma_wait3A_62 : memref<640x128xf32, #tpu.memory_space<hbm>>)
        tpu.yield
      }) : () -> ()
    } else {
    }
    return
  }
}

module attributes {stable_mosaic.version = 14 : i64} {
  func.func @_tc_first_body(%arg0: i32, %arg1: memref<1024x128xf32, #tpu.memory_space<vmem>>, %arg2: memref<128x256xf32, #tpu.memory_space<vmem>>, %arg3: memref<1024x1xf32, #tpu.memory_space<vmem>>, %arg4: memref<1024x1xf32, #tpu.memory_space<vmem>>, %arg5: memref<1024x128xf32, #tpu.memory_space<vmem>>, %arg6: memref<1024x128xf32, #tpu.memory_space<vmem>>) attributes {dimension_semantics = [#tpu.dimension_semantics<arbitrary>], iteration_bounds = array<i64: 10>, scalar_prefetch = 0 : i64, scratch_operands = 0 : i64, tpu.core_type = #tpu.core_type<tc>, window_params = [{transform_indices = @transform_0, window_bounds = array<i64: 1024, 128>}, {pipeline_mode = #tpu.pipeline_mode<synchronous>, transform_indices = @transform_1, window_bounds = array<i64: 128, 256>}, {transform_indices = @transform_2, window_bounds = array<i64: 1024, 1>}, {transform_indices = @transform_3, window_bounds = array<i64: 1024, 1>}, {transform_indices = @transform_4, window_bounds = array<i64: 1024, 128>}, {transform_indices = @transform_5, window_bounds = array<i64: 1024, 128>}]} {
    %get3A = arith.constant 0 : index
    %get3A_0 = arith.constant 0 : index
    %get3A_1 = vector.load %arg3[%get3A, %get3A_0] : memref<1024x1xf32, #tpu.memory_space<vmem>>, vector<1024x1xf32>
    %get3A_2 = arith.constant 0 : index
    %get3A_3 = arith.constant 0 : index
    %get3A_4 = vector.load %arg4[%get3A_2, %get3A_3] : memref<1024x1xf32, #tpu.memory_space<vmem>>, vector<1024x1xf32>
    %add3A = arith.addf %get3A_1, %get3A_4 : vector<1024x1xf32>
    %add3A_5 = arith.constant 1.000000e+00 : f32
    %add3A_6 = vector.broadcast %add3A_5 : f32 to vector<1024x1xf32>
    %add3A_7 = arith.addf %add3A, %add3A_6 : vector<1024x1xf32>
    %rsqrt3A = math.rsqrt %add3A_7 : vector<1024x1xf32>
    %get3A_8 = arith.constant 0 : index
    %get3A_9 = arith.constant 0 : index
    %get3A_10 = vector.load %arg1[%get3A_8, %get3A_9] : memref<1024x128xf32, #tpu.memory_space<vmem>>, vector<1024x128xf32>
    %get3A_11 = arith.constant 0 : index
    %get3A_12 = arith.constant 0 : index
    %get3A_13 = vector.load %arg2[%get3A_11, %get3A_12] : memref<128x256xf32, #tpu.memory_space<vmem>>, vector<128x256xf32>
    %dot_general3A = arith.constant dense<0.000000e+00> : vector<1024x256xf32>
    %dot_general3A_14 = tpu.matmul %get3A_10, %get3A_13, %dot_general3A {dimension_numbers = #tpu.dot_dimension_numbers<[1], [0], [0], [1], [0, 0, 1, 1], [], []>, transpose_lhs_hint = false} : vector<1024x128xf32>, vector<128x256xf32>, vector<1024x256xf32> -> vector<1024x256xf32>
    %mul3A = vector.broadcast %rsqrt3A : vector<1024x1xf32> to vector<1024x256xf32>
    %mul3A_15 = arith.mulf %dot_general3A_14, %mul3A : vector<1024x256xf32>
    %slice3A = vector.extract_strided_slice %mul3A_15 {offsets = [0, 0], sizes = [1024, 128], strides = [1, 1]} : vector<1024x256xf32> to vector<1024x128xf32>
    %swap3A = arith.constant 0 : index
    %swap3A_16 = arith.constant 0 : index
    %swap3A_17 = vector.load %arg5[%swap3A, %swap3A_16] : memref<1024x128xf32, #tpu.memory_space<vmem>>, vector<1024x128xf32>
    tpu.vector_store %arg5[%swap3A, %swap3A_16], %slice3A {strides = array<i32>} : memref<1024x128xf32, #tpu.memory_space<vmem>>, vector<1024x128xf32>,
    %slice3A_18 = vector.extract_strided_slice %mul3A_15 {offsets = [0, 128], sizes = [1024, 128], strides = [1, 1]} : vector<1024x256xf32> to vector<1024x128xf32>
    %swap3A_19 = arith.constant 0 : index
    %swap3A_20 = arith.constant 0 : index
    %swap3A_21 = vector.load %arg6[%swap3A_19, %swap3A_20] : memref<1024x128xf32, #tpu.memory_space<vmem>>, vector<1024x128xf32>
    tpu.vector_store %arg6[%swap3A_19, %swap3A_20], %slice3A_18 {strides = array<i32>} : memref<1024x128xf32, #tpu.memory_space<vmem>>, vector<1024x128xf32>,
    return
  }
  func.func @transform_0(%arg0: i32) -> (i32, i32) {
    %c0_i32 = arith.constant 0 : i32
    %c0_i32_0 = arith.constant 0 : i32
    return %arg0, %c0_i32 : i32, i32
  }
  func.func @transform_1(%arg0: i32) -> (i32, i32) {
    %c0_i32 = arith.constant 0 : i32
    %c0_i32_0 = arith.constant 0 : i32
    %c0_i32_1 = arith.constant 0 : i32
    return %c0_i32, %c0_i32_0 : i32, i32
  }
  func.func @transform_2(%arg0: i32) -> (i32, i32) {
    %c0_i32 = arith.constant 0 : i32
    %c0_i32_0 = arith.constant 0 : i32
    return %arg0, %c0_i32 : i32, i32
  }
  func.func @transform_3(%arg0: i32) -> (i32, i32) {
    %c0_i32 = arith.constant 0 : i32
    %c0_i32_0 = arith.constant 0 : i32
    return %arg0, %c0_i32 : i32, i32
  }
  func.func @transform_4(%arg0: i32) -> (i32, i32) {
    %c0_i32 = arith.constant 0 : i32
    %c0_i32_0 = arith.constant 0 : i32
    return %arg0, %c0_i32 : i32, i32
  }
  func.func @transform_5(%arg0: i32) -> (i32, i32) {
    %c0_i32 = arith.constant 0 : i32
    %c0_i32_0 = arith.constant 0 : i32
    return %arg0, %c0_i32 : i32, i32
  }
}

module attributes {stable_mosaic.version = 14 : i64} {
  func.func @_tc_mid_body(%arg0: i32, %arg1: memref<1024x128xf32, #tpu.memory_space<vmem>>, %arg2: memref<1024x128xf32, #tpu.memory_space<vmem>>, %arg3: memref<1024x128xf32, #tpu.memory_space<vmem>>, %arg4: memref<1024x128xf32, #tpu.memory_space<vmem>>, %arg5: memref<1024x1xf32, #tpu.memory_space<vmem>>, %arg6: memref<1024x1xf32, #tpu.memory_space<vmem>>, %arg7: memref<1x256xf32, #tpu.memory_space<vmem>>, %arg8: memref<1x256xf32, #tpu.memory_space<vmem>>, %arg9: memref<1x256xf32, #tpu.memory_space<vmem>>, %arg10: memref<256x256xf32, #tpu.memory_space<vmem>>, %arg11: memref<1024x128xf32, #tpu.memory_space<vmem>>, %arg12: memref<1024x128xf32, #tpu.memory_space<vmem>>) attributes {dimension_semantics = [#tpu.dimension_semantics<arbitrary>], iteration_bounds = array<i64: 10>, scalar_prefetch = 0 : i64, scratch_operands = 0 : i64, tpu.core_type = #tpu.core_type<tc>, window_params = [{transform_indices = @transform_0, window_bounds = array<i64: 1024, 128>}, {transform_indices = @transform_1, window_bounds = array<i64: 1024, 128>}, {transform_indices = @transform_2, window_bounds = array<i64: 1024, 128>}, {transform_indices = @transform_3, window_bounds = array<i64: 1024, 128>}, {transform_indices = @transform_4, window_bounds = array<i64: 1024, 1>}, {transform_indices = @transform_5, window_bounds = array<i64: 1024, 1>}, {pipeline_mode = #tpu.pipeline_mode<synchronous>, transform_indices = @transform_6, window_bounds = array<i64: 1, 256>}, {pipeline_mode = #tpu.pipeline_mode<synchronous>, transform_indices = @transform_7, window_bounds = array<i64: 1, 256>}, {pipeline_mode = #tpu.pipeline_mode<synchronous>, transform_indices = @transform_8, window_bounds = array<i64: 1, 256>}, {pipeline_mode = #tpu.pipeline_mode<synchronous>, transform_indices = @transform_9, window_bounds = array<i64: 256, 256>}, {transform_indices = @transform_10, window_bounds = array<i64: 1024, 128>}, {transform_indices = @transform_11, window_bounds = array<i64: 1024, 128>}]} {
    %get3A = arith.constant 0 : index
    %get3A_0 = arith.constant 0 : index
    %get3A_1 = vector.load %arg5[%get3A, %get3A_0] : memref<1024x1xf32, #tpu.memory_space<vmem>>, vector<1024x1xf32>
    %get3A_2 = arith.constant 0 : index
    %get3A_3 = arith.constant 0 : index
    %get3A_4 = vector.load %arg6[%get3A_2, %get3A_3] : memref<1024x1xf32, #tpu.memory_space<vmem>>, vector<1024x1xf32>
    %add3A = arith.addf %get3A_1, %get3A_4 : vector<1024x1xf32>
    %add3A_5 = arith.constant 1.000000e+00 : f32
    %add3A_6 = vector.broadcast %add3A_5 : f32 to vector<1024x1xf32>
    %add3A_7 = arith.addf %add3A, %add3A_6 : vector<1024x1xf32>
    %rsqrt3A = math.rsqrt %add3A_7 : vector<1024x1xf32>
    %get3A_8 = arith.constant 0 : index
    %get3A_9 = arith.constant 0 : index
    %get3A_10 = vector.load %arg1[%get3A_8, %get3A_9] : memref<1024x128xf32, #tpu.memory_space<vmem>>, vector<1024x128xf32>
    %get3A_11 = arith.constant 0 : index
    %get3A_12 = arith.constant 0 : index
    %get3A_13 = vector.load %arg3[%get3A_11, %get3A_12] : memref<1024x128xf32, #tpu.memory_space<vmem>>, vector<1024x128xf32>
    %add3A_14 = arith.addf %get3A_10, %get3A_13 : vector<1024x128xf32>
    %get3A_15 = arith.constant 0 : index
    %get3A_16 = arith.constant 0 : index
    %get3A_17 = vector.load %arg2[%get3A_15, %get3A_16] : memref<1024x128xf32, #tpu.memory_space<vmem>>, vector<1024x128xf32>
    %get3A_18 = arith.constant 0 : index
    %get3A_19 = arith.constant 0 : index
    %get3A_20 = vector.load %arg4[%get3A_18, %get3A_19] : memref<1024x128xf32, #tpu.memory_space<vmem>>, vector<1024x128xf32>
    %add3A_21 = arith.addf %get3A_17, %get3A_20 : vector<1024x128xf32>
    %concatenate3A = tpu.concatenate %add3A_14, %add3A_21 in 1 : vector<1024x128xf32>, vector<1024x128xf32> -> vector<1024x256xf32>
    %mul3A = vector.broadcast %rsqrt3A : vector<1024x1xf32> to vector<1024x256xf32>
    %mul3A_22 = arith.mulf %concatenate3A, %mul3A : vector<1024x256xf32>
    %get3A_23 = arith.constant 0 : index
    %get3A_24 = arith.constant 0 : index
    %get3A_25 = vector.load %arg7[%get3A_23, %get3A_24] : memref<1x256xf32, #tpu.memory_space<vmem>>, vector<1x256xf32>
    %add3A_26 = vector.broadcast %get3A_25 : vector<1x256xf32> to vector<1024x256xf32>
    %add3A_27 = arith.addf %mul3A_22, %add3A_26 : vector<1024x256xf32>
    %get3A_28 = arith.constant 0 : index
    %get3A_29 = arith.constant 0 : index
    %get3A_30 = vector.load %arg8[%get3A_28, %get3A_29] : memref<1x256xf32, #tpu.memory_space<vmem>>, vector<1x256xf32>
    %sqrt3A = arith.constant 1.000010e+00 : f32
    %sqrt3A_31 = math.sqrt %sqrt3A : f32
    %div3A = arith.constant 1.000000e+00 : f32
    %div3A_32 = arith.divf %div3A, %sqrt3A_31 : f32
    %mul3A_33 = vector.broadcast %div3A_32 : f32 to vector<1x256xf32>
    %mul3A_34 = arith.mulf %get3A_30, %mul3A_33 : vector<1x256xf32>
    %mul3A_35 = vector.broadcast %mul3A_34 : vector<1x256xf32> to vector<1024x256xf32>
    %mul3A_36 = arith.mulf %add3A_27, %mul3A_35 : vector<1024x256xf32>
    %get3A_37 = arith.constant 0 : index
    %get3A_38 = arith.constant 0 : index
    %get3A_39 = vector.load %arg9[%get3A_37, %get3A_38] : memref<1x256xf32, #tpu.memory_space<vmem>>, vector<1x256xf32>
    %add3A_40 = vector.broadcast %get3A_39 : vector<1x256xf32> to vector<1024x256xf32>
    %add3A_41 = arith.addf %mul3A_36, %add3A_40 : vector<1024x256xf32>
    %max3A = arith.constant 0.000000e+00 : f32
    %max3A_42 = vector.broadcast %max3A : f32 to vector<1024x256xf32>
    %max3A_43 = arith.maximumf %add3A_41, %max3A_42 : vector<1024x256xf32>
    %get3A_44 = arith.constant 0 : index
    %get3A_45 = arith.constant 0 : index
    %get3A_46 = vector.load %arg10[%get3A_44, %get3A_45] : memref<256x256xf32, #tpu.memory_space<vmem>>, vector<256x256xf32>
    %dot_general3A = arith.constant dense<0.000000e+00> : vector<1024x256xf32>
    %dot_general3A_47 = tpu.matmul %max3A_43, %get3A_46, %dot_general3A {dimension_numbers = #tpu.dot_dimension_numbers<[1], [0], [0], [1], [0, 0, 1, 1], [], []>, transpose_lhs_hint = false} : vector<1024x256xf32>, vector<256x256xf32>, vector<1024x256xf32> -> vector<1024x256xf32>
    %mul3A_48 = vector.broadcast %rsqrt3A : vector<1024x1xf32> to vector<1024x256xf32>
    %mul3A_49 = arith.mulf %dot_general3A_47, %mul3A_48 : vector<1024x256xf32>
    %slice3A = vector.extract_strided_slice %mul3A_49 {offsets = [0, 0], sizes = [1024, 128], strides = [1, 1]} : vector<1024x256xf32> to vector<1024x128xf32>
    %swap3A = arith.constant 0 : index
    %swap3A_50 = arith.constant 0 : index
    %swap3A_51 = vector.load %arg11[%swap3A, %swap3A_50] : memref<1024x128xf32, #tpu.memory_space<vmem>>, vector<1024x128xf32>
    tpu.vector_store %arg11[%swap3A, %swap3A_50], %slice3A {strides = array<i32>} : memref<1024x128xf32, #tpu.memory_space<vmem>>, vector<1024x128xf32>,
    %slice3A_52 = vector.extract_strided_slice %mul3A_49 {offsets = [0, 128], sizes = [1024, 128], strides = [1, 1]} : vector<1024x256xf32> to vector<1024x128xf32>
    %swap3A_53 = arith.constant 0 : index
    %swap3A_54 = arith.constant 0 : index
    %swap3A_55 = vector.load %arg12[%swap3A_53, %swap3A_54] : memref<1024x128xf32, #tpu.memory_space<vmem>>, vector<1024x128xf32>
    tpu.vector_store %arg12[%swap3A_53, %swap3A_54], %slice3A_52 {strides = array<i32>} : memref<1024x128xf32, #tpu.memory_space<vmem>>, vector<1024x128xf32>,
    return
  }
  func.func @transform_0(%arg0: i32) -> (i32, i32) {
    %c0_i32 = arith.constant 0 : i32
    %c0_i32_0 = arith.constant 0 : i32
    return %arg0, %c0_i32 : i32, i32
  }
  func.func @transform_1(%arg0: i32) -> (i32, i32) {
    %c0_i32 = arith.constant 0 : i32
    %c0_i32_0 = arith.constant 0 : i32
    return %arg0, %c0_i32 : i32, i32
  }
  func.func @transform_2(%arg0: i32) -> (i32, i32) {
    %c0_i32 = arith.constant 0 : i32
    %c0_i32_0 = arith.constant 0 : i32
    return %arg0, %c0_i32 : i32, i32
  }
  func.func @transform_3(%arg0: i32) -> (i32, i32) {
    %c0_i32 = arith.constant 0 : i32
    %c0_i32_0 = arith.constant 0 : i32
    return %arg0, %c0_i32 : i32, i32
  }
  func.func @transform_4(%arg0: i32) -> (i32, i32) {
    %c0_i32 = arith.constant 0 : i32
    %c0_i32_0 = arith.constant 0 : i32
    return %arg0, %c0_i32 : i32, i32
  }
  func.func @transform_5(%arg0: i32) -> (i32, i32) {
    %c0_i32 = arith.constant 0 : i32
    %c0_i32_0 = arith.constant 0 : i32
    return %arg0, %c0_i32 : i32, i32
  }
  func.func @transform_6(%arg0: i32) -> (i32, i32) {
    %c0_i32 = arith.constant 0 : i32
    %c0_i32_0 = arith.constant 0 : i32
    %c0_i32_1 = arith.constant 0 : i32
    return %c0_i32, %c0_i32_0 : i32, i32
  }
  func.func @transform_7(%arg0: i32) -> (i32, i32) {
    %c0_i32 = arith.constant 0 : i32
    %c0_i32_0 = arith.constant 0 : i32
    %c0_i32_1 = arith.constant 0 : i32
    return %c0_i32, %c0_i32_0 : i32, i32
  }
  func.func @transform_8(%arg0: i32) -> (i32, i32) {
    %c0_i32 = arith.constant 0 : i32
    %c0_i32_0 = arith.constant 0 : i32
    %c0_i32_1 = arith.constant 0 : i32
    return %c0_i32, %c0_i32_0 : i32, i32
  }
  func.func @transform_9(%arg0: i32) -> (i32, i32) {
    %c0_i32 = arith.constant 0 : i32
    %c0_i32_0 = arith.constant 0 : i32
    %c0_i32_1 = arith.constant 0 : i32
    return %c0_i32, %c0_i32_0 : i32, i32
  }
  func.func @transform_10(%arg0: i32) -> (i32, i32) {
    %c0_i32 = arith.constant 0 : i32
    %c0_i32_0 = arith.constant 0 : i32
    return %arg0, %c0_i32 : i32, i32
  }
  func.func @transform_11(%arg0: i32) -> (i32, i32) {
    %c0_i32 = arith.constant 0 : i32
    %c0_i32_0 = arith.constant 0 : i32
    return %arg0, %c0_i32 : i32, i32
  }
}

module attributes {stable_mosaic.version = 14 : i64} {
  func.func @_tc_mid_body(%arg0: i32, %arg1: memref<1024x128xf32, #tpu.memory_space<vmem>>, %arg2: memref<1024x128xf32, #tpu.memory_space<vmem>>, %arg3: memref<1024x128xf32, #tpu.memory_space<vmem>>, %arg4: memref<1024x128xf32, #tpu.memory_space<vmem>>, %arg5: memref<1024x1xf32, #tpu.memory_space<vmem>>, %arg6: memref<1024x1xf32, #tpu.memory_space<vmem>>, %arg7: memref<1x256xf32, #tpu.memory_space<vmem>>, %arg8: memref<1x256xf32, #tpu.memory_space<vmem>>, %arg9: memref<1x256xf32, #tpu.memory_space<vmem>>, %arg10: memref<256x128xf32, #tpu.memory_space<vmem>>, %arg11: memref<1024x128xf32, #tpu.memory_space<vmem>>) attributes {dimension_semantics = [#tpu.dimension_semantics<arbitrary>], iteration_bounds = array<i64: 10>, scalar_prefetch = 0 : i64, scratch_operands = 0 : i64, tpu.core_type = #tpu.core_type<tc>, window_params = [{transform_indices = @transform_0, window_bounds = array<i64: 1024, 128>}, {transform_indices = @transform_1, window_bounds = array<i64: 1024, 128>}, {transform_indices = @transform_2, window_bounds = array<i64: 1024, 128>}, {transform_indices = @transform_3, window_bounds = array<i64: 1024, 128>}, {transform_indices = @transform_4, window_bounds = array<i64: 1024, 1>}, {transform_indices = @transform_5, window_bounds = array<i64: 1024, 1>}, {pipeline_mode = #tpu.pipeline_mode<synchronous>, transform_indices = @transform_6, window_bounds = array<i64: 1, 256>}, {pipeline_mode = #tpu.pipeline_mode<synchronous>, transform_indices = @transform_7, window_bounds = array<i64: 1, 256>}, {pipeline_mode = #tpu.pipeline_mode<synchronous>, transform_indices = @transform_8, window_bounds = array<i64: 1, 256>}, {pipeline_mode = #tpu.pipeline_mode<synchronous>, transform_indices = @transform_9, window_bounds = array<i64: 256, 128>}, {transform_indices = @transform_10, window_bounds = array<i64: 1024, 128>}]} {
    %get3A = arith.constant 0 : index
    %get3A_0 = arith.constant 0 : index
    %get3A_1 = vector.load %arg5[%get3A, %get3A_0] : memref<1024x1xf32, #tpu.memory_space<vmem>>, vector<1024x1xf32>
    %get3A_2 = arith.constant 0 : index
    %get3A_3 = arith.constant 0 : index
    %get3A_4 = vector.load %arg6[%get3A_2, %get3A_3] : memref<1024x1xf32, #tpu.memory_space<vmem>>, vector<1024x1xf32>
    %add3A = arith.addf %get3A_1, %get3A_4 : vector<1024x1xf32>
    %add3A_5 = arith.constant 1.000000e+00 : f32
    %add3A_6 = vector.broadcast %add3A_5 : f32 to vector<1024x1xf32>
    %add3A_7 = arith.addf %add3A, %add3A_6 : vector<1024x1xf32>
    %rsqrt3A = math.rsqrt %add3A_7 : vector<1024x1xf32>
    %get3A_8 = arith.constant 0 : index
    %get3A_9 = arith.constant 0 : index
    %get3A_10 = vector.load %arg1[%get3A_8, %get3A_9] : memref<1024x128xf32, #tpu.memory_space<vmem>>, vector<1024x128xf32>
    %get3A_11 = arith.constant 0 : index
    %get3A_12 = arith.constant 0 : index
    %get3A_13 = vector.load %arg3[%get3A_11, %get3A_12] : memref<1024x128xf32, #tpu.memory_space<vmem>>, vector<1024x128xf32>
    %add3A_14 = arith.addf %get3A_10, %get3A_13 : vector<1024x128xf32>
    %get3A_15 = arith.constant 0 : index
    %get3A_16 = arith.constant 0 : index
    %get3A_17 = vector.load %arg2[%get3A_15, %get3A_16] : memref<1024x128xf32, #tpu.memory_space<vmem>>, vector<1024x128xf32>
    %get3A_18 = arith.constant 0 : index
    %get3A_19 = arith.constant 0 : index
    %get3A_20 = vector.load %arg4[%get3A_18, %get3A_19] : memref<1024x128xf32, #tpu.memory_space<vmem>>, vector<1024x128xf32>
    %add3A_21 = arith.addf %get3A_17, %get3A_20 : vector<1024x128xf32>
    %concatenate3A = tpu.concatenate %add3A_14, %add3A_21 in 1 : vector<1024x128xf32>, vector<1024x128xf32> -> vector<1024x256xf32>
    %mul3A = vector.broadcast %rsqrt3A : vector<1024x1xf32> to vector<1024x256xf32>
    %mul3A_22 = arith.mulf %concatenate3A, %mul3A : vector<1024x256xf32>
    %get3A_23 = arith.constant 0 : index
    %get3A_24 = arith.constant 0 : index
    %get3A_25 = vector.load %arg7[%get3A_23, %get3A_24] : memref<1x256xf32, #tpu.memory_space<vmem>>, vector<1x256xf32>
    %add3A_26 = vector.broadcast %get3A_25 : vector<1x256xf32> to vector<1024x256xf32>
    %add3A_27 = arith.addf %mul3A_22, %add3A_26 : vector<1024x256xf32>
    %get3A_28 = arith.constant 0 : index
    %get3A_29 = arith.constant 0 : index
    %get3A_30 = vector.load %arg8[%get3A_28, %get3A_29] : memref<1x256xf32, #tpu.memory_space<vmem>>, vector<1x256xf32>
    %sqrt3A = arith.constant 1.000010e+00 : f32
    %sqrt3A_31 = math.sqrt %sqrt3A : f32
    %div3A = arith.constant 1.000000e+00 : f32
    %div3A_32 = arith.divf %div3A, %sqrt3A_31 : f32
    %mul3A_33 = vector.broadcast %div3A_32 : f32 to vector<1x256xf32>
    %mul3A_34 = arith.mulf %get3A_30, %mul3A_33 : vector<1x256xf32>
    %mul3A_35 = vector.broadcast %mul3A_34 : vector<1x256xf32> to vector<1024x256xf32>
    %mul3A_36 = arith.mulf %add3A_27, %mul3A_35 : vector<1024x256xf32>
    %get3A_37 = arith.constant 0 : index
    %get3A_38 = arith.constant 0 : index
    %get3A_39 = vector.load %arg9[%get3A_37, %get3A_38] : memref<1x256xf32, #tpu.memory_space<vmem>>, vector<1x256xf32>
    %add3A_40 = vector.broadcast %get3A_39 : vector<1x256xf32> to vector<1024x256xf32>
    %add3A_41 = arith.addf %mul3A_36, %add3A_40 : vector<1024x256xf32>
    %max3A = arith.constant 0.000000e+00 : f32
    %max3A_42 = vector.broadcast %max3A : f32 to vector<1024x256xf32>
    %max3A_43 = arith.maximumf %add3A_41, %max3A_42 : vector<1024x256xf32>
    %get3A_44 = arith.constant 0 : index
    %get3A_45 = arith.constant 0 : index
    %get3A_46 = vector.load %arg10[%get3A_44, %get3A_45] : memref<256x128xf32, #tpu.memory_space<vmem>>, vector<256x128xf32>
    %dot_general3A = arith.constant dense<0.000000e+00> : vector<1024x128xf32>
    %dot_general3A_47 = tpu.matmul %max3A_43, %get3A_46, %dot_general3A {dimension_numbers = #tpu.dot_dimension_numbers<[1], [0], [0], [1], [0, 0, 1, 1], [], []>, transpose_lhs_hint = false} : vector<1024x256xf32>, vector<256x128xf32>, vector<1024x128xf32> -> vector<1024x128xf32>
    %mul3A_48 = vector.broadcast %rsqrt3A : vector<1024x1xf32> to vector<1024x128xf32>
    %mul3A_49 = arith.mulf %dot_general3A_47, %mul3A_48 : vector<1024x128xf32>
    %swap3A = arith.constant 0 : index
    %swap3A_50 = arith.constant 0 : index
    %swap3A_51 = vector.load %arg11[%swap3A, %swap3A_50] : memref<1024x128xf32, #tpu.memory_space<vmem>>, vector<1024x128xf32>
    tpu.vector_store %arg11[%swap3A, %swap3A_50], %mul3A_49 {strides = array<i32>} : memref<1024x128xf32, #tpu.memory_space<vmem>>, vector<1024x128xf32>,
    return
  }
  func.func @transform_0(%arg0: i32) -> (i32, i32) {
    %c0_i32 = arith.constant 0 : i32
    %c0_i32_0 = arith.constant 0 : i32
    return %arg0, %c0_i32 : i32, i32
  }
  func.func @transform_1(%arg0: i32) -> (i32, i32) {
    %c0_i32 = arith.constant 0 : i32
    %c0_i32_0 = arith.constant 0 : i32
    return %arg0, %c0_i32 : i32, i32
  }
  func.func @transform_2(%arg0: i32) -> (i32, i32) {
    %c0_i32 = arith.constant 0 : i32
    %c0_i32_0 = arith.constant 0 : i32
    return %arg0, %c0_i32 : i32, i32
  }
  func.func @transform_3(%arg0: i32) -> (i32, i32) {
    %c0_i32 = arith.constant 0 : i32
    %c0_i32_0 = arith.constant 0 : i32
    return %arg0, %c0_i32 : i32, i32
  }
  func.func @transform_4(%arg0: i32) -> (i32, i32) {
    %c0_i32 = arith.constant 0 : i32
    %c0_i32_0 = arith.constant 0 : i32
    return %arg0, %c0_i32 : i32, i32
  }
  func.func @transform_5(%arg0: i32) -> (i32, i32) {
    %c0_i32 = arith.constant 0 : i32
    %c0_i32_0 = arith.constant 0 : i32
    return %arg0, %c0_i32 : i32, i32
  }
  func.func @transform_6(%arg0: i32) -> (i32, i32) {
    %c0_i32 = arith.constant 0 : i32
    %c0_i32_0 = arith.constant 0 : i32
    %c0_i32_1 = arith.constant 0 : i32
    return %c0_i32, %c0_i32_0 : i32, i32
  }
  func.func @transform_7(%arg0: i32) -> (i32, i32) {
    %c0_i32 = arith.constant 0 : i32
    %c0_i32_0 = arith.constant 0 : i32
    %c0_i32_1 = arith.constant 0 : i32
    return %c0_i32, %c0_i32_0 : i32, i32
  }
  func.func @transform_8(%arg0: i32) -> (i32, i32) {
    %c0_i32 = arith.constant 0 : i32
    %c0_i32_0 = arith.constant 0 : i32
    %c0_i32_1 = arith.constant 0 : i32
    return %c0_i32, %c0_i32_0 : i32, i32
  }
  func.func @transform_9(%arg0: i32) -> (i32, i32) {
    %c0_i32 = arith.constant 0 : i32
    %c0_i32_0 = arith.constant 0 : i32
    %c0_i32_1 = arith.constant 0 : i32
    return %c0_i32, %c0_i32_0 : i32, i32
  }
  func.func @transform_10(%arg0: i32) -> (i32, i32) {
    %c0_i32 = arith.constant 0 : i32
    %c0_i32_0 = arith.constant 0 : i32
    return %arg0, %c0_i32 : i32, i32
  }
}

module attributes {stable_mosaic.version = 14 : i64} {
  func.func @_tc_final_body(%arg0: i32, %arg1: memref<1024x128xf32, #tpu.memory_space<vmem>>, %arg2: memref<1024x128xf32, #tpu.memory_space<vmem>>, %arg3: memref<1024x128xf32, #tpu.memory_space<vmem>>, %arg4: memref<1024x1xf32, #tpu.memory_space<vmem>>, %arg5: memref<1024x1xf32, #tpu.memory_space<vmem>>, %arg6: memref<1x128xf32, #tpu.memory_space<vmem>>, %arg7: memref<1024x128xf32, #tpu.memory_space<vmem>>) attributes {dimension_semantics = [#tpu.dimension_semantics<arbitrary>], iteration_bounds = array<i64: 10>, scalar_prefetch = 0 : i64, scratch_operands = 0 : i64, tpu.core_type = #tpu.core_type<tc>, window_params = [{transform_indices = @transform_0, window_bounds = array<i64: 1024, 128>}, {transform_indices = @transform_1, window_bounds = array<i64: 1024, 128>}, {transform_indices = @transform_2, window_bounds = array<i64: 1024, 128>}, {transform_indices = @transform_3, window_bounds = array<i64: 1024, 1>}, {transform_indices = @transform_4, window_bounds = array<i64: 1024, 1>}, {pipeline_mode = #tpu.pipeline_mode<synchronous>, transform_indices = @transform_5, window_bounds = array<i64: 1, 128>}, {transform_indices = @transform_6, window_bounds = array<i64: 1024, 128>}]} {
    %get3A = arith.constant 0 : index
    %get3A_0 = arith.constant 0 : index
    %get3A_1 = vector.load %arg4[%get3A, %get3A_0] : memref<1024x1xf32, #tpu.memory_space<vmem>>, vector<1024x1xf32>
    %get3A_2 = arith.constant 0 : index
    %get3A_3 = arith.constant 0 : index
    %get3A_4 = vector.load %arg5[%get3A_2, %get3A_3] : memref<1024x1xf32, #tpu.memory_space<vmem>>, vector<1024x1xf32>
    %add3A = arith.addf %get3A_1, %get3A_4 : vector<1024x1xf32>
    %add3A_5 = arith.constant 1.000000e+00 : f32
    %add3A_6 = vector.broadcast %add3A_5 : f32 to vector<1024x1xf32>
    %add3A_7 = arith.addf %add3A, %add3A_6 : vector<1024x1xf32>
    %rsqrt3A = math.rsqrt %add3A_7 : vector<1024x1xf32>
    %get3A_8 = arith.constant 0 : index
    %get3A_9 = arith.constant 0 : index
    %get3A_10 = vector.load %arg1[%get3A_8, %get3A_9] : memref<1024x128xf32, #tpu.memory_space<vmem>>, vector<1024x128xf32>
    %get3A_11 = arith.constant 0 : index
    %get3A_12 = arith.constant 0 : index
    %get3A_13 = vector.load %arg2[%get3A_11, %get3A_12] : memref<1024x128xf32, #tpu.memory_space<vmem>>, vector<1024x128xf32>
    %add3A_14 = arith.addf %get3A_10, %get3A_13 : vector<1024x128xf32>
    %get3A_15 = arith.constant 0 : index
    %get3A_16 = arith.constant 0 : index
    %get3A_17 = vector.load %arg3[%get3A_15, %get3A_16] : memref<1024x128xf32, #tpu.memory_space<vmem>>, vector<1024x128xf32>
    %add3A_18 = arith.addf %add3A_14, %get3A_17 : vector<1024x128xf32>
    %mul3A = vector.broadcast %rsqrt3A : vector<1024x1xf32> to vector<1024x128xf32>
    %mul3A_19 = arith.mulf %add3A_18, %mul3A : vector<1024x128xf32>
    %get3A_20 = arith.constant 0 : index
    %get3A_21 = arith.constant 0 : index
    %get3A_22 = vector.load %arg6[%get3A_20, %get3A_21] : memref<1x128xf32, #tpu.memory_space<vmem>>, vector<1x128xf32>
    %add3A_23 = vector.broadcast %get3A_22 : vector<1x128xf32> to vector<1024x128xf32>
    %add3A_24 = arith.addf %mul3A_19, %add3A_23 : vector<1024x128xf32>
    %swap3A = arith.constant 0 : index
    %swap3A_25 = arith.constant 0 : index
    %swap3A_26 = vector.load %arg7[%swap3A, %swap3A_25] : memref<1024x128xf32, #tpu.memory_space<vmem>>, vector<1024x128xf32>
    tpu.vector_store %arg7[%swap3A, %swap3A_25], %add3A_24 {strides = array<i32>} : memref<1024x128xf32, #tpu.memory_space<vmem>>, vector<1024x128xf32>,
    return
  }
  func.func @transform_0(%arg0: i32) -> (i32, i32) {
    %c0_i32 = arith.constant 0 : i32
    %c0_i32_0 = arith.constant 0 : i32
    return %arg0, %c0_i32 : i32, i32
  }
  func.func @transform_1(%arg0: i32) -> (i32, i32) {
    %c0_i32 = arith.constant 0 : i32
    %c0_i32_0 = arith.constant 0 : i32
    return %arg0, %c0_i32 : i32, i32
  }
  func.func @transform_2(%arg0: i32) -> (i32, i32) {
    %c0_i32 = arith.constant 0 : i32
    %c0_i32_0 = arith.constant 0 : i32
    return %arg0, %c0_i32 : i32, i32
  }
  func.func @transform_3(%arg0: i32) -> (i32, i32) {
    %c0_i32 = arith.constant 0 : i32
    %c0_i32_0 = arith.constant 0 : i32
    return %arg0, %c0_i32 : i32, i32
  }
  func.func @transform_4(%arg0: i32) -> (i32, i32) {
    %c0_i32 = arith.constant 0 : i32
    %c0_i32_0 = arith.constant 0 : i32
    return %arg0, %c0_i32 : i32, i32
  }
  func.func @transform_5(%arg0: i32) -> (i32, i32) {
    %c0_i32 = arith.constant 0 : i32
    %c0_i32_0 = arith.constant 0 : i32
    %c0_i32_1 = arith.constant 0 : i32
    return %c0_i32, %c0_i32_0 : i32, i32
  }
  func.func @transform_6(%arg0: i32) -> (i32, i32) {
    %c0_i32 = arith.constant 0 : i32
    %c0_i32_0 = arith.constant 0 : i32
    return %arg0, %c0_i32 : i32, i32
  }
}

</mosaic_0001>

<sc_bundles>
// kernel: kernel.10.cloned.1.call-start
scs
__scs_entry_jumppad:
0x0: {  	(pc) =	sbr.rel $0x88, $3  }
0x1: {  	(tag) =	ssettag $0x0;
	lr =	simm.s32 $0x1  }
0x2: {  	[smem:$0x3F95] =	sst lr;
	_ =	strace $0xD0000000  }
0x3: {  	_ = 	snop  }
0x4: {  	_ = 	snop  }
0x5: {  	_ = 	snop  }
0x6: {  	_ = 	snop  }
0x7: {  	_ = 	snop  }
__scs_overlays_trampoline_lowered:
0x8: {  	[smem:$0x3FA4] =	sst s0  }
0x9: {  	[smem:$0x3FA5] =	sst s1  }
0xa: {  	[smem:$0x3FA6] =	sst s2  }
0xb: {  	[smem:$0x3FA7] =	sst s3  }
0xc: {  	[smem:$0x3FA8] =	sst s4  }
0xd: {  	[smem:$0x3FA9] =	sst s5  }
0xe: {  	[smem:$0x3FAA] =	sst s6  }
0xf: {  	[smem:$0x3FAB] =	sst s7  }
0x10: {  	[smem:$0x3FAC] =	sst s8  }
0x11: {  	[smem:$0x3FAD] =	sst s9;
	s0 =	simm.s32 @!p0 $0x0  }
0x12: {  	s1 =	sld [smem:$0x3F93];
	s0 =	simm.s32 @p0 $0x1  }
0x13: {  	[smem:$0x3FAE] =	sst s0;
	s0 =	simm.s32 @!p1 $0x0  }
0x14: {  	s2 =	sld [smem:$0x3F92];
	s0 =	simm.s32 @p1 $0x1  }
0x15: {  	[smem:$0x3FAF] =	sst s0;
	s0 =	simm.s32 @!p2 $0x0  }
0x16: {  	s3 =	sld [smem:$0x3FDB];
	s0 =	simm.s32 @p2 $0x1  }
0x17: {  	s4 =	simm.s32 $0x1BF5;
	[smem:$0x3FB1] =	sst s0  }
0x18: {  	s0 =	sld [smem:$0x3F94];
	_ =	swait.ge [sflag:s4], $0x0  }
0x19: {  	s7 =	sld [smem:$0x3F95]  }
0x1a: {  	s8 =	sadd.s32 $0xFFFFE003, lr  }
0x1b: {  	s9 =	sadd.s32 $0xFFFFFEF7, lr;
	s5 =	simm.s32 $0xFFFFFFFF;
	p2 =	slt.u32 s8, $0xFFFFF086  }
0x1c: {  	p1 =	slt.u32 s9, $0xF7A;
	s5 =	simm.s32 @!p2 $0x0  }
0x1d: {  	s5 =	simm.s32 @p1 $0x1;
	p0 =	seq.s32 s7, s2  }
0x1e: {  	s7 =	smul.u32 @!p0 $0xF7A, s2;
	p2 =	seq.s32 @!p0 s5, $0x0  }
0x1f: {  	s9 =	smul.u32 $0xF7A, s1;
	s8 =	simm.s32 @!p0 $0x1BF5;
	p2 =	por !p2, p0  }
0x20: {  	[sflag:s8] =	ssyncset.s32 @!p0 $0xFFFFF086;
	s6 =	sadd.s32 @!p0 s3, s7;
	s7 =	simm.s32 @!p0 $0x108  }
0x21: {  	s3 =	sadd.s32 s3, s9;
	s6 =	sadd.s32 @!p0 $0x88, s6;
	s7 =	simm.s32 @p2 $0x1082  }
0x22: {  	[simem:s7], [sflag:s8] =	dma.local @!p0 [hbm:s6], $0xF7A  }
0x23: {  	s9 =	sor.u32 $0xD0000000, s2;
	s6 =	simm.s32 $0x108;
	_ =	swait.ge @!p0 [sflag:s8], $0x0  }
0x24: {  	s3 =	sadd.s32 $0x88, s3;
	s6 =	simm.s32 @!p1 $0x1082;
	[sflag:s4] =	ssyncset.s32 $0xFFFFF086  }
0x25: {  	[simem:s6], [sflag:s4] =	dma.local [hbm:s3], $0xF7A  }
0x26: {  	[smem:$0x3F95] =	sst s1;
	(tag) =	ssettag s2;
	_ =	strace s9  }
0x27: {  	s1 =	sld [smem:$0x3FA5]  }
0x28: {  	s2 =	sld [smem:$0x3FA6]  }
0x29: {  	s4 =	sld [smem:$0x3FA8]  }
0x2a: {  	p0 =	seq.s32 s5, $0x0;
	s5 =	sld [smem:$0x3FA9]  }
0x2b: {  	s6 =	sld [smem:$0x3FAA]  }
0x2c: {  	s7 =	sld [smem:$0x3FAB]  }
0x2d: {  	s3 =	simm.s32 $0x108;
	s8 =	sld [smem:$0x3FAC]  }
0x2e: {  	s3 =	simm.s32 @!p0 $0x1082;
	s9 =	sld [smem:$0x3FAD]  }
0x2f: {  	lr =	sadd.s32 s0, s3;
	s0 =	sld [smem:$0x3FA4]  }
0x30: {  	s3 =	sld [smem:$0x3FA7]  }
0x31: {  	[smem:$0x3FB0] =	sst s10  }
0x32: {  	s10 =	sld [smem:$0x3FAE];
	_ =	sdelay $0x3  }
0x33: {  	p0 =	seq.s32 s10, $0x1;
	s10 =	sld [smem:$0x3FB0];
	_ =	sdelay $0x3  }
0x34: {  	[smem:$0x3FB0] =	sst s10  }
0x35: {  	s10 =	sld [smem:$0x3FAF];
	_ =	sdelay $0x3  }
0x36: {  	p1 =	seq.s32 s10, $0x1;
	s10 =	sld [smem:$0x3FB0];
	_ =	sdelay $0x3  }
0x37: {  	[smem:$0x3FB0] =	sst s10  }
0x38: {  	s10 =	sld [smem:$0x3FB1]  }
0x39: {  	_ = 	snop;
	(pc) =	sbr.ind lr, $3  }
0x3a: {  	_ = 	snop  }
0x3b: {  	_ = 	snop  }
0x3c: {  	p2 =	seq.s32 s10, $0x1;
	s10 =	sld [smem:$0x3FB0]  }
0x3d: {  	_ =	shalt  }
0x3e: {  	_ =	shalt  }
0x3f: {  	_ =	shalt  }
0x40: {  	_ =	shalt  }
0x41: {  	_ =	shalt  }
0x42: {  	_ =	shalt  }
0x43: {  	_ =	shalt  }
0x44: {  	_ =	shalt  }
0x45: {  	_ =	shalt  }
0x46: {  	_ =	shalt  }
0x47: {  	_ =	shalt  }
0x48: {  	_ =	shalt  }
0x49: {  	_ =	shalt  }
0x4a: {  	_ =	shalt  }
0x4b: {  	_ =	shalt  }
0x4c: {  	_ =	shalt  }
0x4d: {  	_ =	shalt  }
0x4e: {  	_ =	shalt  }
0x4f: {  	_ =	shalt  }
0x50: {  	_ =	shalt  }
0x51: {  	_ =	shalt  }
0x52: {  	_ =	shalt  }
0x53: {  	_ =	shalt  }
0x54: {  	_ =	shalt  }
0x55: {  	_ =	shalt  }
0x56: {  	_ =	shalt  }
0x57: {  	_ =	shalt  }
0x58: {  	_ =	shalt  }
0x59: {  	_ =	shalt  }
0x5a: {  	_ =	shalt  }
0x5b: {  	_ =	shalt  }
0x5c: {  	_ =	shalt  }
0x5d: {  	_ =	shalt  }
0x5e: {  	_ =	shalt  }
0x5f: {  	_ =	shalt  }
0x60: {  	_ =	shalt  }
0x61: {  	_ =	shalt  }
0x62: {  	_ =	shalt  }
0x63: {  	_ =	shalt  }
0x64: {  	_ =	shalt  }
0x65: {  	_ =	shalt  }
0x66: {  	_ =	shalt  }
0x67: {  	_ =	shalt  }
0x68: {  	_ =	shalt  }
0x69: {  	_ =	shalt  }
0x6a: {  	_ =	shalt  }
0x6b: {  	_ =	shalt  }
0x6c: {  	_ =	shalt  }
0x6d: {  	_ =	shalt  }
0x6e: {  	_ =	shalt  }
0x6f: {  	_ =	shalt  }
0x70: {  	_ =	shalt  }
0x71: {  	_ =	shalt  }
0x72: {  	_ =	shalt  }
0x73: {  	_ =	shalt  }
0x74: {  	_ =	shalt  }
0x75: {  	_ =	shalt  }
0x76: {  	_ =	shalt  }
0x77: {  	_ =	shalt  }
0x78: {  	_ =	shalt  }
0x79: {  	_ =	shalt  }
0x7a: {  	_ =	shalt  }
0x7b: {  	_ =	shalt  }
0x7c: {  	_ =	shalt  }
0x7d: {  	_ =	shalt  }
0x7e: {  	_ =	shalt  }
0x7f: {  	_ =	shalt  }
0x80: {  	_ =	shalt  }
0x81: {  	_ =	shalt  }
0x82: {  	_ =	shalt  }
0x83: {  	_ =	shalt  }
0x84: {  	_ =	shalt  }
0x85: {  	_ =	shalt  }
0x86: {  	_ =	shalt  }
0x87: {  	_ =	shalt  }
.Lfunc_end0:
.L_simem_size_0:
called_computation_lowered:
.L_overlay_start_0:
0x88: {  	s2 =	sld [smem:$0x3FD9]  }
0x89: {  	s3 =	sld [smem:$0x3FFE];
	_ =	sdelay $0x1  }
0x8a: {  	s1 =	srdreg.scid  }
0x8b: {  	s0 =	sand.u32 $0x1, s1  }
0x8c: {  	s17 =	sshll.u32 s0, $0xA;
	s2 =	sadd.s32 s3, s2  }
0x8d: {  	s2 =	sadd.s32 s2, s17  }
0x8e: {  	[smem:$0x3FBC] =	sst s2  }
0x8f: {  	_ = 	snop  }
0x90: {  	s2 =	sld [smem:$0x3FD0];
	(tm) =	ssettm $0x1  }
0x91: {  	s18 =	sld [smem:$0x3FFB];
	_ =	sdelay $0x3  }
0x92: {  	_ =	strace s18  }
0x93: {  	s3 =	sld [smem:$0x3FFC];
	_ =	sdelay $0x3  }
0x94: {  	_ =	strace s3  }
0x95: {  	s3 =	sld [smem:$0x3FFD];
	_ =	sdelay $0x3  }
0x96: {  	_ =	strace s3  }
0x97: {  	_ =	strace $0x8FFFFFFF  }
0x98: {  	s19 =	sld [smem:$0x3FDB];
	_ =	sdelay $0x1  }
0x99: {  	s4 =	simm.s32 $_scs_section_size  }
0x9a: {  	s5 =	simm.s32 $_size__tile_overlayer_lowered;
	s6 =	simm.s32 $_tile_overlayer_lowered  }
0x9b: {  	s22 =	simm.s32 $0x1BFF;
	s21 =	sshll.u32 s6, $0x1;
	s3 =	sadd.s32 s4, s19  }
0x9c: {  	s7 =	simm.s32 $0x0;
	s20 =	sshll.u32 s5, $0x1;
	s5 =	sadd.s32 s21, s3  }
0x9d: {  	[timem:s7], [sflag:s22] =	dma.local [hbm:s5], s20  }
0x9e: {  	_ =	swait.ge [sflag:s22], s20  }
0x9f: {  	s4 =	ssub.s32 $0x0, s20;
	[sflag:s22] =	ssyncset.done $0x0  }
0xa0: {  	[sflag:s22] =	ssyncadd.s32 s4;
	_ =	sdelay $0x1  }
0xa1: {  	s23 =	simm.s32 $0x1B8B  }
0xa2: {  	_ =	swait.ge [sflag:s23], $0x1  }
0xa3: {  	[sflag:s23] =	ssyncset.done $0x0  }
0xa4: {  	s25 =	simm.s32 $0x1B8E;
	s24 =	sld [smem:$0x3FFE];
	[sflag:s23] =	ssyncadd.s32 $0xFFFFFFFF  }
0xa5: {  	s26 =	simm.s32 $execute0_lowered;
	[smem:$0x3FD2] =	sst s25  }
0xa6: {  	s5 =	sshll.u32 s26, $0x1;
	_ =	strace $0x80000046;
	[dreg:$0x1] =	wrdreg $0xFFFFFFFF  }
0xa7: {  	s28 =	simm.s32 $_size_execute0_lowered;
	s3 =	sadd.s32 s3, s5;
	[dreg:$0x0] =	wrdreg $0x0  }
0xa8: {  	s5 =	sshll.u32 s28, $0x1;
	[dreg:$0x2] =	wrdreg s3  }
0xa9: {  	[dreg:$0x3] =	wrdreg s5  }
0xaa: {  	[dreg:$0x4] =	wrdreg $0xC0  }
0xab: {  	_ =	task [dreg:s7], $0x5FFFF  }
0xac: {  	[dreg:$0x1] =	wrdreg $0xFFFFFFFF  }
0xad: {  	[dreg:$0x0] =	wrdreg $0x60  }
0xae: {  	[dreg:$0x2] =	wrdreg s2  }
0xaf: {  	[dreg:$0x3] =	wrdreg s24  }
0xb0: {  	[dreg:$0x4] =	wrdreg $0x1000  }
0xb1: {  	[dreg:$0x5] =	wrdreg $0x9  }
0xb2: {  	_ =	task.clear_ibuf [dreg:s7], $0x6FFFF;
	_ =	strace $0x90000046  }
0xb3: {  	s29 =	simm.s32 $0x9;
	_ =	strace $0x80000048  }
0xb4: {  	_ =	swait.ge [sflag:s29], $0x1  }
0xb5: {  	[sflag:s29] =	ssyncadd.s32 $0xFFFFFFFF  }
0xb6: {  	_ =	strace $0x90000048  }
0xb7: {  	_ =	sfence  }
0xb8: {  	s30 =	sld [smem:$0x0];
	_ =	sdelay $0x2  }
0xb9: {  	s31 =	sshll.u32 s1, $0xD;
	s1 =	sshrl.u32 s1, $0x2  }
0xba: {  	s3 =	sand.u32 $0x4000, s31;
	s1 =	sadd.s32 s1, s30  }
0xbb: {  	s0 =	sor.u32 s3, s0;
	s1 =	sshll.u32 s1, $0x11  }
0xbc: {  	s0 =	sor.u32 s1, s0  }
0xbd: {  	s0 =	sadd.s32 $0x8F2B, s0  }
0xbe: {  	[sflag:s0] =	ssyncadd.remote.s32 $0x1  }
0xbf: {  	_ =	sfence.sel $0xFFFF  }
0xc0: {  	[dreg:$0x0] =	wrdreg $0xFFFFFFFF;
	(pc) =	sbr.abs _section_cstart, $3  }
0xc1: {  	[dreg:$0x1] =	wrdreg $0xFFFFFFFF  }
0xc2: {  	_ =	task.clear_ibuf [dreg:s7], $0x2FFFF;
	_ =	strace $0x9FFFFFFF  }
0xc3: {  	(tm) =	ssettm $0x7FFFFFFF  }
tec
execute0_lowered:
.L_overlay_start_1:
0x0: {  	(tag) =	ssettag $0x1  }
0x1: {  	s9 =	rddreg [dreg:$0x0]  }
0x2: {  	s4 =	rddreg [dreg:$0x1]  }
0x3: {  	s2 =	rddreg [dreg:$0x2];
	s0 =	stileid.u32  }
0x4: {  	s6 =	srdreg.scid;
	s1 =	rddreg [dreg:$0x3]  }
0x5: {  	s3 =	simm.s32 $0x0;
	s14 =	simm.s32 $0xF600;
	s5 =	smul.u32 $0x280, s0  }
0x6: {  	s6 =	sand.u32 $0x1, s6;
	[smem:$0x7FF] =	sst s3;
	s12 =	smul.u32 $0x2710, s0  }
0x7: {  	s13 =	sshll.u32 s0, $0x6;
	s8 =	ssub.s32 $0x2, s6;
	_ =	strace $0x80000047  }
0x8: {  	s30 =	smul.u32 $0x27100, s6;
	p0 =	seq.s32 s6, $0x1;
	s6 =	sor.u32 $0x1C01, s13  }
0x9: {  	s13 =	simm.s32 $0x50;
	s7 =	sshrl.u32 s5, $0x3;
	s29 =	sshrl.u32 s8, $0x1  }
0xa: {  	s11 =	sadd.s32 s5, s2;
	s14 =	simm.s32 @!p0 $0xFC00;
	s10 =	sadd.s32 s7, s4  }
0xb: {  	s4 =	sadd.s32 $0xEE00, s4;
	s7 =	ssub.s32 s8, s29;
	s12 =	sadd.s32 s12, s30  }
0xc: {  	s5 =	sadd.s32 $0xF000, s10;
	s7 =	smax.u32 s7, $0x1;
	s8 =	sadd.s32 s14, s10  }
0xd: {  	s31 =	sshrl.u32 s12, $0x3;
	s10 =	sshrl.u32 s11, $0x3;
	s11 =	simm.s32 $0x1  }
0xe: {  	s12 =	simm.s32 $0x80;
	s14 =	simm.s32 $0x0;
	s9 =	sadd.s32 s31, s9  }
.LBB2_1:
0xf: {  	[spmem:s10], [sflag:s6] =	dma.local [hbm:s5], $0x50  }
0x10: {  	_ =	swait.ge [sflag:s11], $0x50  }
0x11: {  	[sflag:s11] =	ssyncset.done $0x0  }
0x12: {  	[sflag:s11] =	ssyncadd.s32 $0xFFFFFFB0  }
0x13: {  	[tilespmem:s12], [sflag:$0x1] =	stream.linear.gather [hbm4b:s4+s3], $0x80, $0x38;
	[tilespmem:$0x380] =	vst v63  }
0x14: {  	_ =	swait.ge [sflag:s11], $0x80  }
0x15: {  	[sflag:s11] =	ssyncset.done $0x0  }
0x16: {  	[sflag:s11] =	ssyncadd.s32 $0xFFFFFF80  }
0x17: {  	s15 =	sadd.s32 $0x0, s9;
	[bflag:$0x0] =	sbarrier.arrive $0xFFFF  }
0x18: {  	[tilespmem:s3], [sflag:$0x1] =	stream.linear.gather [hbm4b:s15+s3], $0x50, $0x38;
	[tilespmem:$0x380] =	vst v63  }
0x19: {  	_ =	swait.ge [sflag:s11], $0x50  }
0x1a: {  	[sflag:s11] =	ssyncset.done $0x0  }
0x1b: {  	[sflag:s11] =	ssyncadd.s32 $0xFFFFFFB0  }
0x1c: {  	[spmem:s2] =	stream.indirect.scatter.add.f32 [tilespmem:s12], [sflag:$0x1], $0x1, s3, s13, $0xb8;
	[tilespmem:$0x380] =	vst v63  }
0x1d: {  	_ =	swait.ge [sflag:s11], $0x50  }
0x1e: {  	s16 =	simm.s32 $0x14;
	s15 =	simm.s32 $0xA;
	[sflag:s11] =	ssyncset.done $0x0  }
.LBB2_2:
0x1f: {  	s17 =	sadd.s32 s15, s9  }
0x20: {  	[sflag:s11] =	ssyncadd.s32 $0xFFFFFFB0;
	s15 =	smov.u32 s16;
	s18 =	sadd.s32 $0xA, s16  }
0x21: {  	[tilespmem:s3], [sflag:$0x1] =	stream.linear.gather [hbm4b:s17+s3], $0x50, $0x38;
	[tilespmem:$0x380] =	vst v63  }
0x22: {  	p0 =	sne.s32 s16, $0x4D8;
	_ =	swait.ge [sflag:s11], $0x50  }
.Ltmp0:
0x23: {  	[sflag:s11] =	ssyncset.done $0x0;
	(pc) =	sbr.rel @p0 .LBB2_2-.Ltmp0, $4  }
0x24: {  	[sflag:s11] =	ssyncadd.s32 $0xFFFFFFB0  }
0x25: {  	[spmem:s2] =	stream.indirect.scatter.add.f32 [tilespmem:s12], [sflag:$0x1], $0x1, s3, s13, $0xb8;
	[tilespmem:$0x380] =	vst v63  }
0x26: {  	_ =	swait.ge [sflag:s11], $0x50  }
0x27: {  	s16 =	smov.u32 s18;
	[sflag:s11] =	ssyncset.done $0x0  }
0x28: {  	s15 =	sadd.s32 s15, s9;
	[sflag:s11] =	ssyncadd.s32 $0xFFFFFFB0  }
0x29: {  	[tilespmem:s3], [sflag:$0x1] =	stream.linear.gather [hbm4b:s15+s3], $0x50, $0x38;
	[tilespmem:$0x380] =	vst v63  }
0x2a: {  	_ =	swait.ge [sflag:s11], $0x50  }
0x2b: {  	[sflag:s11] =	ssyncset.done $0x0  }
0x2c: {  	[sflag:s11] =	ssyncadd.s32 $0xFFFFFFB0  }
0x2d: {  	[spmem:s2] =	stream.indirect.scatter.add.f32 [tilespmem:s12], [sflag:$0x1], $0x1, s3, s13, $0xb8;
	[tilespmem:$0x380] =	vst v63  }
0x2e: {  	_ =	swait.ge [sflag:s11], $0x50  }
0x2f: {  	s14 =	sadd.s32 $0x1, s14;
	[sflag:s11] =	ssyncset.done $0x0  }
0x30: {  	p0 =	sne.s32 s14, s7;
	[sflag:s11] =	ssyncadd.s32 $0xFFFFFFB0  }
.Ltmp1:
0x31: {  	[bflag:$0x0] =	sbarrier.arrive $0xFFFF;
	(pc) =	sbr.rel @p0 .LBB2_1-.Ltmp1, $4  }
0x32: {  	[hbm:s8], [sflag:s6] =	dma.local [spmem:s10], $0x50  }
0x33: {  	_ =	swait.ge [sflag:s11], $0x50  }
0x34: {  	[sflag:s11] =	ssyncset.done $0x0  }
0x35: {  	[sflag:s11] =	ssyncadd.s32 $0xFFFFFFB0  }
0x36: {  	_ =	sfence.sel $0x180000  }
0x37: {  	[bflag:$0x0] =	sbarrier.arrive $0xFFFF  }
0x38: {  	p0 =	sne.s32 s0, $0x0;
	_ =	strace $0x90000047  }
0x39: {  	s0 =	sadd.s32 @!p0 $0x100000, s1;
	[bflag:$0x2] =	sbarrier.arrive $0xFFFF  }
0x3a: {  	[sflag:s0] =	ssyncadd.tile.s32 @!p0 $0x1;
	_ =	shalt  }
.Lfunc_end2:
_tile_overlayer_lowered:
.L_overlay_start_2:
0x3b: {  	(tag) =	ssettag $0x2  }
0x3c: {  	s0 =	rddreg [dreg:$0x0];
	s2 =	stileid.u32  }
0x3d: {  	s1 =	rddreg [dreg:$0x1];
	p0 =	sne.s32 s2, $0x0  }
0x3e: {  	s3 =	rddreg [dreg:$0x2];
	[bflag:$0x3] =	sbarrier.arrive $0xFFFF;
	s2 =	simm.s32 @!p0 $0x1C01  }
0x3f: {  	[timem:s3], [sflag:s2] =	dma.local @!p0 [hbm:s0], s1  }
0x40: {  	s0 =	simm.s32 @!p0 $0x1  }
0x41: {  	_ =	swait.ge @!p0 [sflag:s0], s1  }
0x42: {  	s1 =	ssub.s32 @!p0 $0x0, s1;
	[sflag:s0] =	ssyncset.done @!p0 $0x0  }
0x43: {  	[sflag:s0] =	ssyncadd.s32 @!p0 s1  }
0x44: {  	[bflag:$0x3] =	sbarrier.arrive $0xFFFF  }
0x45: {  	_ =	shalt  }

// kernel: kernel.13.cloned.1.call-start
scs
__scs_entry_jumppad:
0x0: {  	(pc) =	sbr.rel $0x88, $3  }
0x1: {  	(tag) =	ssettag $0x0;
	lr =	simm.s32 $0x1  }
0x2: {  	[smem:$0x3F95] =	sst lr;
	_ =	strace $0xD0000000  }
0x3: {  	_ = 	snop  }
0x4: {  	_ = 	snop  }
0x5: {  	_ = 	snop  }
0x6: {  	_ = 	snop  }
0x7: {  	_ = 	snop  }
__scs_overlays_trampoline_lowered:
0x8: {  	[smem:$0x3FA4] =	sst s0  }
0x9: {  	[smem:$0x3FA5] =	sst s1  }
0xa: {  	[smem:$0x3FA6] =	sst s2  }
0xb: {  	[smem:$0x3FA7] =	sst s3  }
0xc: {  	[smem:$0x3FA8] =	sst s4  }
0xd: {  	[smem:$0x3FA9] =	sst s5  }
0xe: {  	[smem:$0x3FAA] =	sst s6  }
0xf: {  	[smem:$0x3FAB] =	sst s7  }
0x10: {  	[smem:$0x3FAC] =	sst s8  }
0x11: {  	[smem:$0x3FAD] =	sst s9;
	s0 =	simm.s32 @!p0 $0x0  }
0x12: {  	s1 =	sld [smem:$0x3F93];
	s0 =	simm.s32 @p0 $0x1  }
0x13: {  	[smem:$0x3FAE] =	sst s0;
	s0 =	simm.s32 @!p1 $0x0  }
0x14: {  	s2 =	sld [smem:$0x3F92];
	s0 =	simm.s32 @p1 $0x1  }
0x15: {  	[smem:$0x3FAF] =	sst s0;
	s0 =	simm.s32 @!p2 $0x0  }
0x16: {  	s3 =	sld [smem:$0x3FDB];
	s0 =	simm.s32 @p2 $0x1  }
0x17: {  	s4 =	simm.s32 $0x1BF5;
	[smem:$0x3FB1] =	sst s0  }
0x18: {  	s0 =	sld [smem:$0x3F94];
	_ =	swait.ge [sflag:s4], $0x0  }
0x19: {  	s7 =	sld [smem:$0x3F95]  }
0x1a: {  	s8 =	sadd.s32 $0xFFFFE003, lr  }
0x1b: {  	s9 =	sadd.s32 $0xFFFFFEF7, lr;
	s5 =	simm.s32 $0xFFFFFFFF;
	p2 =	slt.u32 s8, $0xFFFFF086  }
0x1c: {  	p1 =	slt.u32 s9, $0xF7A;
	s5 =	simm.s32 @!p2 $0x0  }
0x1d: {  	s5 =	simm.s32 @p1 $0x1;
	p0 =	seq.s32 s7, s2  }
0x1e: {  	s7 =	smul.u32 @!p0 $0xF7A, s2;
	p2 =	seq.s32 @!p0 s5, $0x0  }
0x1f: {  	s9 =	smul.u32 $0xF7A, s1;
	s8 =	simm.s32 @!p0 $0x1BF5;
	p2 =	por !p2, p0  }
0x20: {  	[sflag:s8] =	ssyncset.s32 @!p0 $0xFFFFF086;
	s6 =	sadd.s32 @!p0 s3, s7;
	s7 =	simm.s32 @!p0 $0x108  }
0x21: {  	s3 =	sadd.s32 s3, s9;
	s6 =	sadd.s32 @!p0 $0x88, s6;
	s7 =	simm.s32 @p2 $0x1082  }
0x22: {  	[simem:s7], [sflag:s8] =	dma.local @!p0 [hbm:s6], $0xF7A  }
0x23: {  	s9 =	sor.u32 $0xD0000000, s2;
	s6 =	simm.s32 $0x108;
	_ =	swait.ge @!p0 [sflag:s8], $0x0  }
0x24: {  	s3 =	sadd.s32 $0x88, s3;
	s6 =	simm.s32 @!p1 $0x1082;
	[sflag:s4] =	ssyncset.s32 $0xFFFFF086  }
0x25: {  	[simem:s6], [sflag:s4] =	dma.local [hbm:s3], $0xF7A  }
0x26: {  	[smem:$0x3F95] =	sst s1;
	(tag) =	ssettag s2;
	_ =	strace s9  }
0x27: {  	s1 =	sld [smem:$0x3FA5]  }
0x28: {  	s2 =	sld [smem:$0x3FA6]  }
0x29: {  	s4 =	sld [smem:$0x3FA8]  }
0x2a: {  	p0 =	seq.s32 s5, $0x0;
	s5 =	sld [smem:$0x3FA9]  }
0x2b: {  	s6 =	sld [smem:$0x3FAA]  }
0x2c: {  	s7 =	sld [smem:$0x3FAB]  }
0x2d: {  	s3 =	simm.s32 $0x108;
	s8 =	sld [smem:$0x3FAC]  }
0x2e: {  	s3 =	simm.s32 @!p0 $0x1082;
	s9 =	sld [smem:$0x3FAD]  }
0x2f: {  	lr =	sadd.s32 s0, s3;
	s0 =	sld [smem:$0x3FA4]  }
0x30: {  	s3 =	sld [smem:$0x3FA7]  }
0x31: {  	[smem:$0x3FB0] =	sst s10  }
0x32: {  	s10 =	sld [smem:$0x3FAE];
	_ =	sdelay $0x3  }
0x33: {  	p0 =	seq.s32 s10, $0x1;
	s10 =	sld [smem:$0x3FB0];
	_ =	sdelay $0x3  }
0x34: {  	[smem:$0x3FB0] =	sst s10  }
0x35: {  	s10 =	sld [smem:$0x3FAF];
	_ =	sdelay $0x3  }
0x36: {  	p1 =	seq.s32 s10, $0x1;
	s10 =	sld [smem:$0x3FB0];
	_ =	sdelay $0x3  }
0x37: {  	[smem:$0x3FB0] =	sst s10  }
0x38: {  	s10 =	sld [smem:$0x3FB1]  }
0x39: {  	_ = 	snop;
	(pc) =	sbr.ind lr, $3  }
0x3a: {  	_ = 	snop  }
0x3b: {  	_ = 	snop  }
0x3c: {  	p2 =	seq.s32 s10, $0x1;
	s10 =	sld [smem:$0x3FB0]  }
0x3d: {  	_ =	shalt  }
0x3e: {  	_ =	shalt  }
0x3f: {  	_ =	shalt  }
0x40: {  	_ =	shalt  }
0x41: {  	_ =	shalt  }
0x42: {  	_ =	shalt  }
0x43: {  	_ =	shalt  }
0x44: {  	_ =	shalt  }
0x45: {  	_ =	shalt  }
0x46: {  	_ =	shalt  }
0x47: {  	_ =	shalt  }
0x48: {  	_ =	shalt  }
0x49: {  	_ =	shalt  }
0x4a: {  	_ =	shalt  }
0x4b: {  	_ =	shalt  }
0x4c: {  	_ =	shalt  }
0x4d: {  	_ =	shalt  }
0x4e: {  	_ =	shalt  }
0x4f: {  	_ =	shalt  }
0x50: {  	_ =	shalt  }
0x51: {  	_ =	shalt  }
0x52: {  	_ =	shalt  }
0x53: {  	_ =	shalt  }
0x54: {  	_ =	shalt  }
0x55: {  	_ =	shalt  }
0x56: {  	_ =	shalt  }
0x57: {  	_ =	shalt  }
0x58: {  	_ =	shalt  }
0x59: {  	_ =	shalt  }
0x5a: {  	_ =	shalt  }
0x5b: {  	_ =	shalt  }
0x5c: {  	_ =	shalt  }
0x5d: {  	_ =	shalt  }
0x5e: {  	_ =	shalt  }
0x5f: {  	_ =	shalt  }
0x60: {  	_ =	shalt  }
0x61: {  	_ =	shalt  }
0x62: {  	_ =	shalt  }
0x63: {  	_ =	shalt  }
0x64: {  	_ =	shalt  }
0x65: {  	_ =	shalt  }
0x66: {  	_ =	shalt  }
0x67: {  	_ =	shalt  }
0x68: {  	_ =	shalt  }
0x69: {  	_ =	shalt  }
0x6a: {  	_ =	shalt  }
0x6b: {  	_ =	shalt  }
0x6c: {  	_ =	shalt  }
0x6d: {  	_ =	shalt  }
0x6e: {  	_ =	shalt  }
0x6f: {  	_ =	shalt  }
0x70: {  	_ =	shalt  }
0x71: {  	_ =	shalt  }
0x72: {  	_ =	shalt  }
0x73: {  	_ =	shalt  }
0x74: {  	_ =	shalt  }
0x75: {  	_ =	shalt  }
0x76: {  	_ =	shalt  }
0x77: {  	_ =	shalt  }
0x78: {  	_ =	shalt  }
0x79: {  	_ =	shalt  }
0x7a: {  	_ =	shalt  }
0x7b: {  	_ =	shalt  }
0x7c: {  	_ =	shalt  }
0x7d: {  	_ =	shalt  }
0x7e: {  	_ =	shalt  }
0x7f: {  	_ =	shalt  }
0x80: {  	_ =	shalt  }
0x81: {  	_ =	shalt  }
0x82: {  	_ =	shalt  }
0x83: {  	_ =	shalt  }
0x84: {  	_ =	shalt  }
0x85: {  	_ =	shalt  }
0x86: {  	_ =	shalt  }
0x87: {  	_ =	shalt  }
.Lfunc_end0:
.L_simem_size_0:
called_computation.1_lowered:
.L_overlay_start_0:
0x88: {  	s2 =	sld [smem:$0x3FD9]  }
0x89: {  	s3 =	sld [smem:$0x3FFE];
	_ =	sdelay $0x1  }
0x8a: {  	s1 =	srdreg.scid  }
0x8b: {  	s0 =	sand.u32 $0x1, s1  }
0x8c: {  	s17 =	sshll.u32 s0, $0xA;
	s2 =	sadd.s32 s3, s2  }
0x8d: {  	s2 =	sadd.s32 s2, s17  }
0x8e: {  	[smem:$0x3FBC] =	sst s2  }
0x8f: {  	_ = 	snop  }
0x90: {  	s2 =	sld [smem:$0x3FD0];
	(tm) =	ssettm $0x1  }
0x91: {  	s18 =	sld [smem:$0x3FFB];
	_ =	sdelay $0x3  }
0x92: {  	_ =	strace s18  }
0x93: {  	s3 =	sld [smem:$0x3FFC];
	_ =	sdelay $0x3  }
0x94: {  	_ =	strace s3  }
0x95: {  	s3 =	sld [smem:$0x3FFD];
	_ =	sdelay $0x3  }
0x96: {  	_ =	strace s3  }
0x97: {  	_ =	strace $0x8FFFFFFF  }
0x98: {  	s19 =	sld [smem:$0x3FDB];
	_ =	sdelay $0x1  }
0x99: {  	s4 =	simm.s32 $_scs_section_size  }
0x9a: {  	s5 =	simm.s32 $_size__tile_overlayer_lowered;
	s6 =	simm.s32 $_tile_overlayer_lowered  }
0x9b: {  	s22 =	simm.s32 $0x1BFF;
	s21 =	sshll.u32 s6, $0x1;
	s3 =	sadd.s32 s4, s19  }
0x9c: {  	s7 =	simm.s32 $0x0;
	s20 =	sshll.u32 s5, $0x1;
	s5 =	sadd.s32 s21, s3  }
0x9d: {  	[timem:s7], [sflag:s22] =	dma.local [hbm:s5], s20  }
0x9e: {  	_ =	swait.ge [sflag:s22], s20  }
0x9f: {  	s4 =	ssub.s32 $0x0, s20;
	[sflag:s22] =	ssyncset.done $0x0  }
0xa0: {  	[sflag:s22] =	ssyncadd.s32 s4;
	_ =	sdelay $0x1  }
0xa1: {  	s23 =	simm.s32 $0x1B8B  }
0xa2: {  	_ =	swait.ge [sflag:s23], $0x1  }
0xa3: {  	[sflag:s23] =	ssyncset.done $0x0  }
0xa4: {  	s25 =	simm.s32 $0x1B8E;
	s24 =	sld [smem:$0x3FFE];
	[sflag:s23] =	ssyncadd.s32 $0xFFFFFFFF  }
0xa5: {  	s26 =	simm.s32 $execute0_lowered;
	[smem:$0x3FD2] =	sst s25  }
0xa6: {  	s5 =	sshll.u32 s26, $0x1;
	_ =	strace $0x80000049;
	[dreg:$0x1] =	wrdreg $0xFFFFFFFF  }
0xa7: {  	s28 =	simm.s32 $_size_execute0_lowered;
	s3 =	sadd.s32 s3, s5;
	[dreg:$0x0] =	wrdreg $0x0  }
0xa8: {  	s5 =	sshll.u32 s28, $0x1;
	[dreg:$0x2] =	wrdreg s3  }
0xa9: {  	[dreg:$0x3] =	wrdreg s5  }
0xaa: {  	[dreg:$0x4] =	wrdreg $0xC0  }
0xab: {  	_ =	task [dreg:s7], $0x5FFFF  }
0xac: {  	[dreg:$0x1] =	wrdreg $0xFFFFFFFF  }
0xad: {  	[dreg:$0x0] =	wrdreg $0x60  }
0xae: {  	[dreg:$0x2] =	wrdreg s24  }
0xaf: {  	[dreg:$0x3] =	wrdreg s2  }
0xb0: {  	[dreg:$0x4] =	wrdreg $0x52000  }
0xb1: {  	[dreg:$0x5] =	wrdreg $0x9  }
0xb2: {  	_ =	task.clear_ibuf [dreg:s7], $0x6FFFF;
	_ =	strace $0x90000049  }
0xb3: {  	s29 =	simm.s32 $0x9;
	_ =	strace $0x8000004B  }
0xb4: {  	_ =	swait.ge [sflag:s29], $0x1  }
0xb5: {  	[sflag:s29] =	ssyncadd.s32 $0xFFFFFFFF  }
0xb6: {  	_ =	strace $0x9000004B  }
0xb7: {  	_ =	sfence  }
0xb8: {  	s30 =	sld [smem:$0x0];
	_ =	sdelay $0x2  }
0xb9: {  	s31 =	sshll.u32 s1, $0xD;
	s1 =	sshrl.u32 s1, $0x2  }
0xba: {  	s3 =	sand.u32 $0x4000, s31;
	s1 =	sadd.s32 s1, s30  }
0xbb: {  	s0 =	sor.u32 s3, s0;
	s1 =	sshll.u32 s1, $0x11  }
0xbc: {  	s0 =	sor.u32 s1, s0  }
0xbd: {  	s0 =	sadd.s32 $0x8F2B, s0  }
0xbe: {  	[sflag:s0] =	ssyncadd.remote.s32 $0x1  }
0xbf: {  	_ =	sfence.sel $0xFFFF  }
0xc0: {  	[dreg:$0x0] =	wrdreg $0xFFFFFFFF;
	(pc) =	sbr.abs _section_cstart, $3  }
0xc1: {  	[dreg:$0x1] =	wrdreg $0xFFFFFFFF  }
0xc2: {  	_ =	task.clear_ibuf [dreg:s7], $0x2FFFF;
	_ =	strace $0x9FFFFFFF  }
0xc3: {  	(tm) =	ssettm $0x7FFFFFFF  }
tec
execute0_lowered:
.L_overlay_start_1:
0x0: {  	(tag) =	ssettag $0x1  }
0x1: {  	s8 =	rddreg [dreg:$0x0]  }
0x2: {  	s16 =	rddreg [dreg:$0x1]  }
0x3: {  	s1 =	rddreg [dreg:$0x2]  }
0x4: {  	s2 =	simm.s32 $0x0;
	s5 =	srdreg.scid;
	s0 =	stileid.u32  }
0x5: {  	s20 =	simm.s32 $0x100;
	s21 =	simm.s32 $0x50;
	s22 =	simm.s32 $0x200  }
0x6: {  	s23 =	simm.s32 $0x80;
	s24 =	simm.s32 $0x180;
	s25 =	simm.s32 $0x1  }
0x7: {  	s28 =	simm.s32 $0x2;
	s29 =	simm.s32 $0x0;
	[smem:$0x7FF] =	sst s2  }
0x8: {  	s17 =	sadd.s32 $0x5000, s8;
	s4 =	sadd.s32 $0x60200, s8;
	s9 =	sand.u32 $0x1, s5  }
0x9: {  	s5 =	sadd.s32 $0x88200, s8;
	s11 =	smul.u32 $0x4E20, s0;
	s6 =	sadd.s32 $0xB0200, s8  }
0xa: {  	s13 =	smul.u32 $0x50000, s0;
	s7 =	sadd.s32 $0xB2A00, s8;
	s8 =	sadd.s32 $0xDAA00, s8  }
0xb: {  	s19 =	smul.u32 $0x9C4, s0;
	s15 =	sshll.u32 s0, $0x6;
	_ =	strace $0x8000004A  }
0xc: {  	s10 =	ssub.s32 $0x2, s9;
	p0 =	seq.s32 s9, $0x1;
	s15 =	sor.u32 $0x1C03, s15  }
0xd: {  	s12 =	sshrl.u32 s10, $0x1;
	s26 =	sshrl.u32 s13, $0x2;
	s13 =	smul.u32 $0x2800, s0  }
.Ltmp0:
0xe: {  	s30 =	sshrl.u32 s11, $0x3;
	s14 =	ssub.s32 s10, s12;
	(pc) =	sbr.rel .LBB2_1-.Ltmp0, $4  }
0xf: {  	s18 =	sadd.s32 s26, s1;
	s9 =	sadd.s32 s17, s30;
	s31 =	sadd.s32 $0xA, s30  }
0x10: {  	s10 =	sadd.s32 s16, s30;
	s26 =	simm.s32 $0x2A00;
	s11 =	sadd.s32 s17, s31  }
0x11: {  	s12 =	sadd.s32 s16, s31;
	s14 =	smax.u32 s14, $0x1;
	s16 =	sadd.s32 s19, s16  }
0x12: {  	s17 =	sadd.s32 s19, s17;
	s18 =	sshrl.u32 s18, $0x3;
	s19 =	simm.s32 $0x3  }
.LBB2_7:
0x13: {  	[sflag:s28] =	ssyncadd.s32 $0xFFFFFFB0;
	s31 =	smov.u32 s5;
	s30 =	smov.u32 s8  }
.LBB2_8:
0x14: {  	_ =	swait.ge [sflag:s25], $0x2800  }
0x15: {  	[sflag:s25] =	ssyncset.done $0x0  }
0x16: {  	[sflag:s25] =	ssyncadd.s32 $0xFFFFD800  }
0x17: {  	[tilespmem:s26], [sflag:$0x1] =	stream.indirect.gather [hbm4b:s31+s21], $0x80, s23, s21, $0xb8;
	[tilespmem:$0x19200] =	vst v63  }
0x18: {  	_ = 	snop  }
0x19: {  	[spmem:s1] =	stream.indirect.scatter.add.f32 [tilespmem:s22], [sflag:$0x3], $0x80, s20, s21, $0xb8;
	[tilespmem:$0x19200] =	vst v63  }
0x1a: {  	_ =	swait.ge [sflag:s19], $0x2800  }
0x1b: {  	[sflag:s19] =	ssyncset.done $0x0  }
0x1c: {  	[sflag:s19] =	ssyncadd.s32 $0xFFFFD800  }
0x1d: {  	_ =	swait.ge [sflag:s25], $0x2800  }
0x1e: {  	[sflag:s25] =	ssyncset.done $0x0  }
0x1f: {  	[sflag:s25] =	ssyncadd.s32 $0xFFFFD800  }
0x20: {  	[spmem:s1] =	stream.indirect.scatter.add.f32 [tilespmem:s26], [sflag:$0x3], $0x80, s24, s21, $0xb8;
	[tilespmem:$0x19200] =	vst v63  }
0x21: {  	_ =	swait.ge [sflag:s19], $0x2800  }
0x22: {  	s29 =	sadd.s32 $0x1, s29;
	[sflag:s19] =	ssyncset.done $0x0  }
0x23: {  	p1 =	sne.s32 s29, s14;
	[sflag:s19] =	ssyncadd.s32 $0xFFFFD800  }
.Ltmp1:
0x24: {  	s0 =	sadd.s32 s30, s13;
	[bflag:$0x0] =	sbarrier.arrive $0xFFFF;
	(pc) =	sbr.rel @!p1 .LBB2_9-.Ltmp1, $4  }
0x25: {  	[hbm:s0], [sflag:s15] =	dma.local [spmem:s18], $0x2800  }
0x26: {  	_ =	swait.ge [sflag:s19], $0x2800  }
0x27: {  	[sflag:s19] =	ssyncset.done $0x0  }
0x28: {  	[sflag:s19] =	ssyncadd.s32 $0xFFFFD800  }
.LBB2_1:
0x29: {  	[spmem:s18], [sflag:s15] =	dma.local [hbm:s6], $0x2800  }
0x2a: {  	_ =	swait.ge [sflag:s19], $0x2800  }
0x2b: {  	[sflag:s19] =	ssyncset.done $0x0  }
0x2c: {  	[sflag:s19] =	ssyncadd.s32 $0xFFFFD800  }
0x2d: {  	[tilespmem:s2], [sflag:$0x3] =	stream.linear.gather [hbm4b:s9+s2], $0x50, $0x38;
	[tilespmem:$0x19200] =	vst v63  }
0x2e: {  	_ =	swait.ge [sflag:s19], $0x50  }
0x2f: {  	[sflag:s19] =	ssyncset.done $0x0  }
0x30: {  	[sflag:s19] =	ssyncadd.s32 $0xFFFFFFB0  }
0x31: {  	[tilespmem:s20], [sflag:$0x3] =	stream.linear.gather [hbm4b:s10+s2], $0x50, $0x38;
	[tilespmem:$0x19200] =	vst v63  }
.Ltmp2:
0x32: {  	_ =	swait.ge [sflag:s19], $0x50;
	(pc) =	sbr.rel @!p0 .LBB2_2-.Ltmp2, $3  }
0x33: {  	[sflag:s19] =	ssyncset.done $0x0  }
0x34: {  	[sflag:s19] =	ssyncadd.s32 $0xFFFFFFB0  }
0x35: {  	[bflag:$0x0] =	sbarrier.arrive $0xFFFF;
	_ =	sdelay $0x1  }
0x36: {  	[tilespmem:s22], [sflag:$0x1] =	stream.indirect.gather [hbm4b:s5+s21], $0x80, s2, s21, $0xb8;
	[tilespmem:$0x19200] =	vst v63  }
0x37: {  	_ = 	snop  }
0x38: {  	[tilespmem:s23], [sflag:$0x3] =	stream.linear.gather [hbm4b:s11+s2], $0x50, $0x38;
	[tilespmem:$0x19200] =	vst v63  }
0x39: {  	_ =	swait.ge [sflag:s19], $0x50  }
0x3a: {  	[sflag:s19] =	ssyncset.done $0x0  }
0x3b: {  	[sflag:s19] =	ssyncadd.s32 $0xFFFFFFB0  }
0x3c: {  	[tilespmem:s24], [sflag:$0x3] =	stream.linear.gather [hbm4b:s12+s2], $0x50, $0x38;
	[tilespmem:$0x19200] =	vst v63  }
0x3d: {  	_ =	swait.ge [sflag:s19], $0x50  }
0x3e: {  	[sflag:s19] =	ssyncset.done $0x0  }
0x3f: {  	[sflag:s19] =	ssyncadd.s32 $0xFFFFFFB0  }
0x40: {  	_ =	swait.ge [sflag:s25], $0x2800  }
0x41: {  	[sflag:s25] =	ssyncset.done $0x0  }
0x42: {  	[sflag:s25] =	ssyncadd.s32 $0xFFFFD800  }
0x43: {  	[tilespmem:s26], [sflag:$0x1] =	stream.indirect.gather [hbm4b:s5+s21], $0x80, s23, s21, $0xb8;
	[tilespmem:$0x19200] =	vst v63  }
0x44: {  	_ = 	snop  }
0x45: {  	[spmem:s1] =	stream.indirect.scatter.add.f32 [tilespmem:s22], [sflag:$0x3], $0x80, s20, s21, $0xb8;
	[tilespmem:$0x19200] =	vst v63  }
0x46: {  	_ =	swait.ge [sflag:s19], $0x2800  }
0x47: {  	s0 =	sadd.s32 $0xFFFFF650, s17;
	[sflag:s19] =	ssyncset.done $0x0  }
0x48: {  	s30 =	sadd.s32 $0xFFFFF650, s16;
	s3 =	sadd.s32 $0x9C4, s0;
	[sflag:s19] =	ssyncadd.s32 $0xFFFFD800  }
0x49: {  	[tilespmem:s2], [sflag:$0x2] =	stream.linear.gather [hbm4b:s3+s2], $0x50, $0x38;
	[tilespmem:$0x19200] =	vst v63  }
0x4a: {  	s31 =	sadd.s32 $0x9C4, s30  }
0x4b: {  	[tilespmem:s20], [sflag:$0x2] =	stream.linear.gather [hbm4b:s31+s2], $0x50, $0x38;
	[tilespmem:$0x19200] =	vst v63  }
0x4c: {  	_ =	swait.ge [sflag:s28], $0x50  }
0x4d: {  	[sflag:s28] =	ssyncset.done $0x0  }
0x4e: {  	[sflag:s28] =	ssyncadd.s32 $0xFFFFFFB0  }
0x4f: {  	_ =	swait.ge [sflag:s28], $0x50  }
0x50: {  	[sflag:s28] =	ssyncset.done $0x0  }
0x51: {  	[sflag:s28] =	ssyncadd.s32 $0xFFFFFFB0  }
0x52: {  	_ =	swait.ge [sflag:s25], $0x2800  }
0x53: {  	[sflag:s25] =	ssyncset.done $0x0  }
0x54: {  	[sflag:s25] =	ssyncadd.s32 $0xFFFFD800  }
0x55: {  	[tilespmem:s22], [sflag:$0x1] =	stream.indirect.gather [hbm4b:s5+s21], $0x80, s2, s21, $0xb8;
	[tilespmem:$0x19200] =	vst v63  }
0x56: {  	_ = 	snop  }
0x57: {  	[spmem:s1] =	stream.indirect.scatter.add.f32 [tilespmem:s26], [sflag:$0x3], $0x80, s24, s21, $0xb8;
	[tilespmem:$0x19200] =	vst v63  }
0x58: {  	_ =	swait.ge [sflag:s19], $0x2800  }
0x59: {  	[sflag:s19] =	ssyncset.done $0x0  }
0x5a: {  	s0 =	sadd.s32 $0x9CE, s0;
	[sflag:s19] =	ssyncadd.s32 $0xFFFFD800  }
0x5b: {  	[tilespmem:s23], [sflag:$0x2] =	stream.linear.gather [hbm4b:s0+s2], $0x50, $0x38;
	[tilespmem:$0x19200] =	vst v63  }
0x5c: {  	s31 =	sadd.s32 $0x9CE, s30  }
0x5d: {  	[tilespmem:s24], [sflag:$0x2] =	stream.linear.gather [hbm4b:s31+s2], $0x50, $0x38;
	[tilespmem:$0x19200] =	vst v63  }
0x5e: {  	_ =	swait.ge [sflag:s28], $0x50  }
0x5f: {  	[sflag:s28] =	ssyncset.done $0x0  }
0x60: {  	[sflag:s28] =	ssyncadd.s32 $0xFFFFFFB0  }
0x61: {  	_ =	swait.ge [sflag:s28], $0x50  }
0x62: {  	s30 =	simm.s32 $0xFFFFF664;
	[sflag:s28] =	ssyncset.done $0x0  }
.LBB2_6:
0x63: {  	p1 =	sne.s32 s30, $0xFFFFFFEC  }
0x64: {  	[sflag:s28] =	ssyncadd.s32 $0xFFFFFFB0;
	s0 =	smov.u32 s30;
	s30 =	sadd.s32 $0x14, s30  }
0x65: {  	_ =	swait.ge [sflag:s25], $0x2800  }
0x66: {  	[sflag:s25] =	ssyncset.done $0x0  }
0x67: {  	[sflag:s25] =	ssyncadd.s32 $0xFFFFD800  }
0x68: {  	[tilespmem:s26], [sflag:$0x1] =	stream.indirect.gather [hbm4b:s5+s21], $0x80, s23, s21, $0xb8;
	[tilespmem:$0x19200] =	vst v63  }
0x69: {  	_ = 	snop  }
0x6a: {  	[spmem:s1] =	stream.indirect.scatter.add.f32 [tilespmem:s22], [sflag:$0x3], $0x80, s20, s21, $0xb8;
	[tilespmem:$0x19200] =	vst v63  }
0x6b: {  	_ =	swait.ge [sflag:s19], $0x2800  }
0x6c: {  	s3 =	sadd.s32 s0, s17;
	[sflag:s19] =	ssyncset.done $0x0  }
0x6d: {  	s0 =	sadd.s32 s0, s16;
	s31 =	sadd.s32 $0x9C4, s3;
	[sflag:s19] =	ssyncadd.s32 $0xFFFFD800  }
0x6e: {  	[tilespmem:s2], [sflag:$0x2] =	stream.linear.gather [hbm4b:s31+s2], $0x50, $0x38;
	[tilespmem:$0x19200] =	vst v63  }
0x6f: {  	s31 =	sadd.s32 $0x9C4, s0  }
0x70: {  	[tilespmem:s20], [sflag:$0x2] =	stream.linear.gather [hbm4b:s31+s2], $0x50, $0x38;
	[tilespmem:$0x19200] =	vst v63  }
0x71: {  	_ =	swait.ge [sflag:s28], $0x50  }
0x72: {  	[sflag:s28] =	ssyncset.done $0x0  }
0x73: {  	[sflag:s28] =	ssyncadd.s32 $0xFFFFFFB0  }
0x74: {  	_ =	swait.ge [sflag:s28], $0x50  }
0x75: {  	[sflag:s28] =	ssyncset.done $0x0  }
0x76: {  	[sflag:s28] =	ssyncadd.s32 $0xFFFFFFB0  }
0x77: {  	_ =	swait.ge [sflag:s25], $0x2800  }
0x78: {  	[sflag:s25] =	ssyncset.done $0x0  }
0x79: {  	[sflag:s25] =	ssyncadd.s32 $0xFFFFD800  }
0x7a: {  	[tilespmem:s22], [sflag:$0x1] =	stream.indirect.gather [hbm4b:s5+s21], $0x80, s2, s21, $0xb8;
	[tilespmem:$0x19200] =	vst v63  }
0x7b: {  	_ = 	snop  }
0x7c: {  	[spmem:s1] =	stream.indirect.scatter.add.f32 [tilespmem:s26], [sflag:$0x3], $0x80, s24, s21, $0xb8;
	[tilespmem:$0x19200] =	vst v63  }
0x7d: {  	_ =	swait.ge [sflag:s19], $0x2800  }
0x7e: {  	[sflag:s19] =	ssyncset.done $0x0  }
0x7f: {  	s3 =	sadd.s32 $0x9CE, s3;
	[sflag:s19] =	ssyncadd.s32 $0xFFFFD800  }
0x80: {  	[tilespmem:s23], [sflag:$0x2] =	stream.linear.gather [hbm4b:s3+s2], $0x50, $0x38;
	[tilespmem:$0x19200] =	vst v63  }
0x81: {  	s0 =	sadd.s32 $0x9CE, s0  }
0x82: {  	[tilespmem:s24], [sflag:$0x2] =	stream.linear.gather [hbm4b:s0+s2], $0x50, $0x38;
	[tilespmem:$0x19200] =	vst v63  }
.Ltmp3:
0x83: {  	_ =	swait.ge [sflag:s28], $0x50;
	(pc) =	sbr.rel @p1 .LBB2_6-.Ltmp3, $4  }
0x84: {  	[sflag:s28] =	ssyncset.done $0x0  }
0x85: {  	[sflag:s28] =	ssyncadd.s32 $0xFFFFFFB0  }
0x86: {  	_ =	swait.ge [sflag:s28], $0x50  }
0x87: {  	[sflag:s28] =	ssyncset.done $0x0  }
.Ltmp4:
0x88: {  	_ = 	snop;
	(pc) =	sbr.rel .LBB2_7-.Ltmp4, $1  }
0x89: {  	_ =	sdelay $0x3  }
.LBB2_2:
0x8a: {  	[tilespmem:s22], [sflag:$0x1] =	stream.indirect.gather [hbm4b:s4+s21], $0x80, s2, s21, $0xb8;
	[tilespmem:$0x19200] =	vst v63  }
0x8b: {  	_ = 	snop  }
0x8c: {  	[tilespmem:s23], [sflag:$0x3] =	stream.linear.gather [hbm4b:s11+s2], $0x50, $0x38;
	[tilespmem:$0x19200] =	vst v63  }
0x8d: {  	_ =	swait.ge [sflag:s19], $0x50  }
0x8e: {  	[sflag:s19] =	ssyncset.done $0x0  }
0x8f: {  	[sflag:s19] =	ssyncadd.s32 $0xFFFFFFB0  }
0x90: {  	[tilespmem:s24], [sflag:$0x3] =	stream.linear.gather [hbm4b:s12+s2], $0x50, $0x38;
	[tilespmem:$0x19200] =	vst v63  }
0x91: {  	_ =	swait.ge [sflag:s19], $0x50  }
0x92: {  	[sflag:s19] =	ssyncset.done $0x0  }
0x93: {  	[sflag:s19] =	ssyncadd.s32 $0xFFFFFFB0  }
0x94: {  	_ =	swait.ge [sflag:s25], $0x2800  }
0x95: {  	[sflag:s25] =	ssyncset.done $0x0  }
0x96: {  	[sflag:s25] =	ssyncadd.s32 $0xFFFFD800  }
0x97: {  	[tilespmem:s26], [sflag:$0x1] =	stream.indirect.gather [hbm4b:s4+s21], $0x80, s23, s21, $0xb8;
	[tilespmem:$0x19200] =	vst v63  }
0x98: {  	_ = 	snop  }
0x99: {  	[spmem:s1] =	stream.indirect.scatter.add.f32 [tilespmem:s22], [sflag:$0x3], $0x80, s20, s21, $0xb8;
	[tilespmem:$0x19200] =	vst v63  }
0x9a: {  	_ =	swait.ge [sflag:s19], $0x2800  }
0x9b: {  	s30 =	sadd.s32 $0xFFFFF650, s17;
	[sflag:s19] =	ssyncset.done $0x0  }
0x9c: {  	s0 =	sadd.s32 $0xFFFFF650, s16;
	s31 =	sadd.s32 $0x9C4, s30;
	[sflag:s19] =	ssyncadd.s32 $0xFFFFD800  }
0x9d: {  	[tilespmem:s2], [sflag:$0x2] =	stream.linear.gather [hbm4b:s31+s2], $0x50, $0x38;
	[tilespmem:$0x19200] =	vst v63  }
0x9e: {  	s3 =	sadd.s32 $0x9C4, s0  }
0x9f: {  	[tilespmem:s20], [sflag:$0x2] =	stream.linear.gather [hbm4b:s3+s2], $0x50, $0x38;
	[tilespmem:$0x19200] =	vst v63  }
0xa0: {  	_ =	swait.ge [sflag:s28], $0x50  }
0xa1: {  	[sflag:s28] =	ssyncset.done $0x0  }
0xa2: {  	[sflag:s28] =	ssyncadd.s32 $0xFFFFFFB0  }
0xa3: {  	_ =	swait.ge [sflag:s28], $0x50  }
0xa4: {  	[sflag:s28] =	ssyncset.done $0x0  }
0xa5: {  	[sflag:s28] =	ssyncadd.s32 $0xFFFFFFB0  }
0xa6: {  	_ =	swait.ge [sflag:s25], $0x2800  }
0xa7: {  	[sflag:s25] =	ssyncset.done $0x0  }
0xa8: {  	[sflag:s25] =	ssyncadd.s32 $0xFFFFD800  }
0xa9: {  	[tilespmem:s22], [sflag:$0x1] =	stream.indirect.gather [hbm4b:s4+s21], $0x80, s2, s21, $0xb8;
	[tilespmem:$0x19200] =	vst v63  }
0xaa: {  	_ = 	snop  }
0xab: {  	[spmem:s1] =	stream.indirect.scatter.add.f32 [tilespmem:s26], [sflag:$0x3], $0x80, s24, s21, $0xb8;
	[tilespmem:$0x19200] =	vst v63  }
0xac: {  	_ =	swait.ge [sflag:s19], $0x2800  }
0xad: {  	[sflag:s19] =	ssyncset.done $0x0  }
0xae: {  	s30 =	sadd.s32 $0x9CE, s30;
	[sflag:s19] =	ssyncadd.s32 $0xFFFFD800  }
0xaf: {  	[tilespmem:s23], [sflag:$0x2] =	stream.linear.gather [hbm4b:s30+s2], $0x50, $0x38;
	[tilespmem:$0x19200] =	vst v63  }
0xb0: {  	s0 =	sadd.s32 $0x9CE, s0  }
0xb1: {  	[tilespmem:s24], [sflag:$0x2] =	stream.linear.gather [hbm4b:s0+s2], $0x50, $0x38;
	[tilespmem:$0x19200] =	vst v63  }
0xb2: {  	_ =	swait.ge [sflag:s28], $0x50  }
0xb3: {  	[sflag:s28] =	ssyncset.done $0x0  }
0xb4: {  	[sflag:s28] =	ssyncadd.s32 $0xFFFFFFB0  }
0xb5: {  	_ =	swait.ge [sflag:s28], $0x50  }
0xb6: {  	s30 =	simm.s32 $0xFFFFF664;
	[sflag:s28] =	ssyncset.done $0x0  }
.LBB2_3:
0xb7: {  	p1 =	seq.s32 s30, $0xFFFFFFEC  }
0xb8: {  	[sflag:s28] =	ssyncadd.s32 $0xFFFFFFB0;
	s0 =	smov.u32 s30;
	s30 =	sadd.s32 $0x14, s30  }
0xb9: {  	_ =	swait.ge [sflag:s25], $0x2800  }
0xba: {  	[sflag:s25] =	ssyncset.done $0x0  }
0xbb: {  	[sflag:s25] =	ssyncadd.s32 $0xFFFFD800  }
0xbc: {  	[tilespmem:s26], [sflag:$0x1] =	stream.indirect.gather [hbm4b:s4+s21], $0x80, s23, s21, $0xb8;
	[tilespmem:$0x19200] =	vst v63  }
0xbd: {  	_ = 	snop  }
0xbe: {  	[spmem:s1] =	stream.indirect.scatter.add.f32 [tilespmem:s22], [sflag:$0x3], $0x80, s20, s21, $0xb8;
	[tilespmem:$0x19200] =	vst v63  }
0xbf: {  	_ =	swait.ge [sflag:s19], $0x2800  }
0xc0: {  	s31 =	sadd.s32 s0, s17;
	[sflag:s19] =	ssyncset.done $0x0  }
0xc1: {  	s0 =	sadd.s32 s0, s16;
	s3 =	sadd.s32 $0x9C4, s31;
	[sflag:s19] =	ssyncadd.s32 $0xFFFFD800  }
0xc2: {  	[tilespmem:s2], [sflag:$0x2] =	stream.linear.gather [hbm4b:s3+s2], $0x50, $0x38;
	[tilespmem:$0x19200] =	vst v63  }
0xc3: {  	s3 =	sadd.s32 $0x9C4, s0  }
0xc4: {  	[tilespmem:s20], [sflag:$0x2] =	stream.linear.gather [hbm4b:s3+s2], $0x50, $0x38;
	[tilespmem:$0x19200] =	vst v63  }
0xc5: {  	_ =	swait.ge [sflag:s28], $0x50  }
0xc6: {  	[sflag:s28] =	ssyncset.done $0x0  }
0xc7: {  	[sflag:s28] =	ssyncadd.s32 $0xFFFFFFB0  }
0xc8: {  	_ =	swait.ge [sflag:s28], $0x50  }
0xc9: {  	[sflag:s28] =	ssyncset.done $0x0  }
0xca: {  	[sflag:s28] =	ssyncadd.s32 $0xFFFFFFB0  }
0xcb: {  	_ =	swait.ge [sflag:s25], $0x2800  }
0xcc: {  	[sflag:s25] =	ssyncset.done $0x0  }
0xcd: {  	[sflag:s25] =	ssyncadd.s32 $0xFFFFD800  }
0xce: {  	[tilespmem:s22], [sflag:$0x1] =	stream.indirect.gather [hbm4b:s4+s21], $0x80, s2, s21, $0xb8;
	[tilespmem:$0x19200] =	vst v63  }
0xcf: {  	_ = 	snop  }
0xd0: {  	[spmem:s1] =	stream.indirect.scatter.add.f32 [tilespmem:s26], [sflag:$0x3], $0x80, s24, s21, $0xb8;
	[tilespmem:$0x19200] =	vst v63  }
0xd1: {  	_ =	swait.ge [sflag:s19], $0x2800  }
0xd2: {  	[sflag:s19] =	ssyncset.done $0x0  }
0xd3: {  	s3 =	sadd.s32 $0x9CE, s31;
	[sflag:s19] =	ssyncadd.s32 $0xFFFFD800  }
0xd4: {  	[tilespmem:s23], [sflag:$0x2] =	stream.linear.gather [hbm4b:s3+s2], $0x50, $0x38;
	[tilespmem:$0x19200] =	vst v63  }
0xd5: {  	s0 =	sadd.s32 $0x9CE, s0  }
0xd6: {  	[tilespmem:s24], [sflag:$0x2] =	stream.linear.gather [hbm4b:s0+s2], $0x50, $0x38;
	[tilespmem:$0x19200] =	vst v63  }
.Ltmp5:
0xd7: {  	_ =	swait.ge [sflag:s28], $0x50;
	(pc) =	sbr.rel @!p1 .LBB2_3-.Ltmp5, $4  }
0xd8: {  	[sflag:s28] =	ssyncset.done $0x0  }
0xd9: {  	[sflag:s28] =	ssyncadd.s32 $0xFFFFFFB0  }
0xda: {  	_ =	swait.ge [sflag:s28], $0x50  }
0xdb: {  	[sflag:s28] =	ssyncset.done $0x0  }
.Ltmp6:
0xdc: {  	(pc) =	sbr.rel .LBB2_8-.Ltmp6, $2  }
0xdd: {  	_ =	sdelay $0x2  }
0xde: {  	[sflag:s28] =	ssyncadd.s32 $0xFFFFFFB0;
	s31 =	smov.u32 s4;
	s30 =	smov.u32 s7  }
.LBB2_9:
0xdf: {  	_ =	sfence.sel $0x180000  }
0xe0: {  	[bflag:$0x0] =	sbarrier.arrive $0xFFFF  }
0xe1: {  	_ =	strace $0x9000004A  }
0xe2: {  	s0 =	stileid.u32;
	[bflag:$0x2] =	sbarrier.arrive $0xFFFF  }
0xe3: {  	p0 =	sne.s32 s0, $0x0;
	s0 =	rddreg [dreg:$0x3]  }
0xe4: {  	s0 =	sadd.s32 @!p0 $0x100000, s0  }
0xe5: {  	[sflag:s0] =	ssyncadd.tile.s32 @!p0 $0x1;
	_ =	shalt  }
.Lfunc_end2:
_tile_overlayer_lowered:
.L_overlay_start_2:
0xe6: {  	(tag) =	ssettag $0x2  }
0xe7: {  	s0 =	rddreg [dreg:$0x0];
	s2 =	stileid.u32  }
0xe8: {  	s1 =	rddreg [dreg:$0x1];
	p0 =	sne.s32 s2, $0x0  }
0xe9: {  	s3 =	rddreg [dreg:$0x2];
	[bflag:$0x3] =	sbarrier.arrive $0xFFFF;
	s2 =	simm.s32 @!p0 $0x1C03  }
0xea: {  	[timem:s3], [sflag:s2] =	dma.local @!p0 [hbm:s0], s1  }
0xeb: {  	s0 =	simm.s32 @!p0 $0x3  }
0xec: {  	_ =	swait.ge @!p0 [sflag:s0], s1  }
0xed: {  	s1 =	ssub.s32 @!p0 $0x0, s1;
	[sflag:s0] =	ssyncset.done @!p0 $0x0  }
0xee: {  	[sflag:s0] =	ssyncadd.s32 @!p0 s1  }
0xef: {  	[bflag:$0x3] =	sbarrier.arrive $0xFFFF  }
0xf0: {  	_ =	shalt  }

// kernel: kernel.16.cloned.1.call-start
scs
__scs_entry_jumppad:
0x0: {  	(pc) =	sbr.rel $0x88, $3  }
0x1: {  	(tag) =	ssettag $0x0;
	lr =	simm.s32 $0x1  }
0x2: {  	[smem:$0x3F95] =	sst lr;
	_ =	strace $0xD0000000  }
0x3: {  	_ = 	snop  }
0x4: {  	_ = 	snop  }
0x5: {  	_ = 	snop  }
0x6: {  	_ = 	snop  }
0x7: {  	_ = 	snop  }
__scs_overlays_trampoline_lowered:
0x8: {  	[smem:$0x3FA4] =	sst s0  }
0x9: {  	[smem:$0x3FA5] =	sst s1  }
0xa: {  	[smem:$0x3FA6] =	sst s2  }
0xb: {  	[smem:$0x3FA7] =	sst s3  }
0xc: {  	[smem:$0x3FA8] =	sst s4  }
0xd: {  	[smem:$0x3FA9] =	sst s5  }
0xe: {  	[smem:$0x3FAA] =	sst s6  }
0xf: {  	[smem:$0x3FAB] =	sst s7  }
0x10: {  	[smem:$0x3FAC] =	sst s8  }
0x11: {  	[smem:$0x3FAD] =	sst s9;
	s0 =	simm.s32 @!p0 $0x0  }
0x12: {  	s1 =	sld [smem:$0x3F93];
	s0 =	simm.s32 @p0 $0x1  }
0x13: {  	[smem:$0x3FAE] =	sst s0;
	s0 =	simm.s32 @!p1 $0x0  }
0x14: {  	s2 =	sld [smem:$0x3F92];
	s0 =	simm.s32 @p1 $0x1  }
0x15: {  	[smem:$0x3FAF] =	sst s0;
	s0 =	simm.s32 @!p2 $0x0  }
0x16: {  	s3 =	sld [smem:$0x3FDB];
	s0 =	simm.s32 @p2 $0x1  }
0x17: {  	s4 =	simm.s32 $0x1BF5;
	[smem:$0x3FB1] =	sst s0  }
0x18: {  	s0 =	sld [smem:$0x3F94];
	_ =	swait.ge [sflag:s4], $0x0  }
0x19: {  	s7 =	sld [smem:$0x3F95]  }
0x1a: {  	s8 =	sadd.s32 $0xFFFFE003, lr  }
0x1b: {  	s9 =	sadd.s32 $0xFFFFFEF7, lr;
	s5 =	simm.s32 $0xFFFFFFFF;
	p2 =	slt.u32 s8, $0xFFFFF086  }
0x1c: {  	p1 =	slt.u32 s9, $0xF7A;
	s5 =	simm.s32 @!p2 $0x0  }
0x1d: {  	s5 =	simm.s32 @p1 $0x1;
	p0 =	seq.s32 s7, s2  }
0x1e: {  	s7 =	smul.u32 @!p0 $0xF7A, s2;
	p2 =	seq.s32 @!p0 s5, $0x0  }
0x1f: {  	s9 =	smul.u32 $0xF7A, s1;
	s8 =	simm.s32 @!p0 $0x1BF5;
	p2 =	por !p2, p0  }
0x20: {  	[sflag:s8] =	ssyncset.s32 @!p0 $0xFFFFF086;
	s6 =	sadd.s32 @!p0 s3, s7;
	s7 =	simm.s32 @!p0 $0x108  }
0x21: {  	s3 =	sadd.s32 s3, s9;
	s6 =	sadd.s32 @!p0 $0x88, s6;
	s7 =	simm.s32 @p2 $0x1082  }
0x22: {  	[simem:s7], [sflag:s8] =	dma.local @!p0 [hbm:s6], $0xF7A  }
0x23: {  	s9 =	sor.u32 $0xD0000000, s2;
	s6 =	simm.s32 $0x108;
	_ =	swait.ge @!p0 [sflag:s8], $0x0  }
0x24: {  	s3 =	sadd.s32 $0x88, s3;
	s6 =	simm.s32 @!p1 $0x1082;
	[sflag:s4] =	ssyncset.s32 $0xFFFFF086  }
0x25: {  	[simem:s6], [sflag:s4] =	dma.local [hbm:s3], $0xF7A  }
0x26: {  	[smem:$0x3F95] =	sst s1;
	(tag) =	ssettag s2;
	_ =	strace s9  }
0x27: {  	s1 =	sld [smem:$0x3FA5]  }
0x28: {  	s2 =	sld [smem:$0x3FA6]  }
0x29: {  	s4 =	sld [smem:$0x3FA8]  }
0x2a: {  	p0 =	seq.s32 s5, $0x0;
	s5 =	sld [smem:$0x3FA9]  }
0x2b: {  	s6 =	sld [smem:$0x3FAA]  }
0x2c: {  	s7 =	sld [smem:$0x3FAB]  }
0x2d: {  	s3 =	simm.s32 $0x108;
	s8 =	sld [smem:$0x3FAC]  }
0x2e: {  	s3 =	simm.s32 @!p0 $0x1082;
	s9 =	sld [smem:$0x3FAD]  }
0x2f: {  	lr =	sadd.s32 s0, s3;
	s0 =	sld [smem:$0x3FA4]  }
0x30: {  	s3 =	sld [smem:$0x3FA7]  }
0x31: {  	[smem:$0x3FB0] =	sst s10  }
0x32: {  	s10 =	sld [smem:$0x3FAE];
	_ =	sdelay $0x3  }
0x33: {  	p0 =	seq.s32 s10, $0x1;
	s10 =	sld [smem:$0x3FB0];
	_ =	sdelay $0x3  }
0x34: {  	[smem:$0x3FB0] =	sst s10  }
0x35: {  	s10 =	sld [smem:$0x3FAF];
	_ =	sdelay $0x3  }
0x36: {  	p1 =	seq.s32 s10, $0x1;
	s10 =	sld [smem:$0x3FB0];
	_ =	sdelay $0x3  }
0x37: {  	[smem:$0x3FB0] =	sst s10  }
0x38: {  	s10 =	sld [smem:$0x3FB1]  }
0x39: {  	_ = 	snop;
	(pc) =	sbr.ind lr, $3  }
0x3a: {  	_ = 	snop  }
0x3b: {  	_ = 	snop  }
0x3c: {  	p2 =	seq.s32 s10, $0x1;
	s10 =	sld [smem:$0x3FB0]  }
0x3d: {  	_ =	shalt  }
0x3e: {  	_ =	shalt  }
0x3f: {  	_ =	shalt  }
0x40: {  	_ =	shalt  }
0x41: {  	_ =	shalt  }
0x42: {  	_ =	shalt  }
0x43: {  	_ =	shalt  }
0x44: {  	_ =	shalt  }
0x45: {  	_ =	shalt  }
0x46: {  	_ =	shalt  }
0x47: {  	_ =	shalt  }
0x48: {  	_ =	shalt  }
0x49: {  	_ =	shalt  }
0x4a: {  	_ =	shalt  }
0x4b: {  	_ =	shalt  }
0x4c: {  	_ =	shalt  }
0x4d: {  	_ =	shalt  }
0x4e: {  	_ =	shalt  }
0x4f: {  	_ =	shalt  }
0x50: {  	_ =	shalt  }
0x51: {  	_ =	shalt  }
0x52: {  	_ =	shalt  }
0x53: {  	_ =	shalt  }
0x54: {  	_ =	shalt  }
0x55: {  	_ =	shalt  }
0x56: {  	_ =	shalt  }
0x57: {  	_ =	shalt  }
0x58: {  	_ =	shalt  }
0x59: {  	_ =	shalt  }
0x5a: {  	_ =	shalt  }
0x5b: {  	_ =	shalt  }
0x5c: {  	_ =	shalt  }
0x5d: {  	_ =	shalt  }
0x5e: {  	_ =	shalt  }
0x5f: {  	_ =	shalt  }
0x60: {  	_ =	shalt  }
0x61: {  	_ =	shalt  }
0x62: {  	_ =	shalt  }
0x63: {  	_ =	shalt  }
0x64: {  	_ =	shalt  }
0x65: {  	_ =	shalt  }
0x66: {  	_ =	shalt  }
0x67: {  	_ =	shalt  }
0x68: {  	_ =	shalt  }
0x69: {  	_ =	shalt  }
0x6a: {  	_ =	shalt  }
0x6b: {  	_ =	shalt  }
0x6c: {  	_ =	shalt  }
0x6d: {  	_ =	shalt  }
0x6e: {  	_ =	shalt  }
0x6f: {  	_ =	shalt  }
0x70: {  	_ =	shalt  }
0x71: {  	_ =	shalt  }
0x72: {  	_ =	shalt  }
0x73: {  	_ =	shalt  }
0x74: {  	_ =	shalt  }
0x75: {  	_ =	shalt  }
0x76: {  	_ =	shalt  }
0x77: {  	_ =	shalt  }
0x78: {  	_ =	shalt  }
0x79: {  	_ =	shalt  }
0x7a: {  	_ =	shalt  }
0x7b: {  	_ =	shalt  }
0x7c: {  	_ =	shalt  }
0x7d: {  	_ =	shalt  }
0x7e: {  	_ =	shalt  }
0x7f: {  	_ =	shalt  }
0x80: {  	_ =	shalt  }
0x81: {  	_ =	shalt  }
0x82: {  	_ =	shalt  }
0x83: {  	_ =	shalt  }
0x84: {  	_ =	shalt  }
0x85: {  	_ =	shalt  }
0x86: {  	_ =	shalt  }
0x87: {  	_ =	shalt  }
.Lfunc_end0:
.L_simem_size_0:
called_computation.2_lowered:
.L_overlay_start_0:
0x88: {  	s2 =	sld [smem:$0x3FD9]  }
0x89: {  	s3 =	sld [smem:$0x3FFE];
	_ =	sdelay $0x1  }
0x8a: {  	s1 =	srdreg.scid  }
0x8b: {  	s0 =	sand.u32 $0x1, s1  }
0x8c: {  	s17 =	sshll.u32 s0, $0xA;
	s2 =	sadd.s32 s3, s2  }
0x8d: {  	s2 =	sadd.s32 s2, s17  }
0x8e: {  	[smem:$0x3FBC] =	sst s2  }
0x8f: {  	_ = 	snop  }
0x90: {  	s2 =	sld [smem:$0x3FD0];
	(tm) =	ssettm $0x1  }
0x91: {  	s18 =	sld [smem:$0x3FFB];
	_ =	sdelay $0x3  }
0x92: {  	_ =	strace s18  }
0x93: {  	s3 =	sld [smem:$0x3FFC];
	_ =	sdelay $0x3  }
0x94: {  	_ =	strace s3  }
0x95: {  	s3 =	sld [smem:$0x3FFD];
	_ =	sdelay $0x3  }
0x96: {  	_ =	strace s3  }
0x97: {  	_ =	strace $0x8FFFFFFF  }
0x98: {  	s19 =	sld [smem:$0x3FDB];
	_ =	sdelay $0x1  }
0x99: {  	s4 =	simm.s32 $_scs_section_size  }
0x9a: {  	s5 =	simm.s32 $_size__tile_overlayer_lowered;
	s6 =	simm.s32 $_tile_overlayer_lowered  }
0x9b: {  	s22 =	simm.s32 $0x1BFF;
	s21 =	sshll.u32 s6, $0x1;
	s3 =	sadd.s32 s4, s19  }
0x9c: {  	s7 =	simm.s32 $0x0;
	s20 =	sshll.u32 s5, $0x1;
	s5 =	sadd.s32 s21, s3  }
0x9d: {  	[timem:s7], [sflag:s22] =	dma.local [hbm:s5], s20  }
0x9e: {  	_ =	swait.ge [sflag:s22], s20  }
0x9f: {  	s4 =	ssub.s32 $0x0, s20;
	[sflag:s22] =	ssyncset.done $0x0  }
0xa0: {  	[sflag:s22] =	ssyncadd.s32 s4;
	_ =	sdelay $0x1  }
0xa1: {  	s23 =	simm.s32 $0x1B8B  }
0xa2: {  	_ =	swait.ge [sflag:s23], $0x1  }
0xa3: {  	[sflag:s23] =	ssyncset.done $0x0  }
0xa4: {  	s25 =	simm.s32 $0x1B8E;
	s24 =	sld [smem:$0x3FFE];
	[sflag:s23] =	ssyncadd.s32 $0xFFFFFFFF  }
0xa5: {  	s26 =	simm.s32 $execute0_lowered;
	[smem:$0x3FD2] =	sst s25  }
0xa6: {  	s5 =	sshll.u32 s26, $0x1;
	_ =	strace $0x8000004C;
	[dreg:$0x1] =	wrdreg $0xFFFFFFFF  }
0xa7: {  	s28 =	simm.s32 $_size_execute0_lowered;
	s3 =	sadd.s32 s3, s5;
	[dreg:$0x0] =	wrdreg $0x0  }
0xa8: {  	s5 =	sshll.u32 s28, $0x1;
	[dreg:$0x2] =	wrdreg s3  }
0xa9: {  	[dreg:$0x3] =	wrdreg s5  }
0xaa: {  	[dreg:$0x4] =	wrdreg $0xC0  }
0xab: {  	_ =	task [dreg:s7], $0x5FFFF  }
0xac: {  	[dreg:$0x1] =	wrdreg $0xFFFFFFFF  }
0xad: {  	[dreg:$0x0] =	wrdreg $0x60  }
0xae: {  	[dreg:$0x2] =	wrdreg s24  }
0xaf: {  	[dreg:$0x3] =	wrdreg s2  }
0xb0: {  	[dreg:$0x4] =	wrdreg $0x52000  }
0xb1: {  	[dreg:$0x5] =	wrdreg $0x9  }
0xb2: {  	_ =	task.clear_ibuf [dreg:s7], $0x6FFFF;
	_ =	strace $0x9000004C  }
0xb3: {  	s29 =	simm.s32 $0x9;
	_ =	strace $0x8000004E  }
0xb4: {  	_ =	swait.ge [sflag:s29], $0x1  }
0xb5: {  	[sflag:s29] =	ssyncadd.s32 $0xFFFFFFFF  }
0xb6: {  	_ =	strace $0x9000004E  }
0xb7: {  	_ =	sfence  }
0xb8: {  	s30 =	sld [smem:$0x0];
	_ =	sdelay $0x2  }
0xb9: {  	s31 =	sshll.u32 s1, $0xD;
	s1 =	sshrl.u32 s1, $0x2  }
0xba: {  	s3 =	sand.u32 $0x4000, s31;
	s1 =	sadd.s32 s1, s30  }
0xbb: {  	s0 =	sor.u32 s3, s0;
	s1 =	sshll.u32 s1, $0x11  }
0xbc: {  	s0 =	sor.u32 s1, s0  }
0xbd: {  	s0 =	sadd.s32 $0x8F2B, s0  }
0xbe: {  	[sflag:s0] =	ssyncadd.remote.s32 $0x1  }
0xbf: {  	_ =	sfence.sel $0xFFFF  }
0xc0: {  	[dreg:$0x0] =	wrdreg $0xFFFFFFFF;
	(pc) =	sbr.abs _section_cstart, $3  }
0xc1: {  	[dreg:$0x1] =	wrdreg $0xFFFFFFFF  }
0xc2: {  	_ =	task.clear_ibuf [dreg:s7], $0x2FFFF;
	_ =	strace $0x9FFFFFFF  }
0xc3: {  	(tm) =	ssettm $0x7FFFFFFF  }
tec
execute0_lowered:
.L_overlay_start_1:
0x0: {  	(tag) =	ssettag $0x1  }
0x1: {  	s8 =	rddreg [dreg:$0x0]  }
0x2: {  	s16 =	rddreg [dreg:$0x1]  }
0x3: {  	s1 =	rddreg [dreg:$0x2]  }
0x4: {  	s2 =	simm.s32 $0x0;
	s5 =	srdreg.scid;
	s0 =	stileid.u32  }
0x5: {  	s20 =	simm.s32 $0x100;
	s21 =	simm.s32 $0x50;
	s22 =	simm.s32 $0x200  }
0x6: {  	s23 =	simm.s32 $0x80;
	s24 =	simm.s32 $0x180;
	s25 =	simm.s32 $0x1  }
0x7: {  	s28 =	simm.s32 $0x2;
	s29 =	simm.s32 $0x0;
	[smem:$0x7FF] =	sst s2  }
0x8: {  	s17 =	sadd.s32 $0x5000, s8;
	s4 =	sadd.s32 $0x60200, s8;
	s9 =	sand.u32 $0x1, s5  }
0x9: {  	s5 =	sadd.s32 $0x88200, s8;
	s11 =	smul.u32 $0x4E20, s0;
	s6 =	sadd.s32 $0xB0200, s8  }
0xa: {  	s13 =	smul.u32 $0x50000, s0;
	s7 =	sadd.s32 $0xB2A00, s8;
	s8 =	sadd.s32 $0xDAA00, s8  }
0xb: {  	s19 =	smul.u32 $0x9C4, s0;
	s15 =	sshll.u32 s0, $0x6;
	_ =	strace $0x8000004D  }
0xc: {  	s10 =	ssub.s32 $0x2, s9;
	p0 =	seq.s32 s9, $0x1;
	s15 =	sor.u32 $0x1C03, s15  }
0xd: {  	s12 =	sshrl.u32 s10, $0x1;
	s26 =	sshrl.u32 s13, $0x2;
	s13 =	smul.u32 $0x2800, s0  }
.Ltmp0:
0xe: {  	s30 =	sshrl.u32 s11, $0x3;
	s14 =	ssub.s32 s10, s12;
	(pc) =	sbr.rel .LBB2_1-.Ltmp0, $4  }
0xf: {  	s18 =	sadd.s32 s26, s1;
	s9 =	sadd.s32 s17, s30;
	s31 =	sadd.s32 $0xA, s30  }
0x10: {  	s10 =	sadd.s32 s16, s30;
	s26 =	simm.s32 $0x2A00;
	s11 =	sadd.s32 s17, s31  }
0x11: {  	s12 =	sadd.s32 s16, s31;
	s14 =	smax.u32 s14, $0x1;
	s16 =	sadd.s32 s19, s16  }
0x12: {  	s17 =	sadd.s32 s19, s17;
	s18 =	sshrl.u32 s18, $0x3;
	s19 =	simm.s32 $0x3  }
.LBB2_7:
0x13: {  	[sflag:s28] =	ssyncadd.s32 $0xFFFFFFB0;
	s31 =	smov.u32 s5;
	s30 =	smov.u32 s8  }
.LBB2_8:
0x14: {  	_ =	swait.ge [sflag:s25], $0x2800  }
0x15: {  	[sflag:s25] =	ssyncset.done $0x0  }
0x16: {  	[sflag:s25] =	ssyncadd.s32 $0xFFFFD800  }
0x17: {  	[tilespmem:s26], [sflag:$0x1] =	stream.indirect.gather [hbm4b:s31+s21], $0x80, s23, s21, $0xb8;
	[tilespmem:$0x19200] =	vst v63  }
0x18: {  	_ = 	snop  }
0x19: {  	[spmem:s1] =	stream.indirect.scatter.add.f32 [tilespmem:s22], [sflag:$0x3], $0x80, s20, s21, $0xb8;
	[tilespmem:$0x19200] =	vst v63  }
0x1a: {  	_ =	swait.ge [sflag:s19], $0x2800  }
0x1b: {  	[sflag:s19] =	ssyncset.done $0x0  }
0x1c: {  	[sflag:s19] =	ssyncadd.s32 $0xFFFFD800  }
0x1d: {  	_ =	swait.ge [sflag:s25], $0x2800  }
0x1e: {  	[sflag:s25] =	ssyncset.done $0x0  }
0x1f: {  	[sflag:s25] =	ssyncadd.s32 $0xFFFFD800  }
0x20: {  	[spmem:s1] =	stream.indirect.scatter.add.f32 [tilespmem:s26], [sflag:$0x3], $0x80, s24, s21, $0xb8;
	[tilespmem:$0x19200] =	vst v63  }
0x21: {  	_ =	swait.ge [sflag:s19], $0x2800  }
0x22: {  	s29 =	sadd.s32 $0x1, s29;
	[sflag:s19] =	ssyncset.done $0x0  }
0x23: {  	p1 =	sne.s32 s29, s14;
	[sflag:s19] =	ssyncadd.s32 $0xFFFFD800  }
.Ltmp1:
0x24: {  	s0 =	sadd.s32 s30, s13;
	[bflag:$0x0] =	sbarrier.arrive $0xFFFF;
	(pc) =	sbr.rel @!p1 .LBB2_9-.Ltmp1, $4  }
0x25: {  	[hbm:s0], [sflag:s15] =	dma.local [spmem:s18], $0x2800  }
0x26: {  	_ =	swait.ge [sflag:s19], $0x2800  }
0x27: {  	[sflag:s19] =	ssyncset.done $0x0  }
0x28: {  	[sflag:s19] =	ssyncadd.s32 $0xFFFFD800  }
.LBB2_1:
0x29: {  	[spmem:s18], [sflag:s15] =	dma.local [hbm:s6], $0x2800  }
0x2a: {  	_ =	swait.ge [sflag:s19], $0x2800  }
0x2b: {  	[sflag:s19] =	ssyncset.done $0x0  }
0x2c: {  	[sflag:s19] =	ssyncadd.s32 $0xFFFFD800  }
0x2d: {  	[tilespmem:s2], [sflag:$0x3] =	stream.linear.gather [hbm4b:s9+s2], $0x50, $0x38;
	[tilespmem:$0x19200] =	vst v63  }
0x2e: {  	_ =	swait.ge [sflag:s19], $0x50  }
0x2f: {  	[sflag:s19] =	ssyncset.done $0x0  }
0x30: {  	[sflag:s19] =	ssyncadd.s32 $0xFFFFFFB0  }
0x31: {  	[tilespmem:s20], [sflag:$0x3] =	stream.linear.gather [hbm4b:s10+s2], $0x50, $0x38;
	[tilespmem:$0x19200] =	vst v63  }
.Ltmp2:
0x32: {  	_ =	swait.ge [sflag:s19], $0x50;
	(pc) =	sbr.rel @!p0 .LBB2_2-.Ltmp2, $3  }
0x33: {  	[sflag:s19] =	ssyncset.done $0x0  }
0x34: {  	[sflag:s19] =	ssyncadd.s32 $0xFFFFFFB0  }
0x35: {  	[bflag:$0x0] =	sbarrier.arrive $0xFFFF;
	_ =	sdelay $0x1  }
0x36: {  	[tilespmem:s22], [sflag:$0x1] =	stream.indirect.gather [hbm4b:s5+s21], $0x80, s2, s21, $0xb8;
	[tilespmem:$0x19200] =	vst v63  }
0x37: {  	_ = 	snop  }
0x38: {  	[tilespmem:s23], [sflag:$0x3] =	stream.linear.gather [hbm4b:s11+s2], $0x50, $0x38;
	[tilespmem:$0x19200] =	vst v63  }
0x39: {  	_ =	swait.ge [sflag:s19], $0x50  }
0x3a: {  	[sflag:s19] =	ssyncset.done $0x0  }
0x3b: {  	[sflag:s19] =	ssyncadd.s32 $0xFFFFFFB0  }
0x3c: {  	[tilespmem:s24], [sflag:$0x3] =	stream.linear.gather [hbm4b:s12+s2], $0x50, $0x38;
	[tilespmem:$0x19200] =	vst v63  }
0x3d: {  	_ =	swait.ge [sflag:s19], $0x50  }
0x3e: {  	[sflag:s19] =	ssyncset.done $0x0  }
0x3f: {  	[sflag:s19] =	ssyncadd.s32 $0xFFFFFFB0  }
0x40: {  	_ =	swait.ge [sflag:s25], $0x2800  }
0x41: {  	[sflag:s25] =	ssyncset.done $0x0  }
0x42: {  	[sflag:s25] =	ssyncadd.s32 $0xFFFFD800  }
0x43: {  	[tilespmem:s26], [sflag:$0x1] =	stream.indirect.gather [hbm4b:s5+s21], $0x80, s23, s21, $0xb8;
	[tilespmem:$0x19200] =	vst v63  }
0x44: {  	_ = 	snop  }
0x45: {  	[spmem:s1] =	stream.indirect.scatter.add.f32 [tilespmem:s22], [sflag:$0x3], $0x80, s20, s21, $0xb8;
	[tilespmem:$0x19200] =	vst v63  }
0x46: {  	_ =	swait.ge [sflag:s19], $0x2800  }
0x47: {  	s0 =	sadd.s32 $0xFFFFF650, s17;
	[sflag:s19] =	ssyncset.done $0x0  }
0x48: {  	s30 =	sadd.s32 $0xFFFFF650, s16;
	s3 =	sadd.s32 $0x9C4, s0;
	[sflag:s19] =	ssyncadd.s32 $0xFFFFD800  }
0x49: {  	[tilespmem:s2], [sflag:$0x2] =	stream.linear.gather [hbm4b:s3+s2], $0x50, $0x38;
	[tilespmem:$0x19200] =	vst v63  }
0x4a: {  	s31 =	sadd.s32 $0x9C4, s30  }
0x4b: {  	[tilespmem:s20], [sflag:$0x2] =	stream.linear.gather [hbm4b:s31+s2], $0x50, $0x38;
	[tilespmem:$0x19200] =	vst v63  }
0x4c: {  	_ =	swait.ge [sflag:s28], $0x50  }
0x4d: {  	[sflag:s28] =	ssyncset.done $0x0  }
0x4e: {  	[sflag:s28] =	ssyncadd.s32 $0xFFFFFFB0  }
0x4f: {  	_ =	swait.ge [sflag:s28], $0x50  }
0x50: {  	[sflag:s28] =	ssyncset.done $0x0  }
0x51: {  	[sflag:s28] =	ssyncadd.s32 $0xFFFFFFB0  }
0x52: {  	_ =	swait.ge [sflag:s25], $0x2800  }
0x53: {  	[sflag:s25] =	ssyncset.done $0x0  }
0x54: {  	[sflag:s25] =	ssyncadd.s32 $0xFFFFD800  }
0x55: {  	[tilespmem:s22], [sflag:$0x1] =	stream.indirect.gather [hbm4b:s5+s21], $0x80, s2, s21, $0xb8;
	[tilespmem:$0x19200] =	vst v63  }
0x56: {  	_ = 	snop  }
0x57: {  	[spmem:s1] =	stream.indirect.scatter.add.f32 [tilespmem:s26], [sflag:$0x3], $0x80, s24, s21, $0xb8;
	[tilespmem:$0x19200] =	vst v63  }
0x58: {  	_ =	swait.ge [sflag:s19], $0x2800  }
0x59: {  	[sflag:s19] =	ssyncset.done $0x0  }
0x5a: {  	s0 =	sadd.s32 $0x9CE, s0;
	[sflag:s19] =	ssyncadd.s32 $0xFFFFD800  }
0x5b: {  	[tilespmem:s23], [sflag:$0x2] =	stream.linear.gather [hbm4b:s0+s2], $0x50, $0x38;
	[tilespmem:$0x19200] =	vst v63  }
0x5c: {  	s31 =	sadd.s32 $0x9CE, s30  }
0x5d: {  	[tilespmem:s24], [sflag:$0x2] =	stream.linear.gather [hbm4b:s31+s2], $0x50, $0x38;
	[tilespmem:$0x19200] =	vst v63  }
0x5e: {  	_ =	swait.ge [sflag:s28], $0x50  }
0x5f: {  	[sflag:s28] =	ssyncset.done $0x0  }
0x60: {  	[sflag:s28] =	ssyncadd.s32 $0xFFFFFFB0  }
0x61: {  	_ =	swait.ge [sflag:s28], $0x50  }
0x62: {  	s30 =	simm.s32 $0xFFFFF664;
	[sflag:s28] =	ssyncset.done $0x0  }
.LBB2_6:
0x63: {  	p1 =	sne.s32 s30, $0xFFFFFFEC  }
0x64: {  	[sflag:s28] =	ssyncadd.s32 $0xFFFFFFB0;
	s0 =	smov.u32 s30;
	s30 =	sadd.s32 $0x14, s30  }
0x65: {  	_ =	swait.ge [sflag:s25], $0x2800  }
0x66: {  	[sflag:s25] =	ssyncset.done $0x0  }
0x67: {  	[sflag:s25] =	ssyncadd.s32 $0xFFFFD800  }
0x68: {  	[tilespmem:s26], [sflag:$0x1] =	stream.indirect.gather [hbm4b:s5+s21], $0x80, s23, s21, $0xb8;
	[tilespmem:$0x19200] =	vst v63  }
0x69: {  	_ = 	snop  }
0x6a: {  	[spmem:s1] =	stream.indirect.scatter.add.f32 [tilespmem:s22], [sflag:$0x3], $0x80, s20, s21, $0xb8;
	[tilespmem:$0x19200] =	vst v63  }
0x6b: {  	_ =	swait.ge [sflag:s19], $0x2800  }
0x6c: {  	s3 =	sadd.s32 s0, s17;
	[sflag:s19] =	ssyncset.done $0x0  }
0x6d: {  	s0 =	sadd.s32 s0, s16;
	s31 =	sadd.s32 $0x9C4, s3;
	[sflag:s19] =	ssyncadd.s32 $0xFFFFD800  }
0x6e: {  	[tilespmem:s2], [sflag:$0x2] =	stream.linear.gather [hbm4b:s31+s2], $0x50, $0x38;
	[tilespmem:$0x19200] =	vst v63  }
0x6f: {  	s31 =	sadd.s32 $0x9C4, s0  }
0x70: {  	[tilespmem:s20], [sflag:$0x2] =	stream.linear.gather [hbm4b:s31+s2], $0x50, $0x38;
	[tilespmem:$0x19200] =	vst v63  }
0x71: {  	_ =	swait.ge [sflag:s28], $0x50  }
0x72: {  	[sflag:s28] =	ssyncset.done $0x0  }
0x73: {  	[sflag:s28] =	ssyncadd.s32 $0xFFFFFFB0  }
0x74: {  	_ =	swait.ge [sflag:s28], $0x50  }
0x75: {  	[sflag:s28] =	ssyncset.done $0x0  }
0x76: {  	[sflag:s28] =	ssyncadd.s32 $0xFFFFFFB0  }
0x77: {  	_ =	swait.ge [sflag:s25], $0x2800  }
0x78: {  	[sflag:s25] =	ssyncset.done $0x0  }
0x79: {  	[sflag:s25] =	ssyncadd.s32 $0xFFFFD800  }
0x7a: {  	[tilespmem:s22], [sflag:$0x1] =	stream.indirect.gather [hbm4b:s5+s21], $0x80, s2, s21, $0xb8;
	[tilespmem:$0x19200] =	vst v63  }
0x7b: {  	_ = 	snop  }
0x7c: {  	[spmem:s1] =	stream.indirect.scatter.add.f32 [tilespmem:s26], [sflag:$0x3], $0x80, s24, s21, $0xb8;
	[tilespmem:$0x19200] =	vst v63  }
0x7d: {  	_ =	swait.ge [sflag:s19], $0x2800  }
0x7e: {  	[sflag:s19] =	ssyncset.done $0x0  }
0x7f: {  	s3 =	sadd.s32 $0x9CE, s3;
	[sflag:s19] =	ssyncadd.s32 $0xFFFFD800  }
0x80: {  	[tilespmem:s23], [sflag:$0x2] =	stream.linear.gather [hbm4b:s3+s2], $0x50, $0x38;
	[tilespmem:$0x19200] =	vst v63  }
0x81: {  	s0 =	sadd.s32 $0x9CE, s0  }
0x82: {  	[tilespmem:s24], [sflag:$0x2] =	stream.linear.gather [hbm4b:s0+s2], $0x50, $0x38;
	[tilespmem:$0x19200] =	vst v63  }
.Ltmp3:
0x83: {  	_ =	swait.ge [sflag:s28], $0x50;
	(pc) =	sbr.rel @p1 .LBB2_6-.Ltmp3, $4  }
0x84: {  	[sflag:s28] =	ssyncset.done $0x0  }
0x85: {  	[sflag:s28] =	ssyncadd.s32 $0xFFFFFFB0  }
0x86: {  	_ =	swait.ge [sflag:s28], $0x50  }
0x87: {  	[sflag:s28] =	ssyncset.done $0x0  }
.Ltmp4:
0x88: {  	_ = 	snop;
	(pc) =	sbr.rel .LBB2_7-.Ltmp4, $1  }
0x89: {  	_ =	sdelay $0x3  }
.LBB2_2:
0x8a: {  	[tilespmem:s22], [sflag:$0x1] =	stream.indirect.gather [hbm4b:s4+s21], $0x80, s2, s21, $0xb8;
	[tilespmem:$0x19200] =	vst v63  }
0x8b: {  	_ = 	snop  }
0x8c: {  	[tilespmem:s23], [sflag:$0x3] =	stream.linear.gather [hbm4b:s11+s2], $0x50, $0x38;
	[tilespmem:$0x19200] =	vst v63  }
0x8d: {  	_ =	swait.ge [sflag:s19], $0x50  }
0x8e: {  	[sflag:s19] =	ssyncset.done $0x0  }
0x8f: {  	[sflag:s19] =	ssyncadd.s32 $0xFFFFFFB0  }
0x90: {  	[tilespmem:s24], [sflag:$0x3] =	stream.linear.gather [hbm4b:s12+s2], $0x50, $0x38;
	[tilespmem:$0x19200] =	vst v63  }
0x91: {  	_ =	swait.ge [sflag:s19], $0x50  }
0x92: {  	[sflag:s19] =	ssyncset.done $0x0  }
0x93: {  	[sflag:s19] =	ssyncadd.s32 $0xFFFFFFB0  }
0x94: {  	_ =	swait.ge [sflag:s25], $0x2800  }
0x95: {  	[sflag:s25] =	ssyncset.done $0x0  }
0x96: {  	[sflag:s25] =	ssyncadd.s32 $0xFFFFD800  }
0x97: {  	[tilespmem:s26], [sflag:$0x1] =	stream.indirect.gather [hbm4b:s4+s21], $0x80, s23, s21, $0xb8;
	[tilespmem:$0x19200] =	vst v63  }
0x98: {  	_ = 	snop  }
0x99: {  	[spmem:s1] =	stream.indirect.scatter.add.f32 [tilespmem:s22], [sflag:$0x3], $0x80, s20, s21, $0xb8;
	[tilespmem:$0x19200] =	vst v63  }
0x9a: {  	_ =	swait.ge [sflag:s19], $0x2800  }
0x9b: {  	s30 =	sadd.s32 $0xFFFFF650, s17;
	[sflag:s19] =	ssyncset.done $0x0  }
0x9c: {  	s0 =	sadd.s32 $0xFFFFF650, s16;
	s31 =	sadd.s32 $0x9C4, s30;
	[sflag:s19] =	ssyncadd.s32 $0xFFFFD800  }
0x9d: {  	[tilespmem:s2], [sflag:$0x2] =	stream.linear.gather [hbm4b:s31+s2], $0x50, $0x38;
	[tilespmem:$0x19200] =	vst v63  }
0x9e: {  	s3 =	sadd.s32 $0x9C4, s0  }
0x9f: {  	[tilespmem:s20], [sflag:$0x2] =	stream.linear.gather [hbm4b:s3+s2], $0x50, $0x38;
	[tilespmem:$0x19200] =	vst v63  }
0xa0: {  	_ =	swait.ge [sflag:s28], $0x50  }
0xa1: {  	[sflag:s28] =	ssyncset.done $0x0  }
0xa2: {  	[sflag:s28] =	ssyncadd.s32 $0xFFFFFFB0  }
0xa3: {  	_ =	swait.ge [sflag:s28], $0x50  }
0xa4: {  	[sflag:s28] =	ssyncset.done $0x0  }
0xa5: {  	[sflag:s28] =	ssyncadd.s32 $0xFFFFFFB0  }
0xa6: {  	_ =	swait.ge [sflag:s25], $0x2800  }
0xa7: {  	[sflag:s25] =	ssyncset.done $0x0  }
0xa8: {  	[sflag:s25] =	ssyncadd.s32 $0xFFFFD800  }
0xa9: {  	[tilespmem:s22], [sflag:$0x1] =	stream.indirect.gather [hbm4b:s4+s21], $0x80, s2, s21, $0xb8;
	[tilespmem:$0x19200] =	vst v63  }
0xaa: {  	_ = 	snop  }
0xab: {  	[spmem:s1] =	stream.indirect.scatter.add.f32 [tilespmem:s26], [sflag:$0x3], $0x80, s24, s21, $0xb8;
	[tilespmem:$0x19200] =	vst v63  }
0xac: {  	_ =	swait.ge [sflag:s19], $0x2800  }
0xad: {  	[sflag:s19] =	ssyncset.done $0x0  }
0xae: {  	s30 =	sadd.s32 $0x9CE, s30;
	[sflag:s19] =	ssyncadd.s32 $0xFFFFD800  }
0xaf: {  	[tilespmem:s23], [sflag:$0x2] =	stream.linear.gather [hbm4b:s30+s2], $0x50, $0x38;
	[tilespmem:$0x19200] =	vst v63  }
0xb0: {  	s0 =	sadd.s32 $0x9CE, s0  }
0xb1: {  	[tilespmem:s24], [sflag:$0x2] =	stream.linear.gather [hbm4b:s0+s2], $0x50, $0x38;
	[tilespmem:$0x19200] =	vst v63  }
0xb2: {  	_ =	swait.ge [sflag:s28], $0x50  }
0xb3: {  	[sflag:s28] =	ssyncset.done $0x0  }
0xb4: {  	[sflag:s28] =	ssyncadd.s32 $0xFFFFFFB0  }
0xb5: {  	_ =	swait.ge [sflag:s28], $0x50  }
0xb6: {  	s30 =	simm.s32 $0xFFFFF664;
	[sflag:s28] =	ssyncset.done $0x0  }
.LBB2_3:
0xb7: {  	p1 =	seq.s32 s30, $0xFFFFFFEC  }
0xb8: {  	[sflag:s28] =	ssyncadd.s32 $0xFFFFFFB0;
	s0 =	smov.u32 s30;
	s30 =	sadd.s32 $0x14, s30  }
0xb9: {  	_ =	swait.ge [sflag:s25], $0x2800  }
0xba: {  	[sflag:s25] =	ssyncset.done $0x0  }
0xbb: {  	[sflag:s25] =	ssyncadd.s32 $0xFFFFD800  }
0xbc: {  	[tilespmem:s26], [sflag:$0x1] =	stream.indirect.gather [hbm4b:s4+s21], $0x80, s23, s21, $0xb8;
	[tilespmem:$0x19200] =	vst v63  }
0xbd: {  	_ = 	snop  }
0xbe: {  	[spmem:s1] =	stream.indirect.scatter.add.f32 [tilespmem:s22], [sflag:$0x3], $0x80, s20, s21, $0xb8;
	[tilespmem:$0x19200] =	vst v63  }
0xbf: {  	_ =	swait.ge [sflag:s19], $0x2800  }
0xc0: {  	s31 =	sadd.s32 s0, s17;
	[sflag:s19] =	ssyncset.done $0x0  }
0xc1: {  	s0 =	sadd.s32 s0, s16;
	s3 =	sadd.s32 $0x9C4, s31;
	[sflag:s19] =	ssyncadd.s32 $0xFFFFD800  }
0xc2: {  	[tilespmem:s2], [sflag:$0x2] =	stream.linear.gather [hbm4b:s3+s2], $0x50, $0x38;
	[tilespmem:$0x19200] =	vst v63  }
0xc3: {  	s3 =	sadd.s32 $0x9C4, s0  }
0xc4: {  	[tilespmem:s20], [sflag:$0x2] =	stream.linear.gather [hbm4b:s3+s2], $0x50, $0x38;
	[tilespmem:$0x19200] =	vst v63  }
0xc5: {  	_ =	swait.ge [sflag:s28], $0x50  }
0xc6: {  	[sflag:s28] =	ssyncset.done $0x0  }
0xc7: {  	[sflag:s28] =	ssyncadd.s32 $0xFFFFFFB0  }
0xc8: {  	_ =	swait.ge [sflag:s28], $0x50  }
0xc9: {  	[sflag:s28] =	ssyncset.done $0x0  }
0xca: {  	[sflag:s28] =	ssyncadd.s32 $0xFFFFFFB0  }
0xcb: {  	_ =	swait.ge [sflag:s25], $0x2800  }
0xcc: {  	[sflag:s25] =	ssyncset.done $0x0  }
0xcd: {  	[sflag:s25] =	ssyncadd.s32 $0xFFFFD800  }
0xce: {  	[tilespmem:s22], [sflag:$0x1] =	stream.indirect.gather [hbm4b:s4+s21], $0x80, s2, s21, $0xb8;
	[tilespmem:$0x19200] =	vst v63  }
0xcf: {  	_ = 	snop  }
0xd0: {  	[spmem:s1] =	stream.indirect.scatter.add.f32 [tilespmem:s26], [sflag:$0x3], $0x80, s24, s21, $0xb8;
	[tilespmem:$0x19200] =	vst v63  }
0xd1: {  	_ =	swait.ge [sflag:s19], $0x2800  }
0xd2: {  	[sflag:s19] =	ssyncset.done $0x0  }
0xd3: {  	s3 =	sadd.s32 $0x9CE, s31;
	[sflag:s19] =	ssyncadd.s32 $0xFFFFD800  }
0xd4: {  	[tilespmem:s23], [sflag:$0x2] =	stream.linear.gather [hbm4b:s3+s2], $0x50, $0x38;
	[tilespmem:$0x19200] =	vst v63  }
0xd5: {  	s0 =	sadd.s32 $0x9CE, s0  }
0xd6: {  	[tilespmem:s24], [sflag:$0x2] =	stream.linear.gather [hbm4b:s0+s2], $0x50, $0x38;
	[tilespmem:$0x19200] =	vst v63  }
.Ltmp5:
0xd7: {  	_ =	swait.ge [sflag:s28], $0x50;
	(pc) =	sbr.rel @!p1 .LBB2_3-.Ltmp5, $4  }
0xd8: {  	[sflag:s28] =	ssyncset.done $0x0  }
0xd9: {  	[sflag:s28] =	ssyncadd.s32 $0xFFFFFFB0  }
0xda: {  	_ =	swait.ge [sflag:s28], $0x50  }
0xdb: {  	[sflag:s28] =	ssyncset.done $0x0  }
.Ltmp6:
0xdc: {  	(pc) =	sbr.rel .LBB2_8-.Ltmp6, $2  }
0xdd: {  	_ =	sdelay $0x2  }
0xde: {  	[sflag:s28] =	ssyncadd.s32 $0xFFFFFFB0;
	s31 =	smov.u32 s4;
	s30 =	smov.u32 s7  }
.LBB2_9:
0xdf: {  	_ =	sfence.sel $0x180000  }
0xe0: {  	[bflag:$0x0] =	sbarrier.arrive $0xFFFF  }
0xe1: {  	_ =	strace $0x9000004D  }
0xe2: {  	s0 =	stileid.u32;
	[bflag:$0x2] =	sbarrier.arrive $0xFFFF  }
0xe3: {  	p0 =	sne.s32 s0, $0x0;
	s0 =	rddreg [dreg:$0x3]  }
0xe4: {  	s0 =	sadd.s32 @!p0 $0x100000, s0  }
0xe5: {  	[sflag:s0] =	ssyncadd.tile.s32 @!p0 $0x1;
	_ =	shalt  }
.Lfunc_end2:
_tile_overlayer_lowered:
.L_overlay_start_2:
0xe6: {  	(tag) =	ssettag $0x2  }
0xe7: {  	s0 =	rddreg [dreg:$0x0];
	s2 =	stileid.u32  }
0xe8: {  	s1 =	rddreg [dreg:$0x1];
	p0 =	sne.s32 s2, $0x0  }
0xe9: {  	s3 =	rddreg [dreg:$0x2];
	[bflag:$0x3] =	sbarrier.arrive $0xFFFF;
	s2 =	simm.s32 @!p0 $0x1C03  }
0xea: {  	[timem:s3], [sflag:s2] =	dma.local @!p0 [hbm:s0], s1  }
0xeb: {  	s0 =	simm.s32 @!p0 $0x3  }
0xec: {  	_ =	swait.ge @!p0 [sflag:s0], s1  }
0xed: {  	s1 =	ssub.s32 @!p0 $0x0, s1;
	[sflag:s0] =	ssyncset.done @!p0 $0x0  }
0xee: {  	[sflag:s0] =	ssyncadd.s32 @!p0 s1  }
0xef: {  	[bflag:$0x3] =	sbarrier.arrive $0xFFFF  }
0xf0: {  	_ =	shalt  }

// kernel: kernel.19.cloned.1.call-start
scs
__scs_entry_jumppad:
0x0: {  	(pc) =	sbr.rel $0x88, $3  }
0x1: {  	(tag) =	ssettag $0x0;
	lr =	simm.s32 $0x1  }
0x2: {  	[smem:$0x3F95] =	sst lr;
	_ =	strace $0xD0000000  }
0x3: {  	_ = 	snop  }
0x4: {  	_ = 	snop  }
0x5: {  	_ = 	snop  }
0x6: {  	_ = 	snop  }
0x7: {  	_ = 	snop  }
__scs_overlays_trampoline_lowered:
0x8: {  	[smem:$0x3FA4] =	sst s0  }
0x9: {  	[smem:$0x3FA5] =	sst s1  }
0xa: {  	[smem:$0x3FA6] =	sst s2  }
0xb: {  	[smem:$0x3FA7] =	sst s3  }
0xc: {  	[smem:$0x3FA8] =	sst s4  }
0xd: {  	[smem:$0x3FA9] =	sst s5  }
0xe: {  	[smem:$0x3FAA] =	sst s6  }
0xf: {  	[smem:$0x3FAB] =	sst s7  }
0x10: {  	[smem:$0x3FAC] =	sst s8  }
0x11: {  	[smem:$0x3FAD] =	sst s9;
	s0 =	simm.s32 @!p0 $0x0  }
0x12: {  	s1 =	sld [smem:$0x3F93];
	s0 =	simm.s32 @p0 $0x1  }
0x13: {  	[smem:$0x3FAE] =	sst s0;
	s0 =	simm.s32 @!p1 $0x0  }
0x14: {  	s2 =	sld [smem:$0x3F92];
	s0 =	simm.s32 @p1 $0x1  }
0x15: {  	[smem:$0x3FAF] =	sst s0;
	s0 =	simm.s32 @!p2 $0x0  }
0x16: {  	s3 =	sld [smem:$0x3FDB];
	s0 =	simm.s32 @p2 $0x1  }
0x17: {  	s4 =	simm.s32 $0x1BF5;
	[smem:$0x3FB1] =	sst s0  }
0x18: {  	s0 =	sld [smem:$0x3F94];
	_ =	swait.ge [sflag:s4], $0x0  }
0x19: {  	s7 =	sld [smem:$0x3F95]  }
0x1a: {  	s8 =	sadd.s32 $0xFFFFE003, lr  }
0x1b: {  	s9 =	sadd.s32 $0xFFFFFEF7, lr;
	s5 =	simm.s32 $0xFFFFFFFF;
	p2 =	slt.u32 s8, $0xFFFFF086  }
0x1c: {  	p1 =	slt.u32 s9, $0xF7A;
	s5 =	simm.s32 @!p2 $0x0  }
0x1d: {  	s5 =	simm.s32 @p1 $0x1;
	p0 =	seq.s32 s7, s2  }
0x1e: {  	s7 =	smul.u32 @!p0 $0xF7A, s2;
	p2 =	seq.s32 @!p0 s5, $0x0  }
0x1f: {  	s9 =	smul.u32 $0xF7A, s1;
	s8 =	simm.s32 @!p0 $0x1BF5;
	p2 =	por !p2, p0  }
0x20: {  	[sflag:s8] =	ssyncset.s32 @!p0 $0xFFFFF086;
	s6 =	sadd.s32 @!p0 s3, s7;
	s7 =	simm.s32 @!p0 $0x108  }
0x21: {  	s3 =	sadd.s32 s3, s9;
	s6 =	sadd.s32 @!p0 $0x88, s6;
	s7 =	simm.s32 @p2 $0x1082  }
0x22: {  	[simem:s7], [sflag:s8] =	dma.local @!p0 [hbm:s6], $0xF7A  }
0x23: {  	s9 =	sor.u32 $0xD0000000, s2;
	s6 =	simm.s32 $0x108;
	_ =	swait.ge @!p0 [sflag:s8], $0x0  }
0x24: {  	s3 =	sadd.s32 $0x88, s3;
	s6 =	simm.s32 @!p1 $0x1082;
	[sflag:s4] =	ssyncset.s32 $0xFFFFF086  }
0x25: {  	[simem:s6], [sflag:s4] =	dma.local [hbm:s3], $0xF7A  }
0x26: {  	[smem:$0x3F95] =	sst s1;
	(tag) =	ssettag s2;
	_ =	strace s9  }
0x27: {  	s1 =	sld [smem:$0x3FA5]  }
0x28: {  	s2 =	sld [smem:$0x3FA6]  }
0x29: {  	s4 =	sld [smem:$0x3FA8]  }
0x2a: {  	p0 =	seq.s32 s5, $0x0;
	s5 =	sld [smem:$0x3FA9]  }
0x2b: {  	s6 =	sld [smem:$0x3FAA]  }
0x2c: {  	s7 =	sld [smem:$0x3FAB]  }
0x2d: {  	s3 =	simm.s32 $0x108;
	s8 =	sld [smem:$0x3FAC]  }
0x2e: {  	s3 =	simm.s32 @!p0 $0x1082;
	s9 =	sld [smem:$0x3FAD]  }
0x2f: {  	lr =	sadd.s32 s0, s3;
	s0 =	sld [smem:$0x3FA4]  }
0x30: {  	s3 =	sld [smem:$0x3FA7]  }
0x31: {  	[smem:$0x3FB0] =	sst s10  }
0x32: {  	s10 =	sld [smem:$0x3FAE];
	_ =	sdelay $0x3  }
0x33: {  	p0 =	seq.s32 s10, $0x1;
	s10 =	sld [smem:$0x3FB0];
	_ =	sdelay $0x3  }
0x34: {  	[smem:$0x3FB0] =	sst s10  }
0x35: {  	s10 =	sld [smem:$0x3FAF];
	_ =	sdelay $0x3  }
0x36: {  	p1 =	seq.s32 s10, $0x1;
	s10 =	sld [smem:$0x3FB0];
	_ =	sdelay $0x3  }
0x37: {  	[smem:$0x3FB0] =	sst s10  }
0x38: {  	s10 =	sld [smem:$0x3FB1]  }
0x39: {  	_ = 	snop;
	(pc) =	sbr.ind lr, $3  }
0x3a: {  	_ = 	snop  }
0x3b: {  	_ = 	snop  }
0x3c: {  	p2 =	seq.s32 s10, $0x1;
	s10 =	sld [smem:$0x3FB0]  }
0x3d: {  	_ =	shalt  }
0x3e: {  	_ =	shalt  }
0x3f: {  	_ =	shalt  }
0x40: {  	_ =	shalt  }
0x41: {  	_ =	shalt  }
0x42: {  	_ =	shalt  }
0x43: {  	_ =	shalt  }
0x44: {  	_ =	shalt  }
0x45: {  	_ =	shalt  }
0x46: {  	_ =	shalt  }
0x47: {  	_ =	shalt  }
0x48: {  	_ =	shalt  }
0x49: {  	_ =	shalt  }
0x4a: {  	_ =	shalt  }
0x4b: {  	_ =	shalt  }
0x4c: {  	_ =	shalt  }
0x4d: {  	_ =	shalt  }
0x4e: {  	_ =	shalt  }
0x4f: {  	_ =	shalt  }
0x50: {  	_ =	shalt  }
0x51: {  	_ =	shalt  }
0x52: {  	_ =	shalt  }
0x53: {  	_ =	shalt  }
0x54: {  	_ =	shalt  }
0x55: {  	_ =	shalt  }
0x56: {  	_ =	shalt  }
0x57: {  	_ =	shalt  }
0x58: {  	_ =	shalt  }
0x59: {  	_ =	shalt  }
0x5a: {  	_ =	shalt  }
0x5b: {  	_ =	shalt  }
0x5c: {  	_ =	shalt  }
0x5d: {  	_ =	shalt  }
0x5e: {  	_ =	shalt  }
0x5f: {  	_ =	shalt  }
0x60: {  	_ =	shalt  }
0x61: {  	_ =	shalt  }
0x62: {  	_ =	shalt  }
0x63: {  	_ =	shalt  }
0x64: {  	_ =	shalt  }
0x65: {  	_ =	shalt  }
0x66: {  	_ =	shalt  }
0x67: {  	_ =	shalt  }
0x68: {  	_ =	shalt  }
0x69: {  	_ =	shalt  }
0x6a: {  	_ =	shalt  }
0x6b: {  	_ =	shalt  }
0x6c: {  	_ =	shalt  }
0x6d: {  	_ =	shalt  }
0x6e: {  	_ =	shalt  }
0x6f: {  	_ =	shalt  }
0x70: {  	_ =	shalt  }
0x71: {  	_ =	shalt  }
0x72: {  	_ =	shalt  }
0x73: {  	_ =	shalt  }
0x74: {  	_ =	shalt  }
0x75: {  	_ =	shalt  }
0x76: {  	_ =	shalt  }
0x77: {  	_ =	shalt  }
0x78: {  	_ =	shalt  }
0x79: {  	_ =	shalt  }
0x7a: {  	_ =	shalt  }
0x7b: {  	_ =	shalt  }
0x7c: {  	_ =	shalt  }
0x7d: {  	_ =	shalt  }
0x7e: {  	_ =	shalt  }
0x7f: {  	_ =	shalt  }
0x80: {  	_ =	shalt  }
0x81: {  	_ =	shalt  }
0x82: {  	_ =	shalt  }
0x83: {  	_ =	shalt  }
0x84: {  	_ =	shalt  }
0x85: {  	_ =	shalt  }
0x86: {  	_ =	shalt  }
0x87: {  	_ =	shalt  }
.Lfunc_end0:
.L_simem_size_0:
called_computation.3_lowered:
.L_overlay_start_0:
0x88: {  	s2 =	sld [smem:$0x3FD9]  }
0x89: {  	s3 =	sld [smem:$0x3FFE];
	_ =	sdelay $0x1  }
0x8a: {  	s1 =	srdreg.scid  }
0x8b: {  	s0 =	sand.u32 $0x1, s1  }
0x8c: {  	s17 =	sshll.u32 s0, $0xA;
	s2 =	sadd.s32 s3, s2  }
0x8d: {  	s2 =	sadd.s32 s2, s17  }
0x8e: {  	[smem:$0x3FBC] =	sst s2  }
0x8f: {  	_ = 	snop  }
0x90: {  	s2 =	sld [smem:$0x3FD0];
	(tm) =	ssettm $0x1  }
0x91: {  	s18 =	sld [smem:$0x3FFB];
	_ =	sdelay $0x3  }
0x92: {  	_ =	strace s18  }
0x93: {  	s3 =	sld [smem:$0x3FFC];
	_ =	sdelay $0x3  }
0x94: {  	_ =	strace s3  }
0x95: {  	s3 =	sld [smem:$0x3FFD];
	_ =	sdelay $0x3  }
0x96: {  	_ =	strace s3  }
0x97: {  	_ =	strace $0x8FFFFFFF  }
0x98: {  	s19 =	sld [smem:$0x3FDB];
	_ =	sdelay $0x1  }
0x99: {  	s4 =	simm.s32 $_scs_section_size  }
0x9a: {  	s5 =	simm.s32 $_size__tile_overlayer_lowered;
	s6 =	simm.s32 $_tile_overlayer_lowered  }
0x9b: {  	s22 =	simm.s32 $0x1BFF;
	s21 =	sshll.u32 s6, $0x1;
	s3 =	sadd.s32 s4, s19  }
0x9c: {  	s7 =	simm.s32 $0x0;
	s20 =	sshll.u32 s5, $0x1;
	s5 =	sadd.s32 s21, s3  }
0x9d: {  	[timem:s7], [sflag:s22] =	dma.local [hbm:s5], s20  }
0x9e: {  	_ =	swait.ge [sflag:s22], s20  }
0x9f: {  	s4 =	ssub.s32 $0x0, s20;
	[sflag:s22] =	ssyncset.done $0x0  }
0xa0: {  	[sflag:s22] =	ssyncadd.s32 s4;
	_ =	sdelay $0x1  }
0xa1: {  	s23 =	simm.s32 $0x1B8B  }
0xa2: {  	_ =	swait.ge [sflag:s23], $0x1  }
0xa3: {  	[sflag:s23] =	ssyncset.done $0x0  }
0xa4: {  	s25 =	simm.s32 $0x1B8E;
	s24 =	sld [smem:$0x3FFE];
	[sflag:s23] =	ssyncadd.s32 $0xFFFFFFFF  }
0xa5: {  	s26 =	simm.s32 $execute0_lowered;
	[smem:$0x3FD2] =	sst s25  }
0xa6: {  	s5 =	sshll.u32 s26, $0x1;
	_ =	strace $0x8000004F;
	[dreg:$0x1] =	wrdreg $0xFFFFFFFF  }
0xa7: {  	s28 =	simm.s32 $_size_execute0_lowered;
	s3 =	sadd.s32 s3, s5;
	[dreg:$0x0] =	wrdreg $0x0  }
0xa8: {  	s5 =	sshll.u32 s28, $0x1;
	[dreg:$0x2] =	wrdreg s3  }
0xa9: {  	[dreg:$0x3] =	wrdreg s5  }
0xaa: {  	[dreg:$0x4] =	wrdreg $0xC0  }
0xab: {  	_ =	task [dreg:s7], $0x5FFFF  }
0xac: {  	[dreg:$0x1] =	wrdreg $0xFFFFFFFF  }
0xad: {  	[dreg:$0x0] =	wrdreg $0x60  }
0xae: {  	[dreg:$0x2] =	wrdreg s24  }
0xaf: {  	[dreg:$0x3] =	wrdreg s2  }
0xb0: {  	[dreg:$0x4] =	wrdreg $0x52000  }
0xb1: {  	[dreg:$0x5] =	wrdreg $0x9  }
0xb2: {  	_ =	task.clear_ibuf [dreg:s7], $0x6FFFF;
	_ =	strace $0x9000004F  }
0xb3: {  	s29 =	simm.s32 $0x9;
	_ =	strace $0x80000051  }
0xb4: {  	_ =	swait.ge [sflag:s29], $0x1  }
0xb5: {  	[sflag:s29] =	ssyncadd.s32 $0xFFFFFFFF  }
0xb6: {  	_ =	strace $0x90000051  }
0xb7: {  	_ =	sfence  }
0xb8: {  	s30 =	sld [smem:$0x0];
	_ =	sdelay $0x2  }
0xb9: {  	s31 =	sshll.u32 s1, $0xD;
	s1 =	sshrl.u32 s1, $0x2  }
0xba: {  	s3 =	sand.u32 $0x4000, s31;
	s1 =	sadd.s32 s1, s30  }
0xbb: {  	s0 =	sor.u32 s3, s0;
	s1 =	sshll.u32 s1, $0x11  }
0xbc: {  	s0 =	sor.u32 s1, s0  }
0xbd: {  	s0 =	sadd.s32 $0x8F2B, s0  }
0xbe: {  	[sflag:s0] =	ssyncadd.remote.s32 $0x1  }
0xbf: {  	_ =	sfence.sel $0xFFFF  }
0xc0: {  	[dreg:$0x0] =	wrdreg $0xFFFFFFFF;
	(pc) =	sbr.abs _section_cstart, $3  }
0xc1: {  	[dreg:$0x1] =	wrdreg $0xFFFFFFFF  }
0xc2: {  	_ =	task.clear_ibuf [dreg:s7], $0x2FFFF;
	_ =	strace $0x9FFFFFFF  }
0xc3: {  	(tm) =	ssettm $0x7FFFFFFF  }
tec
execute0_lowered:
.L_overlay_start_1:
0x0: {  	(tag) =	ssettag $0x1  }
0x1: {  	s0 =	rddreg [dreg:$0x0]  }
0x2: {  	s1 =	rddreg [dreg:$0x1]  }
0x3: {  	s2 =	rddreg [dreg:$0x2];
	s3 =	simm.s32 $0x0;
	s4 =	srdreg.scid  }
0x4: {  	s11 =	stileid.u32;
	s28 =	simm.s32 $0x80;
	s29 =	simm.s32 $0x180  }
0x5: {  	s30 =	simm.s32 $0x1;
	s31 =	simm.s32 $0x2A00;
	[smem:$0x7FF] =	sst s3  }
0x6: {  	s4 =	sand.u32 $0x1, s4;
	s5 =	sadd.s32 $0x5000, s0;
	s6 =	sadd.s32 $0x60200, s0  }
0x7: {  	s8 =	sadd.s32 $0xB0200, s0;
	s9 =	sadd.s32 $0x88200, s0;
	s10 =	smul.u32 $0x50000, s11  }
0x8: {  	s0 =	sadd.s32 $0xB2A00, s0;
	_ =	strace $0x80000050;
	[dreg:$0x4] =	wrdreg s8  }
0x9: {  	s20 =	smul.u32 $0x2710, s11;
	s23 =	sshll.u32 s11, $0x6;
	[dreg:$0x5] =	wrdreg s9  }
0xa: {  	s7 =	sshll.u32 s4, $0x4;
	s15 =	ssub.s32 $0x2, s4;
	[dreg:$0x6] =	wrdreg s0  }
0xb: {  	p0 =	seq.s32 s4, $0x1;
	s4 =	smul.u32 $0x27100, s4;
	s0 =	simm.s32 $0x2  }
0xc: {  	s7 =	sor.u32 s11, s7;
	s16 =	sshrl.u32 s15, $0x1;
	s18 =	sshrl.u32 s10, $0x2  }
0xd: {  	s7 =	smul.u32 $0x2710, s7;
	s17 =	ssub.s32 s15, s16;
	s8 =	sadd.s32 s18, s2  }
0xe: {  	s15 =	smul.u32 $0x2800, s11;
	s4 =	sadd.s32 s20, s4;
	[dreg:$0x7] =	wrdreg s8  }
0xf: {  	s16 =	smax.u32 s17, $0x1;
	s24 =	sadd.s32 $0xF0, s4;
	s17 =	sor.u32 $0x1C03, s23  }
0x10: {  	s23 =	simm.s32 $0x3;
	s7 =	sshrl.u32 s7, $0x3;
	s26 =	sshrl.u32 s24, $0x3  }
0x11: {  	s24 =	simm.s32 $0x100;
	s19 =	sadd.s32 $0xA, s7;
	s21 =	sadd.s32 s5, s7  }
.Ltmp0:
0x12: {  	s22 =	sadd.s32 s1, s7;
	s25 =	sadd.s32 $0x4D8, s7;
	(pc) =	sbr.rel .LBB2_1-.Ltmp0, $4  }
0x13: {  	s20 =	sadd.s32 s26, s1;
	s7 =	sadd.s32 $0xA0, s4;
	[dreg:$0x8] =	wrdreg s21  }
0x14: {  	s4 =	simm.s32 $0x0;
	[dreg:$0x9] =	wrdreg s22;
	s13 =	sadd.s32 s5, s19  }
0x15: {  	s14 =	sadd.s32 s1, s19;
	s18 =	sadd.s32 s1, s25;
	s19 =	sadd.s32 s5, s25  }
0x16: {  	s21 =	sadd.s32 s26, s5;
	s25 =	simm.s32 $0x50;
	s26 =	simm.s32 $0x200  }
.LBB2_7:
0x17: {  	[sflag:s0] =	ssyncadd.s32 $0xFFFFFFB0;
	s9 =	rddreg [dreg:$0x6]  }
.LBB2_8:
0x18: {  	_ =	swait.ge [sflag:s30], $0x2800  }
0x19: {  	[sflag:s30] =	ssyncset.done $0x0  }
0x1a: {  	[sflag:s30] =	ssyncadd.s32 $0xFFFFD800  }
0x1b: {  	[tilespmem:s31], [sflag:$0x1] =	stream.indirect.gather [hbm4b:s6+s25], $0x80, s28, s25, $0xb8;
	[tilespmem:$0x19200] =	vst v63  }
0x1c: {  	_ = 	snop  }
0x1d: {  	[spmem:s2] =	stream.indirect.scatter.add.f32 [tilespmem:s26], [sflag:$0x3], $0x80, s24, s25, $0xb8;
	[tilespmem:$0x19200] =	vst v63  }
0x1e: {  	_ =	swait.ge [sflag:s23], $0x2800  }
0x1f: {  	[sflag:s23] =	ssyncset.done $0x0  }
0x20: {  	[sflag:s23] =	ssyncadd.s32 $0xFFFFD800  }
0x21: {  	[tilespmem:s3], [sflag:$0x2] =	stream.linear.gather [hbm4b:s19+s3], $0x50, $0x38;
	[tilespmem:$0x19200] =	vst v63  }
0x22: {  	_ = 	snop  }
0x23: {  	[tilespmem:s24], [sflag:$0x2] =	stream.linear.gather [hbm4b:s18+s3], $0x50, $0x38;
	[tilespmem:$0x19200] =	vst v63  }
0x24: {  	_ =	swait.ge [sflag:s0], $0x50  }
0x25: {  	[sflag:s0] =	ssyncset.done $0x0  }
0x26: {  	[sflag:s0] =	ssyncadd.s32 $0xFFFFFFB0  }
0x27: {  	_ =	swait.ge [sflag:s0], $0x50  }
0x28: {  	[sflag:s0] =	ssyncset.done $0x0  }
0x29: {  	[sflag:s0] =	ssyncadd.s32 $0xFFFFFFB0  }
0x2a: {  	_ =	swait.ge [sflag:s30], $0x2800  }
0x2b: {  	[sflag:s30] =	ssyncset.done $0x0  }
0x2c: {  	[sflag:s30] =	ssyncadd.s32 $0xFFFFD800  }
0x2d: {  	[tilespmem:s26], [sflag:$0x1] =	stream.indirect.gather [hbm4b:s6+s25], $0x80, s3, s25, $0xb8;
	[tilespmem:$0x19200] =	vst v63  }
0x2e: {  	_ = 	snop  }
0x2f: {  	[spmem:s2] =	stream.indirect.scatter.add.f32 [tilespmem:s31], [sflag:$0x3], $0x80, s29, s25, $0xb8;
	[tilespmem:$0x19200] =	vst v63  }
0x30: {  	_ =	swait.ge [sflag:s23], $0x2800  }
0x31: {  	[sflag:s23] =	ssyncset.done $0x0  }
0x32: {  	[sflag:s23] =	ssyncadd.s32 $0xFFFFD800  }
0x33: {  	_ =	swait.ge [sflag:s30], $0x2800  }
0x34: {  	[sflag:s30] =	ssyncset.done $0x0  }
0x35: {  	[sflag:s30] =	ssyncadd.s32 $0xFFFFD800  }
0x36: {  	[spmem:s2] =	stream.indirect.scatter.add.f32 [tilespmem:s26], [sflag:$0x3], $0x80, s24, s25, $0xb8;
	[tilespmem:$0x19200] =	vst v63  }
0x37: {  	_ =	swait.ge [sflag:s23], $0x2800  }
0x38: {  	s4 =	sadd.s32 $0x1, s4;
	[sflag:s23] =	ssyncset.done $0x0  }
0x39: {  	p1 =	sne.s32 s4, s16;
	[sflag:s23] =	ssyncadd.s32 $0xFFFFD800  }
.Ltmp1:
0x3a: {  	s9 =	sadd.s32 s9, s15;
	[bflag:$0x0] =	sbarrier.arrive $0xFFFF;
	(pc) =	sbr.rel @!p1 .LBB2_9-.Ltmp1, $4  }
0x3b: {  	[hbm:s9], [sflag:s17] =	dma.local [spmem:s8], $0x2800  }
0x3c: {  	_ =	swait.ge [sflag:s23], $0x2800  }
0x3d: {  	[sflag:s23] =	ssyncset.done $0x0  }
0x3e: {  	[sflag:s23] =	ssyncadd.s32 $0xFFFFD800  }
.LBB2_1:
0x3f: {  	s8 =	rddreg [dreg:$0x7]  }
0x40: {  	s9 =	rddreg [dreg:$0x4];
	s8 =	sshrl.u32 s8, $0x3  }
0x41: {  	[spmem:s8], [sflag:s17] =	dma.local [hbm:s9], $0x2800  }
0x42: {  	_ =	swait.ge [sflag:s23], $0x2800  }
0x43: {  	[sflag:s23] =	ssyncset.done $0x0  }
0x44: {  	s12 =	rddreg [dreg:$0x8];
	[sflag:s23] =	ssyncadd.s32 $0xFFFFD800  }
0x45: {  	[tilespmem:s3], [sflag:$0x3] =	stream.linear.gather [hbm4b:s12+s3], $0x50, $0x38;
	[tilespmem:$0x19200] =	vst v63  }
0x46: {  	_ =	swait.ge [sflag:s23], $0x50  }
0x47: {  	[sflag:s23] =	ssyncset.done $0x0  }
0x48: {  	s22 =	rddreg [dreg:$0x9];
	[sflag:s23] =	ssyncadd.s32 $0xFFFFFFB0  }
0x49: {  	[tilespmem:s24], [sflag:$0x3] =	stream.linear.gather [hbm4b:s22+s3], $0x50, $0x38;
	[tilespmem:$0x19200] =	vst v63  }
0x4a: {  	_ =	swait.ge [sflag:s23], $0x50  }
0x4b: {  	[sflag:s23] =	ssyncset.done $0x0  }
0x4c: {  	[sflag:s23] =	ssyncadd.s32 $0xFFFFFFB0  }
0x4d: {  	[bflag:$0x0] =	sbarrier.arrive $0xFFFF  }
0x4e: {  	[tilespmem:s26], [sflag:$0x1] =	stream.indirect.gather [hbm4b:s6+s25], $0x80, s3, s25, $0xb8;
	[tilespmem:$0x19200] =	vst v63  }
0x4f: {  	_ = 	snop  }
0x50: {  	[tilespmem:s28], [sflag:$0x3] =	stream.linear.gather [hbm4b:s13+s3], $0x50, $0x38;
	[tilespmem:$0x19200] =	vst v63  }
0x51: {  	_ =	swait.ge [sflag:s23], $0x50  }
0x52: {  	[sflag:s23] =	ssyncset.done $0x0  }
.Ltmp2:
0x53: {  	[sflag:s23] =	ssyncadd.s32 $0xFFFFFFB0;
	(pc) =	sbr.rel @!p0 .LBB2_2-.Ltmp2, $4  }
0x54: {  	[tilespmem:s29], [sflag:$0x3] =	stream.linear.gather [hbm4b:s14+s3], $0x50, $0x38;
	[tilespmem:$0x19200] =	vst v63  }
0x55: {  	_ =	swait.ge [sflag:s23], $0x50  }
0x56: {  	[sflag:s23] =	ssyncset.done $0x0  }
0x57: {  	[sflag:s23] =	ssyncadd.s32 $0xFFFFFFB0  }
0x58: {  	_ =	swait.ge [sflag:s30], $0x2800  }
0x59: {  	[sflag:s30] =	ssyncset.done $0x0  }
0x5a: {  	[sflag:s30] =	ssyncadd.s32 $0xFFFFD800  }
0x5b: {  	[tilespmem:s31], [sflag:$0x1] =	stream.indirect.gather [hbm4b:s6+s25], $0x80, s28, s25, $0xb8;
	[tilespmem:$0x19200] =	vst v63  }
0x5c: {  	_ = 	snop  }
0x5d: {  	[spmem:s2] =	stream.indirect.scatter.add.f32 [tilespmem:s26], [sflag:$0x3], $0x80, s24, s25, $0xb8;
	[tilespmem:$0x19200] =	vst v63  }
0x5e: {  	_ =	swait.ge [sflag:s23], $0x2800  }
0x5f: {  	s9 =	sshrl.u32 s7, $0x3;
	[sflag:s23] =	ssyncset.done $0x0  }
0x60: {  	s10 =	sadd.s32 s5, s9;
	[sflag:s23] =	ssyncadd.s32 $0xFFFFD800  }
0x61: {  	[tilespmem:s3], [sflag:$0x2] =	stream.linear.gather [hbm4b:s10+s3], $0x50, $0x38;
	[tilespmem:$0x19200] =	vst v63  }
0x62: {  	s9 =	sadd.s32 s1, s9  }
0x63: {  	[tilespmem:s24], [sflag:$0x2] =	stream.linear.gather [hbm4b:s9+s3], $0x50, $0x38;
	[tilespmem:$0x19200] =	vst v63  }
0x64: {  	_ =	swait.ge [sflag:s0], $0x50  }
0x65: {  	[sflag:s0] =	ssyncset.done $0x0  }
0x66: {  	[sflag:s0] =	ssyncadd.s32 $0xFFFFFFB0  }
0x67: {  	_ =	swait.ge [sflag:s0], $0x50  }
0x68: {  	[sflag:s0] =	ssyncset.done $0x0  }
0x69: {  	[sflag:s0] =	ssyncadd.s32 $0xFFFFFFB0  }
0x6a: {  	_ =	swait.ge [sflag:s30], $0x2800  }
0x6b: {  	[sflag:s30] =	ssyncset.done $0x0  }
0x6c: {  	[sflag:s30] =	ssyncadd.s32 $0xFFFFD800  }
0x6d: {  	[tilespmem:s26], [sflag:$0x1] =	stream.indirect.gather [hbm4b:s6+s25], $0x80, s3, s25, $0xb8;
	[tilespmem:$0x19200] =	vst v63  }
0x6e: {  	_ = 	snop  }
0x6f: {  	[spmem:s2] =	stream.indirect.scatter.add.f32 [tilespmem:s31], [sflag:$0x3], $0x80, s29, s25, $0xb8;
	[tilespmem:$0x19200] =	vst v63  }
0x70: {  	_ =	swait.ge [sflag:s23], $0x2800  }
0x71: {  	[sflag:s23] =	ssyncset.done $0x0  }
0x72: {  	s12 =	sadd.s32 $0x0, s21;
	[sflag:s23] =	ssyncadd.s32 $0xFFFFD800  }
0x73: {  	[tilespmem:s28], [sflag:$0x2] =	stream.linear.gather [hbm4b:s12+s3], $0x50, $0x38;
	[tilespmem:$0x19200] =	vst v63  }
0x74: {  	s22 =	sadd.s32 $0x0, s20  }
0x75: {  	[tilespmem:s29], [sflag:$0x2] =	stream.linear.gather [hbm4b:s22+s3], $0x50, $0x38;
	[tilespmem:$0x19200] =	vst v63  }
0x76: {  	_ =	swait.ge [sflag:s0], $0x50  }
0x77: {  	[sflag:s0] =	ssyncset.done $0x0  }
0x78: {  	[sflag:s0] =	ssyncadd.s32 $0xFFFFFFB0  }
0x79: {  	_ =	swait.ge [sflag:s0], $0x50  }
0x7a: {  	s9 =	simm.s32 $0x14;
	s22 =	smov.u32 s7;
	[sflag:s0] =	ssyncset.done $0x0  }
.LBB2_6:
0x7b: {  	p1 =	sne.s32 s9, $0x4B0;
	[sflag:s0] =	ssyncadd.s32 $0xFFFFFFB0;
	s22 =	sadd.s32 $0xA0, s22  }
0x7c: {  	s10 =	smov.u32 s9;
	s9 =	sadd.s32 $0x14, s9;
	_ =	swait.ge [sflag:s30], $0x2800  }
0x7d: {  	[sflag:s30] =	ssyncset.done $0x0  }
0x7e: {  	[sflag:s30] =	ssyncadd.s32 $0xFFFFD800  }
0x7f: {  	[tilespmem:s31], [sflag:$0x1] =	stream.indirect.gather [hbm4b:s6+s25], $0x80, s28, s25, $0xb8;
	[tilespmem:$0x19200] =	vst v63  }
0x80: {  	_ = 	snop  }
0x81: {  	[spmem:s2] =	stream.indirect.scatter.add.f32 [tilespmem:s26], [sflag:$0x3], $0x80, s24, s25, $0xb8;
	[tilespmem:$0x19200] =	vst v63  }
0x82: {  	_ =	swait.ge [sflag:s23], $0x2800  }
0x83: {  	s11 =	sshrl.u32 s22, $0x3;
	[sflag:s23] =	ssyncset.done $0x0  }
0x84: {  	s12 =	sadd.s32 s5, s11;
	[sflag:s23] =	ssyncadd.s32 $0xFFFFD800  }
0x85: {  	[tilespmem:s3], [sflag:$0x2] =	stream.linear.gather [hbm4b:s12+s3], $0x50, $0x38;
	[tilespmem:$0x19200] =	vst v63  }
0x86: {  	s11 =	sadd.s32 s1, s11  }
0x87: {  	[tilespmem:s24], [sflag:$0x2] =	stream.linear.gather [hbm4b:s11+s3], $0x50, $0x38;
	[tilespmem:$0x19200] =	vst v63  }
0x88: {  	_ =	swait.ge [sflag:s0], $0x50  }
0x89: {  	[sflag:s0] =	ssyncset.done $0x0  }
0x8a: {  	[sflag:s0] =	ssyncadd.s32 $0xFFFFFFB0  }
0x8b: {  	_ =	swait.ge [sflag:s0], $0x50  }
0x8c: {  	[sflag:s0] =	ssyncset.done $0x0  }
0x8d: {  	[sflag:s0] =	ssyncadd.s32 $0xFFFFFFB0  }
0x8e: {  	_ =	swait.ge [sflag:s30], $0x2800  }
0x8f: {  	[sflag:s30] =	ssyncset.done $0x0  }
0x90: {  	[sflag:s30] =	ssyncadd.s32 $0xFFFFD800  }
0x91: {  	[tilespmem:s26], [sflag:$0x1] =	stream.indirect.gather [hbm4b:s6+s25], $0x80, s3, s25, $0xb8;
	[tilespmem:$0x19200] =	vst v63  }
0x92: {  	_ = 	snop  }
0x93: {  	[spmem:s2] =	stream.indirect.scatter.add.f32 [tilespmem:s31], [sflag:$0x3], $0x80, s29, s25, $0xb8;
	[tilespmem:$0x19200] =	vst v63  }
0x94: {  	_ =	swait.ge [sflag:s23], $0x2800  }
0x95: {  	[sflag:s23] =	ssyncset.done $0x0  }
0x96: {  	s11 =	sadd.s32 s10, s21;
	[sflag:s23] =	ssyncadd.s32 $0xFFFFD800  }
0x97: {  	[tilespmem:s28], [sflag:$0x2] =	stream.linear.gather [hbm4b:s11+s3], $0x50, $0x38;
	[tilespmem:$0x19200] =	vst v63  }
0x98: {  	s10 =	sadd.s32 s10, s20  }
0x99: {  	[tilespmem:s29], [sflag:$0x2] =	stream.linear.gather [hbm4b:s10+s3], $0x50, $0x38;
	[tilespmem:$0x19200] =	vst v63  }
.Ltmp3:
0x9a: {  	_ =	swait.ge [sflag:s0], $0x50;
	(pc) =	sbr.rel @p1 .LBB2_6-.Ltmp3, $4  }
0x9b: {  	[sflag:s0] =	ssyncset.done $0x0  }
0x9c: {  	[sflag:s0] =	ssyncadd.s32 $0xFFFFFFB0  }
0x9d: {  	_ =	swait.ge [sflag:s0], $0x50  }
0x9e: {  	[sflag:s0] =	ssyncset.done $0x0  }
.Ltmp4:
0x9f: {  	_ = 	snop;
	(pc) =	sbr.rel .LBB2_7-.Ltmp4, $1  }
0xa0: {  	_ =	sdelay $0x3  }
.LBB2_2:
0xa1: {  	_ =	swait.ge [sflag:s30], $0x2800  }
0xa2: {  	[sflag:s30] =	ssyncset.done $0x0  }
0xa3: {  	[sflag:s30] =	ssyncadd.s32 $0xFFFFD800  }
0xa4: {  	[tilespmem:s31], [sflag:$0x1] =	stream.indirect.gather [hbm4b:s6+s25], $0x80, s28, s25, $0xb8;
	[tilespmem:$0x19200] =	vst v63  }
0xa5: {  	_ = 	snop  }
0xa6: {  	[spmem:s2] =	stream.indirect.scatter.add.f32 [tilespmem:s26], [sflag:$0x3], $0x80, s24, s25, $0xb8;
	[tilespmem:$0x19200] =	vst v63  }
0xa7: {  	_ =	swait.ge [sflag:s23], $0x2800  }
0xa8: {  	s9 =	sshrl.u32 s7, $0x3;
	[sflag:s23] =	ssyncset.done $0x0  }
0xa9: {  	s22 =	sadd.s32 s5, s9;
	[sflag:s23] =	ssyncadd.s32 $0xFFFFD800  }
0xaa: {  	[tilespmem:s3], [sflag:$0x2] =	stream.linear.gather [hbm4b:s22+s3], $0x50, $0x38;
	[tilespmem:$0x19200] =	vst v63  }
0xab: {  	s9 =	sadd.s32 s1, s9  }
0xac: {  	[tilespmem:s24], [sflag:$0x2] =	stream.linear.gather [hbm4b:s9+s3], $0x50, $0x38;
	[tilespmem:$0x19200] =	vst v63  }
0xad: {  	_ =	swait.ge [sflag:s0], $0x50  }
0xae: {  	[sflag:s0] =	ssyncset.done $0x0  }
0xaf: {  	[sflag:s0] =	ssyncadd.s32 $0xFFFFFFB0  }
0xb0: {  	_ =	swait.ge [sflag:s0], $0x50  }
0xb1: {  	[sflag:s0] =	ssyncset.done $0x0  }
0xb2: {  	[sflag:s0] =	ssyncadd.s32 $0xFFFFFFB0  }
0xb3: {  	_ =	swait.ge [sflag:s30], $0x2800  }
0xb4: {  	[sflag:s30] =	ssyncset.done $0x0  }
0xb5: {  	[sflag:s30] =	ssyncadd.s32 $0xFFFFD800  }
0xb6: {  	[tilespmem:s26], [sflag:$0x1] =	stream.indirect.gather [hbm4b:s6+s25], $0x80, s3, s25, $0xb8;
	[tilespmem:$0x19200] =	vst v63  }
0xb7: {  	_ = 	snop  }
0xb8: {  	[spmem:s2] =	stream.indirect.scatter.add.f32 [tilespmem:s31], [sflag:$0x3], $0x80, s29, s25, $0xb8;
	[tilespmem:$0x19200] =	vst v63  }
0xb9: {  	_ =	swait.ge [sflag:s23], $0x2800  }
0xba: {  	[sflag:s23] =	ssyncset.done $0x0  }
0xbb: {  	s12 =	sadd.s32 $0x0, s21;
	[sflag:s23] =	ssyncadd.s32 $0xFFFFD800  }
0xbc: {  	[tilespmem:s28], [sflag:$0x2] =	stream.linear.gather [hbm4b:s12+s3], $0x50, $0x38;
	[tilespmem:$0x19200] =	vst v63  }
0xbd: {  	s22 =	sadd.s32 $0x0, s20  }
0xbe: {  	[tilespmem:s29], [sflag:$0x2] =	stream.linear.gather [hbm4b:s22+s3], $0x50, $0x38;
	[tilespmem:$0x19200] =	vst v63  }
0xbf: {  	_ =	swait.ge [sflag:s0], $0x50  }
0xc0: {  	[sflag:s0] =	ssyncset.done $0x0  }
0xc1: {  	[sflag:s0] =	ssyncadd.s32 $0xFFFFFFB0  }
0xc2: {  	_ =	swait.ge [sflag:s0], $0x50  }
0xc3: {  	s9 =	simm.s32 $0x14;
	s22 =	smov.u32 s7;
	[sflag:s0] =	ssyncset.done $0x0  }
.LBB2_3:
0xc4: {  	p1 =	seq.s32 s9, $0x4B0;
	[sflag:s0] =	ssyncadd.s32 $0xFFFFFFB0;
	s22 =	sadd.s32 $0xA0, s22  }
0xc5: {  	s10 =	smov.u32 s9;
	s9 =	sadd.s32 $0x14, s9;
	_ =	swait.ge [sflag:s30], $0x2800  }
0xc6: {  	[sflag:s30] =	ssyncset.done $0x0  }
0xc7: {  	[sflag:s30] =	ssyncadd.s32 $0xFFFFD800  }
0xc8: {  	[tilespmem:s31], [sflag:$0x1] =	stream.indirect.gather [hbm4b:s6+s25], $0x80, s28, s25, $0xb8;
	[tilespmem:$0x19200] =	vst v63  }
0xc9: {  	_ = 	snop  }
0xca: {  	[spmem:s2] =	stream.indirect.scatter.add.f32 [tilespmem:s26], [sflag:$0x3], $0x80, s24, s25, $0xb8;
	[tilespmem:$0x19200] =	vst v63  }
0xcb: {  	_ =	swait.ge [sflag:s23], $0x2800  }
0xcc: {  	s11 =	sshrl.u32 s22, $0x3;
	[sflag:s23] =	ssyncset.done $0x0  }
0xcd: {  	s12 =	sadd.s32 s5, s11;
	[sflag:s23] =	ssyncadd.s32 $0xFFFFD800  }
0xce: {  	[tilespmem:s3], [sflag:$0x2] =	stream.linear.gather [hbm4b:s12+s3], $0x50, $0x38;
	[tilespmem:$0x19200] =	vst v63  }
0xcf: {  	s11 =	sadd.s32 s1, s11  }
0xd0: {  	[tilespmem:s24], [sflag:$0x2] =	stream.linear.gather [hbm4b:s11+s3], $0x50, $0x38;
	[tilespmem:$0x19200] =	vst v63  }
0xd1: {  	_ =	swait.ge [sflag:s0], $0x50  }
0xd2: {  	[sflag:s0] =	ssyncset.done $0x0  }
0xd3: {  	[sflag:s0] =	ssyncadd.s32 $0xFFFFFFB0  }
0xd4: {  	_ =	swait.ge [sflag:s0], $0x50  }
0xd5: {  	[sflag:s0] =	ssyncset.done $0x0  }
0xd6: {  	[sflag:s0] =	ssyncadd.s32 $0xFFFFFFB0  }
0xd7: {  	_ =	swait.ge [sflag:s30], $0x2800  }
0xd8: {  	[sflag:s30] =	ssyncset.done $0x0  }
0xd9: {  	[sflag:s30] =	ssyncadd.s32 $0xFFFFD800  }
0xda: {  	[tilespmem:s26], [sflag:$0x1] =	stream.indirect.gather [hbm4b:s6+s25], $0x80, s3, s25, $0xb8;
	[tilespmem:$0x19200] =	vst v63  }
0xdb: {  	_ = 	snop  }
0xdc: {  	[spmem:s2] =	stream.indirect.scatter.add.f32 [tilespmem:s31], [sflag:$0x3], $0x80, s29, s25, $0xb8;
	[tilespmem:$0x19200] =	vst v63  }
0xdd: {  	_ =	swait.ge [sflag:s23], $0x2800  }
0xde: {  	[sflag:s23] =	ssyncset.done $0x0  }
0xdf: {  	s11 =	sadd.s32 s10, s21;
	[sflag:s23] =	ssyncadd.s32 $0xFFFFD800  }
0xe0: {  	[tilespmem:s28], [sflag:$0x2] =	stream.linear.gather [hbm4b:s11+s3], $0x50, $0x38;
	[tilespmem:$0x19200] =	vst v63  }
0xe1: {  	s10 =	sadd.s32 s10, s20  }
0xe2: {  	[tilespmem:s29], [sflag:$0x2] =	stream.linear.gather [hbm4b:s10+s3], $0x50, $0x38;
	[tilespmem:$0x19200] =	vst v63  }
.Ltmp5:
0xe3: {  	_ =	swait.ge [sflag:s0], $0x50;
	(pc) =	sbr.rel @!p1 .LBB2_3-.Ltmp5, $4  }
0xe4: {  	[sflag:s0] =	ssyncset.done $0x0  }
0xe5: {  	[sflag:s0] =	ssyncadd.s32 $0xFFFFFFB0  }
0xe6: {  	_ =	swait.ge [sflag:s0], $0x50  }
0xe7: {  	[sflag:s0] =	ssyncset.done $0x0  }
.Ltmp6:
0xe8: {  	(pc) =	sbr.rel .LBB2_8-.Ltmp6, $2  }
0xe9: {  	_ =	sdelay $0x2  }
0xea: {  	[sflag:s0] =	ssyncadd.s32 $0xFFFFFFB0;
	s9 =	rddreg [dreg:$0x5]  }
.LBB2_9:
0xeb: {  	_ =	sfence.sel $0x180000  }
0xec: {  	[bflag:$0x0] =	sbarrier.arrive $0xFFFF  }
0xed: {  	_ =	strace $0x90000050  }
0xee: {  	s0 =	stileid.u32;
	[bflag:$0x2] =	sbarrier.arrive $0xFFFF  }
0xef: {  	p0 =	sne.s32 s0, $0x0;
	s0 =	rddreg [dreg:$0x3]  }
0xf0: {  	s0 =	sadd.s32 @!p0 $0x100000, s0  }
0xf1: {  	[sflag:s0] =	ssyncadd.tile.s32 @!p0 $0x1;
	_ =	shalt  }
.Lfunc_end2:
_tile_overlayer_lowered:
.L_overlay_start_2:
0xf2: {  	(tag) =	ssettag $0x2  }
0xf3: {  	s0 =	rddreg [dreg:$0x0];
	s2 =	stileid.u32  }
0xf4: {  	s1 =	rddreg [dreg:$0x1];
	p0 =	sne.s32 s2, $0x0  }
0xf5: {  	s3 =	rddreg [dreg:$0x2];
	[bflag:$0x3] =	sbarrier.arrive $0xFFFF;
	s2 =	simm.s32 @!p0 $0x1C03  }
0xf6: {  	[timem:s3], [sflag:s2] =	dma.local @!p0 [hbm:s0], s1  }
0xf7: {  	s0 =	simm.s32 @!p0 $0x3  }
0xf8: {  	_ =	swait.ge @!p0 [sflag:s0], s1  }
0xf9: {  	s1 =	ssub.s32 @!p0 $0x0, s1;
	[sflag:s0] =	ssyncset.done @!p0 $0x0  }
0xfa: {  	[sflag:s0] =	ssyncadd.s32 @!p0 s1  }
0xfb: {  	[bflag:$0x3] =	sbarrier.arrive $0xFFFF  }
0xfc: {  	_ =	shalt  }

</sc_bundles>
